<compile_context>
chip_gen: v7x
topology: tpu7x:2x2x1
jax: 0.10.2.dev20260603
libtpu: 0.0.44.dev20260713+nightly
codegen_flags: <defaults>
</compile_context>

<pallas_src>
import functools

import jax
import jax.numpy as jnp
from jax import lax
from jax.experimental import pallas as pl
from jax.experimental.pallas import tpu as pltpu
from jax.experimental.pallas import tpu_sc as plsc

_N_U = 6000
_N_V = 4000
_N = _N_U + _N_V
_E = 320000
_D = 128
_H = _D // 2

_NC = 2
_NS = 16
_NW = _NC * _NS

_C = 125
_NP = 10240
_RPT = _NP // _NS
_HROWS = _E // _C
_IRPT = _HROWS // _NS
_PCH = 40

_mesh = plsc.VectorSubcoreMesh(
    core_axis_name="c", subcore_axis_name="s", num_cores=_NC, num_subcores=_NS
)


@functools.partial(
    pl.kernel,
    out_type=[
        jax.ShapeDtypeStruct((_NP, 16), jnp.float32),
        jax.ShapeDtypeStruct((_NP, 16), jnp.float32),
    ],
    mesh=_mesh,
    scratch_types=[
        pltpu.VMEM((_IRPT, _C), jnp.int32),
        pltpu.VMEM((_C, 16), jnp.float32),
        pltpu.VMEM((_RPT, 16), jnp.float32),
        pltpu.VMEM_SHARED((_NP, 16), jnp.float32),
        pltpu.SemaphoreType.DMA,
    ],
    compiler_params=pltpu.CompilerParams(use_tc_tiling_on_sc=False),
)
def _degree_kernel(eidx_hbm, dout_hbm, din_hbm, idx_v, ones_v, zero_v, acc_sh, sem):
    c = lax.axis_index("c")
    s = lax.axis_index("s")

    @pl.loop(0, _C)
    def _(i):
        ones_v[i, :] = jnp.full((16,), 1.0, jnp.float32)

    @pl.loop(0, _RPT)
    def _(i):
        zero_v[i, :] = jnp.zeros((16,), jnp.float32)

    pltpu.sync_copy(zero_v, acc_sh.at[pl.ds(s * _RPT, _RPT)])
    plsc.subcore_barrier()

    pltpu.sync_copy(eidx_hbm.at[pl.ds(c * _HROWS + s * _IRPT, _IRPT)], idx_v)

    for j in range(8):
        pltpu.async_copy(ones_v, acc_sh.at[idx_v.at[j]], sem, add=True)

    @pl.loop(0, _IRPT - 8)
    def _(j):
        pltpu.make_async_copy(ones_v, acc_sh.at[idx_v.at[j]], sem).wait()
        pltpu.async_copy(ones_v, acc_sh.at[idx_v.at[j + 8]], sem, add=True)

    for j in range(_IRPT - 8, _IRPT):
        pltpu.make_async_copy(ones_v, acc_sh.at[idx_v.at[j]], sem).wait()

    plsc.subcore_barrier()

    @pl.when(c == 0)
    def _():
        pltpu.sync_copy(
            acc_sh.at[pl.ds(s * _RPT, _RPT)], dout_hbm.at[pl.ds(s * _RPT, _RPT)]
        )

    @pl.when(c == 1)
    def _():
        pltpu.sync_copy(
            acc_sh.at[pl.ds(s * _RPT, _RPT)], din_hbm.at[pl.ds(s * _RPT, _RPT)]
        )


@functools.partial(
    pl.kernel,
    out_type=[
        jax.ShapeDtypeStruct((_NP, _H), jnp.float32),
        jax.ShapeDtypeStruct((_NP, _H), jnp.float32),
    ],
    mesh=_mesh,
    scratch_types=[
        pltpu.VMEM((_PCH, _C), jnp.int32),
        pltpu.VMEM((_PCH, _C), jnp.int32),
        [pltpu.VMEM((_C, _H), jnp.float32) for _ in range(8)],
        pltpu.VMEM((128, _H), jnp.float32),
        pltpu.VMEM_SHARED((_NP, _H), jnp.float32),
        pltpu.SemaphoreType.DMA,
        pltpu.SemaphoreType.DMA,
        pltpu.SemaphoreType.DMA,
    ],
    compiler_params=pltpu.CompilerParams(use_tc_tiling_on_sc=False),
)
def _gather_scatter_kernel(
    tbl_hbm, eidx_hbm, out0_hbm, out1_hbm, sidx_v, didx_v, bufs, zero_v, acc_sh,
    gsa, gsb, ssem
):
    c = lax.axis_index("c")
    s = lax.axis_index("s")
    half_tbl = tbl_hbm.at[c]

    @pl.loop(0, 128)
    def _(i):
        for k in range(_H // 16):
            zero_v[i, pl.ds(k * 16, 16)] = jnp.zeros((16,), jnp.float32)

    for r in range(_RPT // 128):
        pltpu.sync_copy(zero_v, acc_sh.at[pl.ds(s * _RPT + r * 128, 128)])
    plsc.subcore_barrier()

    def fire_gathers(base, half, gsem):
        for b in range(4):
            pltpu.async_copy(half_tbl.at[sidx_v.at[base + b]], bufs[half * 4 + b], gsem)

    def drain_gathers(base, half, gsem):
        for b in range(4):
            pltpu.make_async_copy(
                half_tbl.at[sidx_v.at[base + b]], bufs[half * 4 + b], gsem
            ).wait()

    def fire_scatters(base, half):
        for b in range(4):
            pltpu.async_copy(
                bufs[half * 4 + b], acc_sh.at[didx_v.at[base + b]], ssem, add=True
            )

    def drain_scatters(base, half):
        for b in range(4):
            pltpu.make_async_copy(
                bufs[half * 4 + b], acc_sh.at[didx_v.at[base + b]], ssem
            ).wait()

    for p in range(_IRPT // _PCH):
        base = s * _IRPT + p * _PCH
        pltpu.sync_copy(eidx_hbm.at[pl.ds(base, _PCH)], sidx_v)
        pltpu.sync_copy(eidx_hbm.at[pl.ds(_HROWS + base, _PCH)], didx_v)

        fire_gathers(0, 0, gsa)

        @pl.loop(0, _PCH // 8 - 1)
        def _(i):
            j = i * 8
            fire_gathers(j + 4, 1, gsb)
            drain_gathers(j, 0, gsa)
            fire_scatters(j, 0)
            drain_scatters(j, 0)
            fire_gathers(j + 8, 0, gsa)
            drain_gathers(j + 4, 1, gsb)
            fire_scatters(j + 4, 1)
            drain_scatters(j + 4, 1)

        j = _PCH - 8
        fire_gathers(j + 4, 1, gsb)
        drain_gathers(j, 0, gsa)
        fire_scatters(j, 0)
        drain_scatters(j, 0)
        drain_gathers(j + 4, 1, gsb)
        fire_scatters(j + 4, 1)
        drain_scatters(j + 4, 1)

    plsc.subcore_barrier()

    @pl.when(c == 0)
    def _():
        pltpu.sync_copy(
            acc_sh.at[pl.ds(s * _RPT, _RPT)], out0_hbm.at[pl.ds(s * _RPT, _RPT)]
        )

    @pl.when(c == 1)
    def _():
        pltpu.sync_copy(
            acc_sh.at[pl.ds(s * _RPT, _RPT)], out1_hbm.at[pl.ds(s * _RPT, _RPT)]
        )


_MBLK = 1000


def _mm_body(u_ref, v_ref, uw_ref, vw_ref, o_ref):
    i = pl.program_id(0)
    is_u = i < _N_U // _MBLK
    x = jnp.where(is_u, u_ref[...], v_ref[...])
    w = jnp.where(is_u, uw_ref[...], vw_ref[...])
    r = jnp.dot(x, w, preferred_element_type=jnp.float32)
    o_ref[0] = r[:, :_H]
    o_ref[1] = r[:, _H:]


def _mm(u_f, v_f, u_w, v_w):
    nu = _N_U // _MBLK
    return pl.pallas_call(
        _mm_body,
        grid=(_N // _MBLK,),
        in_specs=[
            pl.BlockSpec((_MBLK, _D), lambda i: (jnp.minimum(i, _N_U // _MBLK - 1), 0)),
            pl.BlockSpec((_MBLK, _D), lambda i: (jnp.maximum(i - nu, 0), 0)),
            pl.BlockSpec((_D, _D), lambda i: (0, 0)),
            pl.BlockSpec((_D, _D), lambda i: (0, 0)),
        ],
        out_specs=pl.BlockSpec((2, _MBLK, _H), lambda i: (0, i, 0)),
        out_shape=jax.ShapeDtypeStruct((2, _N, _H), jnp.float32),
    )(u_f, v_f, u_w, v_w)


def _scale_body(t_ref, d_ref, o_ref):
    scale = lax.rsqrt(jnp.maximum(d_ref[:, 0:1], 1.0))
    o_ref[0] = t_ref[0] * scale
    o_ref[1] = t_ref[1] * scale


def _final_body(pl_ref, pr_ref, d_ref, o_ref):
    scale = lax.rsqrt(jnp.maximum(d_ref[:, 0:1], 1.0))
    o_ref[...] = jnp.concatenate(
        [pl_ref[...] * scale, pr_ref[...] * scale], axis=1
    )


def _final(p0, p1, deg_in):
    blk = 1000
    return pl.pallas_call(
        _final_body,
        grid=(_N // blk,),
        in_specs=[
            pl.BlockSpec((blk, _H), lambda i: (i, 0)),
            pl.BlockSpec((blk, _H), lambda i: (i, 0)),
            pl.BlockSpec((blk, 16), lambda i: (i, 0)),
        ],
        out_specs=pl.BlockSpec((blk, _D), lambda i: (i, 0)),
        out_shape=jax.ShapeDtypeStruct((_N, _D), jnp.float32),
    )(p0, p1, deg_in)


def _scale(tbl_raw, deg):
    return pl.pallas_call(
        _scale_body,
        grid=(_N // _MBLK,),
        in_specs=[
            pl.BlockSpec((2, _MBLK, _H), lambda i: (0, i, 0)),
            pl.BlockSpec((_MBLK, 16), lambda i: (i, 0)),
        ],
        out_specs=pl.BlockSpec((2, _MBLK, _H), lambda i: (0, i, 0)),
        out_shape=jax.ShapeDtypeStruct((2, _N, _H), jnp.float32),
    )(tbl_raw, deg)


def kernel(u_f, v_f, edge_index, u_w, v_w):
    eidx2d = edge_index.reshape(2 * _HROWS, _C)

    deg_out, deg_in = _degree_kernel(eidx2d)

    tbl_raw = _mm(u_f, v_f, u_w, v_w)
    tbl = _scale(tbl_raw, deg_out)

    p0, p1 = _gather_scatter_kernel(tbl, eidx2d)
    return _final(p0, p1, deg_in)

# --- scband reference (transcript-rebuilt; emitter-appended) ---
"""Pipeline reference for scband-hgcld-15788299780622 (READ-ONLY COPY).

The authoritative reference and input builder live on the scoring server;
editing this copy changes nothing except your own understanding.
"""

import jax, jax.numpy as jnp
import numpy as np

N_U = 6000
N_V = 4000
N = N_U + N_V
E = 320000
D = 128


def setup_inputs(seed: int = 0) -> dict:
    key = jax.random.key(seed)
    k1, k2, k3, k4, k5 = jax.random.split(key, 5)
    u_f = jax.random.normal(k1, (N_U, D), dtype=jnp.float32)
    v_f = jax.random.normal(k2, (N_V, D), dtype=jnp.float32)
    # edge_index[0] = source node ids, edge_index[1] = destination node ids,
    # over the concatenated node set of size N (u nodes first, then v nodes)
    edge_index = jax.random.randint(k3, (2, E), 0, N, dtype=jnp.int32)
    # xavier_uniform_ init for the two projection weights (weight=True)
    bound = float(np.sqrt(6.0 / (D + D)))
    u_w = jax.random.uniform(k4, (D, D), dtype=jnp.float32, minval=-bound, maxval=bound)
    v_w = jax.random.uniform(k5, (D, D), dtype=jnp.float32, minval=-bound, maxval=bound)
    return {"u_f": u_f, "v_f": v_f, "edge_index": edge_index, "u_w": u_w, "v_w": v_w}


def reference(u_f, v_f, edge_index, u_w, v_w):
    # DGLLayer.forward with weight=True, bias=False, activation=None
    u = jnp.dot(u_f, u_w)
    v = jnp.dot(v_f, v_w)
    node_f = jnp.concatenate([u, v], axis=0)  # [N, D]
    src = edge_index[0]
    dst = edge_index[1]
    # out-degree normalization: D_out^{-1/2} applied to source features
    deg_out = jnp.bincount(src, length=N).astype(jnp.float32)
    deg_out = jnp.maximum(deg_out, 1.0)
    node_f = node_f * (deg_out ** -0.5)[:, None]
    # message passing: copy_u + sum reduce (gather on src, scatter-add on dst)
    msg = node_f[src]  # gather [E, D]
    rst = jax.ops.segment_sum(msg, dst, num_segments=N)  # scatter-add [N, D]
    # in-degree normalization: D_in^{-1/2}
    deg_in = jnp.bincount(dst, length=N).astype(jnp.float32)
    deg_in = jnp.maximum(deg_in, 1.0)
    rst = rst * (deg_in ** -0.5)[:, None]
    # activation is None -> identity
    return rst

if __name__ == "__main__":
    import jax
    _d = setup_inputs()
    print(jax.jit(kernel)(*tuple(_d.values())))

</pallas_src>

<mosaic_0001>
#map = affine_map<(d0, d1) -> (0, 0, 0)>
#map1 = affine_map<(d0, d1) -> (0, 0)>
module attributes {stable_mosaic.version = 14 : i64} {
  func.func @_gather_scatter_kernel(%arg0: i32, %arg1: i32, %arg2: memref<2x10000x64xf32, #tpu.memory_space<hbm>>, %arg3: memref<5120x125xi32, #tpu.memory_space<hbm>>, %arg4: memref<10240x64xf32, #tpu.memory_space<hbm>>, %arg5: memref<10240x64xf32, #tpu.memory_space<hbm>>, %arg6: memref<40x125xi32, #tpu.memory_space<vmem>>, %arg7: memref<40x125xi32, #tpu.memory_space<vmem>>, %arg8: memref<125x64xf32, #tpu.memory_space<vmem>>, %arg9: memref<125x64xf32, #tpu.memory_space<vmem>>, %arg10: memref<125x64xf32, #tpu.memory_space<vmem>>, %arg11: memref<125x64xf32, #tpu.memory_space<vmem>>, %arg12: memref<125x64xf32, #tpu.memory_space<vmem>>, %arg13: memref<125x64xf32, #tpu.memory_space<vmem>>, %arg14: memref<125x64xf32, #tpu.memory_space<vmem>>, %arg15: memref<125x64xf32, #tpu.memory_space<vmem>>, %arg16: memref<128x64xf32, #tpu.memory_space<vmem>>, %arg17: memref<10240x64xf32, #tpu.memory_space<vmem_shared>>, %arg18: memref<!tpu.dma_semaphore, #tpu.memory_space<semaphore_mem>>, %arg19: memref<!tpu.dma_semaphore, #tpu.memory_space<semaphore_mem>>, %arg20: memref<!tpu.dma_semaphore, #tpu.memory_space<semaphore_mem>>) attributes {dimension_semantics = [#tpu.dimension_semantics<core_parallel>, #tpu.dimension_semantics<subcore_parallel>], iteration_bounds = array<i64: 2, 16>, scalar_prefetch = 0 : i64, scratch_operands = 15 : i64, tpu.core_type = #tpu.core_type<sc_vector_subcore>, window_params = [{transform_indices = #map}, {transform_indices = #map1}, {transform_indices = #map1}, {transform_indices = #map1}]} {
    %scan3A = arith.constant 0 : i32
    %scan3A_0 = arith.constant 128 : i32
    %scan3A_1 = arith.addi %scan3A, %scan3A_0 : i32
    %scan3A_2 = arith.constant 1 : i32
    scf.for %scan3A_1224 = %scan3A to %scan3A_1 step %scan3A_2  : i32 {
      %mul3A_1225 = arith.constant 1 : i32
      %mul3A_1226 = arith.muli %scan3A_1224, %mul3A_1225 : i32
      %add3A_1227 = arith.constant 0 : i32
      %add3A_1228 = arith.addi %add3A_1227, %mul3A_1226 : i32
      %broadcast_in_dim3A = arith.constant 0.000000e+00 : f32
      %broadcast_in_dim3A_1229 = vector.broadcast %broadcast_in_dim3A : f32 to vector<16xf32>
      %swap3A = arith.index_cast %add3A_1228 : i32 to index
      %swap3A_1230 = arith.constant 0 : index
      %swap3A_1231 = tpu.vector_load %arg16[%swap3A, %swap3A_1230] {strides = array<i32>} : memref<128x64xf32, #tpu.memory_space<vmem>>, vector<1x16xf32>,
      %swap3A_1232 = vector.shape_cast %swap3A_1231 : vector<1x16xf32> to vector<16xf32>
      %swap3A_1233 = vector.shape_cast %broadcast_in_dim3A_1229 : vector<16xf32> to vector<1x16xf32>
      tpu.vector_store %arg16[%swap3A, %swap3A_1230], %swap3A_1233 {strides = array<i32>} : memref<128x64xf32, #tpu.memory_space<vmem>>, vector<1x16xf32>,
      %broadcast_in_dim3A_1234 = arith.constant 0.000000e+00 : f32
      %broadcast_in_dim3A_1235 = vector.broadcast %broadcast_in_dim3A_1234 : f32 to vector<16xf32>
      %swap3A_1236 = arith.index_cast %add3A_1228 : i32 to index
      %swap3A_1237 = arith.constant 16 : index
      %swap3A_1238 = tpu.vector_load %arg16[%swap3A_1236, %swap3A_1237] {strides = array<i32>} : memref<128x64xf32, #tpu.memory_space<vmem>>, vector<1x16xf32>,
      %swap3A_1239 = vector.shape_cast %swap3A_1238 : vector<1x16xf32> to vector<16xf32>
      %swap3A_1240 = vector.shape_cast %broadcast_in_dim3A_1235 : vector<16xf32> to vector<1x16xf32>
      tpu.vector_store %arg16[%swap3A_1236, %swap3A_1237], %swap3A_1240 {strides = array<i32>} : memref<128x64xf32, #tpu.memory_space<vmem>>, vector<1x16xf32>,
      %broadcast_in_dim3A_1241 = arith.constant 0.000000e+00 : f32
      %broadcast_in_dim3A_1242 = vector.broadcast %broadcast_in_dim3A_1241 : f32 to vector<16xf32>
      %swap3A_1243 = arith.index_cast %add3A_1228 : i32 to index
      %swap3A_1244 = arith.constant 32 : index
      %swap3A_1245 = tpu.vector_load %arg16[%swap3A_1243, %swap3A_1244] {strides = array<i32>} : memref<128x64xf32, #tpu.memory_space<vmem>>, vector<1x16xf32>,
      %swap3A_1246 = vector.shape_cast %swap3A_1245 : vector<1x16xf32> to vector<16xf32>
      %swap3A_1247 = vector.shape_cast %broadcast_in_dim3A_1242 : vector<16xf32> to vector<1x16xf32>
      tpu.vector_store %arg16[%swap3A_1243, %swap3A_1244], %swap3A_1247 {strides = array<i32>} : memref<128x64xf32, #tpu.memory_space<vmem>>, vector<1x16xf32>,
      %broadcast_in_dim3A_1248 = arith.constant 0.000000e+00 : f32
      %broadcast_in_dim3A_1249 = vector.broadcast %broadcast_in_dim3A_1248 : f32 to vector<16xf32>
      %swap3A_1250 = arith.index_cast %add3A_1228 : i32 to index
      %swap3A_1251 = arith.constant 48 : index
      %swap3A_1252 = tpu.vector_load %arg16[%swap3A_1250, %swap3A_1251] {strides = array<i32>} : memref<128x64xf32, #tpu.memory_space<vmem>>, vector<1x16xf32>,
      %swap3A_1253 = vector.shape_cast %swap3A_1252 : vector<1x16xf32> to vector<16xf32>
      %swap3A_1254 = vector.shape_cast %broadcast_in_dim3A_1249 : vector<16xf32> to vector<1x16xf32>
      tpu.vector_store %arg16[%swap3A_1250, %swap3A_1251], %swap3A_1254 {strides = array<i32>} : memref<128x64xf32, #tpu.memory_space<vmem>>, vector<1x16xf32>,
    }
    %scan3A_3 = arith.constant 128 : i32
    %mul3A = arith.constant 640 : i32
    %mul3A_4 = arith.muli %arg1, %mul3A : i32
    %add3A = arith.constant 0 : i32
    %add3A_5 = arith.addi %mul3A_4, %add3A : i32
    "tpu.region"() ({
      %run_scoped3A = tpu.sem_alloc : memref<!tpu.dma_semaphore, #tpu.memory_space<semaphore_mem>>
      %dma_start3A_1224 = arith.constant 0 : i32
      %dma_start3A_1225 = tpu.memref_slice %arg17[%add3A_5, %dma_start3A_1224] : memref<10240x64xf32, #tpu.memory_space<vmem_shared>> -> memref<128x64xf32, #tpu.memory_space<vmem_shared>>
      %dma_start3A_1226 = arith.constant 0 : i32
      %dma_start3A_1227 = tpu.memref_slice %arg17[%add3A_5, %dma_start3A_1226] : memref<10240x64xf32, #tpu.memory_space<vmem_shared>> -> memref<128x64xf32, #tpu.memory_space<vmem_shared>>
      tpu.enqueue_dma source(%arg16 : memref<128x64xf32, #tpu.memory_space<vmem>>) target(%dma_start3A_1227 : memref<128x64xf32, #tpu.memory_space<vmem_shared>>) target_semaphore(%run_scoped3A : memref<!tpu.dma_semaphore, #tpu.memory_space<semaphore_mem>>)
      %dma_wait3A_1228 = arith.constant 0 : i32
      %dma_wait3A_1229 = tpu.memref_slice %arg17[%add3A_5, %dma_wait3A_1228] : memref<10240x64xf32, #tpu.memory_space<vmem_shared>> -> memref<128x64xf32, #tpu.memory_space<vmem_shared>>
      %dma_wait3A_1230 = arith.constant 0 : i32
      %dma_wait3A_1231 = tpu.memref_slice %arg17[%add3A_5, %dma_wait3A_1230] : memref<10240x64xf32, #tpu.memory_space<vmem_shared>> -> memref<128x64xf32, #tpu.memory_space<vmem_shared>>
      tpu.wait_dma2 semaphore(%run_scoped3A : memref<!tpu.dma_semaphore, #tpu.memory_space<semaphore_mem>>) src(%arg16 : memref<128x64xf32, #tpu.memory_space<vmem>>) dst(%dma_wait3A_1231 : memref<128x64xf32, #tpu.memory_space<vmem_shared>>)
      tpu.yield
    }) : () -> ()
    %mul3A_6 = arith.constant 640 : i32
    %mul3A_7 = arith.muli %arg1, %mul3A_6 : i32
    %add3A_8 = arith.constant 128 : i32
    %add3A_9 = arith.addi %mul3A_7, %add3A_8 : i32
    "tpu.region"() ({
      %run_scoped3A = tpu.sem_alloc : memref<!tpu.dma_semaphore, #tpu.memory_space<semaphore_mem>>
      %dma_start3A_1224 = arith.constant 0 : i32
      %dma_start3A_1225 = tpu.memref_slice %arg17[%add3A_9, %dma_start3A_1224] : memref<10240x64xf32, #tpu.memory_space<vmem_shared>> -> memref<128x64xf32, #tpu.memory_space<vmem_shared>>
      %dma_start3A_1226 = arith.constant 0 : i32
      %dma_start3A_1227 = tpu.memref_slice %arg17[%add3A_9, %dma_start3A_1226] : memref<10240x64xf32, #tpu.memory_space<vmem_shared>> -> memref<128x64xf32, #tpu.memory_space<vmem_shared>>
      tpu.enqueue_dma source(%arg16 : memref<128x64xf32, #tpu.memory_space<vmem>>) target(%dma_start3A_1227 : memref<128x64xf32, #tpu.memory_space<vmem_shared>>) target_semaphore(%run_scoped3A : memref<!tpu.dma_semaphore, #tpu.memory_space<semaphore_mem>>)
      %dma_wait3A_1228 = arith.constant 0 : i32
      %dma_wait3A_1229 = tpu.memref_slice %arg17[%add3A_9, %dma_wait3A_1228] : memref<10240x64xf32, #tpu.memory_space<vmem_shared>> -> memref<128x64xf32, #tpu.memory_space<vmem_shared>>
      %dma_wait3A_1230 = arith.constant 0 : i32
      %dma_wait3A_1231 = tpu.memref_slice %arg17[%add3A_9, %dma_wait3A_1230] : memref<10240x64xf32, #tpu.memory_space<vmem_shared>> -> memref<128x64xf32, #tpu.memory_space<vmem_shared>>
      tpu.wait_dma2 semaphore(%run_scoped3A : memref<!tpu.dma_semaphore, #tpu.memory_space<semaphore_mem>>) src(%arg16 : memref<128x64xf32, #tpu.memory_space<vmem>>) dst(%dma_wait3A_1231 : memref<128x64xf32, #tpu.memory_space<vmem_shared>>)
      tpu.yield
    }) : () -> ()
    %mul3A_10 = arith.constant 640 : i32
    %mul3A_11 = arith.muli %arg1, %mul3A_10 : i32
    %add3A_12 = arith.constant 256 : i32
    %add3A_13 = arith.addi %mul3A_11, %add3A_12 : i32
    "tpu.region"() ({
      %run_scoped3A = tpu.sem_alloc : memref<!tpu.dma_semaphore, #tpu.memory_space<semaphore_mem>>
      %dma_start3A_1224 = arith.constant 0 : i32
      %dma_start3A_1225 = tpu.memref_slice %arg17[%add3A_13, %dma_start3A_1224] : memref<10240x64xf32, #tpu.memory_space<vmem_shared>> -> memref<128x64xf32, #tpu.memory_space<vmem_shared>>
      %dma_start3A_1226 = arith.constant 0 : i32
      %dma_start3A_1227 = tpu.memref_slice %arg17[%add3A_13, %dma_start3A_1226] : memref<10240x64xf32, #tpu.memory_space<vmem_shared>> -> memref<128x64xf32, #tpu.memory_space<vmem_shared>>
      tpu.enqueue_dma source(%arg16 : memref<128x64xf32, #tpu.memory_space<vmem>>) target(%dma_start3A_1227 : memref<128x64xf32, #tpu.memory_space<vmem_shared>>) target_semaphore(%run_scoped3A : memref<!tpu.dma_semaphore, #tpu.memory_space<semaphore_mem>>)
      %dma_wait3A_1228 = arith.constant 0 : i32
      %dma_wait3A_1229 = tpu.memref_slice %arg17[%add3A_13, %dma_wait3A_1228] : memref<10240x64xf32, #tpu.memory_space<vmem_shared>> -> memref<128x64xf32, #tpu.memory_space<vmem_shared>>
      %dma_wait3A_1230 = arith.constant 0 : i32
      %dma_wait3A_1231 = tpu.memref_slice %arg17[%add3A_13, %dma_wait3A_1230] : memref<10240x64xf32, #tpu.memory_space<vmem_shared>> -> memref<128x64xf32, #tpu.memory_space<vmem_shared>>
      tpu.wait_dma2 semaphore(%run_scoped3A : memref<!tpu.dma_semaphore, #tpu.memory_space<semaphore_mem>>) src(%arg16 : memref<128x64xf32, #tpu.memory_space<vmem>>) dst(%dma_wait3A_1231 : memref<128x64xf32, #tpu.memory_space<vmem_shared>>)
      tpu.yield
    }) : () -> ()
    %mul3A_14 = arith.constant 640 : i32
    %mul3A_15 = arith.muli %arg1, %mul3A_14 : i32
    %add3A_16 = arith.constant 384 : i32
    %add3A_17 = arith.addi %mul3A_15, %add3A_16 : i32
    "tpu.region"() ({
      %run_scoped3A = tpu.sem_alloc : memref<!tpu.dma_semaphore, #tpu.memory_space<semaphore_mem>>
      %dma_start3A_1224 = arith.constant 0 : i32
      %dma_start3A_1225 = tpu.memref_slice %arg17[%add3A_17, %dma_start3A_1224] : memref<10240x64xf32, #tpu.memory_space<vmem_shared>> -> memref<128x64xf32, #tpu.memory_space<vmem_shared>>
      %dma_start3A_1226 = arith.constant 0 : i32
      %dma_start3A_1227 = tpu.memref_slice %arg17[%add3A_17, %dma_start3A_1226] : memref<10240x64xf32, #tpu.memory_space<vmem_shared>> -> memref<128x64xf32, #tpu.memory_space<vmem_shared>>
      tpu.enqueue_dma source(%arg16 : memref<128x64xf32, #tpu.memory_space<vmem>>) target(%dma_start3A_1227 : memref<128x64xf32, #tpu.memory_space<vmem_shared>>) target_semaphore(%run_scoped3A : memref<!tpu.dma_semaphore, #tpu.memory_space<semaphore_mem>>)
      %dma_wait3A_1228 = arith.constant 0 : i32
      %dma_wait3A_1229 = tpu.memref_slice %arg17[%add3A_17, %dma_wait3A_1228] : memref<10240x64xf32, #tpu.memory_space<vmem_shared>> -> memref<128x64xf32, #tpu.memory_space<vmem_shared>>
      %dma_wait3A_1230 = arith.constant 0 : i32
      %dma_wait3A_1231 = tpu.memref_slice %arg17[%add3A_17, %dma_wait3A_1230] : memref<10240x64xf32, #tpu.memory_space<vmem_shared>> -> memref<128x64xf32, #tpu.memory_space<vmem_shared>>
      tpu.wait_dma2 semaphore(%run_scoped3A : memref<!tpu.dma_semaphore, #tpu.memory_space<semaphore_mem>>) src(%arg16 : memref<128x64xf32, #tpu.memory_space<vmem>>) dst(%dma_wait3A_1231 : memref<128x64xf32, #tpu.memory_space<vmem_shared>>)
      tpu.yield
    }) : () -> ()
    %mul3A_18 = arith.constant 640 : i32
    %mul3A_19 = arith.muli %arg1, %mul3A_18 : i32
    %add3A_20 = arith.constant 512 : i32
    %add3A_21 = arith.addi %mul3A_19, %add3A_20 : i32
    "tpu.region"() ({
      %run_scoped3A = tpu.sem_alloc : memref<!tpu.dma_semaphore, #tpu.memory_space<semaphore_mem>>
      %dma_start3A_1224 = arith.constant 0 : i32
      %dma_start3A_1225 = tpu.memref_slice %arg17[%add3A_21, %dma_start3A_1224] : memref<10240x64xf32, #tpu.memory_space<vmem_shared>> -> memref<128x64xf32, #tpu.memory_space<vmem_shared>>
      %dma_start3A_1226 = arith.constant 0 : i32
      %dma_start3A_1227 = tpu.memref_slice %arg17[%add3A_21, %dma_start3A_1226] : memref<10240x64xf32, #tpu.memory_space<vmem_shared>> -> memref<128x64xf32, #tpu.memory_space<vmem_shared>>
      tpu.enqueue_dma source(%arg16 : memref<128x64xf32, #tpu.memory_space<vmem>>) target(%dma_start3A_1227 : memref<128x64xf32, #tpu.memory_space<vmem_shared>>) target_semaphore(%run_scoped3A : memref<!tpu.dma_semaphore, #tpu.memory_space<semaphore_mem>>)
      %dma_wait3A_1228 = arith.constant 0 : i32
      %dma_wait3A_1229 = tpu.memref_slice %arg17[%add3A_21, %dma_wait3A_1228] : memref<10240x64xf32, #tpu.memory_space<vmem_shared>> -> memref<128x64xf32, #tpu.memory_space<vmem_shared>>
      %dma_wait3A_1230 = arith.constant 0 : i32
      %dma_wait3A_1231 = tpu.memref_slice %arg17[%add3A_21, %dma_wait3A_1230] : memref<10240x64xf32, #tpu.memory_space<vmem_shared>> -> memref<128x64xf32, #tpu.memory_space<vmem_shared>>
      tpu.wait_dma2 semaphore(%run_scoped3A : memref<!tpu.dma_semaphore, #tpu.memory_space<semaphore_mem>>) src(%arg16 : memref<128x64xf32, #tpu.memory_space<vmem>>) dst(%dma_wait3A_1231 : memref<128x64xf32, #tpu.memory_space<vmem_shared>>)
      tpu.yield
    }) : () -> ()
    %barrier3A = arith.constant 0 : index
    tpu.barrier barrier_id(%barrier3A)
    %mul3A_22 = arith.constant 160 : i32
    %mul3A_23 = arith.muli %arg1, %mul3A_22 : i32
    %add3A_24 = arith.constant 0 : i32
    %add3A_25 = arith.addi %mul3A_23, %add3A_24 : i32
    "tpu.region"() ({
      %run_scoped3A = tpu.sem_alloc : memref<!tpu.dma_semaphore, #tpu.memory_space<semaphore_mem>>
      %dma_start3A_1224 = arith.constant 0 : i32
      %dma_start3A_1225 = tpu.memref_slice %arg3[%add3A_25, %dma_start3A_1224] : memref<5120x125xi32, #tpu.memory_space<hbm>> -> memref<40x125xi32, #tpu.memory_space<hbm>>
      %dma_start3A_1226 = arith.constant 0 : i32
      %dma_start3A_1227 = tpu.memref_slice %arg3[%add3A_25, %dma_start3A_1226] : memref<5120x125xi32, #tpu.memory_space<hbm>> -> memref<40x125xi32, #tpu.memory_space<hbm>>
      tpu.enqueue_dma source(%dma_start3A_1227 : memref<40x125xi32, #tpu.memory_space<hbm>>) target(%arg6 : memref<40x125xi32, #tpu.memory_space<vmem>>) target_semaphore(%run_scoped3A : memref<!tpu.dma_semaphore, #tpu.memory_space<semaphore_mem>>)
      %dma_wait3A_1228 = arith.constant 0 : i32
      %dma_wait3A_1229 = tpu.memref_slice %arg3[%add3A_25, %dma_wait3A_1228] : memref<5120x125xi32, #tpu.memory_space<hbm>> -> memref<40x125xi32, #tpu.memory_space<hbm>>
      %dma_wait3A_1230 = arith.constant 0 : i32
      %dma_wait3A_1231 = tpu.memref_slice %arg3[%add3A_25, %dma_wait3A_1230] : memref<5120x125xi32, #tpu.memory_space<hbm>> -> memref<40x125xi32, #tpu.memory_space<hbm>>
      tpu.wait_dma2 semaphore(%run_scoped3A : memref<!tpu.dma_semaphore, #tpu.memory_space<semaphore_mem>>) src(%dma_wait3A_1231 : memref<40x125xi32, #tpu.memory_space<hbm>>) dst(%arg6 : memref<40x125xi32, #tpu.memory_space<vmem>>)
      tpu.yield
    }) : () -> ()
    %add3A_26 = arith.constant 2560 : i32
    %add3A_27 = arith.addi %add3A_26, %add3A_25 : i32
    "tpu.region"() ({
      %run_scoped3A = tpu.sem_alloc : memref<!tpu.dma_semaphore, #tpu.memory_space<semaphore_mem>>
      %dma_start3A_1224 = arith.constant 0 : i32
      %dma_start3A_1225 = tpu.memref_slice %arg3[%add3A_27, %dma_start3A_1224] : memref<5120x125xi32, #tpu.memory_space<hbm>> -> memref<40x125xi32, #tpu.memory_space<hbm>>
      %dma_start3A_1226 = arith.constant 0 : i32
      %dma_start3A_1227 = tpu.memref_slice %arg3[%add3A_27, %dma_start3A_1226] : memref<5120x125xi32, #tpu.memory_space<hbm>> -> memref<40x125xi32, #tpu.memory_space<hbm>>
      tpu.enqueue_dma source(%dma_start3A_1227 : memref<40x125xi32, #tpu.memory_space<hbm>>) target(%arg7 : memref<40x125xi32, #tpu.memory_space<vmem>>) target_semaphore(%run_scoped3A : memref<!tpu.dma_semaphore, #tpu.memory_space<semaphore_mem>>)
      %dma_wait3A_1228 = arith.constant 0 : i32
      %dma_wait3A_1229 = tpu.memref_slice %arg3[%add3A_27, %dma_wait3A_1228] : memref<5120x125xi32, #tpu.memory_space<hbm>> -> memref<40x125xi32, #tpu.memory_space<hbm>>
      %dma_wait3A_1230 = arith.constant 0 : i32
      %dma_wait3A_1231 = tpu.memref_slice %arg3[%add3A_27, %dma_wait3A_1230] : memref<5120x125xi32, #tpu.memory_space<hbm>> -> memref<40x125xi32, #tpu.memory_space<hbm>>
      tpu.wait_dma2 semaphore(%run_scoped3A : memref<!tpu.dma_semaphore, #tpu.memory_space<semaphore_mem>>) src(%dma_wait3A_1231 : memref<40x125xi32, #tpu.memory_space<hbm>>) dst(%arg7 : memref<40x125xi32, #tpu.memory_space<vmem>>)
      tpu.yield
    }) : () -> ()
    %dma_start3A = arith.constant 0 : i32
    %dma_start3A_28 = arith.constant 0 : i32
    %dma_start3A_29 = tpu.memref_slice %arg6[%dma_start3A, %dma_start3A_28] : memref<40x125xi32, #tpu.memory_space<vmem>> -> memref<1x125xi32, #tpu.memory_space<vmem>>
    %dma_start3A_30 = tpu.memref_squeeze %dma_start3A_29 : memref<1x125xi32, #tpu.memory_space<vmem>> -> memref<125xi32, #tpu.memory_space<vmem>>
    %dma_start3A_31 = arith.constant 0 : i32
    %dma_start3A_32 = arith.constant 0 : i32
    %dma_start3A_33 = tpu.memref_slice %arg2[%arg0, %dma_start3A_31, %dma_start3A_32] : memref<2x10000x64xf32, #tpu.memory_space<hbm>> -> memref<1x10000x64xf32, #tpu.memory_space<hbm>>
    %dma_start3A_34 = tpu.memref_squeeze %dma_start3A_33 : memref<1x10000x64xf32, #tpu.memory_space<hbm>> -> memref<10000x64xf32, #tpu.memory_space<hbm>>
    %dma_start3A_35 = arith.constant 0 : i32
    %dma_start3A_36 = arith.constant 0 : i32
    %dma_start3A_37 = tpu.memref_slice %dma_start3A_34[%dma_start3A_35, %dma_start3A_36] : memref<10000x64xf32, #tpu.memory_space<hbm>> -> memref<10000x64xf32, #tpu.memory_space<hbm>>
    tpu.enqueue_indirect_dma source(%dma_start3A_37 : memref<10000x64xf32, #tpu.memory_space<hbm>>) target(%arg8 : memref<125x64xf32, #tpu.memory_space<vmem>>) offsets(%dma_start3A_30 : memref<125xi32, #tpu.memory_space<vmem>>) semaphore(%arg18 : memref<!tpu.dma_semaphore, #tpu.memory_space<semaphore_mem>>)
    %dma_start3A_38 = arith.constant 1 : i32
    %dma_start3A_39 = arith.constant 0 : i32
    %dma_start3A_40 = tpu.memref_slice %arg6[%dma_start3A_38, %dma_start3A_39] : memref<40x125xi32, #tpu.memory_space<vmem>> -> memref<1x125xi32, #tpu.memory_space<vmem>>
    %dma_start3A_41 = tpu.memref_squeeze %dma_start3A_40 : memref<1x125xi32, #tpu.memory_space<vmem>> -> memref<125xi32, #tpu.memory_space<vmem>>
    %dma_start3A_42 = arith.constant 0 : i32
    %dma_start3A_43 = arith.constant 0 : i32
    %dma_start3A_44 = tpu.memref_slice %arg2[%arg0, %dma_start3A_42, %dma_start3A_43] : memref<2x10000x64xf32, #tpu.memory_space<hbm>> -> memref<1x10000x64xf32, #tpu.memory_space<hbm>>
    %dma_start3A_45 = tpu.memref_squeeze %dma_start3A_44 : memref<1x10000x64xf32, #tpu.memory_space<hbm>> -> memref<10000x64xf32, #tpu.memory_space<hbm>>
    %dma_start3A_46 = arith.constant 0 : i32
    %dma_start3A_47 = arith.constant 0 : i32
    %dma_start3A_48 = tpu.memref_slice %dma_start3A_45[%dma_start3A_46, %dma_start3A_47] : memref<10000x64xf32, #tpu.memory_space<hbm>> -> memref<10000x64xf32, #tpu.memory_space<hbm>>
    tpu.enqueue_indirect_dma source(%dma_start3A_48 : memref<10000x64xf32, #tpu.memory_space<hbm>>) target(%arg9 : memref<125x64xf32, #tpu.memory_space<vmem>>) offsets(%dma_start3A_41 : memref<125xi32, #tpu.memory_space<vmem>>) semaphore(%arg18 : memref<!tpu.dma_semaphore, #tpu.memory_space<semaphore_mem>>)
    %dma_start3A_49 = arith.constant 2 : i32
    %dma_start3A_50 = arith.constant 0 : i32
    %dma_start3A_51 = tpu.memref_slice %arg6[%dma_start3A_49, %dma_start3A_50] : memref<40x125xi32, #tpu.memory_space<vmem>> -> memref<1x125xi32, #tpu.memory_space<vmem>>
    %dma_start3A_52 = tpu.memref_squeeze %dma_start3A_51 : memref<1x125xi32, #tpu.memory_space<vmem>> -> memref<125xi32, #tpu.memory_space<vmem>>
    %dma_start3A_53 = arith.constant 0 : i32
    %dma_start3A_54 = arith.constant 0 : i32
    %dma_start3A_55 = tpu.memref_slice %arg2[%arg0, %dma_start3A_53, %dma_start3A_54] : memref<2x10000x64xf32, #tpu.memory_space<hbm>> -> memref<1x10000x64xf32, #tpu.memory_space<hbm>>
    %dma_start3A_56 = tpu.memref_squeeze %dma_start3A_55 : memref<1x10000x64xf32, #tpu.memory_space<hbm>> -> memref<10000x64xf32, #tpu.memory_space<hbm>>
    %dma_start3A_57 = arith.constant 0 : i32
    %dma_start3A_58 = arith.constant 0 : i32
    %dma_start3A_59 = tpu.memref_slice %dma_start3A_56[%dma_start3A_57, %dma_start3A_58] : memref<10000x64xf32, #tpu.memory_space<hbm>> -> memref<10000x64xf32, #tpu.memory_space<hbm>>
    tpu.enqueue_indirect_dma source(%dma_start3A_59 : memref<10000x64xf32, #tpu.memory_space<hbm>>) target(%arg10 : memref<125x64xf32, #tpu.memory_space<vmem>>) offsets(%dma_start3A_52 : memref<125xi32, #tpu.memory_space<vmem>>) semaphore(%arg18 : memref<!tpu.dma_semaphore, #tpu.memory_space<semaphore_mem>>)
    %dma_start3A_60 = arith.constant 3 : i32
    %dma_start3A_61 = arith.constant 0 : i32
    %dma_start3A_62 = tpu.memref_slice %arg6[%dma_start3A_60, %dma_start3A_61] : memref<40x125xi32, #tpu.memory_space<vmem>> -> memref<1x125xi32, #tpu.memory_space<vmem>>
    %dma_start3A_63 = tpu.memref_squeeze %dma_start3A_62 : memref<1x125xi32, #tpu.memory_space<vmem>> -> memref<125xi32, #tpu.memory_space<vmem>>
    %dma_start3A_64 = arith.constant 0 : i32
    %dma_start3A_65 = arith.constant 0 : i32
    %dma_start3A_66 = tpu.memref_slice %arg2[%arg0, %dma_start3A_64, %dma_start3A_65] : memref<2x10000x64xf32, #tpu.memory_space<hbm>> -> memref<1x10000x64xf32, #tpu.memory_space<hbm>>
    %dma_start3A_67 = tpu.memref_squeeze %dma_start3A_66 : memref<1x10000x64xf32, #tpu.memory_space<hbm>> -> memref<10000x64xf32, #tpu.memory_space<hbm>>
    %dma_start3A_68 = arith.constant 0 : i32
    %dma_start3A_69 = arith.constant 0 : i32
    %dma_start3A_70 = tpu.memref_slice %dma_start3A_67[%dma_start3A_68, %dma_start3A_69] : memref<10000x64xf32, #tpu.memory_space<hbm>> -> memref<10000x64xf32, #tpu.memory_space<hbm>>
    tpu.enqueue_indirect_dma source(%dma_start3A_70 : memref<10000x64xf32, #tpu.memory_space<hbm>>) target(%arg11 : memref<125x64xf32, #tpu.memory_space<vmem>>) offsets(%dma_start3A_63 : memref<125xi32, #tpu.memory_space<vmem>>) semaphore(%arg18 : memref<!tpu.dma_semaphore, #tpu.memory_space<semaphore_mem>>)
    %scan3A_71 = arith.constant 0 : i32
    %scan3A_72 = arith.constant 4 : i32
    %scan3A_73 = arith.addi %scan3A_71, %scan3A_72 : i32
    %scan3A_74 = arith.constant 1 : i32
    scf.for %scan3A_1224 = %scan3A_71 to %scan3A_73 step %scan3A_74  : i32 {
      %mul3A_1225 = arith.constant 1 : i32
      %mul3A_1226 = arith.muli %scan3A_1224, %mul3A_1225 : i32
      %add3A_1227 = arith.constant 0 : i32
      %add3A_1228 = arith.addi %add3A_1227, %mul3A_1226 : i32
      %mul3A_1229 = arith.constant 8 : i32
      %mul3A_1230 = arith.muli %add3A_1228, %mul3A_1229 : i32
      %add3A_1231 = arith.constant 4 : i32
      %add3A_1232 = arith.addi %mul3A_1230, %add3A_1231 : i32
      %add3A_1233 = arith.constant 0 : i32
      %add3A_1234 = arith.addi %add3A_1232, %add3A_1233 : i32
      %dma_start3A_1235 = arith.constant 0 : i32
      %dma_start3A_1236 = tpu.memref_slice %arg6[%add3A_1234, %dma_start3A_1235] : memref<40x125xi32, #tpu.memory_space<vmem>> -> memref<1x125xi32, #tpu.memory_space<vmem>>
      %dma_start3A_1237 = tpu.memref_squeeze %dma_start3A_1236 : memref<1x125xi32, #tpu.memory_space<vmem>> -> memref<125xi32, #tpu.memory_space<vmem>>
      %dma_start3A_1238 = arith.constant 0 : i32
      %dma_start3A_1239 = arith.constant 0 : i32
      %dma_start3A_1240 = tpu.memref_slice %arg2[%arg0, %dma_start3A_1238, %dma_start3A_1239] : memref<2x10000x64xf32, #tpu.memory_space<hbm>> -> memref<1x10000x64xf32, #tpu.memory_space<hbm>>
      %dma_start3A_1241 = tpu.memref_squeeze %dma_start3A_1240 : memref<1x10000x64xf32, #tpu.memory_space<hbm>> -> memref<10000x64xf32, #tpu.memory_space<hbm>>
      %dma_start3A_1242 = arith.constant 0 : i32
      %dma_start3A_1243 = arith.constant 0 : i32
      %dma_start3A_1244 = tpu.memref_slice %dma_start3A_1241[%dma_start3A_1242, %dma_start3A_1243] : memref<10000x64xf32, #tpu.memory_space<hbm>> -> memref<10000x64xf32, #tpu.memory_space<hbm>>
      tpu.enqueue_indirect_dma source(%dma_start3A_1244 : memref<10000x64xf32, #tpu.memory_space<hbm>>) target(%arg12 : memref<125x64xf32, #tpu.memory_space<vmem>>) offsets(%dma_start3A_1237 : memref<125xi32, #tpu.memory_space<vmem>>) semaphore(%arg19 : memref<!tpu.dma_semaphore, #tpu.memory_space<semaphore_mem>>)
      %add3A_1245 = arith.constant 1 : i32
      %add3A_1246 = arith.addi %add3A_1232, %add3A_1245 : i32
      %dma_start3A_1247 = arith.constant 0 : i32
      %dma_start3A_1248 = tpu.memref_slice %arg6[%add3A_1246, %dma_start3A_1247] : memref<40x125xi32, #tpu.memory_space<vmem>> -> memref<1x125xi32, #tpu.memory_space<vmem>>
      %dma_start3A_1249 = tpu.memref_squeeze %dma_start3A_1248 : memref<1x125xi32, #tpu.memory_space<vmem>> -> memref<125xi32, #tpu.memory_space<vmem>>
      %dma_start3A_1250 = arith.constant 0 : i32
      %dma_start3A_1251 = arith.constant 0 : i32
      %dma_start3A_1252 = tpu.memref_slice %arg2[%arg0, %dma_start3A_1250, %dma_start3A_1251] : memref<2x10000x64xf32, #tpu.memory_space<hbm>> -> memref<1x10000x64xf32, #tpu.memory_space<hbm>>
      %dma_start3A_1253 = tpu.memref_squeeze %dma_start3A_1252 : memref<1x10000x64xf32, #tpu.memory_space<hbm>> -> memref<10000x64xf32, #tpu.memory_space<hbm>>
      %dma_start3A_1254 = arith.constant 0 : i32
      %dma_start3A_1255 = arith.constant 0 : i32
      %dma_start3A_1256 = tpu.memref_slice %dma_start3A_1253[%dma_start3A_1254, %dma_start3A_1255] : memref<10000x64xf32, #tpu.memory_space<hbm>> -> memref<10000x64xf32, #tpu.memory_space<hbm>>
      tpu.enqueue_indirect_dma source(%dma_start3A_1256 : memref<10000x64xf32, #tpu.memory_space<hbm>>) target(%arg13 : memref<125x64xf32, #tpu.memory_space<vmem>>) offsets(%dma_start3A_1249 : memref<125xi32, #tpu.memory_space<vmem>>) semaphore(%arg19 : memref<!tpu.dma_semaphore, #tpu.memory_space<semaphore_mem>>)
      %add3A_1257 = arith.constant 2 : i32
      %add3A_1258 = arith.addi %add3A_1232, %add3A_1257 : i32
      %dma_start3A_1259 = arith.constant 0 : i32
      %dma_start3A_1260 = tpu.memref_slice %arg6[%add3A_1258, %dma_start3A_1259] : memref<40x125xi32, #tpu.memory_space<vmem>> -> memref<1x125xi32, #tpu.memory_space<vmem>>
      %dma_start3A_1261 = tpu.memref_squeeze %dma_start3A_1260 : memref<1x125xi32, #tpu.memory_space<vmem>> -> memref<125xi32, #tpu.memory_space<vmem>>
      %dma_start3A_1262 = arith.constant 0 : i32
      %dma_start3A_1263 = arith.constant 0 : i32
      %dma_start3A_1264 = tpu.memref_slice %arg2[%arg0, %dma_start3A_1262, %dma_start3A_1263] : memref<2x10000x64xf32, #tpu.memory_space<hbm>> -> memref<1x10000x64xf32, #tpu.memory_space<hbm>>
      %dma_start3A_1265 = tpu.memref_squeeze %dma_start3A_1264 : memref<1x10000x64xf32, #tpu.memory_space<hbm>> -> memref<10000x64xf32, #tpu.memory_space<hbm>>
      %dma_start3A_1266 = arith.constant 0 : i32
      %dma_start3A_1267 = arith.constant 0 : i32
      %dma_start3A_1268 = tpu.memref_slice %dma_start3A_1265[%dma_start3A_1266, %dma_start3A_1267] : memref<10000x64xf32, #tpu.memory_space<hbm>> -> memref<10000x64xf32, #tpu.memory_space<hbm>>
      tpu.enqueue_indirect_dma source(%dma_start3A_1268 : memref<10000x64xf32, #tpu.memory_space<hbm>>) target(%arg14 : memref<125x64xf32, #tpu.memory_space<vmem>>) offsets(%dma_start3A_1261 : memref<125xi32, #tpu.memory_space<vmem>>) semaphore(%arg19 : memref<!tpu.dma_semaphore, #tpu.memory_space<semaphore_mem>>)
      %add3A_1269 = arith.constant 3 : i32
      %add3A_1270 = arith.addi %add3A_1232, %add3A_1269 : i32
      %dma_start3A_1271 = arith.constant 0 : i32
      %dma_start3A_1272 = tpu.memref_slice %arg6[%add3A_1270, %dma_start3A_1271] : memref<40x125xi32, #tpu.memory_space<vmem>> -> memref<1x125xi32, #tpu.memory_space<vmem>>
      %dma_start3A_1273 = tpu.memref_squeeze %dma_start3A_1272 : memref<1x125xi32, #tpu.memory_space<vmem>> -> memref<125xi32, #tpu.memory_space<vmem>>
      %dma_start3A_1274 = arith.constant 0 : i32
      %dma_start3A_1275 = arith.constant 0 : i32
      %dma_start3A_1276 = tpu.memref_slice %arg2[%arg0, %dma_start3A_1274, %dma_start3A_1275] : memref<2x10000x64xf32, #tpu.memory_space<hbm>> -> memref<1x10000x64xf32, #tpu.memory_space<hbm>>
      %dma_start3A_1277 = tpu.memref_squeeze %dma_start3A_1276 : memref<1x10000x64xf32, #tpu.memory_space<hbm>> -> memref<10000x64xf32, #tpu.memory_space<hbm>>
      %dma_start3A_1278 = arith.constant 0 : i32
      %dma_start3A_1279 = arith.constant 0 : i32
      %dma_start3A_1280 = tpu.memref_slice %dma_start3A_1277[%dma_start3A_1278, %dma_start3A_1279] : memref<10000x64xf32, #tpu.memory_space<hbm>> -> memref<10000x64xf32, #tpu.memory_space<hbm>>
      tpu.enqueue_indirect_dma source(%dma_start3A_1280 : memref<10000x64xf32, #tpu.memory_space<hbm>>) target(%arg15 : memref<125x64xf32, #tpu.memory_space<vmem>>) offsets(%dma_start3A_1273 : memref<125xi32, #tpu.memory_space<vmem>>) semaphore(%arg19 : memref<!tpu.dma_semaphore, #tpu.memory_space<semaphore_mem>>)
      %add3A_1281 = arith.constant 0 : i32
      %add3A_1282 = arith.addi %mul3A_1230, %add3A_1281 : i32
      %dma_wait3A_1283 = arith.constant 0 : i32
      %dma_wait3A_1284 = tpu.memref_slice %arg6[%add3A_1282, %dma_wait3A_1283] : memref<40x125xi32, #tpu.memory_space<vmem>> -> memref<1x125xi32, #tpu.memory_space<vmem>>
      %dma_wait3A_1285 = tpu.memref_squeeze %dma_wait3A_1284 : memref<1x125xi32, #tpu.memory_space<vmem>> -> memref<125xi32, #tpu.memory_space<vmem>>
      %dma_wait3A_1286 = arith.constant 0 : i32
      %dma_wait3A_1287 = arith.constant 0 : i32
      %dma_wait3A_1288 = tpu.memref_slice %arg2[%arg0, %dma_wait3A_1286, %dma_wait3A_1287] : memref<2x10000x64xf32, #tpu.memory_space<hbm>> -> memref<1x10000x64xf32, #tpu.memory_space<hbm>>
      %dma_wait3A_1289 = tpu.memref_squeeze %dma_wait3A_1288 : memref<1x10000x64xf32, #tpu.memory_space<hbm>> -> memref<10000x64xf32, #tpu.memory_space<hbm>>
      %dma_wait3A_1290 = arith.constant 0 : i32
      %dma_wait3A_1291 = arith.constant 0 : i32
      %dma_wait3A_1292 = tpu.memref_slice %dma_wait3A_1289[%dma_wait3A_1290, %dma_wait3A_1291] : memref<10000x64xf32, #tpu.memory_space<hbm>> -> memref<10000x64xf32, #tpu.memory_space<hbm>>
      tpu.wait_indirect_dma semaphore(%arg18 : memref<!tpu.dma_semaphore, #tpu.memory_space<semaphore_mem>>) src(%dma_wait3A_1292 : memref<10000x64xf32, #tpu.memory_space<hbm>>) dst(%arg8 : memref<125x64xf32, #tpu.memory_space<vmem>>)
      %add3A_1293 = arith.constant 1 : i32
      %add3A_1294 = arith.addi %mul3A_1230, %add3A_1293 : i32
      %dma_wait3A_1295 = arith.constant 0 : i32
      %dma_wait3A_1296 = tpu.memref_slice %arg6[%add3A_1294, %dma_wait3A_1295] : memref<40x125xi32, #tpu.memory_space<vmem>> -> memref<1x125xi32, #tpu.memory_space<vmem>>
      %dma_wait3A_1297 = tpu.memref_squeeze %dma_wait3A_1296 : memref<1x125xi32, #tpu.memory_space<vmem>> -> memref<125xi32, #tpu.memory_space<vmem>>
      %dma_wait3A_1298 = arith.constant 0 : i32
      %dma_wait3A_1299 = arith.constant 0 : i32
      %dma_wait3A_1300 = tpu.memref_slice %arg2[%arg0, %dma_wait3A_1298, %dma_wait3A_1299] : memref<2x10000x64xf32, #tpu.memory_space<hbm>> -> memref<1x10000x64xf32, #tpu.memory_space<hbm>>
      %dma_wait3A_1301 = tpu.memref_squeeze %dma_wait3A_1300 : memref<1x10000x64xf32, #tpu.memory_space<hbm>> -> memref<10000x64xf32, #tpu.memory_space<hbm>>
      %dma_wait3A_1302 = arith.constant 0 : i32
      %dma_wait3A_1303 = arith.constant 0 : i32
      %dma_wait3A_1304 = tpu.memref_slice %dma_wait3A_1301[%dma_wait3A_1302, %dma_wait3A_1303] : memref<10000x64xf32, #tpu.memory_space<hbm>> -> memref<10000x64xf32, #tpu.memory_space<hbm>>
      tpu.wait_indirect_dma semaphore(%arg18 : memref<!tpu.dma_semaphore, #tpu.memory_space<semaphore_mem>>) src(%dma_wait3A_1304 : memref<10000x64xf32, #tpu.memory_space<hbm>>) dst(%arg9 : memref<125x64xf32, #tpu.memory_space<vmem>>)
      %add3A_1305 = arith.constant 2 : i32
      %add3A_1306 = arith.addi %mul3A_1230, %add3A_1305 : i32
      %dma_wait3A_1307 = arith.constant 0 : i32
      %dma_wait3A_1308 = tpu.memref_slice %arg6[%add3A_1306, %dma_wait3A_1307] : memref<40x125xi32, #tpu.memory_space<vmem>> -> memref<1x125xi32, #tpu.memory_space<vmem>>
      %dma_wait3A_1309 = tpu.memref_squeeze %dma_wait3A_1308 : memref<1x125xi32, #tpu.memory_space<vmem>> -> memref<125xi32, #tpu.memory_space<vmem>>
      %dma_wait3A_1310 = arith.constant 0 : i32
      %dma_wait3A_1311 = arith.constant 0 : i32
      %dma_wait3A_1312 = tpu.memref_slice %arg2[%arg0, %dma_wait3A_1310, %dma_wait3A_1311] : memref<2x10000x64xf32, #tpu.memory_space<hbm>> -> memref<1x10000x64xf32, #tpu.memory_space<hbm>>
      %dma_wait3A_1313 = tpu.memref_squeeze %dma_wait3A_1312 : memref<1x10000x64xf32, #tpu.memory_space<hbm>> -> memref<10000x64xf32, #tpu.memory_space<hbm>>
      %dma_wait3A_1314 = arith.constant 0 : i32
      %dma_wait3A_1315 = arith.constant 0 : i32
      %dma_wait3A_1316 = tpu.memref_slice %dma_wait3A_1313[%dma_wait3A_1314, %dma_wait3A_1315] : memref<10000x64xf32, #tpu.memory_space<hbm>> -> memref<10000x64xf32, #tpu.memory_space<hbm>>
      tpu.wait_indirect_dma semaphore(%arg18 : memref<!tpu.dma_semaphore, #tpu.memory_space<semaphore_mem>>) src(%dma_wait3A_1316 : memref<10000x64xf32, #tpu.memory_space<hbm>>) dst(%arg10 : memref<125x64xf32, #tpu.memory_space<vmem>>)
      %add3A_1317 = arith.constant 3 : i32
      %add3A_1318 = arith.addi %mul3A_1230, %add3A_1317 : i32
      %dma_wait3A_1319 = arith.constant 0 : i32
      %dma_wait3A_1320 = tpu.memref_slice %arg6[%add3A_1318, %dma_wait3A_1319] : memref<40x125xi32, #tpu.memory_space<vmem>> -> memref<1x125xi32, #tpu.memory_space<vmem>>
      %dma_wait3A_1321 = tpu.memref_squeeze %dma_wait3A_1320 : memref<1x125xi32, #tpu.memory_space<vmem>> -> memref<125xi32, #tpu.memory_space<vmem>>
      %dma_wait3A_1322 = arith.constant 0 : i32
      %dma_wait3A_1323 = arith.constant 0 : i32
      %dma_wait3A_1324 = tpu.memref_slice %arg2[%arg0, %dma_wait3A_1322, %dma_wait3A_1323] : memref<2x10000x64xf32, #tpu.memory_space<hbm>> -> memref<1x10000x64xf32, #tpu.memory_space<hbm>>
      %dma_wait3A_1325 = tpu.memref_squeeze %dma_wait3A_1324 : memref<1x10000x64xf32, #tpu.memory_space<hbm>> -> memref<10000x64xf32, #tpu.memory_space<hbm>>
      %dma_wait3A_1326 = arith.constant 0 : i32
      %dma_wait3A_1327 = arith.constant 0 : i32
      %dma_wait3A_1328 = tpu.memref_slice %dma_wait3A_1325[%dma_wait3A_1326, %dma_wait3A_1327] : memref<10000x64xf32, #tpu.memory_space<hbm>> -> memref<10000x64xf32, #tpu.memory_space<hbm>>
      tpu.wait_indirect_dma semaphore(%arg18 : memref<!tpu.dma_semaphore, #tpu.memory_space<semaphore_mem>>) src(%dma_wait3A_1328 : memref<10000x64xf32, #tpu.memory_space<hbm>>) dst(%arg11 : memref<125x64xf32, #tpu.memory_space<vmem>>)
      %add3A_1329 = arith.constant 0 : i32
      %add3A_1330 = arith.addi %mul3A_1230, %add3A_1329 : i32
      %dma_start3A_1331 = arith.constant 0 : i32
      %dma_start3A_1332 = tpu.memref_slice %arg7[%add3A_1330, %dma_start3A_1331] : memref<40x125xi32, #tpu.memory_space<vmem>> -> memref<1x125xi32, #tpu.memory_space<vmem>>
      %dma_start3A_1333 = tpu.memref_squeeze %dma_start3A_1332 : memref<1x125xi32, #tpu.memory_space<vmem>> -> memref<125xi32, #tpu.memory_space<vmem>>
      %dma_start3A_1334 = arith.constant 0 : i32
      %dma_start3A_1335 = arith.constant 0 : i32
      %dma_start3A_1336 = tpu.memref_slice %arg17[%dma_start3A_1334, %dma_start3A_1335] : memref<10240x64xf32, #tpu.memory_space<vmem_shared>> -> memref<10240x64xf32, #tpu.memory_space<vmem_shared>>
      tpu.enqueue_indirect_dma source(%arg8 : memref<125x64xf32, #tpu.memory_space<vmem>>) target(%dma_start3A_1336 : memref<10240x64xf32, #tpu.memory_space<vmem_shared>>) offsets(%dma_start3A_1333 : memref<125xi32, #tpu.memory_space<vmem>>) semaphore(%arg20 : memref<!tpu.dma_semaphore, #tpu.memory_space<semaphore_mem>>) {add = true}
      %add3A_1337 = arith.constant 1 : i32
      %add3A_1338 = arith.addi %mul3A_1230, %add3A_1337 : i32
      %dma_start3A_1339 = arith.constant 0 : i32
      %dma_start3A_1340 = tpu.memref_slice %arg7[%add3A_1338, %dma_start3A_1339] : memref<40x125xi32, #tpu.memory_space<vmem>> -> memref<1x125xi32, #tpu.memory_space<vmem>>
      %dma_start3A_1341 = tpu.memref_squeeze %dma_start3A_1340 : memref<1x125xi32, #tpu.memory_space<vmem>> -> memref<125xi32, #tpu.memory_space<vmem>>
      %dma_start3A_1342 = arith.constant 0 : i32
      %dma_start3A_1343 = arith.constant 0 : i32
      %dma_start3A_1344 = tpu.memref_slice %arg17[%dma_start3A_1342, %dma_start3A_1343] : memref<10240x64xf32, #tpu.memory_space<vmem_shared>> -> memref<10240x64xf32, #tpu.memory_space<vmem_shared>>
      tpu.enqueue_indirect_dma source(%arg9 : memref<125x64xf32, #tpu.memory_space<vmem>>) target(%dma_start3A_1344 : memref<10240x64xf32, #tpu.memory_space<vmem_shared>>) offsets(%dma_start3A_1341 : memref<125xi32, #tpu.memory_space<vmem>>) semaphore(%arg20 : memref<!tpu.dma_semaphore, #tpu.memory_space<semaphore_mem>>) {add = true}
      %add3A_1345 = arith.constant 2 : i32
      %add3A_1346 = arith.addi %mul3A_1230, %add3A_1345 : i32
      %dma_start3A_1347 = arith.constant 0 : i32
      %dma_start3A_1348 = tpu.memref_slice %arg7[%add3A_1346, %dma_start3A_1347] : memref<40x125xi32, #tpu.memory_space<vmem>> -> memref<1x125xi32, #tpu.memory_space<vmem>>
      %dma_start3A_1349 = tpu.memref_squeeze %dma_start3A_1348 : memref<1x125xi32, #tpu.memory_space<vmem>> -> memref<125xi32, #tpu.memory_space<vmem>>
      %dma_start3A_1350 = arith.constant 0 : i32
      %dma_start3A_1351 = arith.constant 0 : i32
      %dma_start3A_1352 = tpu.memref_slice %arg17[%dma_start3A_1350, %dma_start3A_1351] : memref<10240x64xf32, #tpu.memory_space<vmem_shared>> -> memref<10240x64xf32, #tpu.memory_space<vmem_shared>>
      tpu.enqueue_indirect_dma source(%arg10 : memref<125x64xf32, #tpu.memory_space<vmem>>) target(%dma_start3A_1352 : memref<10240x64xf32, #tpu.memory_space<vmem_shared>>) offsets(%dma_start3A_1349 : memref<125xi32, #tpu.memory_space<vmem>>) semaphore(%arg20 : memref<!tpu.dma_semaphore, #tpu.memory_space<semaphore_mem>>) {add = true}
      %add3A_1353 = arith.constant 3 : i32
      %add3A_1354 = arith.addi %mul3A_1230, %add3A_1353 : i32
      %dma_start3A_1355 = arith.constant 0 : i32
      %dma_start3A_1356 = tpu.memref_slice %arg7[%add3A_1354, %dma_start3A_1355] : memref<40x125xi32, #tpu.memory_space<vmem>> -> memref<1x125xi32, #tpu.memory_space<vmem>>
      %dma_start3A_1357 = tpu.memref_squeeze %dma_start3A_1356 : memref<1x125xi32, #tpu.memory_space<vmem>> -> memref<125xi32, #tpu.memory_space<vmem>>
      %dma_start3A_1358 = arith.constant 0 : i32
      %dma_start3A_1359 = arith.constant 0 : i32
      %dma_start3A_1360 = tpu.memref_slice %arg17[%dma_start3A_1358, %dma_start3A_1359] : memref<10240x64xf32, #tpu.memory_space<vmem_shared>> -> memref<10240x64xf32, #tpu.memory_space<vmem_shared>>
      tpu.enqueue_indirect_dma source(%arg11 : memref<125x64xf32, #tpu.memory_space<vmem>>) target(%dma_start3A_1360 : memref<10240x64xf32, #tpu.memory_space<vmem_shared>>) offsets(%dma_start3A_1357 : memref<125xi32, #tpu.memory_space<vmem>>) semaphore(%arg20 : memref<!tpu.dma_semaphore, #tpu.memory_space<semaphore_mem>>) {add = true}
      %add3A_1361 = arith.constant 0 : i32
      %add3A_1362 = arith.addi %mul3A_1230, %add3A_1361 : i32
      %dma_wait3A_1363 = arith.constant 0 : i32
      %dma_wait3A_1364 = tpu.memref_slice %arg7[%add3A_1362, %dma_wait3A_1363] : memref<40x125xi32, #tpu.memory_space<vmem>> -> memref<1x125xi32, #tpu.memory_space<vmem>>
      %dma_wait3A_1365 = tpu.memref_squeeze %dma_wait3A_1364 : memref<1x125xi32, #tpu.memory_space<vmem>> -> memref<125xi32, #tpu.memory_space<vmem>>
      %dma_wait3A_1366 = arith.constant 0 : i32
      %dma_wait3A_1367 = arith.constant 0 : i32
      %dma_wait3A_1368 = tpu.memref_slice %arg17[%dma_wait3A_1366, %dma_wait3A_1367] : memref<10240x64xf32, #tpu.memory_space<vmem_shared>> -> memref<10240x64xf32, #tpu.memory_space<vmem_shared>>
      tpu.wait_indirect_dma semaphore(%arg20 : memref<!tpu.dma_semaphore, #tpu.memory_space<semaphore_mem>>) src(%arg8 : memref<125x64xf32, #tpu.memory_space<vmem>>) dst(%dma_wait3A_1368 : memref<10240x64xf32, #tpu.memory_space<vmem_shared>>)
      %add3A_1369 = arith.constant 1 : i32
      %add3A_1370 = arith.addi %mul3A_1230, %add3A_1369 : i32
      %dma_wait3A_1371 = arith.constant 0 : i32
      %dma_wait3A_1372 = tpu.memref_slice %arg7[%add3A_1370, %dma_wait3A_1371] : memref<40x125xi32, #tpu.memory_space<vmem>> -> memref<1x125xi32, #tpu.memory_space<vmem>>
      %dma_wait3A_1373 = tpu.memref_squeeze %dma_wait3A_1372 : memref<1x125xi32, #tpu.memory_space<vmem>> -> memref<125xi32, #tpu.memory_space<vmem>>
      %dma_wait3A_1374 = arith.constant 0 : i32
      %dma_wait3A_1375 = arith.constant 0 : i32
      %dma_wait3A_1376 = tpu.memref_slice %arg17[%dma_wait3A_1374, %dma_wait3A_1375] : memref<10240x64xf32, #tpu.memory_space<vmem_shared>> -> memref<10240x64xf32, #tpu.memory_space<vmem_shared>>
      tpu.wait_indirect_dma semaphore(%arg20 : memref<!tpu.dma_semaphore, #tpu.memory_space<semaphore_mem>>) src(%arg9 : memref<125x64xf32, #tpu.memory_space<vmem>>) dst(%dma_wait3A_1376 : memref<10240x64xf32, #tpu.memory_space<vmem_shared>>)
      %add3A_1377 = arith.constant 2 : i32
      %add3A_1378 = arith.addi %mul3A_1230, %add3A_1377 : i32
      %dma_wait3A_1379 = arith.constant 0 : i32
      %dma_wait3A_1380 = tpu.memref_slice %arg7[%add3A_1378, %dma_wait3A_1379] : memref<40x125xi32, #tpu.memory_space<vmem>> -> memref<1x125xi32, #tpu.memory_space<vmem>>
      %dma_wait3A_1381 = tpu.memref_squeeze %dma_wait3A_1380 : memref<1x125xi32, #tpu.memory_space<vmem>> -> memref<125xi32, #tpu.memory_space<vmem>>
      %dma_wait3A_1382 = arith.constant 0 : i32
      %dma_wait3A_1383 = arith.constant 0 : i32
      %dma_wait3A_1384 = tpu.memref_slice %arg17[%dma_wait3A_1382, %dma_wait3A_1383] : memref<10240x64xf32, #tpu.memory_space<vmem_shared>> -> memref<10240x64xf32, #tpu.memory_space<vmem_shared>>
      tpu.wait_indirect_dma semaphore(%arg20 : memref<!tpu.dma_semaphore, #tpu.memory_space<semaphore_mem>>) src(%arg10 : memref<125x64xf32, #tpu.memory_space<vmem>>) dst(%dma_wait3A_1384 : memref<10240x64xf32, #tpu.memory_space<vmem_shared>>)
      %add3A_1385 = arith.constant 3 : i32
      %add3A_1386 = arith.addi %mul3A_1230, %add3A_1385 : i32
      %dma_wait3A_1387 = arith.constant 0 : i32
      %dma_wait3A_1388 = tpu.memref_slice %arg7[%add3A_1386, %dma_wait3A_1387] : memref<40x125xi32, #tpu.memory_space<vmem>> -> memref<1x125xi32, #tpu.memory_space<vmem>>
      %dma_wait3A_1389 = tpu.memref_squeeze %dma_wait3A_1388 : memref<1x125xi32, #tpu.memory_space<vmem>> -> memref<125xi32, #tpu.memory_space<vmem>>
      %dma_wait3A_1390 = arith.constant 0 : i32
      %dma_wait3A_1391 = arith.constant 0 : i32
      %dma_wait3A_1392 = tpu.memref_slice %arg17[%dma_wait3A_1390, %dma_wait3A_1391] : memref<10240x64xf32, #tpu.memory_space<vmem_shared>> -> memref<10240x64xf32, #tpu.memory_space<vmem_shared>>
      tpu.wait_indirect_dma semaphore(%arg20 : memref<!tpu.dma_semaphore, #tpu.memory_space<semaphore_mem>>) src(%arg11 : memref<125x64xf32, #tpu.memory_space<vmem>>) dst(%dma_wait3A_1392 : memref<10240x64xf32, #tpu.memory_space<vmem_shared>>)
      %add3A_1393 = arith.constant 8 : i32
      %add3A_1394 = arith.addi %mul3A_1230, %add3A_1393 : i32
      %add3A_1395 = arith.constant 0 : i32
      %add3A_1396 = arith.addi %add3A_1394, %add3A_1395 : i32
      %dma_start3A_1397 = arith.constant 0 : i32
      %dma_start3A_1398 = tpu.memref_slice %arg6[%add3A_1396, %dma_start3A_1397] : memref<40x125xi32, #tpu.memory_space<vmem>> -> memref<1x125xi32, #tpu.memory_space<vmem>>
      %dma_start3A_1399 = tpu.memref_squeeze %dma_start3A_1398 : memref<1x125xi32, #tpu.memory_space<vmem>> -> memref<125xi32, #tpu.memory_space<vmem>>
      %dma_start3A_1400 = arith.constant 0 : i32
      %dma_start3A_1401 = arith.constant 0 : i32
      %dma_start3A_1402 = tpu.memref_slice %arg2[%arg0, %dma_start3A_1400, %dma_start3A_1401] : memref<2x10000x64xf32, #tpu.memory_space<hbm>> -> memref<1x10000x64xf32, #tpu.memory_space<hbm>>
      %dma_start3A_1403 = tpu.memref_squeeze %dma_start3A_1402 : memref<1x10000x64xf32, #tpu.memory_space<hbm>> -> memref<10000x64xf32, #tpu.memory_space<hbm>>
      %dma_start3A_1404 = arith.constant 0 : i32
      %dma_start3A_1405 = arith.constant 0 : i32
      %dma_start3A_1406 = tpu.memref_slice %dma_start3A_1403[%dma_start3A_1404, %dma_start3A_1405] : memref<10000x64xf32, #tpu.memory_space<hbm>> -> memref<10000x64xf32, #tpu.memory_space<hbm>>
      tpu.enqueue_indirect_dma source(%dma_start3A_1406 : memref<10000x64xf32, #tpu.memory_space<hbm>>) target(%arg8 : memref<125x64xf32, #tpu.memory_space<vmem>>) offsets(%dma_start3A_1399 : memref<125xi32, #tpu.memory_space<vmem>>) semaphore(%arg18 : memref<!tpu.dma_semaphore, #tpu.memory_space<semaphore_mem>>)
      %add3A_1407 = arith.constant 1 : i32
      %add3A_1408 = arith.addi %add3A_1394, %add3A_1407 : i32
      %dma_start3A_1409 = arith.constant 0 : i32
      %dma_start3A_1410 = tpu.memref_slice %arg6[%add3A_1408, %dma_start3A_1409] : memref<40x125xi32, #tpu.memory_space<vmem>> -> memref<1x125xi32, #tpu.memory_space<vmem>>
      %dma_start3A_1411 = tpu.memref_squeeze %dma_start3A_1410 : memref<1x125xi32, #tpu.memory_space<vmem>> -> memref<125xi32, #tpu.memory_space<vmem>>
      %dma_start3A_1412 = arith.constant 0 : i32
      %dma_start3A_1413 = arith.constant 0 : i32
      %dma_start3A_1414 = tpu.memref_slice %arg2[%arg0, %dma_start3A_1412, %dma_start3A_1413] : memref<2x10000x64xf32, #tpu.memory_space<hbm>> -> memref<1x10000x64xf32, #tpu.memory_space<hbm>>
      %dma_start3A_1415 = tpu.memref_squeeze %dma_start3A_1414 : memref<1x10000x64xf32, #tpu.memory_space<hbm>> -> memref<10000x64xf32, #tpu.memory_space<hbm>>
      %dma_start3A_1416 = arith.constant 0 : i32
      %dma_start3A_1417 = arith.constant 0 : i32
      %dma_start3A_1418 = tpu.memref_slice %dma_start3A_1415[%dma_start3A_1416, %dma_start3A_1417] : memref<10000x64xf32, #tpu.memory_space<hbm>> -> memref<10000x64xf32, #tpu.memory_space<hbm>>
      tpu.enqueue_indirect_dma source(%dma_start3A_1418 : memref<10000x64xf32, #tpu.memory_space<hbm>>) target(%arg9 : memref<125x64xf32, #tpu.memory_space<vmem>>) offsets(%dma_start3A_1411 : memref<125xi32, #tpu.memory_space<vmem>>) semaphore(%arg18 : memref<!tpu.dma_semaphore, #tpu.memory_space<semaphore_mem>>)
      %add3A_1419 = arith.constant 2 : i32
      %add3A_1420 = arith.addi %add3A_1394, %add3A_1419 : i32
      %dma_start3A_1421 = arith.constant 0 : i32
      %dma_start3A_1422 = tpu.memref_slice %arg6[%add3A_1420, %dma_start3A_1421] : memref<40x125xi32, #tpu.memory_space<vmem>> -> memref<1x125xi32, #tpu.memory_space<vmem>>
      %dma_start3A_1423 = tpu.memref_squeeze %dma_start3A_1422 : memref<1x125xi32, #tpu.memory_space<vmem>> -> memref<125xi32, #tpu.memory_space<vmem>>
      %dma_start3A_1424 = arith.constant 0 : i32
      %dma_start3A_1425 = arith.constant 0 : i32
      %dma_start3A_1426 = tpu.memref_slice %arg2[%arg0, %dma_start3A_1424, %dma_start3A_1425] : memref<2x10000x64xf32, #tpu.memory_space<hbm>> -> memref<1x10000x64xf32, #tpu.memory_space<hbm>>
      %dma_start3A_1427 = tpu.memref_squeeze %dma_start3A_1426 : memref<1x10000x64xf32, #tpu.memory_space<hbm>> -> memref<10000x64xf32, #tpu.memory_space<hbm>>
      %dma_start3A_1428 = arith.constant 0 : i32
      %dma_start3A_1429 = arith.constant 0 : i32
      %dma_start3A_1430 = tpu.memref_slice %dma_start3A_1427[%dma_start3A_1428, %dma_start3A_1429] : memref<10000x64xf32, #tpu.memory_space<hbm>> -> memref<10000x64xf32, #tpu.memory_space<hbm>>
      tpu.enqueue_indirect_dma source(%dma_start3A_1430 : memref<10000x64xf32, #tpu.memory_space<hbm>>) target(%arg10 : memref<125x64xf32, #tpu.memory_space<vmem>>) offsets(%dma_start3A_1423 : memref<125xi32, #tpu.memory_space<vmem>>) semaphore(%arg18 : memref<!tpu.dma_semaphore, #tpu.memory_space<semaphore_mem>>)
      %add3A_1431 = arith.constant 3 : i32
      %add3A_1432 = arith.addi %add3A_1394, %add3A_1431 : i32
      %dma_start3A_1433 = arith.constant 0 : i32
      %dma_start3A_1434 = tpu.memref_slice %arg6[%add3A_1432, %dma_start3A_1433] : memref<40x125xi32, #tpu.memory_space<vmem>> -> memref<1x125xi32, #tpu.memory_space<vmem>>
      %dma_start3A_1435 = tpu.memref_squeeze %dma_start3A_1434 : memref<1x125xi32, #tpu.memory_space<vmem>> -> memref<125xi32, #tpu.memory_space<vmem>>
      %dma_start3A_1436 = arith.constant 0 : i32
      %dma_start3A_1437 = arith.constant 0 : i32
      %dma_start3A_1438 = tpu.memref_slice %arg2[%arg0, %dma_start3A_1436, %dma_start3A_1437] : memref<2x10000x64xf32, #tpu.memory_space<hbm>> -> memref<1x10000x64xf32, #tpu.memory_space<hbm>>
      %dma_start3A_1439 = tpu.memref_squeeze %dma_start3A_1438 : memref<1x10000x64xf32, #tpu.memory_space<hbm>> -> memref<10000x64xf32, #tpu.memory_space<hbm>>
      %dma_start3A_1440 = arith.constant 0 : i32
      %dma_start3A_1441 = arith.constant 0 : i32
      %dma_start3A_1442 = tpu.memref_slice %dma_start3A_1439[%dma_start3A_1440, %dma_start3A_1441] : memref<10000x64xf32, #tpu.memory_space<hbm>> -> memref<10000x64xf32, #tpu.memory_space<hbm>>
      tpu.enqueue_indirect_dma source(%dma_start3A_1442 : memref<10000x64xf32, #tpu.memory_space<hbm>>) target(%arg11 : memref<125x64xf32, #tpu.memory_space<vmem>>) offsets(%dma_start3A_1435 : memref<125xi32, #tpu.memory_space<vmem>>) semaphore(%arg18 : memref<!tpu.dma_semaphore, #tpu.memory_space<semaphore_mem>>)
      %add3A_1443 = arith.constant 4 : i32
      %add3A_1444 = arith.addi %mul3A_1230, %add3A_1443 : i32
      %add3A_1445 = arith.constant 0 : i32
      %add3A_1446 = arith.addi %add3A_1444, %add3A_1445 : i32
      %dma_wait3A_1447 = arith.constant 0 : i32
      %dma_wait3A_1448 = tpu.memref_slice %arg6[%add3A_1446, %dma_wait3A_1447] : memref<40x125xi32, #tpu.memory_space<vmem>> -> memref<1x125xi32, #tpu.memory_space<vmem>>
      %dma_wait3A_1449 = tpu.memref_squeeze %dma_wait3A_1448 : memref<1x125xi32, #tpu.memory_space<vmem>> -> memref<125xi32, #tpu.memory_space<vmem>>
      %dma_wait3A_1450 = arith.constant 0 : i32
      %dma_wait3A_1451 = arith.constant 0 : i32
      %dma_wait3A_1452 = tpu.memref_slice %arg2[%arg0, %dma_wait3A_1450, %dma_wait3A_1451] : memref<2x10000x64xf32, #tpu.memory_space<hbm>> -> memref<1x10000x64xf32, #tpu.memory_space<hbm>>
      %dma_wait3A_1453 = tpu.memref_squeeze %dma_wait3A_1452 : memref<1x10000x64xf32, #tpu.memory_space<hbm>> -> memref<10000x64xf32, #tpu.memory_space<hbm>>
      %dma_wait3A_1454 = arith.constant 0 : i32
      %dma_wait3A_1455 = arith.constant 0 : i32
      %dma_wait3A_1456 = tpu.memref_slice %dma_wait3A_1453[%dma_wait3A_1454, %dma_wait3A_1455] : memref<10000x64xf32, #tpu.memory_space<hbm>> -> memref<10000x64xf32, #tpu.memory_space<hbm>>
      tpu.wait_indirect_dma semaphore(%arg19 : memref<!tpu.dma_semaphore, #tpu.memory_space<semaphore_mem>>) src(%dma_wait3A_1456 : memref<10000x64xf32, #tpu.memory_space<hbm>>) dst(%arg12 : memref<125x64xf32, #tpu.memory_space<vmem>>)
      %add3A_1457 = arith.constant 1 : i32
      %add3A_1458 = arith.addi %add3A_1444, %add3A_1457 : i32
      %dma_wait3A_1459 = arith.constant 0 : i32
      %dma_wait3A_1460 = tpu.memref_slice %arg6[%add3A_1458, %dma_wait3A_1459] : memref<40x125xi32, #tpu.memory_space<vmem>> -> memref<1x125xi32, #tpu.memory_space<vmem>>
      %dma_wait3A_1461 = tpu.memref_squeeze %dma_wait3A_1460 : memref<1x125xi32, #tpu.memory_space<vmem>> -> memref<125xi32, #tpu.memory_space<vmem>>
      %dma_wait3A_1462 = arith.constant 0 : i32
      %dma_wait3A_1463 = arith.constant 0 : i32
      %dma_wait3A_1464 = tpu.memref_slice %arg2[%arg0, %dma_wait3A_1462, %dma_wait3A_1463] : memref<2x10000x64xf32, #tpu.memory_space<hbm>> -> memref<1x10000x64xf32, #tpu.memory_space<hbm>>
      %dma_wait3A_1465 = tpu.memref_squeeze %dma_wait3A_1464 : memref<1x10000x64xf32, #tpu.memory_space<hbm>> -> memref<10000x64xf32, #tpu.memory_space<hbm>>
      %dma_wait3A_1466 = arith.constant 0 : i32
      %dma_wait3A_1467 = arith.constant 0 : i32
      %dma_wait3A_1468 = tpu.memref_slice %dma_wait3A_1465[%dma_wait3A_1466, %dma_wait3A_1467] : memref<10000x64xf32, #tpu.memory_space<hbm>> -> memref<10000x64xf32, #tpu.memory_space<hbm>>
      tpu.wait_indirect_dma semaphore(%arg19 : memref<!tpu.dma_semaphore, #tpu.memory_space<semaphore_mem>>) src(%dma_wait3A_1468 : memref<10000x64xf32, #tpu.memory_space<hbm>>) dst(%arg13 : memref<125x64xf32, #tpu.memory_space<vmem>>)
      %add3A_1469 = arith.constant 2 : i32
      %add3A_1470 = arith.addi %add3A_1444, %add3A_1469 : i32
      %dma_wait3A_1471 = arith.constant 0 : i32
      %dma_wait3A_1472 = tpu.memref_slice %arg6[%add3A_1470, %dma_wait3A_1471] : memref<40x125xi32, #tpu.memory_space<vmem>> -> memref<1x125xi32, #tpu.memory_space<vmem>>
      %dma_wait3A_1473 = tpu.memref_squeeze %dma_wait3A_1472 : memref<1x125xi32, #tpu.memory_space<vmem>> -> memref<125xi32, #tpu.memory_space<vmem>>
      %dma_wait3A_1474 = arith.constant 0 : i32
      %dma_wait3A_1475 = arith.constant 0 : i32
      %dma_wait3A_1476 = tpu.memref_slice %arg2[%arg0, %dma_wait3A_1474, %dma_wait3A_1475] : memref<2x10000x64xf32, #tpu.memory_space<hbm>> -> memref<1x10000x64xf32, #tpu.memory_space<hbm>>
      %dma_wait3A_1477 = tpu.memref_squeeze %dma_wait3A_1476 : memref<1x10000x64xf32, #tpu.memory_space<hbm>> -> memref<10000x64xf32, #tpu.memory_space<hbm>>
      %dma_wait3A_1478 = arith.constant 0 : i32
      %dma_wait3A_1479 = arith.constant 0 : i32
      %dma_wait3A_1480 = tpu.memref_slice %dma_wait3A_1477[%dma_wait3A_1478, %dma_wait3A_1479] : memref<10000x64xf32, #tpu.memory_space<hbm>> -> memref<10000x64xf32, #tpu.memory_space<hbm>>
      tpu.wait_indirect_dma semaphore(%arg19 : memref<!tpu.dma_semaphore, #tpu.memory_space<semaphore_mem>>) src(%dma_wait3A_1480 : memref<10000x64xf32, #tpu.memory_space<hbm>>) dst(%arg14 : memref<125x64xf32, #tpu.memory_space<vmem>>)
      %add3A_1481 = arith.constant 3 : i32
      %add3A_1482 = arith.addi %add3A_1444, %add3A_1481 : i32
      %dma_wait3A_1483 = arith.constant 0 : i32
      %dma_wait3A_1484 = tpu.memref_slice %arg6[%add3A_1482, %dma_wait3A_1483] : memref<40x125xi32, #tpu.memory_space<vmem>> -> memref<1x125xi32, #tpu.memory_space<vmem>>
      %dma_wait3A_1485 = tpu.memref_squeeze %dma_wait3A_1484 : memref<1x125xi32, #tpu.memory_space<vmem>> -> memref<125xi32, #tpu.memory_space<vmem>>
      %dma_wait3A_1486 = arith.constant 0 : i32
      %dma_wait3A_1487 = arith.constant 0 : i32
      %dma_wait3A_1488 = tpu.memref_slice %arg2[%arg0, %dma_wait3A_1486, %dma_wait3A_1487] : memref<2x10000x64xf32, #tpu.memory_space<hbm>> -> memref<1x10000x64xf32, #tpu.memory_space<hbm>>
      %dma_wait3A_1489 = tpu.memref_squeeze %dma_wait3A_1488 : memref<1x10000x64xf32, #tpu.memory_space<hbm>> -> memref<10000x64xf32, #tpu.memory_space<hbm>>
      %dma_wait3A_1490 = arith.constant 0 : i32
      %dma_wait3A_1491 = arith.constant 0 : i32
      %dma_wait3A_1492 = tpu.memref_slice %dma_wait3A_1489[%dma_wait3A_1490, %dma_wait3A_1491] : memref<10000x64xf32, #tpu.memory_space<hbm>> -> memref<10000x64xf32, #tpu.memory_space<hbm>>
      tpu.wait_indirect_dma semaphore(%arg19 : memref<!tpu.dma_semaphore, #tpu.memory_space<semaphore_mem>>) src(%dma_wait3A_1492 : memref<10000x64xf32, #tpu.memory_space<hbm>>) dst(%arg15 : memref<125x64xf32, #tpu.memory_space<vmem>>)
      %add3A_1493 = arith.constant 4 : i32
      %add3A_1494 = arith.addi %mul3A_1230, %add3A_1493 : i32
      %add3A_1495 = arith.constant 0 : i32
      %add3A_1496 = arith.addi %add3A_1494, %add3A_1495 : i32
      %dma_start3A_1497 = arith.constant 0 : i32
      %dma_start3A_1498 = tpu.memref_slice %arg7[%add3A_1496, %dma_start3A_1497] : memref<40x125xi32, #tpu.memory_space<vmem>> -> memref<1x125xi32, #tpu.memory_space<vmem>>
      %dma_start3A_1499 = tpu.memref_squeeze %dma_start3A_1498 : memref<1x125xi32, #tpu.memory_space<vmem>> -> memref<125xi32, #tpu.memory_space<vmem>>
      %dma_start3A_1500 = arith.constant 0 : i32
      %dma_start3A_1501 = arith.constant 0 : i32
      %dma_start3A_1502 = tpu.memref_slice %arg17[%dma_start3A_1500, %dma_start3A_1501] : memref<10240x64xf32, #tpu.memory_space<vmem_shared>> -> memref<10240x64xf32, #tpu.memory_space<vmem_shared>>
      tpu.enqueue_indirect_dma source(%arg12 : memref<125x64xf32, #tpu.memory_space<vmem>>) target(%dma_start3A_1502 : memref<10240x64xf32, #tpu.memory_space<vmem_shared>>) offsets(%dma_start3A_1499 : memref<125xi32, #tpu.memory_space<vmem>>) semaphore(%arg20 : memref<!tpu.dma_semaphore, #tpu.memory_space<semaphore_mem>>) {add = true}
      %add3A_1503 = arith.constant 1 : i32
      %add3A_1504 = arith.addi %add3A_1494, %add3A_1503 : i32
      %dma_start3A_1505 = arith.constant 0 : i32
      %dma_start3A_1506 = tpu.memref_slice %arg7[%add3A_1504, %dma_start3A_1505] : memref<40x125xi32, #tpu.memory_space<vmem>> -> memref<1x125xi32, #tpu.memory_space<vmem>>
      %dma_start3A_1507 = tpu.memref_squeeze %dma_start3A_1506 : memref<1x125xi32, #tpu.memory_space<vmem>> -> memref<125xi32, #tpu.memory_space<vmem>>
      %dma_start3A_1508 = arith.constant 0 : i32
      %dma_start3A_1509 = arith.constant 0 : i32
      %dma_start3A_1510 = tpu.memref_slice %arg17[%dma_start3A_1508, %dma_start3A_1509] : memref<10240x64xf32, #tpu.memory_space<vmem_shared>> -> memref<10240x64xf32, #tpu.memory_space<vmem_shared>>
      tpu.enqueue_indirect_dma source(%arg13 : memref<125x64xf32, #tpu.memory_space<vmem>>) target(%dma_start3A_1510 : memref<10240x64xf32, #tpu.memory_space<vmem_shared>>) offsets(%dma_start3A_1507 : memref<125xi32, #tpu.memory_space<vmem>>) semaphore(%arg20 : memref<!tpu.dma_semaphore, #tpu.memory_space<semaphore_mem>>) {add = true}
      %add3A_1511 = arith.constant 2 : i32
      %add3A_1512 = arith.addi %add3A_1494, %add3A_1511 : i32
      %dma_start3A_1513 = arith.constant 0 : i32
      %dma_start3A_1514 = tpu.memref_slice %arg7[%add3A_1512, %dma_start3A_1513] : memref<40x125xi32, #tpu.memory_space<vmem>> -> memref<1x125xi32, #tpu.memory_space<vmem>>
      %dma_start3A_1515 = tpu.memref_squeeze %dma_start3A_1514 : memref<1x125xi32, #tpu.memory_space<vmem>> -> memref<125xi32, #tpu.memory_space<vmem>>
      %dma_start3A_1516 = arith.constant 0 : i32
      %dma_start3A_1517 = arith.constant 0 : i32
      %dma_start3A_1518 = tpu.memref_slice %arg17[%dma_start3A_1516, %dma_start3A_1517] : memref<10240x64xf32, #tpu.memory_space<vmem_shared>> -> memref<10240x64xf32, #tpu.memory_space<vmem_shared>>
      tpu.enqueue_indirect_dma source(%arg14 : memref<125x64xf32, #tpu.memory_space<vmem>>) target(%dma_start3A_1518 : memref<10240x64xf32, #tpu.memory_space<vmem_shared>>) offsets(%dma_start3A_1515 : memref<125xi32, #tpu.memory_space<vmem>>) semaphore(%arg20 : memref<!tpu.dma_semaphore, #tpu.memory_space<semaphore_mem>>) {add = true}
      %add3A_1519 = arith.constant 3 : i32
      %add3A_1520 = arith.addi %add3A_1494, %add3A_1519 : i32
      %dma_start3A_1521 = arith.constant 0 : i32
      %dma_start3A_1522 = tpu.memref_slice %arg7[%add3A_1520, %dma_start3A_1521] : memref<40x125xi32, #tpu.memory_space<vmem>> -> memref<1x125xi32, #tpu.memory_space<vmem>>
      %dma_start3A_1523 = tpu.memref_squeeze %dma_start3A_1522 : memref<1x125xi32, #tpu.memory_space<vmem>> -> memref<125xi32, #tpu.memory_space<vmem>>
      %dma_start3A_1524 = arith.constant 0 : i32
      %dma_start3A_1525 = arith.constant 0 : i32
      %dma_start3A_1526 = tpu.memref_slice %arg17[%dma_start3A_1524, %dma_start3A_1525] : memref<10240x64xf32, #tpu.memory_space<vmem_shared>> -> memref<10240x64xf32, #tpu.memory_space<vmem_shared>>
      tpu.enqueue_indirect_dma source(%arg15 : memref<125x64xf32, #tpu.memory_space<vmem>>) target(%dma_start3A_1526 : memref<10240x64xf32, #tpu.memory_space<vmem_shared>>) offsets(%dma_start3A_1523 : memref<125xi32, #tpu.memory_space<vmem>>) semaphore(%arg20 : memref<!tpu.dma_semaphore, #tpu.memory_space<semaphore_mem>>) {add = true}
      %add3A_1527 = arith.constant 4 : i32
      %add3A_1528 = arith.addi %mul3A_1230, %add3A_1527 : i32
      %add3A_1529 = arith.constant 0 : i32
      %add3A_1530 = arith.addi %add3A_1528, %add3A_1529 : i32
      %dma_wait3A_1531 = arith.constant 0 : i32
      %dma_wait3A_1532 = tpu.memref_slice %arg7[%add3A_1530, %dma_wait3A_1531] : memref<40x125xi32, #tpu.memory_space<vmem>> -> memref<1x125xi32, #tpu.memory_space<vmem>>
      %dma_wait3A_1533 = tpu.memref_squeeze %dma_wait3A_1532 : memref<1x125xi32, #tpu.memory_space<vmem>> -> memref<125xi32, #tpu.memory_space<vmem>>
      %dma_wait3A_1534 = arith.constant 0 : i32
      %dma_wait3A_1535 = arith.constant 0 : i32
      %dma_wait3A_1536 = tpu.memref_slice %arg17[%dma_wait3A_1534, %dma_wait3A_1535] : memref<10240x64xf32, #tpu.memory_space<vmem_shared>> -> memref<10240x64xf32, #tpu.memory_space<vmem_shared>>
      tpu.wait_indirect_dma semaphore(%arg20 : memref<!tpu.dma_semaphore, #tpu.memory_space<semaphore_mem>>) src(%arg12 : memref<125x64xf32, #tpu.memory_space<vmem>>) dst(%dma_wait3A_1536 : memref<10240x64xf32, #tpu.memory_space<vmem_shared>>)
      %add3A_1537 = arith.constant 1 : i32
      %add3A_1538 = arith.addi %add3A_1528, %add3A_1537 : i32
      %dma_wait3A_1539 = arith.constant 0 : i32
      %dma_wait3A_1540 = tpu.memref_slice %arg7[%add3A_1538, %dma_wait3A_1539] : memref<40x125xi32, #tpu.memory_space<vmem>> -> memref<1x125xi32, #tpu.memory_space<vmem>>
      %dma_wait3A_1541 = tpu.memref_squeeze %dma_wait3A_1540 : memref<1x125xi32, #tpu.memory_space<vmem>> -> memref<125xi32, #tpu.memory_space<vmem>>
      %dma_wait3A_1542 = arith.constant 0 : i32
      %dma_wait3A_1543 = arith.constant 0 : i32
      %dma_wait3A_1544 = tpu.memref_slice %arg17[%dma_wait3A_1542, %dma_wait3A_1543] : memref<10240x64xf32, #tpu.memory_space<vmem_shared>> -> memref<10240x64xf32, #tpu.memory_space<vmem_shared>>
      tpu.wait_indirect_dma semaphore(%arg20 : memref<!tpu.dma_semaphore, #tpu.memory_space<semaphore_mem>>) src(%arg13 : memref<125x64xf32, #tpu.memory_space<vmem>>) dst(%dma_wait3A_1544 : memref<10240x64xf32, #tpu.memory_space<vmem_shared>>)
      %add3A_1545 = arith.constant 2 : i32
      %add3A_1546 = arith.addi %add3A_1528, %add3A_1545 : i32
      %dma_wait3A_1547 = arith.constant 0 : i32
      %dma_wait3A_1548 = tpu.memref_slice %arg7[%add3A_1546, %dma_wait3A_1547] : memref<40x125xi32, #tpu.memory_space<vmem>> -> memref<1x125xi32, #tpu.memory_space<vmem>>
      %dma_wait3A_1549 = tpu.memref_squeeze %dma_wait3A_1548 : memref<1x125xi32, #tpu.memory_space<vmem>> -> memref<125xi32, #tpu.memory_space<vmem>>
      %dma_wait3A_1550 = arith.constant 0 : i32
      %dma_wait3A_1551 = arith.constant 0 : i32
      %dma_wait3A_1552 = tpu.memref_slice %arg17[%dma_wait3A_1550, %dma_wait3A_1551] : memref<10240x64xf32, #tpu.memory_space<vmem_shared>> -> memref<10240x64xf32, #tpu.memory_space<vmem_shared>>
      tpu.wait_indirect_dma semaphore(%arg20 : memref<!tpu.dma_semaphore, #tpu.memory_space<semaphore_mem>>) src(%arg14 : memref<125x64xf32, #tpu.memory_space<vmem>>) dst(%dma_wait3A_1552 : memref<10240x64xf32, #tpu.memory_space<vmem_shared>>)
      %add3A_1553 = arith.constant 3 : i32
      %add3A_1554 = arith.addi %add3A_1528, %add3A_1553 : i32
      %dma_wait3A_1555 = arith.constant 0 : i32
      %dma_wait3A_1556 = tpu.memref_slice %arg7[%add3A_1554, %dma_wait3A_1555] : memref<40x125xi32, #tpu.memory_space<vmem>> -> memref<1x125xi32, #tpu.memory_space<vmem>>
      %dma_wait3A_1557 = tpu.memref_squeeze %dma_wait3A_1556 : memref<1x125xi32, #tpu.memory_space<vmem>> -> memref<125xi32, #tpu.memory_space<vmem>>
      %dma_wait3A_1558 = arith.constant 0 : i32
      %dma_wait3A_1559 = arith.constant 0 : i32
      %dma_wait3A_1560 = tpu.memref_slice %arg17[%dma_wait3A_1558, %dma_wait3A_1559] : memref<10240x64xf32, #tpu.memory_space<vmem_shared>> -> memref<10240x64xf32, #tpu.memory_space<vmem_shared>>
      tpu.wait_indirect_dma semaphore(%arg20 : memref<!tpu.dma_semaphore, #tpu.memory_space<semaphore_mem>>) src(%arg15 : memref<125x64xf32, #tpu.memory_space<vmem>>) dst(%dma_wait3A_1560 : memref<10240x64xf32, #tpu.memory_space<vmem_shared>>)
    }
    %scan3A_75 = arith.constant 4 : i32
    %dma_start3A_76 = arith.constant 36 : i32
    %dma_start3A_77 = arith.constant 0 : i32
    %dma_start3A_78 = tpu.memref_slice %arg6[%dma_start3A_76, %dma_start3A_77] : memref<40x125xi32, #tpu.memory_space<vmem>> -> memref<1x125xi32, #tpu.memory_space<vmem>>
    %dma_start3A_79 = tpu.memref_squeeze %dma_start3A_78 : memref<1x125xi32, #tpu.memory_space<vmem>> -> memref<125xi32, #tpu.memory_space<vmem>>
    %dma_start3A_80 = arith.constant 0 : i32
    %dma_start3A_81 = arith.constant 0 : i32
    %dma_start3A_82 = tpu.memref_slice %arg2[%arg0, %dma_start3A_80, %dma_start3A_81] : memref<2x10000x64xf32, #tpu.memory_space<hbm>> -> memref<1x10000x64xf32, #tpu.memory_space<hbm>>
    %dma_start3A_83 = tpu.memref_squeeze %dma_start3A_82 : memref<1x10000x64xf32, #tpu.memory_space<hbm>> -> memref<10000x64xf32, #tpu.memory_space<hbm>>
    %dma_start3A_84 = arith.constant 0 : i32
    %dma_start3A_85 = arith.constant 0 : i32
    %dma_start3A_86 = tpu.memref_slice %dma_start3A_83[%dma_start3A_84, %dma_start3A_85] : memref<10000x64xf32, #tpu.memory_space<hbm>> -> memref<10000x64xf32, #tpu.memory_space<hbm>>
    tpu.enqueue_indirect_dma source(%dma_start3A_86 : memref<10000x64xf32, #tpu.memory_space<hbm>>) target(%arg12 : memref<125x64xf32, #tpu.memory_space<vmem>>) offsets(%dma_start3A_79 : memref<125xi32, #tpu.memory_space<vmem>>) semaphore(%arg19 : memref<!tpu.dma_semaphore, #tpu.memory_space<semaphore_mem>>)
    %dma_start3A_87 = arith.constant 37 : i32
    %dma_start3A_88 = arith.constant 0 : i32
    %dma_start3A_89 = tpu.memref_slice %arg6[%dma_start3A_87, %dma_start3A_88] : memref<40x125xi32, #tpu.memory_space<vmem>> -> memref<1x125xi32, #tpu.memory_space<vmem>>
    %dma_start3A_90 = tpu.memref_squeeze %dma_start3A_89 : memref<1x125xi32, #tpu.memory_space<vmem>> -> memref<125xi32, #tpu.memory_space<vmem>>
    %dma_start3A_91 = arith.constant 0 : i32
    %dma_start3A_92 = arith.constant 0 : i32
    %dma_start3A_93 = tpu.memref_slice %arg2[%arg0, %dma_start3A_91, %dma_start3A_92] : memref<2x10000x64xf32, #tpu.memory_space<hbm>> -> memref<1x10000x64xf32, #tpu.memory_space<hbm>>
    %dma_start3A_94 = tpu.memref_squeeze %dma_start3A_93 : memref<1x10000x64xf32, #tpu.memory_space<hbm>> -> memref<10000x64xf32, #tpu.memory_space<hbm>>
    %dma_start3A_95 = arith.constant 0 : i32
    %dma_start3A_96 = arith.constant 0 : i32
    %dma_start3A_97 = tpu.memref_slice %dma_start3A_94[%dma_start3A_95, %dma_start3A_96] : memref<10000x64xf32, #tpu.memory_space<hbm>> -> memref<10000x64xf32, #tpu.memory_space<hbm>>
    tpu.enqueue_indirect_dma source(%dma_start3A_97 : memref<10000x64xf32, #tpu.memory_space<hbm>>) target(%arg13 : memref<125x64xf32, #tpu.memory_space<vmem>>) offsets(%dma_start3A_90 : memref<125xi32, #tpu.memory_space<vmem>>) semaphore(%arg19 : memref<!tpu.dma_semaphore, #tpu.memory_space<semaphore_mem>>)
    %dma_start3A_98 = arith.constant 38 : i32
    %dma_start3A_99 = arith.constant 0 : i32
    %dma_start3A_100 = tpu.memref_slice %arg6[%dma_start3A_98, %dma_start3A_99] : memref<40x125xi32, #tpu.memory_space<vmem>> -> memref<1x125xi32, #tpu.memory_space<vmem>>
    %dma_start3A_101 = tpu.memref_squeeze %dma_start3A_100 : memref<1x125xi32, #tpu.memory_space<vmem>> -> memref<125xi32, #tpu.memory_space<vmem>>
    %dma_start3A_102 = arith.constant 0 : i32
    %dma_start3A_103 = arith.constant 0 : i32
    %dma_start3A_104 = tpu.memref_slice %arg2[%arg0, %dma_start3A_102, %dma_start3A_103] : memref<2x10000x64xf32, #tpu.memory_space<hbm>> -> memref<1x10000x64xf32, #tpu.memory_space<hbm>>
    %dma_start3A_105 = tpu.memref_squeeze %dma_start3A_104 : memref<1x10000x64xf32, #tpu.memory_space<hbm>> -> memref<10000x64xf32, #tpu.memory_space<hbm>>
    %dma_start3A_106 = arith.constant 0 : i32
    %dma_start3A_107 = arith.constant 0 : i32
    %dma_start3A_108 = tpu.memref_slice %dma_start3A_105[%dma_start3A_106, %dma_start3A_107] : memref<10000x64xf32, #tpu.memory_space<hbm>> -> memref<10000x64xf32, #tpu.memory_space<hbm>>
    tpu.enqueue_indirect_dma source(%dma_start3A_108 : memref<10000x64xf32, #tpu.memory_space<hbm>>) target(%arg14 : memref<125x64xf32, #tpu.memory_space<vmem>>) offsets(%dma_start3A_101 : memref<125xi32, #tpu.memory_space<vmem>>) semaphore(%arg19 : memref<!tpu.dma_semaphore, #tpu.memory_space<semaphore_mem>>)
    %dma_start3A_109 = arith.constant 39 : i32
    %dma_start3A_110 = arith.constant 0 : i32
    %dma_start3A_111 = tpu.memref_slice %arg6[%dma_start3A_109, %dma_start3A_110] : memref<40x125xi32, #tpu.memory_space<vmem>> -> memref<1x125xi32, #tpu.memory_space<vmem>>
    %dma_start3A_112 = tpu.memref_squeeze %dma_start3A_111 : memref<1x125xi32, #tpu.memory_space<vmem>> -> memref<125xi32, #tpu.memory_space<vmem>>
    %dma_start3A_113 = arith.constant 0 : i32
    %dma_start3A_114 = arith.constant 0 : i32
    %dma_start3A_115 = tpu.memref_slice %arg2[%arg0, %dma_start3A_113, %dma_start3A_114] : memref<2x10000x64xf32, #tpu.memory_space<hbm>> -> memref<1x10000x64xf32, #tpu.memory_space<hbm>>
    %dma_start3A_116 = tpu.memref_squeeze %dma_start3A_115 : memref<1x10000x64xf32, #tpu.memory_space<hbm>> -> memref<10000x64xf32, #tpu.memory_space<hbm>>
    %dma_start3A_117 = arith.constant 0 : i32
    %dma_start3A_118 = arith.constant 0 : i32
    %dma_start3A_119 = tpu.memref_slice %dma_start3A_116[%dma_start3A_117, %dma_start3A_118] : memref<10000x64xf32, #tpu.memory_space<hbm>> -> memref<10000x64xf32, #tpu.memory_space<hbm>>
    tpu.enqueue_indirect_dma source(%dma_start3A_119 : memref<10000x64xf32, #tpu.memory_space<hbm>>) target(%arg15 : memref<125x64xf32, #tpu.memory_space<vmem>>) offsets(%dma_start3A_112 : memref<125xi32, #tpu.memory_space<vmem>>) semaphore(%arg19 : memref<!tpu.dma_semaphore, #tpu.memory_space<semaphore_mem>>)
    %dma_wait3A = arith.constant 32 : i32
    %dma_wait3A_120 = arith.constant 0 : i32
    %dma_wait3A_121 = tpu.memref_slice %arg6[%dma_wait3A, %dma_wait3A_120] : memref<40x125xi32, #tpu.memory_space<vmem>> -> memref<1x125xi32, #tpu.memory_space<vmem>>
    %dma_wait3A_122 = tpu.memref_squeeze %dma_wait3A_121 : memref<1x125xi32, #tpu.memory_space<vmem>> -> memref<125xi32, #tpu.memory_space<vmem>>
    %dma_wait3A_123 = arith.constant 0 : i32
    %dma_wait3A_124 = arith.constant 0 : i32
    %dma_wait3A_125 = tpu.memref_slice %arg2[%arg0, %dma_wait3A_123, %dma_wait3A_124] : memref<2x10000x64xf32, #tpu.memory_space<hbm>> -> memref<1x10000x64xf32, #tpu.memory_space<hbm>>
    %dma_wait3A_126 = tpu.memref_squeeze %dma_wait3A_125 : memref<1x10000x64xf32, #tpu.memory_space<hbm>> -> memref<10000x64xf32, #tpu.memory_space<hbm>>
    %dma_wait3A_127 = arith.constant 0 : i32
    %dma_wait3A_128 = arith.constant 0 : i32
    %dma_wait3A_129 = tpu.memref_slice %dma_wait3A_126[%dma_wait3A_127, %dma_wait3A_128] : memref<10000x64xf32, #tpu.memory_space<hbm>> -> memref<10000x64xf32, #tpu.memory_space<hbm>>
    tpu.wait_indirect_dma semaphore(%arg18 : memref<!tpu.dma_semaphore, #tpu.memory_space<semaphore_mem>>) src(%dma_wait3A_129 : memref<10000x64xf32, #tpu.memory_space<hbm>>) dst(%arg8 : memref<125x64xf32, #tpu.memory_space<vmem>>)
    %dma_wait3A_130 = arith.constant 33 : i32
    %dma_wait3A_131 = arith.constant 0 : i32
    %dma_wait3A_132 = tpu.memref_slice %arg6[%dma_wait3A_130, %dma_wait3A_131] : memref<40x125xi32, #tpu.memory_space<vmem>> -> memref<1x125xi32, #tpu.memory_space<vmem>>
    %dma_wait3A_133 = tpu.memref_squeeze %dma_wait3A_132 : memref<1x125xi32, #tpu.memory_space<vmem>> -> memref<125xi32, #tpu.memory_space<vmem>>
    %dma_wait3A_134 = arith.constant 0 : i32
    %dma_wait3A_135 = arith.constant 0 : i32
    %dma_wait3A_136 = tpu.memref_slice %arg2[%arg0, %dma_wait3A_134, %dma_wait3A_135] : memref<2x10000x64xf32, #tpu.memory_space<hbm>> -> memref<1x10000x64xf32, #tpu.memory_space<hbm>>
    %dma_wait3A_137 = tpu.memref_squeeze %dma_wait3A_136 : memref<1x10000x64xf32, #tpu.memory_space<hbm>> -> memref<10000x64xf32, #tpu.memory_space<hbm>>
    %dma_wait3A_138 = arith.constant 0 : i32
    %dma_wait3A_139 = arith.constant 0 : i32
    %dma_wait3A_140 = tpu.memref_slice %dma_wait3A_137[%dma_wait3A_138, %dma_wait3A_139] : memref<10000x64xf32, #tpu.memory_space<hbm>> -> memref<10000x64xf32, #tpu.memory_space<hbm>>
    tpu.wait_indirect_dma semaphore(%arg18 : memref<!tpu.dma_semaphore, #tpu.memory_space<semaphore_mem>>) src(%dma_wait3A_140 : memref<10000x64xf32, #tpu.memory_space<hbm>>) dst(%arg9 : memref<125x64xf32, #tpu.memory_space<vmem>>)
    %dma_wait3A_141 = arith.constant 34 : i32
    %dma_wait3A_142 = arith.constant 0 : i32
    %dma_wait3A_143 = tpu.memref_slice %arg6[%dma_wait3A_141, %dma_wait3A_142] : memref<40x125xi32, #tpu.memory_space<vmem>> -> memref<1x125xi32, #tpu.memory_space<vmem>>
    %dma_wait3A_144 = tpu.memref_squeeze %dma_wait3A_143 : memref<1x125xi32, #tpu.memory_space<vmem>> -> memref<125xi32, #tpu.memory_space<vmem>>
    %dma_wait3A_145 = arith.constant 0 : i32
    %dma_wait3A_146 = arith.constant 0 : i32
    %dma_wait3A_147 = tpu.memref_slice %arg2[%arg0, %dma_wait3A_145, %dma_wait3A_146] : memref<2x10000x64xf32, #tpu.memory_space<hbm>> -> memref<1x10000x64xf32, #tpu.memory_space<hbm>>
    %dma_wait3A_148 = tpu.memref_squeeze %dma_wait3A_147 : memref<1x10000x64xf32, #tpu.memory_space<hbm>> -> memref<10000x64xf32, #tpu.memory_space<hbm>>
    %dma_wait3A_149 = arith.constant 0 : i32
    %dma_wait3A_150 = arith.constant 0 : i32
    %dma_wait3A_151 = tpu.memref_slice %dma_wait3A_148[%dma_wait3A_149, %dma_wait3A_150] : memref<10000x64xf32, #tpu.memory_space<hbm>> -> memref<10000x64xf32, #tpu.memory_space<hbm>>
    tpu.wait_indirect_dma semaphore(%arg18 : memref<!tpu.dma_semaphore, #tpu.memory_space<semaphore_mem>>) src(%dma_wait3A_151 : memref<10000x64xf32, #tpu.memory_space<hbm>>) dst(%arg10 : memref<125x64xf32, #tpu.memory_space<vmem>>)
    %dma_wait3A_152 = arith.constant 35 : i32
    %dma_wait3A_153 = arith.constant 0 : i32
    %dma_wait3A_154 = tpu.memref_slice %arg6[%dma_wait3A_152, %dma_wait3A_153] : memref<40x125xi32, #tpu.memory_space<vmem>> -> memref<1x125xi32, #tpu.memory_space<vmem>>
    %dma_wait3A_155 = tpu.memref_squeeze %dma_wait3A_154 : memref<1x125xi32, #tpu.memory_space<vmem>> -> memref<125xi32, #tpu.memory_space<vmem>>
    %dma_wait3A_156 = arith.constant 0 : i32
    %dma_wait3A_157 = arith.constant 0 : i32
    %dma_wait3A_158 = tpu.memref_slice %arg2[%arg0, %dma_wait3A_156, %dma_wait3A_157] : memref<2x10000x64xf32, #tpu.memory_space<hbm>> -> memref<1x10000x64xf32, #tpu.memory_space<hbm>>
    %dma_wait3A_159 = tpu.memref_squeeze %dma_wait3A_158 : memref<1x10000x64xf32, #tpu.memory_space<hbm>> -> memref<10000x64xf32, #tpu.memory_space<hbm>>
    %dma_wait3A_160 = arith.constant 0 : i32
    %dma_wait3A_161 = arith.constant 0 : i32
    %dma_wait3A_162 = tpu.memref_slice %dma_wait3A_159[%dma_wait3A_160, %dma_wait3A_161] : memref<10000x64xf32, #tpu.memory_space<hbm>> -> memref<10000x64xf32, #tpu.memory_space<hbm>>
    tpu.wait_indirect_dma semaphore(%arg18 : memref<!tpu.dma_semaphore, #tpu.memory_space<semaphore_mem>>) src(%dma_wait3A_162 : memref<10000x64xf32, #tpu.memory_space<hbm>>) dst(%arg11 : memref<125x64xf32, #tpu.memory_space<vmem>>)
    %dma_start3A_163 = arith.constant 32 : i32
    %dma_start3A_164 = arith.constant 0 : i32
    %dma_start3A_165 = tpu.memref_slice %arg7[%dma_start3A_163, %dma_start3A_164] : memref<40x125xi32, #tpu.memory_space<vmem>> -> memref<1x125xi32, #tpu.memory_space<vmem>>
    %dma_start3A_166 = tpu.memref_squeeze %dma_start3A_165 : memref<1x125xi32, #tpu.memory_space<vmem>> -> memref<125xi32, #tpu.memory_space<vmem>>
    %dma_start3A_167 = arith.constant 0 : i32
    %dma_start3A_168 = arith.constant 0 : i32
    %dma_start3A_169 = tpu.memref_slice %arg17[%dma_start3A_167, %dma_start3A_168] : memref<10240x64xf32, #tpu.memory_space<vmem_shared>> -> memref<10240x64xf32, #tpu.memory_space<vmem_shared>>
    tpu.enqueue_indirect_dma source(%arg8 : memref<125x64xf32, #tpu.memory_space<vmem>>) target(%dma_start3A_169 : memref<10240x64xf32, #tpu.memory_space<vmem_shared>>) offsets(%dma_start3A_166 : memref<125xi32, #tpu.memory_space<vmem>>) semaphore(%arg20 : memref<!tpu.dma_semaphore, #tpu.memory_space<semaphore_mem>>) {add = true}
    %dma_start3A_170 = arith.constant 33 : i32
    %dma_start3A_171 = arith.constant 0 : i32
    %dma_start3A_172 = tpu.memref_slice %arg7[%dma_start3A_170, %dma_start3A_171] : memref<40x125xi32, #tpu.memory_space<vmem>> -> memref<1x125xi32, #tpu.memory_space<vmem>>
    %dma_start3A_173 = tpu.memref_squeeze %dma_start3A_172 : memref<1x125xi32, #tpu.memory_space<vmem>> -> memref<125xi32, #tpu.memory_space<vmem>>
    %dma_start3A_174 = arith.constant 0 : i32
    %dma_start3A_175 = arith.constant 0 : i32
    %dma_start3A_176 = tpu.memref_slice %arg17[%dma_start3A_174, %dma_start3A_175] : memref<10240x64xf32, #tpu.memory_space<vmem_shared>> -> memref<10240x64xf32, #tpu.memory_space<vmem_shared>>
    tpu.enqueue_indirect_dma source(%arg9 : memref<125x64xf32, #tpu.memory_space<vmem>>) target(%dma_start3A_176 : memref<10240x64xf32, #tpu.memory_space<vmem_shared>>) offsets(%dma_start3A_173 : memref<125xi32, #tpu.memory_space<vmem>>) semaphore(%arg20 : memref<!tpu.dma_semaphore, #tpu.memory_space<semaphore_mem>>) {add = true}
    %dma_start3A_177 = arith.constant 34 : i32
    %dma_start3A_178 = arith.constant 0 : i32
    %dma_start3A_179 = tpu.memref_slice %arg7[%dma_start3A_177, %dma_start3A_178] : memref<40x125xi32, #tpu.memory_space<vmem>> -> memref<1x125xi32, #tpu.memory_space<vmem>>
    %dma_start3A_180 = tpu.memref_squeeze %dma_start3A_179 : memref<1x125xi32, #tpu.memory_space<vmem>> -> memref<125xi32, #tpu.memory_space<vmem>>
    %dma_start3A_181 = arith.constant 0 : i32
    %dma_start3A_182 = arith.constant 0 : i32
    %dma_start3A_183 = tpu.memref_slice %arg17[%dma_start3A_181, %dma_start3A_182] : memref<10240x64xf32, #tpu.memory_space<vmem_shared>> -> memref<10240x64xf32, #tpu.memory_space<vmem_shared>>
    tpu.enqueue_indirect_dma source(%arg10 : memref<125x64xf32, #tpu.memory_space<vmem>>) target(%dma_start3A_183 : memref<10240x64xf32, #tpu.memory_space<vmem_shared>>) offsets(%dma_start3A_180 : memref<125xi32, #tpu.memory_space<vmem>>) semaphore(%arg20 : memref<!tpu.dma_semaphore, #tpu.memory_space<semaphore_mem>>) {add = true}
    %dma_start3A_184 = arith.constant 35 : i32
    %dma_start3A_185 = arith.constant 0 : i32
    %dma_start3A_186 = tpu.memref_slice %arg7[%dma_start3A_184, %dma_start3A_185] : memref<40x125xi32, #tpu.memory_space<vmem>> -> memref<1x125xi32, #tpu.memory_space<vmem>>
    %dma_start3A_187 = tpu.memref_squeeze %dma_start3A_186 : memref<1x125xi32, #tpu.memory_space<vmem>> -> memref<125xi32, #tpu.memory_space<vmem>>
    %dma_start3A_188 = arith.constant 0 : i32
    %dma_start3A_189 = arith.constant 0 : i32
    %dma_start3A_190 = tpu.memref_slice %arg17[%dma_start3A_188, %dma_start3A_189] : memref<10240x64xf32, #tpu.memory_space<vmem_shared>> -> memref<10240x64xf32, #tpu.memory_space<vmem_shared>>
    tpu.enqueue_indirect_dma source(%arg11 : memref<125x64xf32, #tpu.memory_space<vmem>>) target(%dma_start3A_190 : memref<10240x64xf32, #tpu.memory_space<vmem_shared>>) offsets(%dma_start3A_187 : memref<125xi32, #tpu.memory_space<vmem>>) semaphore(%arg20 : memref<!tpu.dma_semaphore, #tpu.memory_space<semaphore_mem>>) {add = true}
    %dma_wait3A_191 = arith.constant 32 : i32
    %dma_wait3A_192 = arith.constant 0 : i32
    %dma_wait3A_193 = tpu.memref_slice %arg7[%dma_wait3A_191, %dma_wait3A_192] : memref<40x125xi32, #tpu.memory_space<vmem>> -> memref<1x125xi32, #tpu.memory_space<vmem>>
    %dma_wait3A_194 = tpu.memref_squeeze %dma_wait3A_193 : memref<1x125xi32, #tpu.memory_space<vmem>> -> memref<125xi32, #tpu.memory_space<vmem>>
    %dma_wait3A_195 = arith.constant 0 : i32
    %dma_wait3A_196 = arith.constant 0 : i32
    %dma_wait3A_197 = tpu.memref_slice %arg17[%dma_wait3A_195, %dma_wait3A_196] : memref<10240x64xf32, #tpu.memory_space<vmem_shared>> -> memref<10240x64xf32, #tpu.memory_space<vmem_shared>>
    tpu.wait_indirect_dma semaphore(%arg20 : memref<!tpu.dma_semaphore, #tpu.memory_space<semaphore_mem>>) src(%arg8 : memref<125x64xf32, #tpu.memory_space<vmem>>) dst(%dma_wait3A_197 : memref<10240x64xf32, #tpu.memory_space<vmem_shared>>)
    %dma_wait3A_198 = arith.constant 33 : i32
    %dma_wait3A_199 = arith.constant 0 : i32
    %dma_wait3A_200 = tpu.memref_slice %arg7[%dma_wait3A_198, %dma_wait3A_199] : memref<40x125xi32, #tpu.memory_space<vmem>> -> memref<1x125xi32, #tpu.memory_space<vmem>>
    %dma_wait3A_201 = tpu.memref_squeeze %dma_wait3A_200 : memref<1x125xi32, #tpu.memory_space<vmem>> -> memref<125xi32, #tpu.memory_space<vmem>>
    %dma_wait3A_202 = arith.constant 0 : i32
    %dma_wait3A_203 = arith.constant 0 : i32
    %dma_wait3A_204 = tpu.memref_slice %arg17[%dma_wait3A_202, %dma_wait3A_203] : memref<10240x64xf32, #tpu.memory_space<vmem_shared>> -> memref<10240x64xf32, #tpu.memory_space<vmem_shared>>
    tpu.wait_indirect_dma semaphore(%arg20 : memref<!tpu.dma_semaphore, #tpu.memory_space<semaphore_mem>>) src(%arg9 : memref<125x64xf32, #tpu.memory_space<vmem>>) dst(%dma_wait3A_204 : memref<10240x64xf32, #tpu.memory_space<vmem_shared>>)
    %dma_wait3A_205 = arith.constant 34 : i32
    %dma_wait3A_206 = arith.constant 0 : i32
    %dma_wait3A_207 = tpu.memref_slice %arg7[%dma_wait3A_205, %dma_wait3A_206] : memref<40x125xi32, #tpu.memory_space<vmem>> -> memref<1x125xi32, #tpu.memory_space<vmem>>
    %dma_wait3A_208 = tpu.memref_squeeze %dma_wait3A_207 : memref<1x125xi32, #tpu.memory_space<vmem>> -> memref<125xi32, #tpu.memory_space<vmem>>
    %dma_wait3A_209 = arith.constant 0 : i32
    %dma_wait3A_210 = arith.constant 0 : i32
    %dma_wait3A_211 = tpu.memref_slice %arg17[%dma_wait3A_209, %dma_wait3A_210] : memref<10240x64xf32, #tpu.memory_space<vmem_shared>> -> memref<10240x64xf32, #tpu.memory_space<vmem_shared>>
    tpu.wait_indirect_dma semaphore(%arg20 : memref<!tpu.dma_semaphore, #tpu.memory_space<semaphore_mem>>) src(%arg10 : memref<125x64xf32, #tpu.memory_space<vmem>>) dst(%dma_wait3A_211 : memref<10240x64xf32, #tpu.memory_space<vmem_shared>>)
    %dma_wait3A_212 = arith.constant 35 : i32
    %dma_wait3A_213 = arith.constant 0 : i32
    %dma_wait3A_214 = tpu.memref_slice %arg7[%dma_wait3A_212, %dma_wait3A_213] : memref<40x125xi32, #tpu.memory_space<vmem>> -> memref<1x125xi32, #tpu.memory_space<vmem>>
    %dma_wait3A_215 = tpu.memref_squeeze %dma_wait3A_214 : memref<1x125xi32, #tpu.memory_space<vmem>> -> memref<125xi32, #tpu.memory_space<vmem>>
    %dma_wait3A_216 = arith.constant 0 : i32
    %dma_wait3A_217 = arith.constant 0 : i32
    %dma_wait3A_218 = tpu.memref_slice %arg17[%dma_wait3A_216, %dma_wait3A_217] : memref<10240x64xf32, #tpu.memory_space<vmem_shared>> -> memref<10240x64xf32, #tpu.memory_space<vmem_shared>>
    tpu.wait_indirect_dma semaphore(%arg20 : memref<!tpu.dma_semaphore, #tpu.memory_space<semaphore_mem>>) src(%arg11 : memref<125x64xf32, #tpu.memory_space<vmem>>) dst(%dma_wait3A_218 : memref<10240x64xf32, #tpu.memory_space<vmem_shared>>)
    %dma_wait3A_219 = arith.constant 36 : i32
    %dma_wait3A_220 = arith.constant 0 : i32
    %dma_wait3A_221 = tpu.memref_slice %arg6[%dma_wait3A_219, %dma_wait3A_220] : memref<40x125xi32, #tpu.memory_space<vmem>> -> memref<1x125xi32, #tpu.memory_space<vmem>>
    %dma_wait3A_222 = tpu.memref_squeeze %dma_wait3A_221 : memref<1x125xi32, #tpu.memory_space<vmem>> -> memref<125xi32, #tpu.memory_space<vmem>>
    %dma_wait3A_223 = arith.constant 0 : i32
    %dma_wait3A_224 = arith.constant 0 : i32
    %dma_wait3A_225 = tpu.memref_slice %arg2[%arg0, %dma_wait3A_223, %dma_wait3A_224] : memref<2x10000x64xf32, #tpu.memory_space<hbm>> -> memref<1x10000x64xf32, #tpu.memory_space<hbm>>
    %dma_wait3A_226 = tpu.memref_squeeze %dma_wait3A_225 : memref<1x10000x64xf32, #tpu.memory_space<hbm>> -> memref<10000x64xf32, #tpu.memory_space<hbm>>
    %dma_wait3A_227 = arith.constant 0 : i32
    %dma_wait3A_228 = arith.constant 0 : i32
    %dma_wait3A_229 = tpu.memref_slice %dma_wait3A_226[%dma_wait3A_227, %dma_wait3A_228] : memref<10000x64xf32, #tpu.memory_space<hbm>> -> memref<10000x64xf32, #tpu.memory_space<hbm>>
    tpu.wait_indirect_dma semaphore(%arg19 : memref<!tpu.dma_semaphore, #tpu.memory_space<semaphore_mem>>) src(%dma_wait3A_229 : memref<10000x64xf32, #tpu.memory_space<hbm>>) dst(%arg12 : memref<125x64xf32, #tpu.memory_space<vmem>>)
    %dma_wait3A_230 = arith.constant 37 : i32
    %dma_wait3A_231 = arith.constant 0 : i32
    %dma_wait3A_232 = tpu.memref_slice %arg6[%dma_wait3A_230, %dma_wait3A_231] : memref<40x125xi32, #tpu.memory_space<vmem>> -> memref<1x125xi32, #tpu.memory_space<vmem>>
    %dma_wait3A_233 = tpu.memref_squeeze %dma_wait3A_232 : memref<1x125xi32, #tpu.memory_space<vmem>> -> memref<125xi32, #tpu.memory_space<vmem>>
    %dma_wait3A_234 = arith.constant 0 : i32
    %dma_wait3A_235 = arith.constant 0 : i32
    %dma_wait3A_236 = tpu.memref_slice %arg2[%arg0, %dma_wait3A_234, %dma_wait3A_235] : memref<2x10000x64xf32, #tpu.memory_space<hbm>> -> memref<1x10000x64xf32, #tpu.memory_space<hbm>>
    %dma_wait3A_237 = tpu.memref_squeeze %dma_wait3A_236 : memref<1x10000x64xf32, #tpu.memory_space<hbm>> -> memref<10000x64xf32, #tpu.memory_space<hbm>>
    %dma_wait3A_238 = arith.constant 0 : i32
    %dma_wait3A_239 = arith.constant 0 : i32
    %dma_wait3A_240 = tpu.memref_slice %dma_wait3A_237[%dma_wait3A_238, %dma_wait3A_239] : memref<10000x64xf32, #tpu.memory_space<hbm>> -> memref<10000x64xf32, #tpu.memory_space<hbm>>
    tpu.wait_indirect_dma semaphore(%arg19 : memref<!tpu.dma_semaphore, #tpu.memory_space<semaphore_mem>>) src(%dma_wait3A_240 : memref<10000x64xf32, #tpu.memory_space<hbm>>) dst(%arg13 : memref<125x64xf32, #tpu.memory_space<vmem>>)
    %dma_wait3A_241 = arith.constant 38 : i32
    %dma_wait3A_242 = arith.constant 0 : i32
    %dma_wait3A_243 = tpu.memref_slice %arg6[%dma_wait3A_241, %dma_wait3A_242] : memref<40x125xi32, #tpu.memory_space<vmem>> -> memref<1x125xi32, #tpu.memory_space<vmem>>
    %dma_wait3A_244 = tpu.memref_squeeze %dma_wait3A_243 : memref<1x125xi32, #tpu.memory_space<vmem>> -> memref<125xi32, #tpu.memory_space<vmem>>
    %dma_wait3A_245 = arith.constant 0 : i32
    %dma_wait3A_246 = arith.constant 0 : i32
    %dma_wait3A_247 = tpu.memref_slice %arg2[%arg0, %dma_wait3A_245, %dma_wait3A_246] : memref<2x10000x64xf32, #tpu.memory_space<hbm>> -> memref<1x10000x64xf32, #tpu.memory_space<hbm>>
    %dma_wait3A_248 = tpu.memref_squeeze %dma_wait3A_247 : memref<1x10000x64xf32, #tpu.memory_space<hbm>> -> memref<10000x64xf32, #tpu.memory_space<hbm>>
    %dma_wait3A_249 = arith.constant 0 : i32
    %dma_wait3A_250 = arith.constant 0 : i32
    %dma_wait3A_251 = tpu.memref_slice %dma_wait3A_248[%dma_wait3A_249, %dma_wait3A_250] : memref<10000x64xf32, #tpu.memory_space<hbm>> -> memref<10000x64xf32, #tpu.memory_space<hbm>>
    tpu.wait_indirect_dma semaphore(%arg19 : memref<!tpu.dma_semaphore, #tpu.memory_space<semaphore_mem>>) src(%dma_wait3A_251 : memref<10000x64xf32, #tpu.memory_space<hbm>>) dst(%arg14 : memref<125x64xf32, #tpu.memory_space<vmem>>)
    %dma_wait3A_252 = arith.constant 39 : i32
    %dma_wait3A_253 = arith.constant 0 : i32
    %dma_wait3A_254 = tpu.memref_slice %arg6[%dma_wait3A_252, %dma_wait3A_253] : memref<40x125xi32, #tpu.memory_space<vmem>> -> memref<1x125xi32, #tpu.memory_space<vmem>>
    %dma_wait3A_255 = tpu.memref_squeeze %dma_wait3A_254 : memref<1x125xi32, #tpu.memory_space<vmem>> -> memref<125xi32, #tpu.memory_space<vmem>>
    %dma_wait3A_256 = arith.constant 0 : i32
    %dma_wait3A_257 = arith.constant 0 : i32
    %dma_wait3A_258 = tpu.memref_slice %arg2[%arg0, %dma_wait3A_256, %dma_wait3A_257] : memref<2x10000x64xf32, #tpu.memory_space<hbm>> -> memref<1x10000x64xf32, #tpu.memory_space<hbm>>
    %dma_wait3A_259 = tpu.memref_squeeze %dma_wait3A_258 : memref<1x10000x64xf32, #tpu.memory_space<hbm>> -> memref<10000x64xf32, #tpu.memory_space<hbm>>
    %dma_wait3A_260 = arith.constant 0 : i32
    %dma_wait3A_261 = arith.constant 0 : i32
    %dma_wait3A_262 = tpu.memref_slice %dma_wait3A_259[%dma_wait3A_260, %dma_wait3A_261] : memref<10000x64xf32, #tpu.memory_space<hbm>> -> memref<10000x64xf32, #tpu.memory_space<hbm>>
    tpu.wait_indirect_dma semaphore(%arg19 : memref<!tpu.dma_semaphore, #tpu.memory_space<semaphore_mem>>) src(%dma_wait3A_262 : memref<10000x64xf32, #tpu.memory_space<hbm>>) dst(%arg15 : memref<125x64xf32, #tpu.memory_space<vmem>>)
    %dma_start3A_263 = arith.constant 36 : i32
    %dma_start3A_264 = arith.constant 0 : i32
    %dma_start3A_265 = tpu.memref_slice %arg7[%dma_start3A_263, %dma_start3A_264] : memref<40x125xi32, #tpu.memory_space<vmem>> -> memref<1x125xi32, #tpu.memory_space<vmem>>
    %dma_start3A_266 = tpu.memref_squeeze %dma_start3A_265 : memref<1x125xi32, #tpu.memory_space<vmem>> -> memref<125xi32, #tpu.memory_space<vmem>>
    %dma_start3A_267 = arith.constant 0 : i32
    %dma_start3A_268 = arith.constant 0 : i32
    %dma_start3A_269 = tpu.memref_slice %arg17[%dma_start3A_267, %dma_start3A_268] : memref<10240x64xf32, #tpu.memory_space<vmem_shared>> -> memref<10240x64xf32, #tpu.memory_space<vmem_shared>>
    tpu.enqueue_indirect_dma source(%arg12 : memref<125x64xf32, #tpu.memory_space<vmem>>) target(%dma_start3A_269 : memref<10240x64xf32, #tpu.memory_space<vmem_shared>>) offsets(%dma_start3A_266 : memref<125xi32, #tpu.memory_space<vmem>>) semaphore(%arg20 : memref<!tpu.dma_semaphore, #tpu.memory_space<semaphore_mem>>) {add = true}
    %dma_start3A_270 = arith.constant 37 : i32
    %dma_start3A_271 = arith.constant 0 : i32
    %dma_start3A_272 = tpu.memref_slice %arg7[%dma_start3A_270, %dma_start3A_271] : memref<40x125xi32, #tpu.memory_space<vmem>> -> memref<1x125xi32, #tpu.memory_space<vmem>>
    %dma_start3A_273 = tpu.memref_squeeze %dma_start3A_272 : memref<1x125xi32, #tpu.memory_space<vmem>> -> memref<125xi32, #tpu.memory_space<vmem>>
    %dma_start3A_274 = arith.constant 0 : i32
    %dma_start3A_275 = arith.constant 0 : i32
    %dma_start3A_276 = tpu.memref_slice %arg17[%dma_start3A_274, %dma_start3A_275] : memref<10240x64xf32, #tpu.memory_space<vmem_shared>> -> memref<10240x64xf32, #tpu.memory_space<vmem_shared>>
    tpu.enqueue_indirect_dma source(%arg13 : memref<125x64xf32, #tpu.memory_space<vmem>>) target(%dma_start3A_276 : memref<10240x64xf32, #tpu.memory_space<vmem_shared>>) offsets(%dma_start3A_273 : memref<125xi32, #tpu.memory_space<vmem>>) semaphore(%arg20 : memref<!tpu.dma_semaphore, #tpu.memory_space<semaphore_mem>>) {add = true}
    %dma_start3A_277 = arith.constant 38 : i32
    %dma_start3A_278 = arith.constant 0 : i32
    %dma_start3A_279 = tpu.memref_slice %arg7[%dma_start3A_277, %dma_start3A_278] : memref<40x125xi32, #tpu.memory_space<vmem>> -> memref<1x125xi32, #tpu.memory_space<vmem>>
    %dma_start3A_280 = tpu.memref_squeeze %dma_start3A_279 : memref<1x125xi32, #tpu.memory_space<vmem>> -> memref<125xi32, #tpu.memory_space<vmem>>
    %dma_start3A_281 = arith.constant 0 : i32
    %dma_start3A_282 = arith.constant 0 : i32
    %dma_start3A_283 = tpu.memref_slice %arg17[%dma_start3A_281, %dma_start3A_282] : memref<10240x64xf32, #tpu.memory_space<vmem_shared>> -> memref<10240x64xf32, #tpu.memory_space<vmem_shared>>
    tpu.enqueue_indirect_dma source(%arg14 : memref<125x64xf32, #tpu.memory_space<vmem>>) target(%dma_start3A_283 : memref<10240x64xf32, #tpu.memory_space<vmem_shared>>) offsets(%dma_start3A_280 : memref<125xi32, #tpu.memory_space<vmem>>) semaphore(%arg20 : memref<!tpu.dma_semaphore, #tpu.memory_space<semaphore_mem>>) {add = true}
    %dma_start3A_284 = arith.constant 39 : i32
    %dma_start3A_285 = arith.constant 0 : i32
    %dma_start3A_286 = tpu.memref_slice %arg7[%dma_start3A_284, %dma_start3A_285] : memref<40x125xi32, #tpu.memory_space<vmem>> -> memref<1x125xi32, #tpu.memory_space<vmem>>
    %dma_start3A_287 = tpu.memref_squeeze %dma_start3A_286 : memref<1x125xi32, #tpu.memory_space<vmem>> -> memref<125xi32, #tpu.memory_space<vmem>>
    %dma_start3A_288 = arith.constant 0 : i32
    %dma_start3A_289 = arith.constant 0 : i32
    %dma_start3A_290 = tpu.memref_slice %arg17[%dma_start3A_288, %dma_start3A_289] : memref<10240x64xf32, #tpu.memory_space<vmem_shared>> -> memref<10240x64xf32, #tpu.memory_space<vmem_shared>>
    tpu.enqueue_indirect_dma source(%arg15 : memref<125x64xf32, #tpu.memory_space<vmem>>) target(%dma_start3A_290 : memref<10240x64xf32, #tpu.memory_space<vmem_shared>>) offsets(%dma_start3A_287 : memref<125xi32, #tpu.memory_space<vmem>>) semaphore(%arg20 : memref<!tpu.dma_semaphore, #tpu.memory_space<semaphore_mem>>) {add = true}
    %dma_wait3A_291 = arith.constant 36 : i32
    %dma_wait3A_292 = arith.constant 0 : i32
    %dma_wait3A_293 = tpu.memref_slice %arg7[%dma_wait3A_291, %dma_wait3A_292] : memref<40x125xi32, #tpu.memory_space<vmem>> -> memref<1x125xi32, #tpu.memory_space<vmem>>
    %dma_wait3A_294 = tpu.memref_squeeze %dma_wait3A_293 : memref<1x125xi32, #tpu.memory_space<vmem>> -> memref<125xi32, #tpu.memory_space<vmem>>
    %dma_wait3A_295 = arith.constant 0 : i32
    %dma_wait3A_296 = arith.constant 0 : i32
    %dma_wait3A_297 = tpu.memref_slice %arg17[%dma_wait3A_295, %dma_wait3A_296] : memref<10240x64xf32, #tpu.memory_space<vmem_shared>> -> memref<10240x64xf32, #tpu.memory_space<vmem_shared>>
    tpu.wait_indirect_dma semaphore(%arg20 : memref<!tpu.dma_semaphore, #tpu.memory_space<semaphore_mem>>) src(%arg12 : memref<125x64xf32, #tpu.memory_space<vmem>>) dst(%dma_wait3A_297 : memref<10240x64xf32, #tpu.memory_space<vmem_shared>>)
    %dma_wait3A_298 = arith.constant 37 : i32
    %dma_wait3A_299 = arith.constant 0 : i32
    %dma_wait3A_300 = tpu.memref_slice %arg7[%dma_wait3A_298, %dma_wait3A_299] : memref<40x125xi32, #tpu.memory_space<vmem>> -> memref<1x125xi32, #tpu.memory_space<vmem>>
    %dma_wait3A_301 = tpu.memref_squeeze %dma_wait3A_300 : memref<1x125xi32, #tpu.memory_space<vmem>> -> memref<125xi32, #tpu.memory_space<vmem>>
    %dma_wait3A_302 = arith.constant 0 : i32
    %dma_wait3A_303 = arith.constant 0 : i32
    %dma_wait3A_304 = tpu.memref_slice %arg17[%dma_wait3A_302, %dma_wait3A_303] : memref<10240x64xf32, #tpu.memory_space<vmem_shared>> -> memref<10240x64xf32, #tpu.memory_space<vmem_shared>>
    tpu.wait_indirect_dma semaphore(%arg20 : memref<!tpu.dma_semaphore, #tpu.memory_space<semaphore_mem>>) src(%arg13 : memref<125x64xf32, #tpu.memory_space<vmem>>) dst(%dma_wait3A_304 : memref<10240x64xf32, #tpu.memory_space<vmem_shared>>)
    %dma_wait3A_305 = arith.constant 38 : i32
    %dma_wait3A_306 = arith.constant 0 : i32
    %dma_wait3A_307 = tpu.memref_slice %arg7[%dma_wait3A_305, %dma_wait3A_306] : memref<40x125xi32, #tpu.memory_space<vmem>> -> memref<1x125xi32, #tpu.memory_space<vmem>>
    %dma_wait3A_308 = tpu.memref_squeeze %dma_wait3A_307 : memref<1x125xi32, #tpu.memory_space<vmem>> -> memref<125xi32, #tpu.memory_space<vmem>>
    %dma_wait3A_309 = arith.constant 0 : i32
    %dma_wait3A_310 = arith.constant 0 : i32
    %dma_wait3A_311 = tpu.memref_slice %arg17[%dma_wait3A_309, %dma_wait3A_310] : memref<10240x64xf32, #tpu.memory_space<vmem_shared>> -> memref<10240x64xf32, #tpu.memory_space<vmem_shared>>
    tpu.wait_indirect_dma semaphore(%arg20 : memref<!tpu.dma_semaphore, #tpu.memory_space<semaphore_mem>>) src(%arg14 : memref<125x64xf32, #tpu.memory_space<vmem>>) dst(%dma_wait3A_311 : memref<10240x64xf32, #tpu.memory_space<vmem_shared>>)
    %dma_wait3A_312 = arith.constant 39 : i32
    %dma_wait3A_313 = arith.constant 0 : i32
    %dma_wait3A_314 = tpu.memref_slice %arg7[%dma_wait3A_312, %dma_wait3A_313] : memref<40x125xi32, #tpu.memory_space<vmem>> -> memref<1x125xi32, #tpu.memory_space<vmem>>
    %dma_wait3A_315 = tpu.memref_squeeze %dma_wait3A_314 : memref<1x125xi32, #tpu.memory_space<vmem>> -> memref<125xi32, #tpu.memory_space<vmem>>
    %dma_wait3A_316 = arith.constant 0 : i32
    %dma_wait3A_317 = arith.constant 0 : i32
    %dma_wait3A_318 = tpu.memref_slice %arg17[%dma_wait3A_316, %dma_wait3A_317] : memref<10240x64xf32, #tpu.memory_space<vmem_shared>> -> memref<10240x64xf32, #tpu.memory_space<vmem_shared>>
    tpu.wait_indirect_dma semaphore(%arg20 : memref<!tpu.dma_semaphore, #tpu.memory_space<semaphore_mem>>) src(%arg15 : memref<125x64xf32, #tpu.memory_space<vmem>>) dst(%dma_wait3A_318 : memref<10240x64xf32, #tpu.memory_space<vmem_shared>>)
    %mul3A_319 = arith.constant 160 : i32
    %mul3A_320 = arith.muli %arg1, %mul3A_319 : i32
    %add3A_321 = arith.constant 40 : i32
    %add3A_322 = arith.addi %mul3A_320, %add3A_321 : i32
    "tpu.region"() ({
      %run_scoped3A = tpu.sem_alloc : memref<!tpu.dma_semaphore, #tpu.memory_space<semaphore_mem>>
      %dma_start3A_1224 = arith.constant 0 : i32
      %dma_start3A_1225 = tpu.memref_slice %arg3[%add3A_322, %dma_start3A_1224] : memref<5120x125xi32, #tpu.memory_space<hbm>> -> memref<40x125xi32, #tpu.memory_space<hbm>>
      %dma_start3A_1226 = arith.constant 0 : i32
      %dma_start3A_1227 = tpu.memref_slice %arg3[%add3A_322, %dma_start3A_1226] : memref<5120x125xi32, #tpu.memory_space<hbm>> -> memref<40x125xi32, #tpu.memory_space<hbm>>
      tpu.enqueue_dma source(%dma_start3A_1227 : memref<40x125xi32, #tpu.memory_space<hbm>>) target(%arg6 : memref<40x125xi32, #tpu.memory_space<vmem>>) target_semaphore(%run_scoped3A : memref<!tpu.dma_semaphore, #tpu.memory_space<semaphore_mem>>)
      %dma_wait3A_1228 = arith.constant 0 : i32
      %dma_wait3A_1229 = tpu.memref_slice %arg3[%add3A_322, %dma_wait3A_1228] : memref<5120x125xi32, #tpu.memory_space<hbm>> -> memref<40x125xi32, #tpu.memory_space<hbm>>
      %dma_wait3A_1230 = arith.constant 0 : i32
      %dma_wait3A_1231 = tpu.memref_slice %arg3[%add3A_322, %dma_wait3A_1230] : memref<5120x125xi32, #tpu.memory_space<hbm>> -> memref<40x125xi32, #tpu.memory_space<hbm>>
      tpu.wait_dma2 semaphore(%run_scoped3A : memref<!tpu.dma_semaphore, #tpu.memory_space<semaphore_mem>>) src(%dma_wait3A_1231 : memref<40x125xi32, #tpu.memory_space<hbm>>) dst(%arg6 : memref<40x125xi32, #tpu.memory_space<vmem>>)
      tpu.yield
    }) : () -> ()
    %add3A_323 = arith.constant 2560 : i32
    %add3A_324 = arith.addi %add3A_323, %add3A_322 : i32
    "tpu.region"() ({
      %run_scoped3A = tpu.sem_alloc : memref<!tpu.dma_semaphore, #tpu.memory_space<semaphore_mem>>
      %dma_start3A_1224 = arith.constant 0 : i32
      %dma_start3A_1225 = tpu.memref_slice %arg3[%add3A_324, %dma_start3A_1224] : memref<5120x125xi32, #tpu.memory_space<hbm>> -> memref<40x125xi32, #tpu.memory_space<hbm>>
      %dma_start3A_1226 = arith.constant 0 : i32
      %dma_start3A_1227 = tpu.memref_slice %arg3[%add3A_324, %dma_start3A_1226] : memref<5120x125xi32, #tpu.memory_space<hbm>> -> memref<40x125xi32, #tpu.memory_space<hbm>>
      tpu.enqueue_dma source(%dma_start3A_1227 : memref<40x125xi32, #tpu.memory_space<hbm>>) target(%arg7 : memref<40x125xi32, #tpu.memory_space<vmem>>) target_semaphore(%run_scoped3A : memref<!tpu.dma_semaphore, #tpu.memory_space<semaphore_mem>>)
      %dma_wait3A_1228 = arith.constant 0 : i32
      %dma_wait3A_1229 = tpu.memref_slice %arg3[%add3A_324, %dma_wait3A_1228] : memref<5120x125xi32, #tpu.memory_space<hbm>> -> memref<40x125xi32, #tpu.memory_space<hbm>>
      %dma_wait3A_1230 = arith.constant 0 : i32
      %dma_wait3A_1231 = tpu.memref_slice %arg3[%add3A_324, %dma_wait3A_1230] : memref<5120x125xi32, #tpu.memory_space<hbm>> -> memref<40x125xi32, #tpu.memory_space<hbm>>
      tpu.wait_dma2 semaphore(%run_scoped3A : memref<!tpu.dma_semaphore, #tpu.memory_space<semaphore_mem>>) src(%dma_wait3A_1231 : memref<40x125xi32, #tpu.memory_space<hbm>>) dst(%arg7 : memref<40x125xi32, #tpu.memory_space<vmem>>)
      tpu.yield
    }) : () -> ()
    %dma_start3A_325 = arith.constant 0 : i32
    %dma_start3A_326 = arith.constant 0 : i32
    %dma_start3A_327 = tpu.memref_slice %arg6[%dma_start3A_325, %dma_start3A_326] : memref<40x125xi32, #tpu.memory_space<vmem>> -> memref<1x125xi32, #tpu.memory_space<vmem>>
    %dma_start3A_328 = tpu.memref_squeeze %dma_start3A_327 : memref<1x125xi32, #tpu.memory_space<vmem>> -> memref<125xi32, #tpu.memory_space<vmem>>
    %dma_start3A_329 = arith.constant 0 : i32
    %dma_start3A_330 = arith.constant 0 : i32
    %dma_start3A_331 = tpu.memref_slice %arg2[%arg0, %dma_start3A_329, %dma_start3A_330] : memref<2x10000x64xf32, #tpu.memory_space<hbm>> -> memref<1x10000x64xf32, #tpu.memory_space<hbm>>
    %dma_start3A_332 = tpu.memref_squeeze %dma_start3A_331 : memref<1x10000x64xf32, #tpu.memory_space<hbm>> -> memref<10000x64xf32, #tpu.memory_space<hbm>>
    %dma_start3A_333 = arith.constant 0 : i32
    %dma_start3A_334 = arith.constant 0 : i32
    %dma_start3A_335 = tpu.memref_slice %dma_start3A_332[%dma_start3A_333, %dma_start3A_334] : memref<10000x64xf32, #tpu.memory_space<hbm>> -> memref<10000x64xf32, #tpu.memory_space<hbm>>
    tpu.enqueue_indirect_dma source(%dma_start3A_335 : memref<10000x64xf32, #tpu.memory_space<hbm>>) target(%arg8 : memref<125x64xf32, #tpu.memory_space<vmem>>) offsets(%dma_start3A_328 : memref<125xi32, #tpu.memory_space<vmem>>) semaphore(%arg18 : memref<!tpu.dma_semaphore, #tpu.memory_space<semaphore_mem>>)
    %dma_start3A_336 = arith.constant 1 : i32
    %dma_start3A_337 = arith.constant 0 : i32
    %dma_start3A_338 = tpu.memref_slice %arg6[%dma_start3A_336, %dma_start3A_337] : memref<40x125xi32, #tpu.memory_space<vmem>> -> memref<1x125xi32, #tpu.memory_space<vmem>>
    %dma_start3A_339 = tpu.memref_squeeze %dma_start3A_338 : memref<1x125xi32, #tpu.memory_space<vmem>> -> memref<125xi32, #tpu.memory_space<vmem>>
    %dma_start3A_340 = arith.constant 0 : i32
    %dma_start3A_341 = arith.constant 0 : i32
    %dma_start3A_342 = tpu.memref_slice %arg2[%arg0, %dma_start3A_340, %dma_start3A_341] : memref<2x10000x64xf32, #tpu.memory_space<hbm>> -> memref<1x10000x64xf32, #tpu.memory_space<hbm>>
    %dma_start3A_343 = tpu.memref_squeeze %dma_start3A_342 : memref<1x10000x64xf32, #tpu.memory_space<hbm>> -> memref<10000x64xf32, #tpu.memory_space<hbm>>
    %dma_start3A_344 = arith.constant 0 : i32
    %dma_start3A_345 = arith.constant 0 : i32
    %dma_start3A_346 = tpu.memref_slice %dma_start3A_343[%dma_start3A_344, %dma_start3A_345] : memref<10000x64xf32, #tpu.memory_space<hbm>> -> memref<10000x64xf32, #tpu.memory_space<hbm>>
    tpu.enqueue_indirect_dma source(%dma_start3A_346 : memref<10000x64xf32, #tpu.memory_space<hbm>>) target(%arg9 : memref<125x64xf32, #tpu.memory_space<vmem>>) offsets(%dma_start3A_339 : memref<125xi32, #tpu.memory_space<vmem>>) semaphore(%arg18 : memref<!tpu.dma_semaphore, #tpu.memory_space<semaphore_mem>>)
    %dma_start3A_347 = arith.constant 2 : i32
    %dma_start3A_348 = arith.constant 0 : i32
    %dma_start3A_349 = tpu.memref_slice %arg6[%dma_start3A_347, %dma_start3A_348] : memref<40x125xi32, #tpu.memory_space<vmem>> -> memref<1x125xi32, #tpu.memory_space<vmem>>
    %dma_start3A_350 = tpu.memref_squeeze %dma_start3A_349 : memref<1x125xi32, #tpu.memory_space<vmem>> -> memref<125xi32, #tpu.memory_space<vmem>>
    %dma_start3A_351 = arith.constant 0 : i32
    %dma_start3A_352 = arith.constant 0 : i32
    %dma_start3A_353 = tpu.memref_slice %arg2[%arg0, %dma_start3A_351, %dma_start3A_352] : memref<2x10000x64xf32, #tpu.memory_space<hbm>> -> memref<1x10000x64xf32, #tpu.memory_space<hbm>>
    %dma_start3A_354 = tpu.memref_squeeze %dma_start3A_353 : memref<1x10000x64xf32, #tpu.memory_space<hbm>> -> memref<10000x64xf32, #tpu.memory_space<hbm>>
    %dma_start3A_355 = arith.constant 0 : i32
    %dma_start3A_356 = arith.constant 0 : i32
    %dma_start3A_357 = tpu.memref_slice %dma_start3A_354[%dma_start3A_355, %dma_start3A_356] : memref<10000x64xf32, #tpu.memory_space<hbm>> -> memref<10000x64xf32, #tpu.memory_space<hbm>>
    tpu.enqueue_indirect_dma source(%dma_start3A_357 : memref<10000x64xf32, #tpu.memory_space<hbm>>) target(%arg10 : memref<125x64xf32, #tpu.memory_space<vmem>>) offsets(%dma_start3A_350 : memref<125xi32, #tpu.memory_space<vmem>>) semaphore(%arg18 : memref<!tpu.dma_semaphore, #tpu.memory_space<semaphore_mem>>)
    %dma_start3A_358 = arith.constant 3 : i32
    %dma_start3A_359 = arith.constant 0 : i32
    %dma_start3A_360 = tpu.memref_slice %arg6[%dma_start3A_358, %dma_start3A_359] : memref<40x125xi32, #tpu.memory_space<vmem>> -> memref<1x125xi32, #tpu.memory_space<vmem>>
    %dma_start3A_361 = tpu.memref_squeeze %dma_start3A_360 : memref<1x125xi32, #tpu.memory_space<vmem>> -> memref<125xi32, #tpu.memory_space<vmem>>
    %dma_start3A_362 = arith.constant 0 : i32
    %dma_start3A_363 = arith.constant 0 : i32
    %dma_start3A_364 = tpu.memref_slice %arg2[%arg0, %dma_start3A_362, %dma_start3A_363] : memref<2x10000x64xf32, #tpu.memory_space<hbm>> -> memref<1x10000x64xf32, #tpu.memory_space<hbm>>
    %dma_start3A_365 = tpu.memref_squeeze %dma_start3A_364 : memref<1x10000x64xf32, #tpu.memory_space<hbm>> -> memref<10000x64xf32, #tpu.memory_space<hbm>>
    %dma_start3A_366 = arith.constant 0 : i32
    %dma_start3A_367 = arith.constant 0 : i32
    %dma_start3A_368 = tpu.memref_slice %dma_start3A_365[%dma_start3A_366, %dma_start3A_367] : memref<10000x64xf32, #tpu.memory_space<hbm>> -> memref<10000x64xf32, #tpu.memory_space<hbm>>
    tpu.enqueue_indirect_dma source(%dma_start3A_368 : memref<10000x64xf32, #tpu.memory_space<hbm>>) target(%arg11 : memref<125x64xf32, #tpu.memory_space<vmem>>) offsets(%dma_start3A_361 : memref<125xi32, #tpu.memory_space<vmem>>) semaphore(%arg18 : memref<!tpu.dma_semaphore, #tpu.memory_space<semaphore_mem>>)
    %scan3A_369 = arith.constant 0 : i32
    %scan3A_370 = arith.constant 4 : i32
    %scan3A_371 = arith.addi %scan3A_369, %scan3A_370 : i32
    %scan3A_372 = arith.constant 1 : i32
    scf.for %scan3A_1224 = %scan3A_369 to %scan3A_371 step %scan3A_372  : i32 {
      %mul3A_1225 = arith.constant 1 : i32
      %mul3A_1226 = arith.muli %scan3A_1224, %mul3A_1225 : i32
      %add3A_1227 = arith.constant 0 : i32
      %add3A_1228 = arith.addi %add3A_1227, %mul3A_1226 : i32
      %mul3A_1229 = arith.constant 8 : i32
      %mul3A_1230 = arith.muli %add3A_1228, %mul3A_1229 : i32
      %add3A_1231 = arith.constant 4 : i32
      %add3A_1232 = arith.addi %mul3A_1230, %add3A_1231 : i32
      %add3A_1233 = arith.constant 0 : i32
      %add3A_1234 = arith.addi %add3A_1232, %add3A_1233 : i32
      %dma_start3A_1235 = arith.constant 0 : i32
      %dma_start3A_1236 = tpu.memref_slice %arg6[%add3A_1234, %dma_start3A_1235] : memref<40x125xi32, #tpu.memory_space<vmem>> -> memref<1x125xi32, #tpu.memory_space<vmem>>
      %dma_start3A_1237 = tpu.memref_squeeze %dma_start3A_1236 : memref<1x125xi32, #tpu.memory_space<vmem>> -> memref<125xi32, #tpu.memory_space<vmem>>
      %dma_start3A_1238 = arith.constant 0 : i32
      %dma_start3A_1239 = arith.constant 0 : i32
      %dma_start3A_1240 = tpu.memref_slice %arg2[%arg0, %dma_start3A_1238, %dma_start3A_1239] : memref<2x10000x64xf32, #tpu.memory_space<hbm>> -> memref<1x10000x64xf32, #tpu.memory_space<hbm>>
      %dma_start3A_1241 = tpu.memref_squeeze %dma_start3A_1240 : memref<1x10000x64xf32, #tpu.memory_space<hbm>> -> memref<10000x64xf32, #tpu.memory_space<hbm>>
      %dma_start3A_1242 = arith.constant 0 : i32
      %dma_start3A_1243 = arith.constant 0 : i32
      %dma_start3A_1244 = tpu.memref_slice %dma_start3A_1241[%dma_start3A_1242, %dma_start3A_1243] : memref<10000x64xf32, #tpu.memory_space<hbm>> -> memref<10000x64xf32, #tpu.memory_space<hbm>>
      tpu.enqueue_indirect_dma source(%dma_start3A_1244 : memref<10000x64xf32, #tpu.memory_space<hbm>>) target(%arg12 : memref<125x64xf32, #tpu.memory_space<vmem>>) offsets(%dma_start3A_1237 : memref<125xi32, #tpu.memory_space<vmem>>) semaphore(%arg19 : memref<!tpu.dma_semaphore, #tpu.memory_space<semaphore_mem>>)
      %add3A_1245 = arith.constant 1 : i32
      %add3A_1246 = arith.addi %add3A_1232, %add3A_1245 : i32
      %dma_start3A_1247 = arith.constant 0 : i32
      %dma_start3A_1248 = tpu.memref_slice %arg6[%add3A_1246, %dma_start3A_1247] : memref<40x125xi32, #tpu.memory_space<vmem>> -> memref<1x125xi32, #tpu.memory_space<vmem>>
      %dma_start3A_1249 = tpu.memref_squeeze %dma_start3A_1248 : memref<1x125xi32, #tpu.memory_space<vmem>> -> memref<125xi32, #tpu.memory_space<vmem>>
      %dma_start3A_1250 = arith.constant 0 : i32
      %dma_start3A_1251 = arith.constant 0 : i32
      %dma_start3A_1252 = tpu.memref_slice %arg2[%arg0, %dma_start3A_1250, %dma_start3A_1251] : memref<2x10000x64xf32, #tpu.memory_space<hbm>> -> memref<1x10000x64xf32, #tpu.memory_space<hbm>>
      %dma_start3A_1253 = tpu.memref_squeeze %dma_start3A_1252 : memref<1x10000x64xf32, #tpu.memory_space<hbm>> -> memref<10000x64xf32, #tpu.memory_space<hbm>>
      %dma_start3A_1254 = arith.constant 0 : i32
      %dma_start3A_1255 = arith.constant 0 : i32
      %dma_start3A_1256 = tpu.memref_slice %dma_start3A_1253[%dma_start3A_1254, %dma_start3A_1255] : memref<10000x64xf32, #tpu.memory_space<hbm>> -> memref<10000x64xf32, #tpu.memory_space<hbm>>
      tpu.enqueue_indirect_dma source(%dma_start3A_1256 : memref<10000x64xf32, #tpu.memory_space<hbm>>) target(%arg13 : memref<125x64xf32, #tpu.memory_space<vmem>>) offsets(%dma_start3A_1249 : memref<125xi32, #tpu.memory_space<vmem>>) semaphore(%arg19 : memref<!tpu.dma_semaphore, #tpu.memory_space<semaphore_mem>>)
      %add3A_1257 = arith.constant 2 : i32
      %add3A_1258 = arith.addi %add3A_1232, %add3A_1257 : i32
      %dma_start3A_1259 = arith.constant 0 : i32
      %dma_start3A_1260 = tpu.memref_slice %arg6[%add3A_1258, %dma_start3A_1259] : memref<40x125xi32, #tpu.memory_space<vmem>> -> memref<1x125xi32, #tpu.memory_space<vmem>>
      %dma_start3A_1261 = tpu.memref_squeeze %dma_start3A_1260 : memref<1x125xi32, #tpu.memory_space<vmem>> -> memref<125xi32, #tpu.memory_space<vmem>>
      %dma_start3A_1262 = arith.constant 0 : i32
      %dma_start3A_1263 = arith.constant 0 : i32
      %dma_start3A_1264 = tpu.memref_slice %arg2[%arg0, %dma_start3A_1262, %dma_start3A_1263] : memref<2x10000x64xf32, #tpu.memory_space<hbm>> -> memref<1x10000x64xf32, #tpu.memory_space<hbm>>
      %dma_start3A_1265 = tpu.memref_squeeze %dma_start3A_1264 : memref<1x10000x64xf32, #tpu.memory_space<hbm>> -> memref<10000x64xf32, #tpu.memory_space<hbm>>
      %dma_start3A_1266 = arith.constant 0 : i32
      %dma_start3A_1267 = arith.constant 0 : i32
      %dma_start3A_1268 = tpu.memref_slice %dma_start3A_1265[%dma_start3A_1266, %dma_start3A_1267] : memref<10000x64xf32, #tpu.memory_space<hbm>> -> memref<10000x64xf32, #tpu.memory_space<hbm>>
      tpu.enqueue_indirect_dma source(%dma_start3A_1268 : memref<10000x64xf32, #tpu.memory_space<hbm>>) target(%arg14 : memref<125x64xf32, #tpu.memory_space<vmem>>) offsets(%dma_start3A_1261 : memref<125xi32, #tpu.memory_space<vmem>>) semaphore(%arg19 : memref<!tpu.dma_semaphore, #tpu.memory_space<semaphore_mem>>)
      %add3A_1269 = arith.constant 3 : i32
      %add3A_1270 = arith.addi %add3A_1232, %add3A_1269 : i32
      %dma_start3A_1271 = arith.constant 0 : i32
      %dma_start3A_1272 = tpu.memref_slice %arg6[%add3A_1270, %dma_start3A_1271] : memref<40x125xi32, #tpu.memory_space<vmem>> -> memref<1x125xi32, #tpu.memory_space<vmem>>
      %dma_start3A_1273 = tpu.memref_squeeze %dma_start3A_1272 : memref<1x125xi32, #tpu.memory_space<vmem>> -> memref<125xi32, #tpu.memory_space<vmem>>
      %dma_start3A_1274 = arith.constant 0 : i32
      %dma_start3A_1275 = arith.constant 0 : i32
      %dma_start3A_1276 = tpu.memref_slice %arg2[%arg0, %dma_start3A_1274, %dma_start3A_1275] : memref<2x10000x64xf32, #tpu.memory_space<hbm>> -> memref<1x10000x64xf32, #tpu.memory_space<hbm>>
      %dma_start3A_1277 = tpu.memref_squeeze %dma_start3A_1276 : memref<1x10000x64xf32, #tpu.memory_space<hbm>> -> memref<10000x64xf32, #tpu.memory_space<hbm>>
      %dma_start3A_1278 = arith.constant 0 : i32
      %dma_start3A_1279 = arith.constant 0 : i32
      %dma_start3A_1280 = tpu.memref_slice %dma_start3A_1277[%dma_start3A_1278, %dma_start3A_1279] : memref<10000x64xf32, #tpu.memory_space<hbm>> -> memref<10000x64xf32, #tpu.memory_space<hbm>>
      tpu.enqueue_indirect_dma source(%dma_start3A_1280 : memref<10000x64xf32, #tpu.memory_space<hbm>>) target(%arg15 : memref<125x64xf32, #tpu.memory_space<vmem>>) offsets(%dma_start3A_1273 : memref<125xi32, #tpu.memory_space<vmem>>) semaphore(%arg19 : memref<!tpu.dma_semaphore, #tpu.memory_space<semaphore_mem>>)
      %add3A_1281 = arith.constant 0 : i32
      %add3A_1282 = arith.addi %mul3A_1230, %add3A_1281 : i32
      %dma_wait3A_1283 = arith.constant 0 : i32
      %dma_wait3A_1284 = tpu.memref_slice %arg6[%add3A_1282, %dma_wait3A_1283] : memref<40x125xi32, #tpu.memory_space<vmem>> -> memref<1x125xi32, #tpu.memory_space<vmem>>
      %dma_wait3A_1285 = tpu.memref_squeeze %dma_wait3A_1284 : memref<1x125xi32, #tpu.memory_space<vmem>> -> memref<125xi32, #tpu.memory_space<vmem>>
      %dma_wait3A_1286 = arith.constant 0 : i32
      %dma_wait3A_1287 = arith.constant 0 : i32
      %dma_wait3A_1288 = tpu.memref_slice %arg2[%arg0, %dma_wait3A_1286, %dma_wait3A_1287] : memref<2x10000x64xf32, #tpu.memory_space<hbm>> -> memref<1x10000x64xf32, #tpu.memory_space<hbm>>
      %dma_wait3A_1289 = tpu.memref_squeeze %dma_wait3A_1288 : memref<1x10000x64xf32, #tpu.memory_space<hbm>> -> memref<10000x64xf32, #tpu.memory_space<hbm>>
      %dma_wait3A_1290 = arith.constant 0 : i32
      %dma_wait3A_1291 = arith.constant 0 : i32
      %dma_wait3A_1292 = tpu.memref_slice %dma_wait3A_1289[%dma_wait3A_1290, %dma_wait3A_1291] : memref<10000x64xf32, #tpu.memory_space<hbm>> -> memref<10000x64xf32, #tpu.memory_space<hbm>>
      tpu.wait_indirect_dma semaphore(%arg18 : memref<!tpu.dma_semaphore, #tpu.memory_space<semaphore_mem>>) src(%dma_wait3A_1292 : memref<10000x64xf32, #tpu.memory_space<hbm>>) dst(%arg8 : memref<125x64xf32, #tpu.memory_space<vmem>>)
      %add3A_1293 = arith.constant 1 : i32
      %add3A_1294 = arith.addi %mul3A_1230, %add3A_1293 : i32
      %dma_wait3A_1295 = arith.constant 0 : i32
      %dma_wait3A_1296 = tpu.memref_slice %arg6[%add3A_1294, %dma_wait3A_1295] : memref<40x125xi32, #tpu.memory_space<vmem>> -> memref<1x125xi32, #tpu.memory_space<vmem>>
      %dma_wait3A_1297 = tpu.memref_squeeze %dma_wait3A_1296 : memref<1x125xi32, #tpu.memory_space<vmem>> -> memref<125xi32, #tpu.memory_space<vmem>>
      %dma_wait3A_1298 = arith.constant 0 : i32
      %dma_wait3A_1299 = arith.constant 0 : i32
      %dma_wait3A_1300 = tpu.memref_slice %arg2[%arg0, %dma_wait3A_1298, %dma_wait3A_1299] : memref<2x10000x64xf32, #tpu.memory_space<hbm>> -> memref<1x10000x64xf32, #tpu.memory_space<hbm>>
      %dma_wait3A_1301 = tpu.memref_squeeze %dma_wait3A_1300 : memref<1x10000x64xf32, #tpu.memory_space<hbm>> -> memref<10000x64xf32, #tpu.memory_space<hbm>>
      %dma_wait3A_1302 = arith.constant 0 : i32
      %dma_wait3A_1303 = arith.constant 0 : i32
      %dma_wait3A_1304 = tpu.memref_slice %dma_wait3A_1301[%dma_wait3A_1302, %dma_wait3A_1303] : memref<10000x64xf32, #tpu.memory_space<hbm>> -> memref<10000x64xf32, #tpu.memory_space<hbm>>
      tpu.wait_indirect_dma semaphore(%arg18 : memref<!tpu.dma_semaphore, #tpu.memory_space<semaphore_mem>>) src(%dma_wait3A_1304 : memref<10000x64xf32, #tpu.memory_space<hbm>>) dst(%arg9 : memref<125x64xf32, #tpu.memory_space<vmem>>)
      %add3A_1305 = arith.constant 2 : i32
      %add3A_1306 = arith.addi %mul3A_1230, %add3A_1305 : i32
      %dma_wait3A_1307 = arith.constant 0 : i32
      %dma_wait3A_1308 = tpu.memref_slice %arg6[%add3A_1306, %dma_wait3A_1307] : memref<40x125xi32, #tpu.memory_space<vmem>> -> memref<1x125xi32, #tpu.memory_space<vmem>>
      %dma_wait3A_1309 = tpu.memref_squeeze %dma_wait3A_1308 : memref<1x125xi32, #tpu.memory_space<vmem>> -> memref<125xi32, #tpu.memory_space<vmem>>
      %dma_wait3A_1310 = arith.constant 0 : i32
      %dma_wait3A_1311 = arith.constant 0 : i32
      %dma_wait3A_1312 = tpu.memref_slice %arg2[%arg0, %dma_wait3A_1310, %dma_wait3A_1311] : memref<2x10000x64xf32, #tpu.memory_space<hbm>> -> memref<1x10000x64xf32, #tpu.memory_space<hbm>>
      %dma_wait3A_1313 = tpu.memref_squeeze %dma_wait3A_1312 : memref<1x10000x64xf32, #tpu.memory_space<hbm>> -> memref<10000x64xf32, #tpu.memory_space<hbm>>
      %dma_wait3A_1314 = arith.constant 0 : i32
      %dma_wait3A_1315 = arith.constant 0 : i32
      %dma_wait3A_1316 = tpu.memref_slice %dma_wait3A_1313[%dma_wait3A_1314, %dma_wait3A_1315] : memref<10000x64xf32, #tpu.memory_space<hbm>> -> memref<10000x64xf32, #tpu.memory_space<hbm>>
      tpu.wait_indirect_dma semaphore(%arg18 : memref<!tpu.dma_semaphore, #tpu.memory_space<semaphore_mem>>) src(%dma_wait3A_1316 : memref<10000x64xf32, #tpu.memory_space<hbm>>) dst(%arg10 : memref<125x64xf32, #tpu.memory_space<vmem>>)
      %add3A_1317 = arith.constant 3 : i32
      %add3A_1318 = arith.addi %mul3A_1230, %add3A_1317 : i32
      %dma_wait3A_1319 = arith.constant 0 : i32
      %dma_wait3A_1320 = tpu.memref_slice %arg6[%add3A_1318, %dma_wait3A_1319] : memref<40x125xi32, #tpu.memory_space<vmem>> -> memref<1x125xi32, #tpu.memory_space<vmem>>
      %dma_wait3A_1321 = tpu.memref_squeeze %dma_wait3A_1320 : memref<1x125xi32, #tpu.memory_space<vmem>> -> memref<125xi32, #tpu.memory_space<vmem>>
      %dma_wait3A_1322 = arith.constant 0 : i32
      %dma_wait3A_1323 = arith.constant 0 : i32
      %dma_wait3A_1324 = tpu.memref_slice %arg2[%arg0, %dma_wait3A_1322, %dma_wait3A_1323] : memref<2x10000x64xf32, #tpu.memory_space<hbm>> -> memref<1x10000x64xf32, #tpu.memory_space<hbm>>
      %dma_wait3A_1325 = tpu.memref_squeeze %dma_wait3A_1324 : memref<1x10000x64xf32, #tpu.memory_space<hbm>> -> memref<10000x64xf32, #tpu.memory_space<hbm>>
      %dma_wait3A_1326 = arith.constant 0 : i32
      %dma_wait3A_1327 = arith.constant 0 : i32
      %dma_wait3A_1328 = tpu.memref_slice %dma_wait3A_1325[%dma_wait3A_1326, %dma_wait3A_1327] : memref<10000x64xf32, #tpu.memory_space<hbm>> -> memref<10000x64xf32, #tpu.memory_space<hbm>>
      tpu.wait_indirect_dma semaphore(%arg18 : memref<!tpu.dma_semaphore, #tpu.memory_space<semaphore_mem>>) src(%dma_wait3A_1328 : memref<10000x64xf32, #tpu.memory_space<hbm>>) dst(%arg11 : memref<125x64xf32, #tpu.memory_space<vmem>>)
      %add3A_1329 = arith.constant 0 : i32
      %add3A_1330 = arith.addi %mul3A_1230, %add3A_1329 : i32
      %dma_start3A_1331 = arith.constant 0 : i32
      %dma_start3A_1332 = tpu.memref_slice %arg7[%add3A_1330, %dma_start3A_1331] : memref<40x125xi32, #tpu.memory_space<vmem>> -> memref<1x125xi32, #tpu.memory_space<vmem>>
      %dma_start3A_1333 = tpu.memref_squeeze %dma_start3A_1332 : memref<1x125xi32, #tpu.memory_space<vmem>> -> memref<125xi32, #tpu.memory_space<vmem>>
      %dma_start3A_1334 = arith.constant 0 : i32
      %dma_start3A_1335 = arith.constant 0 : i32
      %dma_start3A_1336 = tpu.memref_slice %arg17[%dma_start3A_1334, %dma_start3A_1335] : memref<10240x64xf32, #tpu.memory_space<vmem_shared>> -> memref<10240x64xf32, #tpu.memory_space<vmem_shared>>
      tpu.enqueue_indirect_dma source(%arg8 : memref<125x64xf32, #tpu.memory_space<vmem>>) target(%dma_start3A_1336 : memref<10240x64xf32, #tpu.memory_space<vmem_shared>>) offsets(%dma_start3A_1333 : memref<125xi32, #tpu.memory_space<vmem>>) semaphore(%arg20 : memref<!tpu.dma_semaphore, #tpu.memory_space<semaphore_mem>>) {add = true}
      %add3A_1337 = arith.constant 1 : i32
      %add3A_1338 = arith.addi %mul3A_1230, %add3A_1337 : i32
      %dma_start3A_1339 = arith.constant 0 : i32
      %dma_start3A_1340 = tpu.memref_slice %arg7[%add3A_1338, %dma_start3A_1339] : memref<40x125xi32, #tpu.memory_space<vmem>> -> memref<1x125xi32, #tpu.memory_space<vmem>>
      %dma_start3A_1341 = tpu.memref_squeeze %dma_start3A_1340 : memref<1x125xi32, #tpu.memory_space<vmem>> -> memref<125xi32, #tpu.memory_space<vmem>>
      %dma_start3A_1342 = arith.constant 0 : i32
      %dma_start3A_1343 = arith.constant 0 : i32
      %dma_start3A_1344 = tpu.memref_slice %arg17[%dma_start3A_1342, %dma_start3A_1343] : memref<10240x64xf32, #tpu.memory_space<vmem_shared>> -> memref<10240x64xf32, #tpu.memory_space<vmem_shared>>
      tpu.enqueue_indirect_dma source(%arg9 : memref<125x64xf32, #tpu.memory_space<vmem>>) target(%dma_start3A_1344 : memref<10240x64xf32, #tpu.memory_space<vmem_shared>>) offsets(%dma_start3A_1341 : memref<125xi32, #tpu.memory_space<vmem>>) semaphore(%arg20 : memref<!tpu.dma_semaphore, #tpu.memory_space<semaphore_mem>>) {add = true}
      %add3A_1345 = arith.constant 2 : i32
      %add3A_1346 = arith.addi %mul3A_1230, %add3A_1345 : i32
      %dma_start3A_1347 = arith.constant 0 : i32
      %dma_start3A_1348 = tpu.memref_slice %arg7[%add3A_1346, %dma_start3A_1347] : memref<40x125xi32, #tpu.memory_space<vmem>> -> memref<1x125xi32, #tpu.memory_space<vmem>>
      %dma_start3A_1349 = tpu.memref_squeeze %dma_start3A_1348 : memref<1x125xi32, #tpu.memory_space<vmem>> -> memref<125xi32, #tpu.memory_space<vmem>>
      %dma_start3A_1350 = arith.constant 0 : i32
      %dma_start3A_1351 = arith.constant 0 : i32
      %dma_start3A_1352 = tpu.memref_slice %arg17[%dma_start3A_1350, %dma_start3A_1351] : memref<10240x64xf32, #tpu.memory_space<vmem_shared>> -> memref<10240x64xf32, #tpu.memory_space<vmem_shared>>
      tpu.enqueue_indirect_dma source(%arg10 : memref<125x64xf32, #tpu.memory_space<vmem>>) target(%dma_start3A_1352 : memref<10240x64xf32, #tpu.memory_space<vmem_shared>>) offsets(%dma_start3A_1349 : memref<125xi32, #tpu.memory_space<vmem>>) semaphore(%arg20 : memref<!tpu.dma_semaphore, #tpu.memory_space<semaphore_mem>>) {add = true}
      %add3A_1353 = arith.constant 3 : i32
      %add3A_1354 = arith.addi %mul3A_1230, %add3A_1353 : i32
      %dma_start3A_1355 = arith.constant 0 : i32
      %dma_start3A_1356 = tpu.memref_slice %arg7[%add3A_1354, %dma_start3A_1355] : memref<40x125xi32, #tpu.memory_space<vmem>> -> memref<1x125xi32, #tpu.memory_space<vmem>>
      %dma_start3A_1357 = tpu.memref_squeeze %dma_start3A_1356 : memref<1x125xi32, #tpu.memory_space<vmem>> -> memref<125xi32, #tpu.memory_space<vmem>>
      %dma_start3A_1358 = arith.constant 0 : i32
      %dma_start3A_1359 = arith.constant 0 : i32
      %dma_start3A_1360 = tpu.memref_slice %arg17[%dma_start3A_1358, %dma_start3A_1359] : memref<10240x64xf32, #tpu.memory_space<vmem_shared>> -> memref<10240x64xf32, #tpu.memory_space<vmem_shared>>
      tpu.enqueue_indirect_dma source(%arg11 : memref<125x64xf32, #tpu.memory_space<vmem>>) target(%dma_start3A_1360 : memref<10240x64xf32, #tpu.memory_space<vmem_shared>>) offsets(%dma_start3A_1357 : memref<125xi32, #tpu.memory_space<vmem>>) semaphore(%arg20 : memref<!tpu.dma_semaphore, #tpu.memory_space<semaphore_mem>>) {add = true}
      %add3A_1361 = arith.constant 0 : i32
      %add3A_1362 = arith.addi %mul3A_1230, %add3A_1361 : i32
      %dma_wait3A_1363 = arith.constant 0 : i32
      %dma_wait3A_1364 = tpu.memref_slice %arg7[%add3A_1362, %dma_wait3A_1363] : memref<40x125xi32, #tpu.memory_space<vmem>> -> memref<1x125xi32, #tpu.memory_space<vmem>>
      %dma_wait3A_1365 = tpu.memref_squeeze %dma_wait3A_1364 : memref<1x125xi32, #tpu.memory_space<vmem>> -> memref<125xi32, #tpu.memory_space<vmem>>
      %dma_wait3A_1366 = arith.constant 0 : i32
      %dma_wait3A_1367 = arith.constant 0 : i32
      %dma_wait3A_1368 = tpu.memref_slice %arg17[%dma_wait3A_1366, %dma_wait3A_1367] : memref<10240x64xf32, #tpu.memory_space<vmem_shared>> -> memref<10240x64xf32, #tpu.memory_space<vmem_shared>>
      tpu.wait_indirect_dma semaphore(%arg20 : memref<!tpu.dma_semaphore, #tpu.memory_space<semaphore_mem>>) src(%arg8 : memref<125x64xf32, #tpu.memory_space<vmem>>) dst(%dma_wait3A_1368 : memref<10240x64xf32, #tpu.memory_space<vmem_shared>>)
      %add3A_1369 = arith.constant 1 : i32
      %add3A_1370 = arith.addi %mul3A_1230, %add3A_1369 : i32
      %dma_wait3A_1371 = arith.constant 0 : i32
      %dma_wait3A_1372 = tpu.memref_slice %arg7[%add3A_1370, %dma_wait3A_1371] : memref<40x125xi32, #tpu.memory_space<vmem>> -> memref<1x125xi32, #tpu.memory_space<vmem>>
      %dma_wait3A_1373 = tpu.memref_squeeze %dma_wait3A_1372 : memref<1x125xi32, #tpu.memory_space<vmem>> -> memref<125xi32, #tpu.memory_space<vmem>>
      %dma_wait3A_1374 = arith.constant 0 : i32
      %dma_wait3A_1375 = arith.constant 0 : i32
      %dma_wait3A_1376 = tpu.memref_slice %arg17[%dma_wait3A_1374, %dma_wait3A_1375] : memref<10240x64xf32, #tpu.memory_space<vmem_shared>> -> memref<10240x64xf32, #tpu.memory_space<vmem_shared>>
      tpu.wait_indirect_dma semaphore(%arg20 : memref<!tpu.dma_semaphore, #tpu.memory_space<semaphore_mem>>) src(%arg9 : memref<125x64xf32, #tpu.memory_space<vmem>>) dst(%dma_wait3A_1376 : memref<10240x64xf32, #tpu.memory_space<vmem_shared>>)
      %add3A_1377 = arith.constant 2 : i32
      %add3A_1378 = arith.addi %mul3A_1230, %add3A_1377 : i32
      %dma_wait3A_1379 = arith.constant 0 : i32
      %dma_wait3A_1380 = tpu.memref_slice %arg7[%add3A_1378, %dma_wait3A_1379] : memref<40x125xi32, #tpu.memory_space<vmem>> -> memref<1x125xi32, #tpu.memory_space<vmem>>
      %dma_wait3A_1381 = tpu.memref_squeeze %dma_wait3A_1380 : memref<1x125xi32, #tpu.memory_space<vmem>> -> memref<125xi32, #tpu.memory_space<vmem>>
      %dma_wait3A_1382 = arith.constant 0 : i32
      %dma_wait3A_1383 = arith.constant 0 : i32
      %dma_wait3A_1384 = tpu.memref_slice %arg17[%dma_wait3A_1382, %dma_wait3A_1383] : memref<10240x64xf32, #tpu.memory_space<vmem_shared>> -> memref<10240x64xf32, #tpu.memory_space<vmem_shared>>
      tpu.wait_indirect_dma semaphore(%arg20 : memref<!tpu.dma_semaphore, #tpu.memory_space<semaphore_mem>>) src(%arg10 : memref<125x64xf32, #tpu.memory_space<vmem>>) dst(%dma_wait3A_1384 : memref<10240x64xf32, #tpu.memory_space<vmem_shared>>)
      %add3A_1385 = arith.constant 3 : i32
      %add3A_1386 = arith.addi %mul3A_1230, %add3A_1385 : i32
      %dma_wait3A_1387 = arith.constant 0 : i32
      %dma_wait3A_1388 = tpu.memref_slice %arg7[%add3A_1386, %dma_wait3A_1387] : memref<40x125xi32, #tpu.memory_space<vmem>> -> memref<1x125xi32, #tpu.memory_space<vmem>>
      %dma_wait3A_1389 = tpu.memref_squeeze %dma_wait3A_1388 : memref<1x125xi32, #tpu.memory_space<vmem>> -> memref<125xi32, #tpu.memory_space<vmem>>
      %dma_wait3A_1390 = arith.constant 0 : i32
      %dma_wait3A_1391 = arith.constant 0 : i32
      %dma_wait3A_1392 = tpu.memref_slice %arg17[%dma_wait3A_1390, %dma_wait3A_1391] : memref<10240x64xf32, #tpu.memory_space<vmem_shared>> -> memref<10240x64xf32, #tpu.memory_space<vmem_shared>>
      tpu.wait_indirect_dma semaphore(%arg20 : memref<!tpu.dma_semaphore, #tpu.memory_space<semaphore_mem>>) src(%arg11 : memref<125x64xf32, #tpu.memory_space<vmem>>) dst(%dma_wait3A_1392 : memref<10240x64xf32, #tpu.memory_space<vmem_shared>>)
      %add3A_1393 = arith.constant 8 : i32
      %add3A_1394 = arith.addi %mul3A_1230, %add3A_1393 : i32
      %add3A_1395 = arith.constant 0 : i32
      %add3A_1396 = arith.addi %add3A_1394, %add3A_1395 : i32
      %dma_start3A_1397 = arith.constant 0 : i32
      %dma_start3A_1398 = tpu.memref_slice %arg6[%add3A_1396, %dma_start3A_1397] : memref<40x125xi32, #tpu.memory_space<vmem>> -> memref<1x125xi32, #tpu.memory_space<vmem>>
      %dma_start3A_1399 = tpu.memref_squeeze %dma_start3A_1398 : memref<1x125xi32, #tpu.memory_space<vmem>> -> memref<125xi32, #tpu.memory_space<vmem>>
      %dma_start3A_1400 = arith.constant 0 : i32
      %dma_start3A_1401 = arith.constant 0 : i32
      %dma_start3A_1402 = tpu.memref_slice %arg2[%arg0, %dma_start3A_1400, %dma_start3A_1401] : memref<2x10000x64xf32, #tpu.memory_space<hbm>> -> memref<1x10000x64xf32, #tpu.memory_space<hbm>>
      %dma_start3A_1403 = tpu.memref_squeeze %dma_start3A_1402 : memref<1x10000x64xf32, #tpu.memory_space<hbm>> -> memref<10000x64xf32, #tpu.memory_space<hbm>>
      %dma_start3A_1404 = arith.constant 0 : i32
      %dma_start3A_1405 = arith.constant 0 : i32
      %dma_start3A_1406 = tpu.memref_slice %dma_start3A_1403[%dma_start3A_1404, %dma_start3A_1405] : memref<10000x64xf32, #tpu.memory_space<hbm>> -> memref<10000x64xf32, #tpu.memory_space<hbm>>
      tpu.enqueue_indirect_dma source(%dma_start3A_1406 : memref<10000x64xf32, #tpu.memory_space<hbm>>) target(%arg8 : memref<125x64xf32, #tpu.memory_space<vmem>>) offsets(%dma_start3A_1399 : memref<125xi32, #tpu.memory_space<vmem>>) semaphore(%arg18 : memref<!tpu.dma_semaphore, #tpu.memory_space<semaphore_mem>>)
      %add3A_1407 = arith.constant 1 : i32
      %add3A_1408 = arith.addi %add3A_1394, %add3A_1407 : i32
      %dma_start3A_1409 = arith.constant 0 : i32
      %dma_start3A_1410 = tpu.memref_slice %arg6[%add3A_1408, %dma_start3A_1409] : memref<40x125xi32, #tpu.memory_space<vmem>> -> memref<1x125xi32, #tpu.memory_space<vmem>>
      %dma_start3A_1411 = tpu.memref_squeeze %dma_start3A_1410 : memref<1x125xi32, #tpu.memory_space<vmem>> -> memref<125xi32, #tpu.memory_space<vmem>>
      %dma_start3A_1412 = arith.constant 0 : i32
      %dma_start3A_1413 = arith.constant 0 : i32
      %dma_start3A_1414 = tpu.memref_slice %arg2[%arg0, %dma_start3A_1412, %dma_start3A_1413] : memref<2x10000x64xf32, #tpu.memory_space<hbm>> -> memref<1x10000x64xf32, #tpu.memory_space<hbm>>
      %dma_start3A_1415 = tpu.memref_squeeze %dma_start3A_1414 : memref<1x10000x64xf32, #tpu.memory_space<hbm>> -> memref<10000x64xf32, #tpu.memory_space<hbm>>
      %dma_start3A_1416 = arith.constant 0 : i32
      %dma_start3A_1417 = arith.constant 0 : i32
      %dma_start3A_1418 = tpu.memref_slice %dma_start3A_1415[%dma_start3A_1416, %dma_start3A_1417] : memref<10000x64xf32, #tpu.memory_space<hbm>> -> memref<10000x64xf32, #tpu.memory_space<hbm>>
      tpu.enqueue_indirect_dma source(%dma_start3A_1418 : memref<10000x64xf32, #tpu.memory_space<hbm>>) target(%arg9 : memref<125x64xf32, #tpu.memory_space<vmem>>) offsets(%dma_start3A_1411 : memref<125xi32, #tpu.memory_space<vmem>>) semaphore(%arg18 : memref<!tpu.dma_semaphore, #tpu.memory_space<semaphore_mem>>)
      %add3A_1419 = arith.constant 2 : i32
      %add3A_1420 = arith.addi %add3A_1394, %add3A_1419 : i32
      %dma_start3A_1421 = arith.constant 0 : i32
      %dma_start3A_1422 = tpu.memref_slice %arg6[%add3A_1420, %dma_start3A_1421] : memref<40x125xi32, #tpu.memory_space<vmem>> -> memref<1x125xi32, #tpu.memory_space<vmem>>
      %dma_start3A_1423 = tpu.memref_squeeze %dma_start3A_1422 : memref<1x125xi32, #tpu.memory_space<vmem>> -> memref<125xi32, #tpu.memory_space<vmem>>
      %dma_start3A_1424 = arith.constant 0 : i32
      %dma_start3A_1425 = arith.constant 0 : i32
      %dma_start3A_1426 = tpu.memref_slice %arg2[%arg0, %dma_start3A_1424, %dma_start3A_1425] : memref<2x10000x64xf32, #tpu.memory_space<hbm>> -> memref<1x10000x64xf32, #tpu.memory_space<hbm>>
      %dma_start3A_1427 = tpu.memref_squeeze %dma_start3A_1426 : memref<1x10000x64xf32, #tpu.memory_space<hbm>> -> memref<10000x64xf32, #tpu.memory_space<hbm>>
      %dma_start3A_1428 = arith.constant 0 : i32
      %dma_start3A_1429 = arith.constant 0 : i32
      %dma_start3A_1430 = tpu.memref_slice %dma_start3A_1427[%dma_start3A_1428, %dma_start3A_1429] : memref<10000x64xf32, #tpu.memory_space<hbm>> -> memref<10000x64xf32, #tpu.memory_space<hbm>>
      tpu.enqueue_indirect_dma source(%dma_start3A_1430 : memref<10000x64xf32, #tpu.memory_space<hbm>>) target(%arg10 : memref<125x64xf32, #tpu.memory_space<vmem>>) offsets(%dma_start3A_1423 : memref<125xi32, #tpu.memory_space<vmem>>) semaphore(%arg18 : memref<!tpu.dma_semaphore, #tpu.memory_space<semaphore_mem>>)
      %add3A_1431 = arith.constant 3 : i32
      %add3A_1432 = arith.addi %add3A_1394, %add3A_1431 : i32
      %dma_start3A_1433 = arith.constant 0 : i32
      %dma_start3A_1434 = tpu.memref_slice %arg6[%add3A_1432, %dma_start3A_1433] : memref<40x125xi32, #tpu.memory_space<vmem>> -> memref<1x125xi32, #tpu.memory_space<vmem>>
      %dma_start3A_1435 = tpu.memref_squeeze %dma_start3A_1434 : memref<1x125xi32, #tpu.memory_space<vmem>> -> memref<125xi32, #tpu.memory_space<vmem>>
      %dma_start3A_1436 = arith.constant 0 : i32
      %dma_start3A_1437 = arith.constant 0 : i32
      %dma_start3A_1438 = tpu.memref_slice %arg2[%arg0, %dma_start3A_1436, %dma_start3A_1437] : memref<2x10000x64xf32, #tpu.memory_space<hbm>> -> memref<1x10000x64xf32, #tpu.memory_space<hbm>>
      %dma_start3A_1439 = tpu.memref_squeeze %dma_start3A_1438 : memref<1x10000x64xf32, #tpu.memory_space<hbm>> -> memref<10000x64xf32, #tpu.memory_space<hbm>>
      %dma_start3A_1440 = arith.constant 0 : i32
      %dma_start3A_1441 = arith.constant 0 : i32
      %dma_start3A_1442 = tpu.memref_slice %dma_start3A_1439[%dma_start3A_1440, %dma_start3A_1441] : memref<10000x64xf32, #tpu.memory_space<hbm>> -> memref<10000x64xf32, #tpu.memory_space<hbm>>
      tpu.enqueue_indirect_dma source(%dma_start3A_1442 : memref<10000x64xf32, #tpu.memory_space<hbm>>) target(%arg11 : memref<125x64xf32, #tpu.memory_space<vmem>>) offsets(%dma_start3A_1435 : memref<125xi32, #tpu.memory_space<vmem>>) semaphore(%arg18 : memref<!tpu.dma_semaphore, #tpu.memory_space<semaphore_mem>>)
      %add3A_1443 = arith.constant 4 : i32
      %add3A_1444 = arith.addi %mul3A_1230, %add3A_1443 : i32
      %add3A_1445 = arith.constant 0 : i32
      %add3A_1446 = arith.addi %add3A_1444, %add3A_1445 : i32
      %dma_wait3A_1447 = arith.constant 0 : i32
      %dma_wait3A_1448 = tpu.memref_slice %arg6[%add3A_1446, %dma_wait3A_1447] : memref<40x125xi32, #tpu.memory_space<vmem>> -> memref<1x125xi32, #tpu.memory_space<vmem>>
      %dma_wait3A_1449 = tpu.memref_squeeze %dma_wait3A_1448 : memref<1x125xi32, #tpu.memory_space<vmem>> -> memref<125xi32, #tpu.memory_space<vmem>>
      %dma_wait3A_1450 = arith.constant 0 : i32
      %dma_wait3A_1451 = arith.constant 0 : i32
      %dma_wait3A_1452 = tpu.memref_slice %arg2[%arg0, %dma_wait3A_1450, %dma_wait3A_1451] : memref<2x10000x64xf32, #tpu.memory_space<hbm>> -> memref<1x10000x64xf32, #tpu.memory_space<hbm>>
      %dma_wait3A_1453 = tpu.memref_squeeze %dma_wait3A_1452 : memref<1x10000x64xf32, #tpu.memory_space<hbm>> -> memref<10000x64xf32, #tpu.memory_space<hbm>>
      %dma_wait3A_1454 = arith.constant 0 : i32
      %dma_wait3A_1455 = arith.constant 0 : i32
      %dma_wait3A_1456 = tpu.memref_slice %dma_wait3A_1453[%dma_wait3A_1454, %dma_wait3A_1455] : memref<10000x64xf32, #tpu.memory_space<hbm>> -> memref<10000x64xf32, #tpu.memory_space<hbm>>
      tpu.wait_indirect_dma semaphore(%arg19 : memref<!tpu.dma_semaphore, #tpu.memory_space<semaphore_mem>>) src(%dma_wait3A_1456 : memref<10000x64xf32, #tpu.memory_space<hbm>>) dst(%arg12 : memref<125x64xf32, #tpu.memory_space<vmem>>)
      %add3A_1457 = arith.constant 1 : i32
      %add3A_1458 = arith.addi %add3A_1444, %add3A_1457 : i32
      %dma_wait3A_1459 = arith.constant 0 : i32
      %dma_wait3A_1460 = tpu.memref_slice %arg6[%add3A_1458, %dma_wait3A_1459] : memref<40x125xi32, #tpu.memory_space<vmem>> -> memref<1x125xi32, #tpu.memory_space<vmem>>
      %dma_wait3A_1461 = tpu.memref_squeeze %dma_wait3A_1460 : memref<1x125xi32, #tpu.memory_space<vmem>> -> memref<125xi32, #tpu.memory_space<vmem>>
      %dma_wait3A_1462 = arith.constant 0 : i32
      %dma_wait3A_1463 = arith.constant 0 : i32
      %dma_wait3A_1464 = tpu.memref_slice %arg2[%arg0, %dma_wait3A_1462, %dma_wait3A_1463] : memref<2x10000x64xf32, #tpu.memory_space<hbm>> -> memref<1x10000x64xf32, #tpu.memory_space<hbm>>
      %dma_wait3A_1465 = tpu.memref_squeeze %dma_wait3A_1464 : memref<1x10000x64xf32, #tpu.memory_space<hbm>> -> memref<10000x64xf32, #tpu.memory_space<hbm>>
      %dma_wait3A_1466 = arith.constant 0 : i32
      %dma_wait3A_1467 = arith.constant 0 : i32
      %dma_wait3A_1468 = tpu.memref_slice %dma_wait3A_1465[%dma_wait3A_1466, %dma_wait3A_1467] : memref<10000x64xf32, #tpu.memory_space<hbm>> -> memref<10000x64xf32, #tpu.memory_space<hbm>>
      tpu.wait_indirect_dma semaphore(%arg19 : memref<!tpu.dma_semaphore, #tpu.memory_space<semaphore_mem>>) src(%dma_wait3A_1468 : memref<10000x64xf32, #tpu.memory_space<hbm>>) dst(%arg13 : memref<125x64xf32, #tpu.memory_space<vmem>>)
      %add3A_1469 = arith.constant 2 : i32
      %add3A_1470 = arith.addi %add3A_1444, %add3A_1469 : i32
      %dma_wait3A_1471 = arith.constant 0 : i32
      %dma_wait3A_1472 = tpu.memref_slice %arg6[%add3A_1470, %dma_wait3A_1471] : memref<40x125xi32, #tpu.memory_space<vmem>> -> memref<1x125xi32, #tpu.memory_space<vmem>>
      %dma_wait3A_1473 = tpu.memref_squeeze %dma_wait3A_1472 : memref<1x125xi32, #tpu.memory_space<vmem>> -> memref<125xi32, #tpu.memory_space<vmem>>
      %dma_wait3A_1474 = arith.constant 0 : i32
      %dma_wait3A_1475 = arith.constant 0 : i32
      %dma_wait3A_1476 = tpu.memref_slice %arg2[%arg0, %dma_wait3A_1474, %dma_wait3A_1475] : memref<2x10000x64xf32, #tpu.memory_space<hbm>> -> memref<1x10000x64xf32, #tpu.memory_space<hbm>>
      %dma_wait3A_1477 = tpu.memref_squeeze %dma_wait3A_1476 : memref<1x10000x64xf32, #tpu.memory_space<hbm>> -> memref<10000x64xf32, #tpu.memory_space<hbm>>
      %dma_wait3A_1478 = arith.constant 0 : i32
      %dma_wait3A_1479 = arith.constant 0 : i32
      %dma_wait3A_1480 = tpu.memref_slice %dma_wait3A_1477[%dma_wait3A_1478, %dma_wait3A_1479] : memref<10000x64xf32, #tpu.memory_space<hbm>> -> memref<10000x64xf32, #tpu.memory_space<hbm>>
      tpu.wait_indirect_dma semaphore(%arg19 : memref<!tpu.dma_semaphore, #tpu.memory_space<semaphore_mem>>) src(%dma_wait3A_1480 : memref<10000x64xf32, #tpu.memory_space<hbm>>) dst(%arg14 : memref<125x64xf32, #tpu.memory_space<vmem>>)
      %add3A_1481 = arith.constant 3 : i32
      %add3A_1482 = arith.addi %add3A_1444, %add3A_1481 : i32
      %dma_wait3A_1483 = arith.constant 0 : i32
      %dma_wait3A_1484 = tpu.memref_slice %arg6[%add3A_1482, %dma_wait3A_1483] : memref<40x125xi32, #tpu.memory_space<vmem>> -> memref<1x125xi32, #tpu.memory_space<vmem>>
      %dma_wait3A_1485 = tpu.memref_squeeze %dma_wait3A_1484 : memref<1x125xi32, #tpu.memory_space<vmem>> -> memref<125xi32, #tpu.memory_space<vmem>>
      %dma_wait3A_1486 = arith.constant 0 : i32
      %dma_wait3A_1487 = arith.constant 0 : i32
      %dma_wait3A_1488 = tpu.memref_slice %arg2[%arg0, %dma_wait3A_1486, %dma_wait3A_1487] : memref<2x10000x64xf32, #tpu.memory_space<hbm>> -> memref<1x10000x64xf32, #tpu.memory_space<hbm>>
      %dma_wait3A_1489 = tpu.memref_squeeze %dma_wait3A_1488 : memref<1x10000x64xf32, #tpu.memory_space<hbm>> -> memref<10000x64xf32, #tpu.memory_space<hbm>>
      %dma_wait3A_1490 = arith.constant 0 : i32
      %dma_wait3A_1491 = arith.constant 0 : i32
      %dma_wait3A_1492 = tpu.memref_slice %dma_wait3A_1489[%dma_wait3A_1490, %dma_wait3A_1491] : memref<10000x64xf32, #tpu.memory_space<hbm>> -> memref<10000x64xf32, #tpu.memory_space<hbm>>
      tpu.wait_indirect_dma semaphore(%arg19 : memref<!tpu.dma_semaphore, #tpu.memory_space<semaphore_mem>>) src(%dma_wait3A_1492 : memref<10000x64xf32, #tpu.memory_space<hbm>>) dst(%arg15 : memref<125x64xf32, #tpu.memory_space<vmem>>)
      %add3A_1493 = arith.constant 4 : i32
      %add3A_1494 = arith.addi %mul3A_1230, %add3A_1493 : i32
      %add3A_1495 = arith.constant 0 : i32
      %add3A_1496 = arith.addi %add3A_1494, %add3A_1495 : i32
      %dma_start3A_1497 = arith.constant 0 : i32
      %dma_start3A_1498 = tpu.memref_slice %arg7[%add3A_1496, %dma_start3A_1497] : memref<40x125xi32, #tpu.memory_space<vmem>> -> memref<1x125xi32, #tpu.memory_space<vmem>>
      %dma_start3A_1499 = tpu.memref_squeeze %dma_start3A_1498 : memref<1x125xi32, #tpu.memory_space<vmem>> -> memref<125xi32, #tpu.memory_space<vmem>>
      %dma_start3A_1500 = arith.constant 0 : i32
      %dma_start3A_1501 = arith.constant 0 : i32
      %dma_start3A_1502 = tpu.memref_slice %arg17[%dma_start3A_1500, %dma_start3A_1501] : memref<10240x64xf32, #tpu.memory_space<vmem_shared>> -> memref<10240x64xf32, #tpu.memory_space<vmem_shared>>
      tpu.enqueue_indirect_dma source(%arg12 : memref<125x64xf32, #tpu.memory_space<vmem>>) target(%dma_start3A_1502 : memref<10240x64xf32, #tpu.memory_space<vmem_shared>>) offsets(%dma_start3A_1499 : memref<125xi32, #tpu.memory_space<vmem>>) semaphore(%arg20 : memref<!tpu.dma_semaphore, #tpu.memory_space<semaphore_mem>>) {add = true}
      %add3A_1503 = arith.constant 1 : i32
      %add3A_1504 = arith.addi %add3A_1494, %add3A_1503 : i32
      %dma_start3A_1505 = arith.constant 0 : i32
      %dma_start3A_1506 = tpu.memref_slice %arg7[%add3A_1504, %dma_start3A_1505] : memref<40x125xi32, #tpu.memory_space<vmem>> -> memref<1x125xi32, #tpu.memory_space<vmem>>
      %dma_start3A_1507 = tpu.memref_squeeze %dma_start3A_1506 : memref<1x125xi32, #tpu.memory_space<vmem>> -> memref<125xi32, #tpu.memory_space<vmem>>
      %dma_start3A_1508 = arith.constant 0 : i32
      %dma_start3A_1509 = arith.constant 0 : i32
      %dma_start3A_1510 = tpu.memref_slice %arg17[%dma_start3A_1508, %dma_start3A_1509] : memref<10240x64xf32, #tpu.memory_space<vmem_shared>> -> memref<10240x64xf32, #tpu.memory_space<vmem_shared>>
      tpu.enqueue_indirect_dma source(%arg13 : memref<125x64xf32, #tpu.memory_space<vmem>>) target(%dma_start3A_1510 : memref<10240x64xf32, #tpu.memory_space<vmem_shared>>) offsets(%dma_start3A_1507 : memref<125xi32, #tpu.memory_space<vmem>>) semaphore(%arg20 : memref<!tpu.dma_semaphore, #tpu.memory_space<semaphore_mem>>) {add = true}
      %add3A_1511 = arith.constant 2 : i32
      %add3A_1512 = arith.addi %add3A_1494, %add3A_1511 : i32
      %dma_start3A_1513 = arith.constant 0 : i32
      %dma_start3A_1514 = tpu.memref_slice %arg7[%add3A_1512, %dma_start3A_1513] : memref<40x125xi32, #tpu.memory_space<vmem>> -> memref<1x125xi32, #tpu.memory_space<vmem>>
      %dma_start3A_1515 = tpu.memref_squeeze %dma_start3A_1514 : memref<1x125xi32, #tpu.memory_space<vmem>> -> memref<125xi32, #tpu.memory_space<vmem>>
      %dma_start3A_1516 = arith.constant 0 : i32
      %dma_start3A_1517 = arith.constant 0 : i32
      %dma_start3A_1518 = tpu.memref_slice %arg17[%dma_start3A_1516, %dma_start3A_1517] : memref<10240x64xf32, #tpu.memory_space<vmem_shared>> -> memref<10240x64xf32, #tpu.memory_space<vmem_shared>>
      tpu.enqueue_indirect_dma source(%arg14 : memref<125x64xf32, #tpu.memory_space<vmem>>) target(%dma_start3A_1518 : memref<10240x64xf32, #tpu.memory_space<vmem_shared>>) offsets(%dma_start3A_1515 : memref<125xi32, #tpu.memory_space<vmem>>) semaphore(%arg20 : memref<!tpu.dma_semaphore, #tpu.memory_space<semaphore_mem>>) {add = true}
      %add3A_1519 = arith.constant 3 : i32
      %add3A_1520 = arith.addi %add3A_1494, %add3A_1519 : i32
      %dma_start3A_1521 = arith.constant 0 : i32
      %dma_start3A_1522 = tpu.memref_slice %arg7[%add3A_1520, %dma_start3A_1521] : memref<40x125xi32, #tpu.memory_space<vmem>> -> memref<1x125xi32, #tpu.memory_space<vmem>>
      %dma_start3A_1523 = tpu.memref_squeeze %dma_start3A_1522 : memref<1x125xi32, #tpu.memory_space<vmem>> -> memref<125xi32, #tpu.memory_space<vmem>>
      %dma_start3A_1524 = arith.constant 0 : i32
      %dma_start3A_1525 = arith.constant 0 : i32
      %dma_start3A_1526 = tpu.memref_slice %arg17[%dma_start3A_1524, %dma_start3A_1525] : memref<10240x64xf32, #tpu.memory_space<vmem_shared>> -> memref<10240x64xf32, #tpu.memory_space<vmem_shared>>
      tpu.enqueue_indirect_dma source(%arg15 : memref<125x64xf32, #tpu.memory_space<vmem>>) target(%dma_start3A_1526 : memref<10240x64xf32, #tpu.memory_space<vmem_shared>>) offsets(%dma_start3A_1523 : memref<125xi32, #tpu.memory_space<vmem>>) semaphore(%arg20 : memref<!tpu.dma_semaphore, #tpu.memory_space<semaphore_mem>>) {add = true}
      %add3A_1527 = arith.constant 4 : i32
      %add3A_1528 = arith.addi %mul3A_1230, %add3A_1527 : i32
      %add3A_1529 = arith.constant 0 : i32
      %add3A_1530 = arith.addi %add3A_1528, %add3A_1529 : i32
      %dma_wait3A_1531 = arith.constant 0 : i32
      %dma_wait3A_1532 = tpu.memref_slice %arg7[%add3A_1530, %dma_wait3A_1531] : memref<40x125xi32, #tpu.memory_space<vmem>> -> memref<1x125xi32, #tpu.memory_space<vmem>>
      %dma_wait3A_1533 = tpu.memref_squeeze %dma_wait3A_1532 : memref<1x125xi32, #tpu.memory_space<vmem>> -> memref<125xi32, #tpu.memory_space<vmem>>
      %dma_wait3A_1534 = arith.constant 0 : i32
      %dma_wait3A_1535 = arith.constant 0 : i32
      %dma_wait3A_1536 = tpu.memref_slice %arg17[%dma_wait3A_1534, %dma_wait3A_1535] : memref<10240x64xf32, #tpu.memory_space<vmem_shared>> -> memref<10240x64xf32, #tpu.memory_space<vmem_shared>>
      tpu.wait_indirect_dma semaphore(%arg20 : memref<!tpu.dma_semaphore, #tpu.memory_space<semaphore_mem>>) src(%arg12 : memref<125x64xf32, #tpu.memory_space<vmem>>) dst(%dma_wait3A_1536 : memref<10240x64xf32, #tpu.memory_space<vmem_shared>>)
      %add3A_1537 = arith.constant 1 : i32
      %add3A_1538 = arith.addi %add3A_1528, %add3A_1537 : i32
      %dma_wait3A_1539 = arith.constant 0 : i32
      %dma_wait3A_1540 = tpu.memref_slice %arg7[%add3A_1538, %dma_wait3A_1539] : memref<40x125xi32, #tpu.memory_space<vmem>> -> memref<1x125xi32, #tpu.memory_space<vmem>>
      %dma_wait3A_1541 = tpu.memref_squeeze %dma_wait3A_1540 : memref<1x125xi32, #tpu.memory_space<vmem>> -> memref<125xi32, #tpu.memory_space<vmem>>
      %dma_wait3A_1542 = arith.constant 0 : i32
      %dma_wait3A_1543 = arith.constant 0 : i32
      %dma_wait3A_1544 = tpu.memref_slice %arg17[%dma_wait3A_1542, %dma_wait3A_1543] : memref<10240x64xf32, #tpu.memory_space<vmem_shared>> -> memref<10240x64xf32, #tpu.memory_space<vmem_shared>>
      tpu.wait_indirect_dma semaphore(%arg20 : memref<!tpu.dma_semaphore, #tpu.memory_space<semaphore_mem>>) src(%arg13 : memref<125x64xf32, #tpu.memory_space<vmem>>) dst(%dma_wait3A_1544 : memref<10240x64xf32, #tpu.memory_space<vmem_shared>>)
      %add3A_1545 = arith.constant 2 : i32
      %add3A_1546 = arith.addi %add3A_1528, %add3A_1545 : i32
      %dma_wait3A_1547 = arith.constant 0 : i32
      %dma_wait3A_1548 = tpu.memref_slice %arg7[%add3A_1546, %dma_wait3A_1547] : memref<40x125xi32, #tpu.memory_space<vmem>> -> memref<1x125xi32, #tpu.memory_space<vmem>>
      %dma_wait3A_1549 = tpu.memref_squeeze %dma_wait3A_1548 : memref<1x125xi32, #tpu.memory_space<vmem>> -> memref<125xi32, #tpu.memory_space<vmem>>
      %dma_wait3A_1550 = arith.constant 0 : i32
      %dma_wait3A_1551 = arith.constant 0 : i32
      %dma_wait3A_1552 = tpu.memref_slice %arg17[%dma_wait3A_1550, %dma_wait3A_1551] : memref<10240x64xf32, #tpu.memory_space<vmem_shared>> -> memref<10240x64xf32, #tpu.memory_space<vmem_shared>>
      tpu.wait_indirect_dma semaphore(%arg20 : memref<!tpu.dma_semaphore, #tpu.memory_space<semaphore_mem>>) src(%arg14 : memref<125x64xf32, #tpu.memory_space<vmem>>) dst(%dma_wait3A_1552 : memref<10240x64xf32, #tpu.memory_space<vmem_shared>>)
      %add3A_1553 = arith.constant 3 : i32
      %add3A_1554 = arith.addi %add3A_1528, %add3A_1553 : i32
      %dma_wait3A_1555 = arith.constant 0 : i32
      %dma_wait3A_1556 = tpu.memref_slice %arg7[%add3A_1554, %dma_wait3A_1555] : memref<40x125xi32, #tpu.memory_space<vmem>> -> memref<1x125xi32, #tpu.memory_space<vmem>>
      %dma_wait3A_1557 = tpu.memref_squeeze %dma_wait3A_1556 : memref<1x125xi32, #tpu.memory_space<vmem>> -> memref<125xi32, #tpu.memory_space<vmem>>
      %dma_wait3A_1558 = arith.constant 0 : i32
      %dma_wait3A_1559 = arith.constant 0 : i32
      %dma_wait3A_1560 = tpu.memref_slice %arg17[%dma_wait3A_1558, %dma_wait3A_1559] : memref<10240x64xf32, #tpu.memory_space<vmem_shared>> -> memref<10240x64xf32, #tpu.memory_space<vmem_shared>>
      tpu.wait_indirect_dma semaphore(%arg20 : memref<!tpu.dma_semaphore, #tpu.memory_space<semaphore_mem>>) src(%arg15 : memref<125x64xf32, #tpu.memory_space<vmem>>) dst(%dma_wait3A_1560 : memref<10240x64xf32, #tpu.memory_space<vmem_shared>>)
    }
    %scan3A_373 = arith.constant 4 : i32
    %dma_start3A_374 = arith.constant 36 : i32
    %dma_start3A_375 = arith.constant 0 : i32
    %dma_start3A_376 = tpu.memref_slice %arg6[%dma_start3A_374, %dma_start3A_375] : memref<40x125xi32, #tpu.memory_space<vmem>> -> memref<1x125xi32, #tpu.memory_space<vmem>>
    %dma_start3A_377 = tpu.memref_squeeze %dma_start3A_376 : memref<1x125xi32, #tpu.memory_space<vmem>> -> memref<125xi32, #tpu.memory_space<vmem>>
    %dma_start3A_378 = arith.constant 0 : i32
    %dma_start3A_379 = arith.constant 0 : i32
    %dma_start3A_380 = tpu.memref_slice %arg2[%arg0, %dma_start3A_378, %dma_start3A_379] : memref<2x10000x64xf32, #tpu.memory_space<hbm>> -> memref<1x10000x64xf32, #tpu.memory_space<hbm>>
    %dma_start3A_381 = tpu.memref_squeeze %dma_start3A_380 : memref<1x10000x64xf32, #tpu.memory_space<hbm>> -> memref<10000x64xf32, #tpu.memory_space<hbm>>
    %dma_start3A_382 = arith.constant 0 : i32
    %dma_start3A_383 = arith.constant 0 : i32
    %dma_start3A_384 = tpu.memref_slice %dma_start3A_381[%dma_start3A_382, %dma_start3A_383] : memref<10000x64xf32, #tpu.memory_space<hbm>> -> memref<10000x64xf32, #tpu.memory_space<hbm>>
    tpu.enqueue_indirect_dma source(%dma_start3A_384 : memref<10000x64xf32, #tpu.memory_space<hbm>>) target(%arg12 : memref<125x64xf32, #tpu.memory_space<vmem>>) offsets(%dma_start3A_377 : memref<125xi32, #tpu.memory_space<vmem>>) semaphore(%arg19 : memref<!tpu.dma_semaphore, #tpu.memory_space<semaphore_mem>>)
    %dma_start3A_385 = arith.constant 37 : i32
    %dma_start3A_386 = arith.constant 0 : i32
    %dma_start3A_387 = tpu.memref_slice %arg6[%dma_start3A_385, %dma_start3A_386] : memref<40x125xi32, #tpu.memory_space<vmem>> -> memref<1x125xi32, #tpu.memory_space<vmem>>
    %dma_start3A_388 = tpu.memref_squeeze %dma_start3A_387 : memref<1x125xi32, #tpu.memory_space<vmem>> -> memref<125xi32, #tpu.memory_space<vmem>>
    %dma_start3A_389 = arith.constant 0 : i32
    %dma_start3A_390 = arith.constant 0 : i32
    %dma_start3A_391 = tpu.memref_slice %arg2[%arg0, %dma_start3A_389, %dma_start3A_390] : memref<2x10000x64xf32, #tpu.memory_space<hbm>> -> memref<1x10000x64xf32, #tpu.memory_space<hbm>>
    %dma_start3A_392 = tpu.memref_squeeze %dma_start3A_391 : memref<1x10000x64xf32, #tpu.memory_space<hbm>> -> memref<10000x64xf32, #tpu.memory_space<hbm>>
    %dma_start3A_393 = arith.constant 0 : i32
    %dma_start3A_394 = arith.constant 0 : i32
    %dma_start3A_395 = tpu.memref_slice %dma_start3A_392[%dma_start3A_393, %dma_start3A_394] : memref<10000x64xf32, #tpu.memory_space<hbm>> -> memref<10000x64xf32, #tpu.memory_space<hbm>>
    tpu.enqueue_indirect_dma source(%dma_start3A_395 : memref<10000x64xf32, #tpu.memory_space<hbm>>) target(%arg13 : memref<125x64xf32, #tpu.memory_space<vmem>>) offsets(%dma_start3A_388 : memref<125xi32, #tpu.memory_space<vmem>>) semaphore(%arg19 : memref<!tpu.dma_semaphore, #tpu.memory_space<semaphore_mem>>)
    %dma_start3A_396 = arith.constant 38 : i32
    %dma_start3A_397 = arith.constant 0 : i32
    %dma_start3A_398 = tpu.memref_slice %arg6[%dma_start3A_396, %dma_start3A_397] : memref<40x125xi32, #tpu.memory_space<vmem>> -> memref<1x125xi32, #tpu.memory_space<vmem>>
    %dma_start3A_399 = tpu.memref_squeeze %dma_start3A_398 : memref<1x125xi32, #tpu.memory_space<vmem>> -> memref<125xi32, #tpu.memory_space<vmem>>
    %dma_start3A_400 = arith.constant 0 : i32
    %dma_start3A_401 = arith.constant 0 : i32
    %dma_start3A_402 = tpu.memref_slice %arg2[%arg0, %dma_start3A_400, %dma_start3A_401] : memref<2x10000x64xf32, #tpu.memory_space<hbm>> -> memref<1x10000x64xf32, #tpu.memory_space<hbm>>
    %dma_start3A_403 = tpu.memref_squeeze %dma_start3A_402 : memref<1x10000x64xf32, #tpu.memory_space<hbm>> -> memref<10000x64xf32, #tpu.memory_space<hbm>>
    %dma_start3A_404 = arith.constant 0 : i32
    %dma_start3A_405 = arith.constant 0 : i32
    %dma_start3A_406 = tpu.memref_slice %dma_start3A_403[%dma_start3A_404, %dma_start3A_405] : memref<10000x64xf32, #tpu.memory_space<hbm>> -> memref<10000x64xf32, #tpu.memory_space<hbm>>
    tpu.enqueue_indirect_dma source(%dma_start3A_406 : memref<10000x64xf32, #tpu.memory_space<hbm>>) target(%arg14 : memref<125x64xf32, #tpu.memory_space<vmem>>) offsets(%dma_start3A_399 : memref<125xi32, #tpu.memory_space<vmem>>) semaphore(%arg19 : memref<!tpu.dma_semaphore, #tpu.memory_space<semaphore_mem>>)
    %dma_start3A_407 = arith.constant 39 : i32
    %dma_start3A_408 = arith.constant 0 : i32
    %dma_start3A_409 = tpu.memref_slice %arg6[%dma_start3A_407, %dma_start3A_408] : memref<40x125xi32, #tpu.memory_space<vmem>> -> memref<1x125xi32, #tpu.memory_space<vmem>>
    %dma_start3A_410 = tpu.memref_squeeze %dma_start3A_409 : memref<1x125xi32, #tpu.memory_space<vmem>> -> memref<125xi32, #tpu.memory_space<vmem>>
    %dma_start3A_411 = arith.constant 0 : i32
    %dma_start3A_412 = arith.constant 0 : i32
    %dma_start3A_413 = tpu.memref_slice %arg2[%arg0, %dma_start3A_411, %dma_start3A_412] : memref<2x10000x64xf32, #tpu.memory_space<hbm>> -> memref<1x10000x64xf32, #tpu.memory_space<hbm>>
    %dma_start3A_414 = tpu.memref_squeeze %dma_start3A_413 : memref<1x10000x64xf32, #tpu.memory_space<hbm>> -> memref<10000x64xf32, #tpu.memory_space<hbm>>
    %dma_start3A_415 = arith.constant 0 : i32
    %dma_start3A_416 = arith.constant 0 : i32
    %dma_start3A_417 = tpu.memref_slice %dma_start3A_414[%dma_start3A_415, %dma_start3A_416] : memref<10000x64xf32, #tpu.memory_space<hbm>> -> memref<10000x64xf32, #tpu.memory_space<hbm>>
    tpu.enqueue_indirect_dma source(%dma_start3A_417 : memref<10000x64xf32, #tpu.memory_space<hbm>>) target(%arg15 : memref<125x64xf32, #tpu.memory_space<vmem>>) offsets(%dma_start3A_410 : memref<125xi32, #tpu.memory_space<vmem>>) semaphore(%arg19 : memref<!tpu.dma_semaphore, #tpu.memory_space<semaphore_mem>>)
    %dma_wait3A_418 = arith.constant 32 : i32
    %dma_wait3A_419 = arith.constant 0 : i32
    %dma_wait3A_420 = tpu.memref_slice %arg6[%dma_wait3A_418, %dma_wait3A_419] : memref<40x125xi32, #tpu.memory_space<vmem>> -> memref<1x125xi32, #tpu.memory_space<vmem>>
    %dma_wait3A_421 = tpu.memref_squeeze %dma_wait3A_420 : memref<1x125xi32, #tpu.memory_space<vmem>> -> memref<125xi32, #tpu.memory_space<vmem>>
    %dma_wait3A_422 = arith.constant 0 : i32
    %dma_wait3A_423 = arith.constant 0 : i32
    %dma_wait3A_424 = tpu.memref_slice %arg2[%arg0, %dma_wait3A_422, %dma_wait3A_423] : memref<2x10000x64xf32, #tpu.memory_space<hbm>> -> memref<1x10000x64xf32, #tpu.memory_space<hbm>>
    %dma_wait3A_425 = tpu.memref_squeeze %dma_wait3A_424 : memref<1x10000x64xf32, #tpu.memory_space<hbm>> -> memref<10000x64xf32, #tpu.memory_space<hbm>>
    %dma_wait3A_426 = arith.constant 0 : i32
    %dma_wait3A_427 = arith.constant 0 : i32
    %dma_wait3A_428 = tpu.memref_slice %dma_wait3A_425[%dma_wait3A_426, %dma_wait3A_427] : memref<10000x64xf32, #tpu.memory_space<hbm>> -> memref<10000x64xf32, #tpu.memory_space<hbm>>
    tpu.wait_indirect_dma semaphore(%arg18 : memref<!tpu.dma_semaphore, #tpu.memory_space<semaphore_mem>>) src(%dma_wait3A_428 : memref<10000x64xf32, #tpu.memory_space<hbm>>) dst(%arg8 : memref<125x64xf32, #tpu.memory_space<vmem>>)
    %dma_wait3A_429 = arith.constant 33 : i32
    %dma_wait3A_430 = arith.constant 0 : i32
    %dma_wait3A_431 = tpu.memref_slice %arg6[%dma_wait3A_429, %dma_wait3A_430] : memref<40x125xi32, #tpu.memory_space<vmem>> -> memref<1x125xi32, #tpu.memory_space<vmem>>
    %dma_wait3A_432 = tpu.memref_squeeze %dma_wait3A_431 : memref<1x125xi32, #tpu.memory_space<vmem>> -> memref<125xi32, #tpu.memory_space<vmem>>
    %dma_wait3A_433 = arith.constant 0 : i32
    %dma_wait3A_434 = arith.constant 0 : i32
    %dma_wait3A_435 = tpu.memref_slice %arg2[%arg0, %dma_wait3A_433, %dma_wait3A_434] : memref<2x10000x64xf32, #tpu.memory_space<hbm>> -> memref<1x10000x64xf32, #tpu.memory_space<hbm>>
    %dma_wait3A_436 = tpu.memref_squeeze %dma_wait3A_435 : memref<1x10000x64xf32, #tpu.memory_space<hbm>> -> memref<10000x64xf32, #tpu.memory_space<hbm>>
    %dma_wait3A_437 = arith.constant 0 : i32
    %dma_wait3A_438 = arith.constant 0 : i32
    %dma_wait3A_439 = tpu.memref_slice %dma_wait3A_436[%dma_wait3A_437, %dma_wait3A_438] : memref<10000x64xf32, #tpu.memory_space<hbm>> -> memref<10000x64xf32, #tpu.memory_space<hbm>>
    tpu.wait_indirect_dma semaphore(%arg18 : memref<!tpu.dma_semaphore, #tpu.memory_space<semaphore_mem>>) src(%dma_wait3A_439 : memref<10000x64xf32, #tpu.memory_space<hbm>>) dst(%arg9 : memref<125x64xf32, #tpu.memory_space<vmem>>)
    %dma_wait3A_440 = arith.constant 34 : i32
    %dma_wait3A_441 = arith.constant 0 : i32
    %dma_wait3A_442 = tpu.memref_slice %arg6[%dma_wait3A_440, %dma_wait3A_441] : memref<40x125xi32, #tpu.memory_space<vmem>> -> memref<1x125xi32, #tpu.memory_space<vmem>>
    %dma_wait3A_443 = tpu.memref_squeeze %dma_wait3A_442 : memref<1x125xi32, #tpu.memory_space<vmem>> -> memref<125xi32, #tpu.memory_space<vmem>>
    %dma_wait3A_444 = arith.constant 0 : i32
    %dma_wait3A_445 = arith.constant 0 : i32
    %dma_wait3A_446 = tpu.memref_slice %arg2[%arg0, %dma_wait3A_444, %dma_wait3A_445] : memref<2x10000x64xf32, #tpu.memory_space<hbm>> -> memref<1x10000x64xf32, #tpu.memory_space<hbm>>
    %dma_wait3A_447 = tpu.memref_squeeze %dma_wait3A_446 : memref<1x10000x64xf32, #tpu.memory_space<hbm>> -> memref<10000x64xf32, #tpu.memory_space<hbm>>
    %dma_wait3A_448 = arith.constant 0 : i32
    %dma_wait3A_449 = arith.constant 0 : i32
    %dma_wait3A_450 = tpu.memref_slice %dma_wait3A_447[%dma_wait3A_448, %dma_wait3A_449] : memref<10000x64xf32, #tpu.memory_space<hbm>> -> memref<10000x64xf32, #tpu.memory_space<hbm>>
    tpu.wait_indirect_dma semaphore(%arg18 : memref<!tpu.dma_semaphore, #tpu.memory_space<semaphore_mem>>) src(%dma_wait3A_450 : memref<10000x64xf32, #tpu.memory_space<hbm>>) dst(%arg10 : memref<125x64xf32, #tpu.memory_space<vmem>>)
    %dma_wait3A_451 = arith.constant 35 : i32
    %dma_wait3A_452 = arith.constant 0 : i32
    %dma_wait3A_453 = tpu.memref_slice %arg6[%dma_wait3A_451, %dma_wait3A_452] : memref<40x125xi32, #tpu.memory_space<vmem>> -> memref<1x125xi32, #tpu.memory_space<vmem>>
    %dma_wait3A_454 = tpu.memref_squeeze %dma_wait3A_453 : memref<1x125xi32, #tpu.memory_space<vmem>> -> memref<125xi32, #tpu.memory_space<vmem>>
    %dma_wait3A_455 = arith.constant 0 : i32
    %dma_wait3A_456 = arith.constant 0 : i32
    %dma_wait3A_457 = tpu.memref_slice %arg2[%arg0, %dma_wait3A_455, %dma_wait3A_456] : memref<2x10000x64xf32, #tpu.memory_space<hbm>> -> memref<1x10000x64xf32, #tpu.memory_space<hbm>>
    %dma_wait3A_458 = tpu.memref_squeeze %dma_wait3A_457 : memref<1x10000x64xf32, #tpu.memory_space<hbm>> -> memref<10000x64xf32, #tpu.memory_space<hbm>>
    %dma_wait3A_459 = arith.constant 0 : i32
    %dma_wait3A_460 = arith.constant 0 : i32
    %dma_wait3A_461 = tpu.memref_slice %dma_wait3A_458[%dma_wait3A_459, %dma_wait3A_460] : memref<10000x64xf32, #tpu.memory_space<hbm>> -> memref<10000x64xf32, #tpu.memory_space<hbm>>
    tpu.wait_indirect_dma semaphore(%arg18 : memref<!tpu.dma_semaphore, #tpu.memory_space<semaphore_mem>>) src(%dma_wait3A_461 : memref<10000x64xf32, #tpu.memory_space<hbm>>) dst(%arg11 : memref<125x64xf32, #tpu.memory_space<vmem>>)
    %dma_start3A_462 = arith.constant 32 : i32
    %dma_start3A_463 = arith.constant 0 : i32
    %dma_start3A_464 = tpu.memref_slice %arg7[%dma_start3A_462, %dma_start3A_463] : memref<40x125xi32, #tpu.memory_space<vmem>> -> memref<1x125xi32, #tpu.memory_space<vmem>>
    %dma_start3A_465 = tpu.memref_squeeze %dma_start3A_464 : memref<1x125xi32, #tpu.memory_space<vmem>> -> memref<125xi32, #tpu.memory_space<vmem>>
    %dma_start3A_466 = arith.constant 0 : i32
    %dma_start3A_467 = arith.constant 0 : i32
    %dma_start3A_468 = tpu.memref_slice %arg17[%dma_start3A_466, %dma_start3A_467] : memref<10240x64xf32, #tpu.memory_space<vmem_shared>> -> memref<10240x64xf32, #tpu.memory_space<vmem_shared>>
    tpu.enqueue_indirect_dma source(%arg8 : memref<125x64xf32, #tpu.memory_space<vmem>>) target(%dma_start3A_468 : memref<10240x64xf32, #tpu.memory_space<vmem_shared>>) offsets(%dma_start3A_465 : memref<125xi32, #tpu.memory_space<vmem>>) semaphore(%arg20 : memref<!tpu.dma_semaphore, #tpu.memory_space<semaphore_mem>>) {add = true}
    %dma_start3A_469 = arith.constant 33 : i32
    %dma_start3A_470 = arith.constant 0 : i32
    %dma_start3A_471 = tpu.memref_slice %arg7[%dma_start3A_469, %dma_start3A_470] : memref<40x125xi32, #tpu.memory_space<vmem>> -> memref<1x125xi32, #tpu.memory_space<vmem>>
    %dma_start3A_472 = tpu.memref_squeeze %dma_start3A_471 : memref<1x125xi32, #tpu.memory_space<vmem>> -> memref<125xi32, #tpu.memory_space<vmem>>
    %dma_start3A_473 = arith.constant 0 : i32
    %dma_start3A_474 = arith.constant 0 : i32
    %dma_start3A_475 = tpu.memref_slice %arg17[%dma_start3A_473, %dma_start3A_474] : memref<10240x64xf32, #tpu.memory_space<vmem_shared>> -> memref<10240x64xf32, #tpu.memory_space<vmem_shared>>
    tpu.enqueue_indirect_dma source(%arg9 : memref<125x64xf32, #tpu.memory_space<vmem>>) target(%dma_start3A_475 : memref<10240x64xf32, #tpu.memory_space<vmem_shared>>) offsets(%dma_start3A_472 : memref<125xi32, #tpu.memory_space<vmem>>) semaphore(%arg20 : memref<!tpu.dma_semaphore, #tpu.memory_space<semaphore_mem>>) {add = true}
    %dma_start3A_476 = arith.constant 34 : i32
    %dma_start3A_477 = arith.constant 0 : i32
    %dma_start3A_478 = tpu.memref_slice %arg7[%dma_start3A_476, %dma_start3A_477] : memref<40x125xi32, #tpu.memory_space<vmem>> -> memref<1x125xi32, #tpu.memory_space<vmem>>
    %dma_start3A_479 = tpu.memref_squeeze %dma_start3A_478 : memref<1x125xi32, #tpu.memory_space<vmem>> -> memref<125xi32, #tpu.memory_space<vmem>>
    %dma_start3A_480 = arith.constant 0 : i32
    %dma_start3A_481 = arith.constant 0 : i32
    %dma_start3A_482 = tpu.memref_slice %arg17[%dma_start3A_480, %dma_start3A_481] : memref<10240x64xf32, #tpu.memory_space<vmem_shared>> -> memref<10240x64xf32, #tpu.memory_space<vmem_shared>>
    tpu.enqueue_indirect_dma source(%arg10 : memref<125x64xf32, #tpu.memory_space<vmem>>) target(%dma_start3A_482 : memref<10240x64xf32, #tpu.memory_space<vmem_shared>>) offsets(%dma_start3A_479 : memref<125xi32, #tpu.memory_space<vmem>>) semaphore(%arg20 : memref<!tpu.dma_semaphore, #tpu.memory_space<semaphore_mem>>) {add = true}
    %dma_start3A_483 = arith.constant 35 : i32
    %dma_start3A_484 = arith.constant 0 : i32
    %dma_start3A_485 = tpu.memref_slice %arg7[%dma_start3A_483, %dma_start3A_484] : memref<40x125xi32, #tpu.memory_space<vmem>> -> memref<1x125xi32, #tpu.memory_space<vmem>>
    %dma_start3A_486 = tpu.memref_squeeze %dma_start3A_485 : memref<1x125xi32, #tpu.memory_space<vmem>> -> memref<125xi32, #tpu.memory_space<vmem>>
    %dma_start3A_487 = arith.constant 0 : i32
    %dma_start3A_488 = arith.constant 0 : i32
    %dma_start3A_489 = tpu.memref_slice %arg17[%dma_start3A_487, %dma_start3A_488] : memref<10240x64xf32, #tpu.memory_space<vmem_shared>> -> memref<10240x64xf32, #tpu.memory_space<vmem_shared>>
    tpu.enqueue_indirect_dma source(%arg11 : memref<125x64xf32, #tpu.memory_space<vmem>>) target(%dma_start3A_489 : memref<10240x64xf32, #tpu.memory_space<vmem_shared>>) offsets(%dma_start3A_486 : memref<125xi32, #tpu.memory_space<vmem>>) semaphore(%arg20 : memref<!tpu.dma_semaphore, #tpu.memory_space<semaphore_mem>>) {add = true}
    %dma_wait3A_490 = arith.constant 32 : i32
    %dma_wait3A_491 = arith.constant 0 : i32
    %dma_wait3A_492 = tpu.memref_slice %arg7[%dma_wait3A_490, %dma_wait3A_491] : memref<40x125xi32, #tpu.memory_space<vmem>> -> memref<1x125xi32, #tpu.memory_space<vmem>>
    %dma_wait3A_493 = tpu.memref_squeeze %dma_wait3A_492 : memref<1x125xi32, #tpu.memory_space<vmem>> -> memref<125xi32, #tpu.memory_space<vmem>>
    %dma_wait3A_494 = arith.constant 0 : i32
    %dma_wait3A_495 = arith.constant 0 : i32
    %dma_wait3A_496 = tpu.memref_slice %arg17[%dma_wait3A_494, %dma_wait3A_495] : memref<10240x64xf32, #tpu.memory_space<vmem_shared>> -> memref<10240x64xf32, #tpu.memory_space<vmem_shared>>
    tpu.wait_indirect_dma semaphore(%arg20 : memref<!tpu.dma_semaphore, #tpu.memory_space<semaphore_mem>>) src(%arg8 : memref<125x64xf32, #tpu.memory_space<vmem>>) dst(%dma_wait3A_496 : memref<10240x64xf32, #tpu.memory_space<vmem_shared>>)
    %dma_wait3A_497 = arith.constant 33 : i32
    %dma_wait3A_498 = arith.constant 0 : i32
    %dma_wait3A_499 = tpu.memref_slice %arg7[%dma_wait3A_497, %dma_wait3A_498] : memref<40x125xi32, #tpu.memory_space<vmem>> -> memref<1x125xi32, #tpu.memory_space<vmem>>
    %dma_wait3A_500 = tpu.memref_squeeze %dma_wait3A_499 : memref<1x125xi32, #tpu.memory_space<vmem>> -> memref<125xi32, #tpu.memory_space<vmem>>
    %dma_wait3A_501 = arith.constant 0 : i32
    %dma_wait3A_502 = arith.constant 0 : i32
    %dma_wait3A_503 = tpu.memref_slice %arg17[%dma_wait3A_501, %dma_wait3A_502] : memref<10240x64xf32, #tpu.memory_space<vmem_shared>> -> memref<10240x64xf32, #tpu.memory_space<vmem_shared>>
    tpu.wait_indirect_dma semaphore(%arg20 : memref<!tpu.dma_semaphore, #tpu.memory_space<semaphore_mem>>) src(%arg9 : memref<125x64xf32, #tpu.memory_space<vmem>>) dst(%dma_wait3A_503 : memref<10240x64xf32, #tpu.memory_space<vmem_shared>>)
    %dma_wait3A_504 = arith.constant 34 : i32
    %dma_wait3A_505 = arith.constant 0 : i32
    %dma_wait3A_506 = tpu.memref_slice %arg7[%dma_wait3A_504, %dma_wait3A_505] : memref<40x125xi32, #tpu.memory_space<vmem>> -> memref<1x125xi32, #tpu.memory_space<vmem>>
    %dma_wait3A_507 = tpu.memref_squeeze %dma_wait3A_506 : memref<1x125xi32, #tpu.memory_space<vmem>> -> memref<125xi32, #tpu.memory_space<vmem>>
    %dma_wait3A_508 = arith.constant 0 : i32
    %dma_wait3A_509 = arith.constant 0 : i32
    %dma_wait3A_510 = tpu.memref_slice %arg17[%dma_wait3A_508, %dma_wait3A_509] : memref<10240x64xf32, #tpu.memory_space<vmem_shared>> -> memref<10240x64xf32, #tpu.memory_space<vmem_shared>>
    tpu.wait_indirect_dma semaphore(%arg20 : memref<!tpu.dma_semaphore, #tpu.memory_space<semaphore_mem>>) src(%arg10 : memref<125x64xf32, #tpu.memory_space<vmem>>) dst(%dma_wait3A_510 : memref<10240x64xf32, #tpu.memory_space<vmem_shared>>)
    %dma_wait3A_511 = arith.constant 35 : i32
    %dma_wait3A_512 = arith.constant 0 : i32
    %dma_wait3A_513 = tpu.memref_slice %arg7[%dma_wait3A_511, %dma_wait3A_512] : memref<40x125xi32, #tpu.memory_space<vmem>> -> memref<1x125xi32, #tpu.memory_space<vmem>>
    %dma_wait3A_514 = tpu.memref_squeeze %dma_wait3A_513 : memref<1x125xi32, #tpu.memory_space<vmem>> -> memref<125xi32, #tpu.memory_space<vmem>>
    %dma_wait3A_515 = arith.constant 0 : i32
    %dma_wait3A_516 = arith.constant 0 : i32
    %dma_wait3A_517 = tpu.memref_slice %arg17[%dma_wait3A_515, %dma_wait3A_516] : memref<10240x64xf32, #tpu.memory_space<vmem_shared>> -> memref<10240x64xf32, #tpu.memory_space<vmem_shared>>
    tpu.wait_indirect_dma semaphore(%arg20 : memref<!tpu.dma_semaphore, #tpu.memory_space<semaphore_mem>>) src(%arg11 : memref<125x64xf32, #tpu.memory_space<vmem>>) dst(%dma_wait3A_517 : memref<10240x64xf32, #tpu.memory_space<vmem_shared>>)
    %dma_wait3A_518 = arith.constant 36 : i32
    %dma_wait3A_519 = arith.constant 0 : i32
    %dma_wait3A_520 = tpu.memref_slice %arg6[%dma_wait3A_518, %dma_wait3A_519] : memref<40x125xi32, #tpu.memory_space<vmem>> -> memref<1x125xi32, #tpu.memory_space<vmem>>
    %dma_wait3A_521 = tpu.memref_squeeze %dma_wait3A_520 : memref<1x125xi32, #tpu.memory_space<vmem>> -> memref<125xi32, #tpu.memory_space<vmem>>
    %dma_wait3A_522 = arith.constant 0 : i32
    %dma_wait3A_523 = arith.constant 0 : i32
    %dma_wait3A_524 = tpu.memref_slice %arg2[%arg0, %dma_wait3A_522, %dma_wait3A_523] : memref<2x10000x64xf32, #tpu.memory_space<hbm>> -> memref<1x10000x64xf32, #tpu.memory_space<hbm>>
    %dma_wait3A_525 = tpu.memref_squeeze %dma_wait3A_524 : memref<1x10000x64xf32, #tpu.memory_space<hbm>> -> memref<10000x64xf32, #tpu.memory_space<hbm>>
    %dma_wait3A_526 = arith.constant 0 : i32
    %dma_wait3A_527 = arith.constant 0 : i32
    %dma_wait3A_528 = tpu.memref_slice %dma_wait3A_525[%dma_wait3A_526, %dma_wait3A_527] : memref<10000x64xf32, #tpu.memory_space<hbm>> -> memref<10000x64xf32, #tpu.memory_space<hbm>>
    tpu.wait_indirect_dma semaphore(%arg19 : memref<!tpu.dma_semaphore, #tpu.memory_space<semaphore_mem>>) src(%dma_wait3A_528 : memref<10000x64xf32, #tpu.memory_space<hbm>>) dst(%arg12 : memref<125x64xf32, #tpu.memory_space<vmem>>)
    %dma_wait3A_529 = arith.constant 37 : i32
    %dma_wait3A_530 = arith.constant 0 : i32
    %dma_wait3A_531 = tpu.memref_slice %arg6[%dma_wait3A_529, %dma_wait3A_530] : memref<40x125xi32, #tpu.memory_space<vmem>> -> memref<1x125xi32, #tpu.memory_space<vmem>>
    %dma_wait3A_532 = tpu.memref_squeeze %dma_wait3A_531 : memref<1x125xi32, #tpu.memory_space<vmem>> -> memref<125xi32, #tpu.memory_space<vmem>>
    %dma_wait3A_533 = arith.constant 0 : i32
    %dma_wait3A_534 = arith.constant 0 : i32
    %dma_wait3A_535 = tpu.memref_slice %arg2[%arg0, %dma_wait3A_533, %dma_wait3A_534] : memref<2x10000x64xf32, #tpu.memory_space<hbm>> -> memref<1x10000x64xf32, #tpu.memory_space<hbm>>
    %dma_wait3A_536 = tpu.memref_squeeze %dma_wait3A_535 : memref<1x10000x64xf32, #tpu.memory_space<hbm>> -> memref<10000x64xf32, #tpu.memory_space<hbm>>
    %dma_wait3A_537 = arith.constant 0 : i32
    %dma_wait3A_538 = arith.constant 0 : i32
    %dma_wait3A_539 = tpu.memref_slice %dma_wait3A_536[%dma_wait3A_537, %dma_wait3A_538] : memref<10000x64xf32, #tpu.memory_space<hbm>> -> memref<10000x64xf32, #tpu.memory_space<hbm>>
    tpu.wait_indirect_dma semaphore(%arg19 : memref<!tpu.dma_semaphore, #tpu.memory_space<semaphore_mem>>) src(%dma_wait3A_539 : memref<10000x64xf32, #tpu.memory_space<hbm>>) dst(%arg13 : memref<125x64xf32, #tpu.memory_space<vmem>>)
    %dma_wait3A_540 = arith.constant 38 : i32
    %dma_wait3A_541 = arith.constant 0 : i32
    %dma_wait3A_542 = tpu.memref_slice %arg6[%dma_wait3A_540, %dma_wait3A_541] : memref<40x125xi32, #tpu.memory_space<vmem>> -> memref<1x125xi32, #tpu.memory_space<vmem>>
    %dma_wait3A_543 = tpu.memref_squeeze %dma_wait3A_542 : memref<1x125xi32, #tpu.memory_space<vmem>> -> memref<125xi32, #tpu.memory_space<vmem>>
    %dma_wait3A_544 = arith.constant 0 : i32
    %dma_wait3A_545 = arith.constant 0 : i32
    %dma_wait3A_546 = tpu.memref_slice %arg2[%arg0, %dma_wait3A_544, %dma_wait3A_545] : memref<2x10000x64xf32, #tpu.memory_space<hbm>> -> memref<1x10000x64xf32, #tpu.memory_space<hbm>>
    %dma_wait3A_547 = tpu.memref_squeeze %dma_wait3A_546 : memref<1x10000x64xf32, #tpu.memory_space<hbm>> -> memref<10000x64xf32, #tpu.memory_space<hbm>>
    %dma_wait3A_548 = arith.constant 0 : i32
    %dma_wait3A_549 = arith.constant 0 : i32
    %dma_wait3A_550 = tpu.memref_slice %dma_wait3A_547[%dma_wait3A_548, %dma_wait3A_549] : memref<10000x64xf32, #tpu.memory_space<hbm>> -> memref<10000x64xf32, #tpu.memory_space<hbm>>
    tpu.wait_indirect_dma semaphore(%arg19 : memref<!tpu.dma_semaphore, #tpu.memory_space<semaphore_mem>>) src(%dma_wait3A_550 : memref<10000x64xf32, #tpu.memory_space<hbm>>) dst(%arg14 : memref<125x64xf32, #tpu.memory_space<vmem>>)
    %dma_wait3A_551 = arith.constant 39 : i32
    %dma_wait3A_552 = arith.constant 0 : i32
    %dma_wait3A_553 = tpu.memref_slice %arg6[%dma_wait3A_551, %dma_wait3A_552] : memref<40x125xi32, #tpu.memory_space<vmem>> -> memref<1x125xi32, #tpu.memory_space<vmem>>
    %dma_wait3A_554 = tpu.memref_squeeze %dma_wait3A_553 : memref<1x125xi32, #tpu.memory_space<vmem>> -> memref<125xi32, #tpu.memory_space<vmem>>
    %dma_wait3A_555 = arith.constant 0 : i32
    %dma_wait3A_556 = arith.constant 0 : i32
    %dma_wait3A_557 = tpu.memref_slice %arg2[%arg0, %dma_wait3A_555, %dma_wait3A_556] : memref<2x10000x64xf32, #tpu.memory_space<hbm>> -> memref<1x10000x64xf32, #tpu.memory_space<hbm>>
    %dma_wait3A_558 = tpu.memref_squeeze %dma_wait3A_557 : memref<1x10000x64xf32, #tpu.memory_space<hbm>> -> memref<10000x64xf32, #tpu.memory_space<hbm>>
    %dma_wait3A_559 = arith.constant 0 : i32
    %dma_wait3A_560 = arith.constant 0 : i32
    %dma_wait3A_561 = tpu.memref_slice %dma_wait3A_558[%dma_wait3A_559, %dma_wait3A_560] : memref<10000x64xf32, #tpu.memory_space<hbm>> -> memref<10000x64xf32, #tpu.memory_space<hbm>>
    tpu.wait_indirect_dma semaphore(%arg19 : memref<!tpu.dma_semaphore, #tpu.memory_space<semaphore_mem>>) src(%dma_wait3A_561 : memref<10000x64xf32, #tpu.memory_space<hbm>>) dst(%arg15 : memref<125x64xf32, #tpu.memory_space<vmem>>)
    %dma_start3A_562 = arith.constant 36 : i32
    %dma_start3A_563 = arith.constant 0 : i32
    %dma_start3A_564 = tpu.memref_slice %arg7[%dma_start3A_562, %dma_start3A_563] : memref<40x125xi32, #tpu.memory_space<vmem>> -> memref<1x125xi32, #tpu.memory_space<vmem>>
    %dma_start3A_565 = tpu.memref_squeeze %dma_start3A_564 : memref<1x125xi32, #tpu.memory_space<vmem>> -> memref<125xi32, #tpu.memory_space<vmem>>
    %dma_start3A_566 = arith.constant 0 : i32
    %dma_start3A_567 = arith.constant 0 : i32
    %dma_start3A_568 = tpu.memref_slice %arg17[%dma_start3A_566, %dma_start3A_567] : memref<10240x64xf32, #tpu.memory_space<vmem_shared>> -> memref<10240x64xf32, #tpu.memory_space<vmem_shared>>
    tpu.enqueue_indirect_dma source(%arg12 : memref<125x64xf32, #tpu.memory_space<vmem>>) target(%dma_start3A_568 : memref<10240x64xf32, #tpu.memory_space<vmem_shared>>) offsets(%dma_start3A_565 : memref<125xi32, #tpu.memory_space<vmem>>) semaphore(%arg20 : memref<!tpu.dma_semaphore, #tpu.memory_space<semaphore_mem>>) {add = true}
    %dma_start3A_569 = arith.constant 37 : i32
    %dma_start3A_570 = arith.constant 0 : i32
    %dma_start3A_571 = tpu.memref_slice %arg7[%dma_start3A_569, %dma_start3A_570] : memref<40x125xi32, #tpu.memory_space<vmem>> -> memref<1x125xi32, #tpu.memory_space<vmem>>
    %dma_start3A_572 = tpu.memref_squeeze %dma_start3A_571 : memref<1x125xi32, #tpu.memory_space<vmem>> -> memref<125xi32, #tpu.memory_space<vmem>>
    %dma_start3A_573 = arith.constant 0 : i32
    %dma_start3A_574 = arith.constant 0 : i32
    %dma_start3A_575 = tpu.memref_slice %arg17[%dma_start3A_573, %dma_start3A_574] : memref<10240x64xf32, #tpu.memory_space<vmem_shared>> -> memref<10240x64xf32, #tpu.memory_space<vmem_shared>>
    tpu.enqueue_indirect_dma source(%arg13 : memref<125x64xf32, #tpu.memory_space<vmem>>) target(%dma_start3A_575 : memref<10240x64xf32, #tpu.memory_space<vmem_shared>>) offsets(%dma_start3A_572 : memref<125xi32, #tpu.memory_space<vmem>>) semaphore(%arg20 : memref<!tpu.dma_semaphore, #tpu.memory_space<semaphore_mem>>) {add = true}
    %dma_start3A_576 = arith.constant 38 : i32
    %dma_start3A_577 = arith.constant 0 : i32
    %dma_start3A_578 = tpu.memref_slice %arg7[%dma_start3A_576, %dma_start3A_577] : memref<40x125xi32, #tpu.memory_space<vmem>> -> memref<1x125xi32, #tpu.memory_space<vmem>>
    %dma_start3A_579 = tpu.memref_squeeze %dma_start3A_578 : memref<1x125xi32, #tpu.memory_space<vmem>> -> memref<125xi32, #tpu.memory_space<vmem>>
    %dma_start3A_580 = arith.constant 0 : i32
    %dma_start3A_581 = arith.constant 0 : i32
    %dma_start3A_582 = tpu.memref_slice %arg17[%dma_start3A_580, %dma_start3A_581] : memref<10240x64xf32, #tpu.memory_space<vmem_shared>> -> memref<10240x64xf32, #tpu.memory_space<vmem_shared>>
    tpu.enqueue_indirect_dma source(%arg14 : memref<125x64xf32, #tpu.memory_space<vmem>>) target(%dma_start3A_582 : memref<10240x64xf32, #tpu.memory_space<vmem_shared>>) offsets(%dma_start3A_579 : memref<125xi32, #tpu.memory_space<vmem>>) semaphore(%arg20 : memref<!tpu.dma_semaphore, #tpu.memory_space<semaphore_mem>>) {add = true}
    %dma_start3A_583 = arith.constant 39 : i32
    %dma_start3A_584 = arith.constant 0 : i32
    %dma_start3A_585 = tpu.memref_slice %arg7[%dma_start3A_583, %dma_start3A_584] : memref<40x125xi32, #tpu.memory_space<vmem>> -> memref<1x125xi32, #tpu.memory_space<vmem>>
    %dma_start3A_586 = tpu.memref_squeeze %dma_start3A_585 : memref<1x125xi32, #tpu.memory_space<vmem>> -> memref<125xi32, #tpu.memory_space<vmem>>
    %dma_start3A_587 = arith.constant 0 : i32
    %dma_start3A_588 = arith.constant 0 : i32
    %dma_start3A_589 = tpu.memref_slice %arg17[%dma_start3A_587, %dma_start3A_588] : memref<10240x64xf32, #tpu.memory_space<vmem_shared>> -> memref<10240x64xf32, #tpu.memory_space<vmem_shared>>
    tpu.enqueue_indirect_dma source(%arg15 : memref<125x64xf32, #tpu.memory_space<vmem>>) target(%dma_start3A_589 : memref<10240x64xf32, #tpu.memory_space<vmem_shared>>) offsets(%dma_start3A_586 : memref<125xi32, #tpu.memory_space<vmem>>) semaphore(%arg20 : memref<!tpu.dma_semaphore, #tpu.memory_space<semaphore_mem>>) {add = true}
    %dma_wait3A_590 = arith.constant 36 : i32
    %dma_wait3A_591 = arith.constant 0 : i32
    %dma_wait3A_592 = tpu.memref_slice %arg7[%dma_wait3A_590, %dma_wait3A_591] : memref<40x125xi32, #tpu.memory_space<vmem>> -> memref<1x125xi32, #tpu.memory_space<vmem>>
    %dma_wait3A_593 = tpu.memref_squeeze %dma_wait3A_592 : memref<1x125xi32, #tpu.memory_space<vmem>> -> memref<125xi32, #tpu.memory_space<vmem>>
    %dma_wait3A_594 = arith.constant 0 : i32
    %dma_wait3A_595 = arith.constant 0 : i32
    %dma_wait3A_596 = tpu.memref_slice %arg17[%dma_wait3A_594, %dma_wait3A_595] : memref<10240x64xf32, #tpu.memory_space<vmem_shared>> -> memref<10240x64xf32, #tpu.memory_space<vmem_shared>>
    tpu.wait_indirect_dma semaphore(%arg20 : memref<!tpu.dma_semaphore, #tpu.memory_space<semaphore_mem>>) src(%arg12 : memref<125x64xf32, #tpu.memory_space<vmem>>) dst(%dma_wait3A_596 : memref<10240x64xf32, #tpu.memory_space<vmem_shared>>)
    %dma_wait3A_597 = arith.constant 37 : i32
    %dma_wait3A_598 = arith.constant 0 : i32
    %dma_wait3A_599 = tpu.memref_slice %arg7[%dma_wait3A_597, %dma_wait3A_598] : memref<40x125xi32, #tpu.memory_space<vmem>> -> memref<1x125xi32, #tpu.memory_space<vmem>>
    %dma_wait3A_600 = tpu.memref_squeeze %dma_wait3A_599 : memref<1x125xi32, #tpu.memory_space<vmem>> -> memref<125xi32, #tpu.memory_space<vmem>>
    %dma_wait3A_601 = arith.constant 0 : i32
    %dma_wait3A_602 = arith.constant 0 : i32
    %dma_wait3A_603 = tpu.memref_slice %arg17[%dma_wait3A_601, %dma_wait3A_602] : memref<10240x64xf32, #tpu.memory_space<vmem_shared>> -> memref<10240x64xf32, #tpu.memory_space<vmem_shared>>
    tpu.wait_indirect_dma semaphore(%arg20 : memref<!tpu.dma_semaphore, #tpu.memory_space<semaphore_mem>>) src(%arg13 : memref<125x64xf32, #tpu.memory_space<vmem>>) dst(%dma_wait3A_603 : memref<10240x64xf32, #tpu.memory_space<vmem_shared>>)
    %dma_wait3A_604 = arith.constant 38 : i32
    %dma_wait3A_605 = arith.constant 0 : i32
    %dma_wait3A_606 = tpu.memref_slice %arg7[%dma_wait3A_604, %dma_wait3A_605] : memref<40x125xi32, #tpu.memory_space<vmem>> -> memref<1x125xi32, #tpu.memory_space<vmem>>
    %dma_wait3A_607 = tpu.memref_squeeze %dma_wait3A_606 : memref<1x125xi32, #tpu.memory_space<vmem>> -> memref<125xi32, #tpu.memory_space<vmem>>
    %dma_wait3A_608 = arith.constant 0 : i32
    %dma_wait3A_609 = arith.constant 0 : i32
    %dma_wait3A_610 = tpu.memref_slice %arg17[%dma_wait3A_608, %dma_wait3A_609] : memref<10240x64xf32, #tpu.memory_space<vmem_shared>> -> memref<10240x64xf32, #tpu.memory_space<vmem_shared>>
    tpu.wait_indirect_dma semaphore(%arg20 : memref<!tpu.dma_semaphore, #tpu.memory_space<semaphore_mem>>) src(%arg14 : memref<125x64xf32, #tpu.memory_space<vmem>>) dst(%dma_wait3A_610 : memref<10240x64xf32, #tpu.memory_space<vmem_shared>>)
    %dma_wait3A_611 = arith.constant 39 : i32
    %dma_wait3A_612 = arith.constant 0 : i32
    %dma_wait3A_613 = tpu.memref_slice %arg7[%dma_wait3A_611, %dma_wait3A_612] : memref<40x125xi32, #tpu.memory_space<vmem>> -> memref<1x125xi32, #tpu.memory_space<vmem>>
    %dma_wait3A_614 = tpu.memref_squeeze %dma_wait3A_613 : memref<1x125xi32, #tpu.memory_space<vmem>> -> memref<125xi32, #tpu.memory_space<vmem>>
    %dma_wait3A_615 = arith.constant 0 : i32
    %dma_wait3A_616 = arith.constant 0 : i32
    %dma_wait3A_617 = tpu.memref_slice %arg17[%dma_wait3A_615, %dma_wait3A_616] : memref<10240x64xf32, #tpu.memory_space<vmem_shared>> -> memref<10240x64xf32, #tpu.memory_space<vmem_shared>>
    tpu.wait_indirect_dma semaphore(%arg20 : memref<!tpu.dma_semaphore, #tpu.memory_space<semaphore_mem>>) src(%arg15 : memref<125x64xf32, #tpu.memory_space<vmem>>) dst(%dma_wait3A_617 : memref<10240x64xf32, #tpu.memory_space<vmem_shared>>)
    %mul3A_618 = arith.constant 160 : i32
    %mul3A_619 = arith.muli %arg1, %mul3A_618 : i32
    %add3A_620 = arith.constant 80 : i32
    %add3A_621 = arith.addi %mul3A_619, %add3A_620 : i32
    "tpu.region"() ({
      %run_scoped3A = tpu.sem_alloc : memref<!tpu.dma_semaphore, #tpu.memory_space<semaphore_mem>>
      %dma_start3A_1224 = arith.constant 0 : i32
      %dma_start3A_1225 = tpu.memref_slice %arg3[%add3A_621, %dma_start3A_1224] : memref<5120x125xi32, #tpu.memory_space<hbm>> -> memref<40x125xi32, #tpu.memory_space<hbm>>
      %dma_start3A_1226 = arith.constant 0 : i32
      %dma_start3A_1227 = tpu.memref_slice %arg3[%add3A_621, %dma_start3A_1226] : memref<5120x125xi32, #tpu.memory_space<hbm>> -> memref<40x125xi32, #tpu.memory_space<hbm>>
      tpu.enqueue_dma source(%dma_start3A_1227 : memref<40x125xi32, #tpu.memory_space<hbm>>) target(%arg6 : memref<40x125xi32, #tpu.memory_space<vmem>>) target_semaphore(%run_scoped3A : memref<!tpu.dma_semaphore, #tpu.memory_space<semaphore_mem>>)
      %dma_wait3A_1228 = arith.constant 0 : i32
      %dma_wait3A_1229 = tpu.memref_slice %arg3[%add3A_621, %dma_wait3A_1228] : memref<5120x125xi32, #tpu.memory_space<hbm>> -> memref<40x125xi32, #tpu.memory_space<hbm>>
      %dma_wait3A_1230 = arith.constant 0 : i32
      %dma_wait3A_1231 = tpu.memref_slice %arg3[%add3A_621, %dma_wait3A_1230] : memref<5120x125xi32, #tpu.memory_space<hbm>> -> memref<40x125xi32, #tpu.memory_space<hbm>>
      tpu.wait_dma2 semaphore(%run_scoped3A : memref<!tpu.dma_semaphore, #tpu.memory_space<semaphore_mem>>) src(%dma_wait3A_1231 : memref<40x125xi32, #tpu.memory_space<hbm>>) dst(%arg6 : memref<40x125xi32, #tpu.memory_space<vmem>>)
      tpu.yield
    }) : () -> ()
    %add3A_622 = arith.constant 2560 : i32
    %add3A_623 = arith.addi %add3A_622, %add3A_621 : i32
    "tpu.region"() ({
      %run_scoped3A = tpu.sem_alloc : memref<!tpu.dma_semaphore, #tpu.memory_space<semaphore_mem>>
      %dma_start3A_1224 = arith.constant 0 : i32
      %dma_start3A_1225 = tpu.memref_slice %arg3[%add3A_623, %dma_start3A_1224] : memref<5120x125xi32, #tpu.memory_space<hbm>> -> memref<40x125xi32, #tpu.memory_space<hbm>>
      %dma_start3A_1226 = arith.constant 0 : i32
      %dma_start3A_1227 = tpu.memref_slice %arg3[%add3A_623, %dma_start3A_1226] : memref<5120x125xi32, #tpu.memory_space<hbm>> -> memref<40x125xi32, #tpu.memory_space<hbm>>
      tpu.enqueue_dma source(%dma_start3A_1227 : memref<40x125xi32, #tpu.memory_space<hbm>>) target(%arg7 : memref<40x125xi32, #tpu.memory_space<vmem>>) target_semaphore(%run_scoped3A : memref<!tpu.dma_semaphore, #tpu.memory_space<semaphore_mem>>)
      %dma_wait3A_1228 = arith.constant 0 : i32
      %dma_wait3A_1229 = tpu.memref_slice %arg3[%add3A_623, %dma_wait3A_1228] : memref<5120x125xi32, #tpu.memory_space<hbm>> -> memref<40x125xi32, #tpu.memory_space<hbm>>
      %dma_wait3A_1230 = arith.constant 0 : i32
      %dma_wait3A_1231 = tpu.memref_slice %arg3[%add3A_623, %dma_wait3A_1230] : memref<5120x125xi32, #tpu.memory_space<hbm>> -> memref<40x125xi32, #tpu.memory_space<hbm>>
      tpu.wait_dma2 semaphore(%run_scoped3A : memref<!tpu.dma_semaphore, #tpu.memory_space<semaphore_mem>>) src(%dma_wait3A_1231 : memref<40x125xi32, #tpu.memory_space<hbm>>) dst(%arg7 : memref<40x125xi32, #tpu.memory_space<vmem>>)
      tpu.yield
    }) : () -> ()
    %dma_start3A_624 = arith.constant 0 : i32
    %dma_start3A_625 = arith.constant 0 : i32
    %dma_start3A_626 = tpu.memref_slice %arg6[%dma_start3A_624, %dma_start3A_625] : memref<40x125xi32, #tpu.memory_space<vmem>> -> memref<1x125xi32, #tpu.memory_space<vmem>>
    %dma_start3A_627 = tpu.memref_squeeze %dma_start3A_626 : memref<1x125xi32, #tpu.memory_space<vmem>> -> memref<125xi32, #tpu.memory_space<vmem>>
    %dma_start3A_628 = arith.constant 0 : i32
    %dma_start3A_629 = arith.constant 0 : i32
    %dma_start3A_630 = tpu.memref_slice %arg2[%arg0, %dma_start3A_628, %dma_start3A_629] : memref<2x10000x64xf32, #tpu.memory_space<hbm>> -> memref<1x10000x64xf32, #tpu.memory_space<hbm>>
    %dma_start3A_631 = tpu.memref_squeeze %dma_start3A_630 : memref<1x10000x64xf32, #tpu.memory_space<hbm>> -> memref<10000x64xf32, #tpu.memory_space<hbm>>
    %dma_start3A_632 = arith.constant 0 : i32
    %dma_start3A_633 = arith.constant 0 : i32
    %dma_start3A_634 = tpu.memref_slice %dma_start3A_631[%dma_start3A_632, %dma_start3A_633] : memref<10000x64xf32, #tpu.memory_space<hbm>> -> memref<10000x64xf32, #tpu.memory_space<hbm>>
    tpu.enqueue_indirect_dma source(%dma_start3A_634 : memref<10000x64xf32, #tpu.memory_space<hbm>>) target(%arg8 : memref<125x64xf32, #tpu.memory_space<vmem>>) offsets(%dma_start3A_627 : memref<125xi32, #tpu.memory_space<vmem>>) semaphore(%arg18 : memref<!tpu.dma_semaphore, #tpu.memory_space<semaphore_mem>>)
    %dma_start3A_635 = arith.constant 1 : i32
    %dma_start3A_636 = arith.constant 0 : i32
    %dma_start3A_637 = tpu.memref_slice %arg6[%dma_start3A_635, %dma_start3A_636] : memref<40x125xi32, #tpu.memory_space<vmem>> -> memref<1x125xi32, #tpu.memory_space<vmem>>
    %dma_start3A_638 = tpu.memref_squeeze %dma_start3A_637 : memref<1x125xi32, #tpu.memory_space<vmem>> -> memref<125xi32, #tpu.memory_space<vmem>>
    %dma_start3A_639 = arith.constant 0 : i32
    %dma_start3A_640 = arith.constant 0 : i32
    %dma_start3A_641 = tpu.memref_slice %arg2[%arg0, %dma_start3A_639, %dma_start3A_640] : memref<2x10000x64xf32, #tpu.memory_space<hbm>> -> memref<1x10000x64xf32, #tpu.memory_space<hbm>>
    %dma_start3A_642 = tpu.memref_squeeze %dma_start3A_641 : memref<1x10000x64xf32, #tpu.memory_space<hbm>> -> memref<10000x64xf32, #tpu.memory_space<hbm>>
    %dma_start3A_643 = arith.constant 0 : i32
    %dma_start3A_644 = arith.constant 0 : i32
    %dma_start3A_645 = tpu.memref_slice %dma_start3A_642[%dma_start3A_643, %dma_start3A_644] : memref<10000x64xf32, #tpu.memory_space<hbm>> -> memref<10000x64xf32, #tpu.memory_space<hbm>>
    tpu.enqueue_indirect_dma source(%dma_start3A_645 : memref<10000x64xf32, #tpu.memory_space<hbm>>) target(%arg9 : memref<125x64xf32, #tpu.memory_space<vmem>>) offsets(%dma_start3A_638 : memref<125xi32, #tpu.memory_space<vmem>>) semaphore(%arg18 : memref<!tpu.dma_semaphore, #tpu.memory_space<semaphore_mem>>)
    %dma_start3A_646 = arith.constant 2 : i32
    %dma_start3A_647 = arith.constant 0 : i32
    %dma_start3A_648 = tpu.memref_slice %arg6[%dma_start3A_646, %dma_start3A_647] : memref<40x125xi32, #tpu.memory_space<vmem>> -> memref<1x125xi32, #tpu.memory_space<vmem>>
    %dma_start3A_649 = tpu.memref_squeeze %dma_start3A_648 : memref<1x125xi32, #tpu.memory_space<vmem>> -> memref<125xi32, #tpu.memory_space<vmem>>
    %dma_start3A_650 = arith.constant 0 : i32
    %dma_start3A_651 = arith.constant 0 : i32
    %dma_start3A_652 = tpu.memref_slice %arg2[%arg0, %dma_start3A_650, %dma_start3A_651] : memref<2x10000x64xf32, #tpu.memory_space<hbm>> -> memref<1x10000x64xf32, #tpu.memory_space<hbm>>
    %dma_start3A_653 = tpu.memref_squeeze %dma_start3A_652 : memref<1x10000x64xf32, #tpu.memory_space<hbm>> -> memref<10000x64xf32, #tpu.memory_space<hbm>>
    %dma_start3A_654 = arith.constant 0 : i32
    %dma_start3A_655 = arith.constant 0 : i32
    %dma_start3A_656 = tpu.memref_slice %dma_start3A_653[%dma_start3A_654, %dma_start3A_655] : memref<10000x64xf32, #tpu.memory_space<hbm>> -> memref<10000x64xf32, #tpu.memory_space<hbm>>
    tpu.enqueue_indirect_dma source(%dma_start3A_656 : memref<10000x64xf32, #tpu.memory_space<hbm>>) target(%arg10 : memref<125x64xf32, #tpu.memory_space<vmem>>) offsets(%dma_start3A_649 : memref<125xi32, #tpu.memory_space<vmem>>) semaphore(%arg18 : memref<!tpu.dma_semaphore, #tpu.memory_space<semaphore_mem>>)
    %dma_start3A_657 = arith.constant 3 : i32
    %dma_start3A_658 = arith.constant 0 : i32
    %dma_start3A_659 = tpu.memref_slice %arg6[%dma_start3A_657, %dma_start3A_658] : memref<40x125xi32, #tpu.memory_space<vmem>> -> memref<1x125xi32, #tpu.memory_space<vmem>>
    %dma_start3A_660 = tpu.memref_squeeze %dma_start3A_659 : memref<1x125xi32, #tpu.memory_space<vmem>> -> memref<125xi32, #tpu.memory_space<vmem>>
    %dma_start3A_661 = arith.constant 0 : i32
    %dma_start3A_662 = arith.constant 0 : i32
    %dma_start3A_663 = tpu.memref_slice %arg2[%arg0, %dma_start3A_661, %dma_start3A_662] : memref<2x10000x64xf32, #tpu.memory_space<hbm>> -> memref<1x10000x64xf32, #tpu.memory_space<hbm>>
    %dma_start3A_664 = tpu.memref_squeeze %dma_start3A_663 : memref<1x10000x64xf32, #tpu.memory_space<hbm>> -> memref<10000x64xf32, #tpu.memory_space<hbm>>
    %dma_start3A_665 = arith.constant 0 : i32
    %dma_start3A_666 = arith.constant 0 : i32
    %dma_start3A_667 = tpu.memref_slice %dma_start3A_664[%dma_start3A_665, %dma_start3A_666] : memref<10000x64xf32, #tpu.memory_space<hbm>> -> memref<10000x64xf32, #tpu.memory_space<hbm>>
    tpu.enqueue_indirect_dma source(%dma_start3A_667 : memref<10000x64xf32, #tpu.memory_space<hbm>>) target(%arg11 : memref<125x64xf32, #tpu.memory_space<vmem>>) offsets(%dma_start3A_660 : memref<125xi32, #tpu.memory_space<vmem>>) semaphore(%arg18 : memref<!tpu.dma_semaphore, #tpu.memory_space<semaphore_mem>>)
    %scan3A_668 = arith.constant 0 : i32
    %scan3A_669 = arith.constant 4 : i32
    %scan3A_670 = arith.addi %scan3A_668, %scan3A_669 : i32
    %scan3A_671 = arith.constant 1 : i32
    scf.for %scan3A_1224 = %scan3A_668 to %scan3A_670 step %scan3A_671  : i32 {
      %mul3A_1225 = arith.constant 1 : i32
      %mul3A_1226 = arith.muli %scan3A_1224, %mul3A_1225 : i32
      %add3A_1227 = arith.constant 0 : i32
      %add3A_1228 = arith.addi %add3A_1227, %mul3A_1226 : i32
      %mul3A_1229 = arith.constant 8 : i32
      %mul3A_1230 = arith.muli %add3A_1228, %mul3A_1229 : i32
      %add3A_1231 = arith.constant 4 : i32
      %add3A_1232 = arith.addi %mul3A_1230, %add3A_1231 : i32
      %add3A_1233 = arith.constant 0 : i32
      %add3A_1234 = arith.addi %add3A_1232, %add3A_1233 : i32
      %dma_start3A_1235 = arith.constant 0 : i32
      %dma_start3A_1236 = tpu.memref_slice %arg6[%add3A_1234, %dma_start3A_1235] : memref<40x125xi32, #tpu.memory_space<vmem>> -> memref<1x125xi32, #tpu.memory_space<vmem>>
      %dma_start3A_1237 = tpu.memref_squeeze %dma_start3A_1236 : memref<1x125xi32, #tpu.memory_space<vmem>> -> memref<125xi32, #tpu.memory_space<vmem>>
      %dma_start3A_1238 = arith.constant 0 : i32
      %dma_start3A_1239 = arith.constant 0 : i32
      %dma_start3A_1240 = tpu.memref_slice %arg2[%arg0, %dma_start3A_1238, %dma_start3A_1239] : memref<2x10000x64xf32, #tpu.memory_space<hbm>> -> memref<1x10000x64xf32, #tpu.memory_space<hbm>>
      %dma_start3A_1241 = tpu.memref_squeeze %dma_start3A_1240 : memref<1x10000x64xf32, #tpu.memory_space<hbm>> -> memref<10000x64xf32, #tpu.memory_space<hbm>>
      %dma_start3A_1242 = arith.constant 0 : i32
      %dma_start3A_1243 = arith.constant 0 : i32
      %dma_start3A_1244 = tpu.memref_slice %dma_start3A_1241[%dma_start3A_1242, %dma_start3A_1243] : memref<10000x64xf32, #tpu.memory_space<hbm>> -> memref<10000x64xf32, #tpu.memory_space<hbm>>
      tpu.enqueue_indirect_dma source(%dma_start3A_1244 : memref<10000x64xf32, #tpu.memory_space<hbm>>) target(%arg12 : memref<125x64xf32, #tpu.memory_space<vmem>>) offsets(%dma_start3A_1237 : memref<125xi32, #tpu.memory_space<vmem>>) semaphore(%arg19 : memref<!tpu.dma_semaphore, #tpu.memory_space<semaphore_mem>>)
      %add3A_1245 = arith.constant 1 : i32
      %add3A_1246 = arith.addi %add3A_1232, %add3A_1245 : i32
      %dma_start3A_1247 = arith.constant 0 : i32
      %dma_start3A_1248 = tpu.memref_slice %arg6[%add3A_1246, %dma_start3A_1247] : memref<40x125xi32, #tpu.memory_space<vmem>> -> memref<1x125xi32, #tpu.memory_space<vmem>>
      %dma_start3A_1249 = tpu.memref_squeeze %dma_start3A_1248 : memref<1x125xi32, #tpu.memory_space<vmem>> -> memref<125xi32, #tpu.memory_space<vmem>>
      %dma_start3A_1250 = arith.constant 0 : i32
      %dma_start3A_1251 = arith.constant 0 : i32
      %dma_start3A_1252 = tpu.memref_slice %arg2[%arg0, %dma_start3A_1250, %dma_start3A_1251] : memref<2x10000x64xf32, #tpu.memory_space<hbm>> -> memref<1x10000x64xf32, #tpu.memory_space<hbm>>
      %dma_start3A_1253 = tpu.memref_squeeze %dma_start3A_1252 : memref<1x10000x64xf32, #tpu.memory_space<hbm>> -> memref<10000x64xf32, #tpu.memory_space<hbm>>
      %dma_start3A_1254 = arith.constant 0 : i32
      %dma_start3A_1255 = arith.constant 0 : i32
      %dma_start3A_1256 = tpu.memref_slice %dma_start3A_1253[%dma_start3A_1254, %dma_start3A_1255] : memref<10000x64xf32, #tpu.memory_space<hbm>> -> memref<10000x64xf32, #tpu.memory_space<hbm>>
      tpu.enqueue_indirect_dma source(%dma_start3A_1256 : memref<10000x64xf32, #tpu.memory_space<hbm>>) target(%arg13 : memref<125x64xf32, #tpu.memory_space<vmem>>) offsets(%dma_start3A_1249 : memref<125xi32, #tpu.memory_space<vmem>>) semaphore(%arg19 : memref<!tpu.dma_semaphore, #tpu.memory_space<semaphore_mem>>)
      %add3A_1257 = arith.constant 2 : i32
      %add3A_1258 = arith.addi %add3A_1232, %add3A_1257 : i32
      %dma_start3A_1259 = arith.constant 0 : i32
      %dma_start3A_1260 = tpu.memref_slice %arg6[%add3A_1258, %dma_start3A_1259] : memref<40x125xi32, #tpu.memory_space<vmem>> -> memref<1x125xi32, #tpu.memory_space<vmem>>
      %dma_start3A_1261 = tpu.memref_squeeze %dma_start3A_1260 : memref<1x125xi32, #tpu.memory_space<vmem>> -> memref<125xi32, #tpu.memory_space<vmem>>
      %dma_start3A_1262 = arith.constant 0 : i32
      %dma_start3A_1263 = arith.constant 0 : i32
      %dma_start3A_1264 = tpu.memref_slice %arg2[%arg0, %dma_start3A_1262, %dma_start3A_1263] : memref<2x10000x64xf32, #tpu.memory_space<hbm>> -> memref<1x10000x64xf32, #tpu.memory_space<hbm>>
      %dma_start3A_1265 = tpu.memref_squeeze %dma_start3A_1264 : memref<1x10000x64xf32, #tpu.memory_space<hbm>> -> memref<10000x64xf32, #tpu.memory_space<hbm>>
      %dma_start3A_1266 = arith.constant 0 : i32
      %dma_start3A_1267 = arith.constant 0 : i32
      %dma_start3A_1268 = tpu.memref_slice %dma_start3A_1265[%dma_start3A_1266, %dma_start3A_1267] : memref<10000x64xf32, #tpu.memory_space<hbm>> -> memref<10000x64xf32, #tpu.memory_space<hbm>>
      tpu.enqueue_indirect_dma source(%dma_start3A_1268 : memref<10000x64xf32, #tpu.memory_space<hbm>>) target(%arg14 : memref<125x64xf32, #tpu.memory_space<vmem>>) offsets(%dma_start3A_1261 : memref<125xi32, #tpu.memory_space<vmem>>) semaphore(%arg19 : memref<!tpu.dma_semaphore, #tpu.memory_space<semaphore_mem>>)
      %add3A_1269 = arith.constant 3 : i32
      %add3A_1270 = arith.addi %add3A_1232, %add3A_1269 : i32
      %dma_start3A_1271 = arith.constant 0 : i32
      %dma_start3A_1272 = tpu.memref_slice %arg6[%add3A_1270, %dma_start3A_1271] : memref<40x125xi32, #tpu.memory_space<vmem>> -> memref<1x125xi32, #tpu.memory_space<vmem>>
      %dma_start3A_1273 = tpu.memref_squeeze %dma_start3A_1272 : memref<1x125xi32, #tpu.memory_space<vmem>> -> memref<125xi32, #tpu.memory_space<vmem>>
      %dma_start3A_1274 = arith.constant 0 : i32
      %dma_start3A_1275 = arith.constant 0 : i32
      %dma_start3A_1276 = tpu.memref_slice %arg2[%arg0, %dma_start3A_1274, %dma_start3A_1275] : memref<2x10000x64xf32, #tpu.memory_space<hbm>> -> memref<1x10000x64xf32, #tpu.memory_space<hbm>>
      %dma_start3A_1277 = tpu.memref_squeeze %dma_start3A_1276 : memref<1x10000x64xf32, #tpu.memory_space<hbm>> -> memref<10000x64xf32, #tpu.memory_space<hbm>>
      %dma_start3A_1278 = arith.constant 0 : i32
      %dma_start3A_1279 = arith.constant 0 : i32
      %dma_start3A_1280 = tpu.memref_slice %dma_start3A_1277[%dma_start3A_1278, %dma_start3A_1279] : memref<10000x64xf32, #tpu.memory_space<hbm>> -> memref<10000x64xf32, #tpu.memory_space<hbm>>
      tpu.enqueue_indirect_dma source(%dma_start3A_1280 : memref<10000x64xf32, #tpu.memory_space<hbm>>) target(%arg15 : memref<125x64xf32, #tpu.memory_space<vmem>>) offsets(%dma_start3A_1273 : memref<125xi32, #tpu.memory_space<vmem>>) semaphore(%arg19 : memref<!tpu.dma_semaphore, #tpu.memory_space<semaphore_mem>>)
      %add3A_1281 = arith.constant 0 : i32
      %add3A_1282 = arith.addi %mul3A_1230, %add3A_1281 : i32
      %dma_wait3A_1283 = arith.constant 0 : i32
      %dma_wait3A_1284 = tpu.memref_slice %arg6[%add3A_1282, %dma_wait3A_1283] : memref<40x125xi32, #tpu.memory_space<vmem>> -> memref<1x125xi32, #tpu.memory_space<vmem>>
      %dma_wait3A_1285 = tpu.memref_squeeze %dma_wait3A_1284 : memref<1x125xi32, #tpu.memory_space<vmem>> -> memref<125xi32, #tpu.memory_space<vmem>>
      %dma_wait3A_1286 = arith.constant 0 : i32
      %dma_wait3A_1287 = arith.constant 0 : i32
      %dma_wait3A_1288 = tpu.memref_slice %arg2[%arg0, %dma_wait3A_1286, %dma_wait3A_1287] : memref<2x10000x64xf32, #tpu.memory_space<hbm>> -> memref<1x10000x64xf32, #tpu.memory_space<hbm>>
      %dma_wait3A_1289 = tpu.memref_squeeze %dma_wait3A_1288 : memref<1x10000x64xf32, #tpu.memory_space<hbm>> -> memref<10000x64xf32, #tpu.memory_space<hbm>>
      %dma_wait3A_1290 = arith.constant 0 : i32
      %dma_wait3A_1291 = arith.constant 0 : i32
      %dma_wait3A_1292 = tpu.memref_slice %dma_wait3A_1289[%dma_wait3A_1290, %dma_wait3A_1291] : memref<10000x64xf32, #tpu.memory_space<hbm>> -> memref<10000x64xf32, #tpu.memory_space<hbm>>
      tpu.wait_indirect_dma semaphore(%arg18 : memref<!tpu.dma_semaphore, #tpu.memory_space<semaphore_mem>>) src(%dma_wait3A_1292 : memref<10000x64xf32, #tpu.memory_space<hbm>>) dst(%arg8 : memref<125x64xf32, #tpu.memory_space<vmem>>)
      %add3A_1293 = arith.constant 1 : i32
      %add3A_1294 = arith.addi %mul3A_1230, %add3A_1293 : i32
      %dma_wait3A_1295 = arith.constant 0 : i32
      %dma_wait3A_1296 = tpu.memref_slice %arg6[%add3A_1294, %dma_wait3A_1295] : memref<40x125xi32, #tpu.memory_space<vmem>> -> memref<1x125xi32, #tpu.memory_space<vmem>>
      %dma_wait3A_1297 = tpu.memref_squeeze %dma_wait3A_1296 : memref<1x125xi32, #tpu.memory_space<vmem>> -> memref<125xi32, #tpu.memory_space<vmem>>
      %dma_wait3A_1298 = arith.constant 0 : i32
      %dma_wait3A_1299 = arith.constant 0 : i32
      %dma_wait3A_1300 = tpu.memref_slice %arg2[%arg0, %dma_wait3A_1298, %dma_wait3A_1299] : memref<2x10000x64xf32, #tpu.memory_space<hbm>> -> memref<1x10000x64xf32, #tpu.memory_space<hbm>>
      %dma_wait3A_1301 = tpu.memref_squeeze %dma_wait3A_1300 : memref<1x10000x64xf32, #tpu.memory_space<hbm>> -> memref<10000x64xf32, #tpu.memory_space<hbm>>
      %dma_wait3A_1302 = arith.constant 0 : i32
      %dma_wait3A_1303 = arith.constant 0 : i32
      %dma_wait3A_1304 = tpu.memref_slice %dma_wait3A_1301[%dma_wait3A_1302, %dma_wait3A_1303] : memref<10000x64xf32, #tpu.memory_space<hbm>> -> memref<10000x64xf32, #tpu.memory_space<hbm>>
      tpu.wait_indirect_dma semaphore(%arg18 : memref<!tpu.dma_semaphore, #tpu.memory_space<semaphore_mem>>) src(%dma_wait3A_1304 : memref<10000x64xf32, #tpu.memory_space<hbm>>) dst(%arg9 : memref<125x64xf32, #tpu.memory_space<vmem>>)
      %add3A_1305 = arith.constant 2 : i32
      %add3A_1306 = arith.addi %mul3A_1230, %add3A_1305 : i32
      %dma_wait3A_1307 = arith.constant 0 : i32
      %dma_wait3A_1308 = tpu.memref_slice %arg6[%add3A_1306, %dma_wait3A_1307] : memref<40x125xi32, #tpu.memory_space<vmem>> -> memref<1x125xi32, #tpu.memory_space<vmem>>
      %dma_wait3A_1309 = tpu.memref_squeeze %dma_wait3A_1308 : memref<1x125xi32, #tpu.memory_space<vmem>> -> memref<125xi32, #tpu.memory_space<vmem>>
      %dma_wait3A_1310 = arith.constant 0 : i32
      %dma_wait3A_1311 = arith.constant 0 : i32
      %dma_wait3A_1312 = tpu.memref_slice %arg2[%arg0, %dma_wait3A_1310, %dma_wait3A_1311] : memref<2x10000x64xf32, #tpu.memory_space<hbm>> -> memref<1x10000x64xf32, #tpu.memory_space<hbm>>
      %dma_wait3A_1313 = tpu.memref_squeeze %dma_wait3A_1312 : memref<1x10000x64xf32, #tpu.memory_space<hbm>> -> memref<10000x64xf32, #tpu.memory_space<hbm>>
      %dma_wait3A_1314 = arith.constant 0 : i32
      %dma_wait3A_1315 = arith.constant 0 : i32
      %dma_wait3A_1316 = tpu.memref_slice %dma_wait3A_1313[%dma_wait3A_1314, %dma_wait3A_1315] : memref<10000x64xf32, #tpu.memory_space<hbm>> -> memref<10000x64xf32, #tpu.memory_space<hbm>>
      tpu.wait_indirect_dma semaphore(%arg18 : memref<!tpu.dma_semaphore, #tpu.memory_space<semaphore_mem>>) src(%dma_wait3A_1316 : memref<10000x64xf32, #tpu.memory_space<hbm>>) dst(%arg10 : memref<125x64xf32, #tpu.memory_space<vmem>>)
      %add3A_1317 = arith.constant 3 : i32
      %add3A_1318 = arith.addi %mul3A_1230, %add3A_1317 : i32
      %dma_wait3A_1319 = arith.constant 0 : i32
      %dma_wait3A_1320 = tpu.memref_slice %arg6[%add3A_1318, %dma_wait3A_1319] : memref<40x125xi32, #tpu.memory_space<vmem>> -> memref<1x125xi32, #tpu.memory_space<vmem>>
      %dma_wait3A_1321 = tpu.memref_squeeze %dma_wait3A_1320 : memref<1x125xi32, #tpu.memory_space<vmem>> -> memref<125xi32, #tpu.memory_space<vmem>>
      %dma_wait3A_1322 = arith.constant 0 : i32
      %dma_wait3A_1323 = arith.constant 0 : i32
      %dma_wait3A_1324 = tpu.memref_slice %arg2[%arg0, %dma_wait3A_1322, %dma_wait3A_1323] : memref<2x10000x64xf32, #tpu.memory_space<hbm>> -> memref<1x10000x64xf32, #tpu.memory_space<hbm>>
      %dma_wait3A_1325 = tpu.memref_squeeze %dma_wait3A_1324 : memref<1x10000x64xf32, #tpu.memory_space<hbm>> -> memref<10000x64xf32, #tpu.memory_space<hbm>>
      %dma_wait3A_1326 = arith.constant 0 : i32
      %dma_wait3A_1327 = arith.constant 0 : i32
      %dma_wait3A_1328 = tpu.memref_slice %dma_wait3A_1325[%dma_wait3A_1326, %dma_wait3A_1327] : memref<10000x64xf32, #tpu.memory_space<hbm>> -> memref<10000x64xf32, #tpu.memory_space<hbm>>
      tpu.wait_indirect_dma semaphore(%arg18 : memref<!tpu.dma_semaphore, #tpu.memory_space<semaphore_mem>>) src(%dma_wait3A_1328 : memref<10000x64xf32, #tpu.memory_space<hbm>>) dst(%arg11 : memref<125x64xf32, #tpu.memory_space<vmem>>)
      %add3A_1329 = arith.constant 0 : i32
      %add3A_1330 = arith.addi %mul3A_1230, %add3A_1329 : i32
      %dma_start3A_1331 = arith.constant 0 : i32
      %dma_start3A_1332 = tpu.memref_slice %arg7[%add3A_1330, %dma_start3A_1331] : memref<40x125xi32, #tpu.memory_space<vmem>> -> memref<1x125xi32, #tpu.memory_space<vmem>>
      %dma_start3A_1333 = tpu.memref_squeeze %dma_start3A_1332 : memref<1x125xi32, #tpu.memory_space<vmem>> -> memref<125xi32, #tpu.memory_space<vmem>>
      %dma_start3A_1334 = arith.constant 0 : i32
      %dma_start3A_1335 = arith.constant 0 : i32
      %dma_start3A_1336 = tpu.memref_slice %arg17[%dma_start3A_1334, %dma_start3A_1335] : memref<10240x64xf32, #tpu.memory_space<vmem_shared>> -> memref<10240x64xf32, #tpu.memory_space<vmem_shared>>
      tpu.enqueue_indirect_dma source(%arg8 : memref<125x64xf32, #tpu.memory_space<vmem>>) target(%dma_start3A_1336 : memref<10240x64xf32, #tpu.memory_space<vmem_shared>>) offsets(%dma_start3A_1333 : memref<125xi32, #tpu.memory_space<vmem>>) semaphore(%arg20 : memref<!tpu.dma_semaphore, #tpu.memory_space<semaphore_mem>>) {add = true}
      %add3A_1337 = arith.constant 1 : i32
      %add3A_1338 = arith.addi %mul3A_1230, %add3A_1337 : i32
      %dma_start3A_1339 = arith.constant 0 : i32
      %dma_start3A_1340 = tpu.memref_slice %arg7[%add3A_1338, %dma_start3A_1339] : memref<40x125xi32, #tpu.memory_space<vmem>> -> memref<1x125xi32, #tpu.memory_space<vmem>>
      %dma_start3A_1341 = tpu.memref_squeeze %dma_start3A_1340 : memref<1x125xi32, #tpu.memory_space<vmem>> -> memref<125xi32, #tpu.memory_space<vmem>>
      %dma_start3A_1342 = arith.constant 0 : i32
      %dma_start3A_1343 = arith.constant 0 : i32
      %dma_start3A_1344 = tpu.memref_slice %arg17[%dma_start3A_1342, %dma_start3A_1343] : memref<10240x64xf32, #tpu.memory_space<vmem_shared>> -> memref<10240x64xf32, #tpu.memory_space<vmem_shared>>
      tpu.enqueue_indirect_dma source(%arg9 : memref<125x64xf32, #tpu.memory_space<vmem>>) target(%dma_start3A_1344 : memref<10240x64xf32, #tpu.memory_space<vmem_shared>>) offsets(%dma_start3A_1341 : memref<125xi32, #tpu.memory_space<vmem>>) semaphore(%arg20 : memref<!tpu.dma_semaphore, #tpu.memory_space<semaphore_mem>>) {add = true}
      %add3A_1345 = arith.constant 2 : i32
      %add3A_1346 = arith.addi %mul3A_1230, %add3A_1345 : i32
      %dma_start3A_1347 = arith.constant 0 : i32
      %dma_start3A_1348 = tpu.memref_slice %arg7[%add3A_1346, %dma_start3A_1347] : memref<40x125xi32, #tpu.memory_space<vmem>> -> memref<1x125xi32, #tpu.memory_space<vmem>>
      %dma_start3A_1349 = tpu.memref_squeeze %dma_start3A_1348 : memref<1x125xi32, #tpu.memory_space<vmem>> -> memref<125xi32, #tpu.memory_space<vmem>>
      %dma_start3A_1350 = arith.constant 0 : i32
      %dma_start3A_1351 = arith.constant 0 : i32
      %dma_start3A_1352 = tpu.memref_slice %arg17[%dma_start3A_1350, %dma_start3A_1351] : memref<10240x64xf32, #tpu.memory_space<vmem_shared>> -> memref<10240x64xf32, #tpu.memory_space<vmem_shared>>
      tpu.enqueue_indirect_dma source(%arg10 : memref<125x64xf32, #tpu.memory_space<vmem>>) target(%dma_start3A_1352 : memref<10240x64xf32, #tpu.memory_space<vmem_shared>>) offsets(%dma_start3A_1349 : memref<125xi32, #tpu.memory_space<vmem>>) semaphore(%arg20 : memref<!tpu.dma_semaphore, #tpu.memory_space<semaphore_mem>>) {add = true}
      %add3A_1353 = arith.constant 3 : i32
      %add3A_1354 = arith.addi %mul3A_1230, %add3A_1353 : i32
      %dma_start3A_1355 = arith.constant 0 : i32
      %dma_start3A_1356 = tpu.memref_slice %arg7[%add3A_1354, %dma_start3A_1355] : memref<40x125xi32, #tpu.memory_space<vmem>> -> memref<1x125xi32, #tpu.memory_space<vmem>>
      %dma_start3A_1357 = tpu.memref_squeeze %dma_start3A_1356 : memref<1x125xi32, #tpu.memory_space<vmem>> -> memref<125xi32, #tpu.memory_space<vmem>>
      %dma_start3A_1358 = arith.constant 0 : i32
      %dma_start3A_1359 = arith.constant 0 : i32
      %dma_start3A_1360 = tpu.memref_slice %arg17[%dma_start3A_1358, %dma_start3A_1359] : memref<10240x64xf32, #tpu.memory_space<vmem_shared>> -> memref<10240x64xf32, #tpu.memory_space<vmem_shared>>
      tpu.enqueue_indirect_dma source(%arg11 : memref<125x64xf32, #tpu.memory_space<vmem>>) target(%dma_start3A_1360 : memref<10240x64xf32, #tpu.memory_space<vmem_shared>>) offsets(%dma_start3A_1357 : memref<125xi32, #tpu.memory_space<vmem>>) semaphore(%arg20 : memref<!tpu.dma_semaphore, #tpu.memory_space<semaphore_mem>>) {add = true}
      %add3A_1361 = arith.constant 0 : i32
      %add3A_1362 = arith.addi %mul3A_1230, %add3A_1361 : i32
      %dma_wait3A_1363 = arith.constant 0 : i32
      %dma_wait3A_1364 = tpu.memref_slice %arg7[%add3A_1362, %dma_wait3A_1363] : memref<40x125xi32, #tpu.memory_space<vmem>> -> memref<1x125xi32, #tpu.memory_space<vmem>>
      %dma_wait3A_1365 = tpu.memref_squeeze %dma_wait3A_1364 : memref<1x125xi32, #tpu.memory_space<vmem>> -> memref<125xi32, #tpu.memory_space<vmem>>
      %dma_wait3A_1366 = arith.constant 0 : i32
      %dma_wait3A_1367 = arith.constant 0 : i32
      %dma_wait3A_1368 = tpu.memref_slice %arg17[%dma_wait3A_1366, %dma_wait3A_1367] : memref<10240x64xf32, #tpu.memory_space<vmem_shared>> -> memref<10240x64xf32, #tpu.memory_space<vmem_shared>>
      tpu.wait_indirect_dma semaphore(%arg20 : memref<!tpu.dma_semaphore, #tpu.memory_space<semaphore_mem>>) src(%arg8 : memref<125x64xf32, #tpu.memory_space<vmem>>) dst(%dma_wait3A_1368 : memref<10240x64xf32, #tpu.memory_space<vmem_shared>>)
      %add3A_1369 = arith.constant 1 : i32
      %add3A_1370 = arith.addi %mul3A_1230, %add3A_1369 : i32
      %dma_wait3A_1371 = arith.constant 0 : i32
      %dma_wait3A_1372 = tpu.memref_slice %arg7[%add3A_1370, %dma_wait3A_1371] : memref<40x125xi32, #tpu.memory_space<vmem>> -> memref<1x125xi32, #tpu.memory_space<vmem>>
      %dma_wait3A_1373 = tpu.memref_squeeze %dma_wait3A_1372 : memref<1x125xi32, #tpu.memory_space<vmem>> -> memref<125xi32, #tpu.memory_space<vmem>>
      %dma_wait3A_1374 = arith.constant 0 : i32
      %dma_wait3A_1375 = arith.constant 0 : i32
      %dma_wait3A_1376 = tpu.memref_slice %arg17[%dma_wait3A_1374, %dma_wait3A_1375] : memref<10240x64xf32, #tpu.memory_space<vmem_shared>> -> memref<10240x64xf32, #tpu.memory_space<vmem_shared>>
      tpu.wait_indirect_dma semaphore(%arg20 : memref<!tpu.dma_semaphore, #tpu.memory_space<semaphore_mem>>) src(%arg9 : memref<125x64xf32, #tpu.memory_space<vmem>>) dst(%dma_wait3A_1376 : memref<10240x64xf32, #tpu.memory_space<vmem_shared>>)
      %add3A_1377 = arith.constant 2 : i32
      %add3A_1378 = arith.addi %mul3A_1230, %add3A_1377 : i32
      %dma_wait3A_1379 = arith.constant 0 : i32
      %dma_wait3A_1380 = tpu.memref_slice %arg7[%add3A_1378, %dma_wait3A_1379] : memref<40x125xi32, #tpu.memory_space<vmem>> -> memref<1x125xi32, #tpu.memory_space<vmem>>
      %dma_wait3A_1381 = tpu.memref_squeeze %dma_wait3A_1380 : memref<1x125xi32, #tpu.memory_space<vmem>> -> memref<125xi32, #tpu.memory_space<vmem>>
      %dma_wait3A_1382 = arith.constant 0 : i32
      %dma_wait3A_1383 = arith.constant 0 : i32
      %dma_wait3A_1384 = tpu.memref_slice %arg17[%dma_wait3A_1382, %dma_wait3A_1383] : memref<10240x64xf32, #tpu.memory_space<vmem_shared>> -> memref<10240x64xf32, #tpu.memory_space<vmem_shared>>
      tpu.wait_indirect_dma semaphore(%arg20 : memref<!tpu.dma_semaphore, #tpu.memory_space<semaphore_mem>>) src(%arg10 : memref<125x64xf32, #tpu.memory_space<vmem>>) dst(%dma_wait3A_1384 : memref<10240x64xf32, #tpu.memory_space<vmem_shared>>)
      %add3A_1385 = arith.constant 3 : i32
      %add3A_1386 = arith.addi %mul3A_1230, %add3A_1385 : i32
      %dma_wait3A_1387 = arith.constant 0 : i32
      %dma_wait3A_1388 = tpu.memref_slice %arg7[%add3A_1386, %dma_wait3A_1387] : memref<40x125xi32, #tpu.memory_space<vmem>> -> memref<1x125xi32, #tpu.memory_space<vmem>>
      %dma_wait3A_1389 = tpu.memref_squeeze %dma_wait3A_1388 : memref<1x125xi32, #tpu.memory_space<vmem>> -> memref<125xi32, #tpu.memory_space<vmem>>
      %dma_wait3A_1390 = arith.constant 0 : i32
      %dma_wait3A_1391 = arith.constant 0 : i32
      %dma_wait3A_1392 = tpu.memref_slice %arg17[%dma_wait3A_1390, %dma_wait3A_1391] : memref<10240x64xf32, #tpu.memory_space<vmem_shared>> -> memref<10240x64xf32, #tpu.memory_space<vmem_shared>>
      tpu.wait_indirect_dma semaphore(%arg20 : memref<!tpu.dma_semaphore, #tpu.memory_space<semaphore_mem>>) src(%arg11 : memref<125x64xf32, #tpu.memory_space<vmem>>) dst(%dma_wait3A_1392 : memref<10240x64xf32, #tpu.memory_space<vmem_shared>>)
      %add3A_1393 = arith.constant 8 : i32
      %add3A_1394 = arith.addi %mul3A_1230, %add3A_1393 : i32
      %add3A_1395 = arith.constant 0 : i32
      %add3A_1396 = arith.addi %add3A_1394, %add3A_1395 : i32
      %dma_start3A_1397 = arith.constant 0 : i32
      %dma_start3A_1398 = tpu.memref_slice %arg6[%add3A_1396, %dma_start3A_1397] : memref<40x125xi32, #tpu.memory_space<vmem>> -> memref<1x125xi32, #tpu.memory_space<vmem>>
      %dma_start3A_1399 = tpu.memref_squeeze %dma_start3A_1398 : memref<1x125xi32, #tpu.memory_space<vmem>> -> memref<125xi32, #tpu.memory_space<vmem>>
      %dma_start3A_1400 = arith.constant 0 : i32
      %dma_start3A_1401 = arith.constant 0 : i32
      %dma_start3A_1402 = tpu.memref_slice %arg2[%arg0, %dma_start3A_1400, %dma_start3A_1401] : memref<2x10000x64xf32, #tpu.memory_space<hbm>> -> memref<1x10000x64xf32, #tpu.memory_space<hbm>>
      %dma_start3A_1403 = tpu.memref_squeeze %dma_start3A_1402 : memref<1x10000x64xf32, #tpu.memory_space<hbm>> -> memref<10000x64xf32, #tpu.memory_space<hbm>>
      %dma_start3A_1404 = arith.constant 0 : i32
      %dma_start3A_1405 = arith.constant 0 : i32
      %dma_start3A_1406 = tpu.memref_slice %dma_start3A_1403[%dma_start3A_1404, %dma_start3A_1405] : memref<10000x64xf32, #tpu.memory_space<hbm>> -> memref<10000x64xf32, #tpu.memory_space<hbm>>
      tpu.enqueue_indirect_dma source(%dma_start3A_1406 : memref<10000x64xf32, #tpu.memory_space<hbm>>) target(%arg8 : memref<125x64xf32, #tpu.memory_space<vmem>>) offsets(%dma_start3A_1399 : memref<125xi32, #tpu.memory_space<vmem>>) semaphore(%arg18 : memref<!tpu.dma_semaphore, #tpu.memory_space<semaphore_mem>>)
      %add3A_1407 = arith.constant 1 : i32
      %add3A_1408 = arith.addi %add3A_1394, %add3A_1407 : i32
      %dma_start3A_1409 = arith.constant 0 : i32
      %dma_start3A_1410 = tpu.memref_slice %arg6[%add3A_1408, %dma_start3A_1409] : memref<40x125xi32, #tpu.memory_space<vmem>> -> memref<1x125xi32, #tpu.memory_space<vmem>>
      %dma_start3A_1411 = tpu.memref_squeeze %dma_start3A_1410 : memref<1x125xi32, #tpu.memory_space<vmem>> -> memref<125xi32, #tpu.memory_space<vmem>>
      %dma_start3A_1412 = arith.constant 0 : i32
      %dma_start3A_1413 = arith.constant 0 : i32
      %dma_start3A_1414 = tpu.memref_slice %arg2[%arg0, %dma_start3A_1412, %dma_start3A_1413] : memref<2x10000x64xf32, #tpu.memory_space<hbm>> -> memref<1x10000x64xf32, #tpu.memory_space<hbm>>
      %dma_start3A_1415 = tpu.memref_squeeze %dma_start3A_1414 : memref<1x10000x64xf32, #tpu.memory_space<hbm>> -> memref<10000x64xf32, #tpu.memory_space<hbm>>
      %dma_start3A_1416 = arith.constant 0 : i32
      %dma_start3A_1417 = arith.constant 0 : i32
      %dma_start3A_1418 = tpu.memref_slice %dma_start3A_1415[%dma_start3A_1416, %dma_start3A_1417] : memref<10000x64xf32, #tpu.memory_space<hbm>> -> memref<10000x64xf32, #tpu.memory_space<hbm>>
      tpu.enqueue_indirect_dma source(%dma_start3A_1418 : memref<10000x64xf32, #tpu.memory_space<hbm>>) target(%arg9 : memref<125x64xf32, #tpu.memory_space<vmem>>) offsets(%dma_start3A_1411 : memref<125xi32, #tpu.memory_space<vmem>>) semaphore(%arg18 : memref<!tpu.dma_semaphore, #tpu.memory_space<semaphore_mem>>)
      %add3A_1419 = arith.constant 2 : i32
      %add3A_1420 = arith.addi %add3A_1394, %add3A_1419 : i32
      %dma_start3A_1421 = arith.constant 0 : i32
      %dma_start3A_1422 = tpu.memref_slice %arg6[%add3A_1420, %dma_start3A_1421] : memref<40x125xi32, #tpu.memory_space<vmem>> -> memref<1x125xi32, #tpu.memory_space<vmem>>
      %dma_start3A_1423 = tpu.memref_squeeze %dma_start3A_1422 : memref<1x125xi32, #tpu.memory_space<vmem>> -> memref<125xi32, #tpu.memory_space<vmem>>
      %dma_start3A_1424 = arith.constant 0 : i32
      %dma_start3A_1425 = arith.constant 0 : i32
      %dma_start3A_1426 = tpu.memref_slice %arg2[%arg0, %dma_start3A_1424, %dma_start3A_1425] : memref<2x10000x64xf32, #tpu.memory_space<hbm>> -> memref<1x10000x64xf32, #tpu.memory_space<hbm>>
      %dma_start3A_1427 = tpu.memref_squeeze %dma_start3A_1426 : memref<1x10000x64xf32, #tpu.memory_space<hbm>> -> memref<10000x64xf32, #tpu.memory_space<hbm>>
      %dma_start3A_1428 = arith.constant 0 : i32
      %dma_start3A_1429 = arith.constant 0 : i32
      %dma_start3A_1430 = tpu.memref_slice %dma_start3A_1427[%dma_start3A_1428, %dma_start3A_1429] : memref<10000x64xf32, #tpu.memory_space<hbm>> -> memref<10000x64xf32, #tpu.memory_space<hbm>>
      tpu.enqueue_indirect_dma source(%dma_start3A_1430 : memref<10000x64xf32, #tpu.memory_space<hbm>>) target(%arg10 : memref<125x64xf32, #tpu.memory_space<vmem>>) offsets(%dma_start3A_1423 : memref<125xi32, #tpu.memory_space<vmem>>) semaphore(%arg18 : memref<!tpu.dma_semaphore, #tpu.memory_space<semaphore_mem>>)
      %add3A_1431 = arith.constant 3 : i32
      %add3A_1432 = arith.addi %add3A_1394, %add3A_1431 : i32
      %dma_start3A_1433 = arith.constant 0 : i32
      %dma_start3A_1434 = tpu.memref_slice %arg6[%add3A_1432, %dma_start3A_1433] : memref<40x125xi32, #tpu.memory_space<vmem>> -> memref<1x125xi32, #tpu.memory_space<vmem>>
      %dma_start3A_1435 = tpu.memref_squeeze %dma_start3A_1434 : memref<1x125xi32, #tpu.memory_space<vmem>> -> memref<125xi32, #tpu.memory_space<vmem>>
      %dma_start3A_1436 = arith.constant 0 : i32
      %dma_start3A_1437 = arith.constant 0 : i32
      %dma_start3A_1438 = tpu.memref_slice %arg2[%arg0, %dma_start3A_1436, %dma_start3A_1437] : memref<2x10000x64xf32, #tpu.memory_space<hbm>> -> memref<1x10000x64xf32, #tpu.memory_space<hbm>>
      %dma_start3A_1439 = tpu.memref_squeeze %dma_start3A_1438 : memref<1x10000x64xf32, #tpu.memory_space<hbm>> -> memref<10000x64xf32, #tpu.memory_space<hbm>>
      %dma_start3A_1440 = arith.constant 0 : i32
      %dma_start3A_1441 = arith.constant 0 : i32
      %dma_start3A_1442 = tpu.memref_slice %dma_start3A_1439[%dma_start3A_1440, %dma_start3A_1441] : memref<10000x64xf32, #tpu.memory_space<hbm>> -> memref<10000x64xf32, #tpu.memory_space<hbm>>
      tpu.enqueue_indirect_dma source(%dma_start3A_1442 : memref<10000x64xf32, #tpu.memory_space<hbm>>) target(%arg11 : memref<125x64xf32, #tpu.memory_space<vmem>>) offsets(%dma_start3A_1435 : memref<125xi32, #tpu.memory_space<vmem>>) semaphore(%arg18 : memref<!tpu.dma_semaphore, #tpu.memory_space<semaphore_mem>>)
      %add3A_1443 = arith.constant 4 : i32
      %add3A_1444 = arith.addi %mul3A_1230, %add3A_1443 : i32
      %add3A_1445 = arith.constant 0 : i32
      %add3A_1446 = arith.addi %add3A_1444, %add3A_1445 : i32
      %dma_wait3A_1447 = arith.constant 0 : i32
      %dma_wait3A_1448 = tpu.memref_slice %arg6[%add3A_1446, %dma_wait3A_1447] : memref<40x125xi32, #tpu.memory_space<vmem>> -> memref<1x125xi32, #tpu.memory_space<vmem>>
      %dma_wait3A_1449 = tpu.memref_squeeze %dma_wait3A_1448 : memref<1x125xi32, #tpu.memory_space<vmem>> -> memref<125xi32, #tpu.memory_space<vmem>>
      %dma_wait3A_1450 = arith.constant 0 : i32
      %dma_wait3A_1451 = arith.constant 0 : i32
      %dma_wait3A_1452 = tpu.memref_slice %arg2[%arg0, %dma_wait3A_1450, %dma_wait3A_1451] : memref<2x10000x64xf32, #tpu.memory_space<hbm>> -> memref<1x10000x64xf32, #tpu.memory_space<hbm>>
      %dma_wait3A_1453 = tpu.memref_squeeze %dma_wait3A_1452 : memref<1x10000x64xf32, #tpu.memory_space<hbm>> -> memref<10000x64xf32, #tpu.memory_space<hbm>>
      %dma_wait3A_1454 = arith.constant 0 : i32
      %dma_wait3A_1455 = arith.constant 0 : i32
      %dma_wait3A_1456 = tpu.memref_slice %dma_wait3A_1453[%dma_wait3A_1454, %dma_wait3A_1455] : memref<10000x64xf32, #tpu.memory_space<hbm>> -> memref<10000x64xf32, #tpu.memory_space<hbm>>
      tpu.wait_indirect_dma semaphore(%arg19 : memref<!tpu.dma_semaphore, #tpu.memory_space<semaphore_mem>>) src(%dma_wait3A_1456 : memref<10000x64xf32, #tpu.memory_space<hbm>>) dst(%arg12 : memref<125x64xf32, #tpu.memory_space<vmem>>)
      %add3A_1457 = arith.constant 1 : i32
      %add3A_1458 = arith.addi %add3A_1444, %add3A_1457 : i32
      %dma_wait3A_1459 = arith.constant 0 : i32
      %dma_wait3A_1460 = tpu.memref_slice %arg6[%add3A_1458, %dma_wait3A_1459] : memref<40x125xi32, #tpu.memory_space<vmem>> -> memref<1x125xi32, #tpu.memory_space<vmem>>
      %dma_wait3A_1461 = tpu.memref_squeeze %dma_wait3A_1460 : memref<1x125xi32, #tpu.memory_space<vmem>> -> memref<125xi32, #tpu.memory_space<vmem>>
      %dma_wait3A_1462 = arith.constant 0 : i32
      %dma_wait3A_1463 = arith.constant 0 : i32
      %dma_wait3A_1464 = tpu.memref_slice %arg2[%arg0, %dma_wait3A_1462, %dma_wait3A_1463] : memref<2x10000x64xf32, #tpu.memory_space<hbm>> -> memref<1x10000x64xf32, #tpu.memory_space<hbm>>
      %dma_wait3A_1465 = tpu.memref_squeeze %dma_wait3A_1464 : memref<1x10000x64xf32, #tpu.memory_space<hbm>> -> memref<10000x64xf32, #tpu.memory_space<hbm>>
      %dma_wait3A_1466 = arith.constant 0 : i32
      %dma_wait3A_1467 = arith.constant 0 : i32
      %dma_wait3A_1468 = tpu.memref_slice %dma_wait3A_1465[%dma_wait3A_1466, %dma_wait3A_1467] : memref<10000x64xf32, #tpu.memory_space<hbm>> -> memref<10000x64xf32, #tpu.memory_space<hbm>>
      tpu.wait_indirect_dma semaphore(%arg19 : memref<!tpu.dma_semaphore, #tpu.memory_space<semaphore_mem>>) src(%dma_wait3A_1468 : memref<10000x64xf32, #tpu.memory_space<hbm>>) dst(%arg13 : memref<125x64xf32, #tpu.memory_space<vmem>>)
      %add3A_1469 = arith.constant 2 : i32
      %add3A_1470 = arith.addi %add3A_1444, %add3A_1469 : i32
      %dma_wait3A_1471 = arith.constant 0 : i32
      %dma_wait3A_1472 = tpu.memref_slice %arg6[%add3A_1470, %dma_wait3A_1471] : memref<40x125xi32, #tpu.memory_space<vmem>> -> memref<1x125xi32, #tpu.memory_space<vmem>>
      %dma_wait3A_1473 = tpu.memref_squeeze %dma_wait3A_1472 : memref<1x125xi32, #tpu.memory_space<vmem>> -> memref<125xi32, #tpu.memory_space<vmem>>
      %dma_wait3A_1474 = arith.constant 0 : i32
      %dma_wait3A_1475 = arith.constant 0 : i32
      %dma_wait3A_1476 = tpu.memref_slice %arg2[%arg0, %dma_wait3A_1474, %dma_wait3A_1475] : memref<2x10000x64xf32, #tpu.memory_space<hbm>> -> memref<1x10000x64xf32, #tpu.memory_space<hbm>>
      %dma_wait3A_1477 = tpu.memref_squeeze %dma_wait3A_1476 : memref<1x10000x64xf32, #tpu.memory_space<hbm>> -> memref<10000x64xf32, #tpu.memory_space<hbm>>
      %dma_wait3A_1478 = arith.constant 0 : i32
      %dma_wait3A_1479 = arith.constant 0 : i32
      %dma_wait3A_1480 = tpu.memref_slice %dma_wait3A_1477[%dma_wait3A_1478, %dma_wait3A_1479] : memref<10000x64xf32, #tpu.memory_space<hbm>> -> memref<10000x64xf32, #tpu.memory_space<hbm>>
      tpu.wait_indirect_dma semaphore(%arg19 : memref<!tpu.dma_semaphore, #tpu.memory_space<semaphore_mem>>) src(%dma_wait3A_1480 : memref<10000x64xf32, #tpu.memory_space<hbm>>) dst(%arg14 : memref<125x64xf32, #tpu.memory_space<vmem>>)
      %add3A_1481 = arith.constant 3 : i32
      %add3A_1482 = arith.addi %add3A_1444, %add3A_1481 : i32
      %dma_wait3A_1483 = arith.constant 0 : i32
      %dma_wait3A_1484 = tpu.memref_slice %arg6[%add3A_1482, %dma_wait3A_1483] : memref<40x125xi32, #tpu.memory_space<vmem>> -> memref<1x125xi32, #tpu.memory_space<vmem>>
      %dma_wait3A_1485 = tpu.memref_squeeze %dma_wait3A_1484 : memref<1x125xi32, #tpu.memory_space<vmem>> -> memref<125xi32, #tpu.memory_space<vmem>>
      %dma_wait3A_1486 = arith.constant 0 : i32
      %dma_wait3A_1487 = arith.constant 0 : i32
      %dma_wait3A_1488 = tpu.memref_slice %arg2[%arg0, %dma_wait3A_1486, %dma_wait3A_1487] : memref<2x10000x64xf32, #tpu.memory_space<hbm>> -> memref<1x10000x64xf32, #tpu.memory_space<hbm>>
      %dma_wait3A_1489 = tpu.memref_squeeze %dma_wait3A_1488 : memref<1x10000x64xf32, #tpu.memory_space<hbm>> -> memref<10000x64xf32, #tpu.memory_space<hbm>>
      %dma_wait3A_1490 = arith.constant 0 : i32
      %dma_wait3A_1491 = arith.constant 0 : i32
      %dma_wait3A_1492 = tpu.memref_slice %dma_wait3A_1489[%dma_wait3A_1490, %dma_wait3A_1491] : memref<10000x64xf32, #tpu.memory_space<hbm>> -> memref<10000x64xf32, #tpu.memory_space<hbm>>
      tpu.wait_indirect_dma semaphore(%arg19 : memref<!tpu.dma_semaphore, #tpu.memory_space<semaphore_mem>>) src(%dma_wait3A_1492 : memref<10000x64xf32, #tpu.memory_space<hbm>>) dst(%arg15 : memref<125x64xf32, #tpu.memory_space<vmem>>)
      %add3A_1493 = arith.constant 4 : i32
      %add3A_1494 = arith.addi %mul3A_1230, %add3A_1493 : i32
      %add3A_1495 = arith.constant 0 : i32
      %add3A_1496 = arith.addi %add3A_1494, %add3A_1495 : i32
      %dma_start3A_1497 = arith.constant 0 : i32
      %dma_start3A_1498 = tpu.memref_slice %arg7[%add3A_1496, %dma_start3A_1497] : memref<40x125xi32, #tpu.memory_space<vmem>> -> memref<1x125xi32, #tpu.memory_space<vmem>>
      %dma_start3A_1499 = tpu.memref_squeeze %dma_start3A_1498 : memref<1x125xi32, #tpu.memory_space<vmem>> -> memref<125xi32, #tpu.memory_space<vmem>>
      %dma_start3A_1500 = arith.constant 0 : i32
      %dma_start3A_1501 = arith.constant 0 : i32
      %dma_start3A_1502 = tpu.memref_slice %arg17[%dma_start3A_1500, %dma_start3A_1501] : memref<10240x64xf32, #tpu.memory_space<vmem_shared>> -> memref<10240x64xf32, #tpu.memory_space<vmem_shared>>
      tpu.enqueue_indirect_dma source(%arg12 : memref<125x64xf32, #tpu.memory_space<vmem>>) target(%dma_start3A_1502 : memref<10240x64xf32, #tpu.memory_space<vmem_shared>>) offsets(%dma_start3A_1499 : memref<125xi32, #tpu.memory_space<vmem>>) semaphore(%arg20 : memref<!tpu.dma_semaphore, #tpu.memory_space<semaphore_mem>>) {add = true}
      %add3A_1503 = arith.constant 1 : i32
      %add3A_1504 = arith.addi %add3A_1494, %add3A_1503 : i32
      %dma_start3A_1505 = arith.constant 0 : i32
      %dma_start3A_1506 = tpu.memref_slice %arg7[%add3A_1504, %dma_start3A_1505] : memref<40x125xi32, #tpu.memory_space<vmem>> -> memref<1x125xi32, #tpu.memory_space<vmem>>
      %dma_start3A_1507 = tpu.memref_squeeze %dma_start3A_1506 : memref<1x125xi32, #tpu.memory_space<vmem>> -> memref<125xi32, #tpu.memory_space<vmem>>
      %dma_start3A_1508 = arith.constant 0 : i32
      %dma_start3A_1509 = arith.constant 0 : i32
      %dma_start3A_1510 = tpu.memref_slice %arg17[%dma_start3A_1508, %dma_start3A_1509] : memref<10240x64xf32, #tpu.memory_space<vmem_shared>> -> memref<10240x64xf32, #tpu.memory_space<vmem_shared>>
      tpu.enqueue_indirect_dma source(%arg13 : memref<125x64xf32, #tpu.memory_space<vmem>>) target(%dma_start3A_1510 : memref<10240x64xf32, #tpu.memory_space<vmem_shared>>) offsets(%dma_start3A_1507 : memref<125xi32, #tpu.memory_space<vmem>>) semaphore(%arg20 : memref<!tpu.dma_semaphore, #tpu.memory_space<semaphore_mem>>) {add = true}
      %add3A_1511 = arith.constant 2 : i32
      %add3A_1512 = arith.addi %add3A_1494, %add3A_1511 : i32
      %dma_start3A_1513 = arith.constant 0 : i32
      %dma_start3A_1514 = tpu.memref_slice %arg7[%add3A_1512, %dma_start3A_1513] : memref<40x125xi32, #tpu.memory_space<vmem>> -> memref<1x125xi32, #tpu.memory_space<vmem>>
      %dma_start3A_1515 = tpu.memref_squeeze %dma_start3A_1514 : memref<1x125xi32, #tpu.memory_space<vmem>> -> memref<125xi32, #tpu.memory_space<vmem>>
      %dma_start3A_1516 = arith.constant 0 : i32
      %dma_start3A_1517 = arith.constant 0 : i32
      %dma_start3A_1518 = tpu.memref_slice %arg17[%dma_start3A_1516, %dma_start3A_1517] : memref<10240x64xf32, #tpu.memory_space<vmem_shared>> -> memref<10240x64xf32, #tpu.memory_space<vmem_shared>>
      tpu.enqueue_indirect_dma source(%arg14 : memref<125x64xf32, #tpu.memory_space<vmem>>) target(%dma_start3A_1518 : memref<10240x64xf32, #tpu.memory_space<vmem_shared>>) offsets(%dma_start3A_1515 : memref<125xi32, #tpu.memory_space<vmem>>) semaphore(%arg20 : memref<!tpu.dma_semaphore, #tpu.memory_space<semaphore_mem>>) {add = true}
      %add3A_1519 = arith.constant 3 : i32
      %add3A_1520 = arith.addi %add3A_1494, %add3A_1519 : i32
      %dma_start3A_1521 = arith.constant 0 : i32
      %dma_start3A_1522 = tpu.memref_slice %arg7[%add3A_1520, %dma_start3A_1521] : memref<40x125xi32, #tpu.memory_space<vmem>> -> memref<1x125xi32, #tpu.memory_space<vmem>>
      %dma_start3A_1523 = tpu.memref_squeeze %dma_start3A_1522 : memref<1x125xi32, #tpu.memory_space<vmem>> -> memref<125xi32, #tpu.memory_space<vmem>>
      %dma_start3A_1524 = arith.constant 0 : i32
      %dma_start3A_1525 = arith.constant 0 : i32
      %dma_start3A_1526 = tpu.memref_slice %arg17[%dma_start3A_1524, %dma_start3A_1525] : memref<10240x64xf32, #tpu.memory_space<vmem_shared>> -> memref<10240x64xf32, #tpu.memory_space<vmem_shared>>
      tpu.enqueue_indirect_dma source(%arg15 : memref<125x64xf32, #tpu.memory_space<vmem>>) target(%dma_start3A_1526 : memref<10240x64xf32, #tpu.memory_space<vmem_shared>>) offsets(%dma_start3A_1523 : memref<125xi32, #tpu.memory_space<vmem>>) semaphore(%arg20 : memref<!tpu.dma_semaphore, #tpu.memory_space<semaphore_mem>>) {add = true}
      %add3A_1527 = arith.constant 4 : i32
      %add3A_1528 = arith.addi %mul3A_1230, %add3A_1527 : i32
      %add3A_1529 = arith.constant 0 : i32
      %add3A_1530 = arith.addi %add3A_1528, %add3A_1529 : i32
      %dma_wait3A_1531 = arith.constant 0 : i32
      %dma_wait3A_1532 = tpu.memref_slice %arg7[%add3A_1530, %dma_wait3A_1531] : memref<40x125xi32, #tpu.memory_space<vmem>> -> memref<1x125xi32, #tpu.memory_space<vmem>>
      %dma_wait3A_1533 = tpu.memref_squeeze %dma_wait3A_1532 : memref<1x125xi32, #tpu.memory_space<vmem>> -> memref<125xi32, #tpu.memory_space<vmem>>
      %dma_wait3A_1534 = arith.constant 0 : i32
      %dma_wait3A_1535 = arith.constant 0 : i32
      %dma_wait3A_1536 = tpu.memref_slice %arg17[%dma_wait3A_1534, %dma_wait3A_1535] : memref<10240x64xf32, #tpu.memory_space<vmem_shared>> -> memref<10240x64xf32, #tpu.memory_space<vmem_shared>>
      tpu.wait_indirect_dma semaphore(%arg20 : memref<!tpu.dma_semaphore, #tpu.memory_space<semaphore_mem>>) src(%arg12 : memref<125x64xf32, #tpu.memory_space<vmem>>) dst(%dma_wait3A_1536 : memref<10240x64xf32, #tpu.memory_space<vmem_shared>>)
      %add3A_1537 = arith.constant 1 : i32
      %add3A_1538 = arith.addi %add3A_1528, %add3A_1537 : i32
      %dma_wait3A_1539 = arith.constant 0 : i32
      %dma_wait3A_1540 = tpu.memref_slice %arg7[%add3A_1538, %dma_wait3A_1539] : memref<40x125xi32, #tpu.memory_space<vmem>> -> memref<1x125xi32, #tpu.memory_space<vmem>>
      %dma_wait3A_1541 = tpu.memref_squeeze %dma_wait3A_1540 : memref<1x125xi32, #tpu.memory_space<vmem>> -> memref<125xi32, #tpu.memory_space<vmem>>
      %dma_wait3A_1542 = arith.constant 0 : i32
      %dma_wait3A_1543 = arith.constant 0 : i32
      %dma_wait3A_1544 = tpu.memref_slice %arg17[%dma_wait3A_1542, %dma_wait3A_1543] : memref<10240x64xf32, #tpu.memory_space<vmem_shared>> -> memref<10240x64xf32, #tpu.memory_space<vmem_shared>>
      tpu.wait_indirect_dma semaphore(%arg20 : memref<!tpu.dma_semaphore, #tpu.memory_space<semaphore_mem>>) src(%arg13 : memref<125x64xf32, #tpu.memory_space<vmem>>) dst(%dma_wait3A_1544 : memref<10240x64xf32, #tpu.memory_space<vmem_shared>>)
      %add3A_1545 = arith.constant 2 : i32
      %add3A_1546 = arith.addi %add3A_1528, %add3A_1545 : i32
      %dma_wait3A_1547 = arith.constant 0 : i32
      %dma_wait3A_1548 = tpu.memref_slice %arg7[%add3A_1546, %dma_wait3A_1547] : memref<40x125xi32, #tpu.memory_space<vmem>> -> memref<1x125xi32, #tpu.memory_space<vmem>>
      %dma_wait3A_1549 = tpu.memref_squeeze %dma_wait3A_1548 : memref<1x125xi32, #tpu.memory_space<vmem>> -> memref<125xi32, #tpu.memory_space<vmem>>
      %dma_wait3A_1550 = arith.constant 0 : i32
      %dma_wait3A_1551 = arith.constant 0 : i32
      %dma_wait3A_1552 = tpu.memref_slice %arg17[%dma_wait3A_1550, %dma_wait3A_1551] : memref<10240x64xf32, #tpu.memory_space<vmem_shared>> -> memref<10240x64xf32, #tpu.memory_space<vmem_shared>>
      tpu.wait_indirect_dma semaphore(%arg20 : memref<!tpu.dma_semaphore, #tpu.memory_space<semaphore_mem>>) src(%arg14 : memref<125x64xf32, #tpu.memory_space<vmem>>) dst(%dma_wait3A_1552 : memref<10240x64xf32, #tpu.memory_space<vmem_shared>>)
      %add3A_1553 = arith.constant 3 : i32
      %add3A_1554 = arith.addi %add3A_1528, %add3A_1553 : i32
      %dma_wait3A_1555 = arith.constant 0 : i32
      %dma_wait3A_1556 = tpu.memref_slice %arg7[%add3A_1554, %dma_wait3A_1555] : memref<40x125xi32, #tpu.memory_space<vmem>> -> memref<1x125xi32, #tpu.memory_space<vmem>>
      %dma_wait3A_1557 = tpu.memref_squeeze %dma_wait3A_1556 : memref<1x125xi32, #tpu.memory_space<vmem>> -> memref<125xi32, #tpu.memory_space<vmem>>
      %dma_wait3A_1558 = arith.constant 0 : i32
      %dma_wait3A_1559 = arith.constant 0 : i32
      %dma_wait3A_1560 = tpu.memref_slice %arg17[%dma_wait3A_1558, %dma_wait3A_1559] : memref<10240x64xf32, #tpu.memory_space<vmem_shared>> -> memref<10240x64xf32, #tpu.memory_space<vmem_shared>>
      tpu.wait_indirect_dma semaphore(%arg20 : memref<!tpu.dma_semaphore, #tpu.memory_space<semaphore_mem>>) src(%arg15 : memref<125x64xf32, #tpu.memory_space<vmem>>) dst(%dma_wait3A_1560 : memref<10240x64xf32, #tpu.memory_space<vmem_shared>>)
    }
    %scan3A_672 = arith.constant 4 : i32
    %dma_start3A_673 = arith.constant 36 : i32
    %dma_start3A_674 = arith.constant 0 : i32
    %dma_start3A_675 = tpu.memref_slice %arg6[%dma_start3A_673, %dma_start3A_674] : memref<40x125xi32, #tpu.memory_space<vmem>> -> memref<1x125xi32, #tpu.memory_space<vmem>>
    %dma_start3A_676 = tpu.memref_squeeze %dma_start3A_675 : memref<1x125xi32, #tpu.memory_space<vmem>> -> memref<125xi32, #tpu.memory_space<vmem>>
    %dma_start3A_677 = arith.constant 0 : i32
    %dma_start3A_678 = arith.constant 0 : i32
    %dma_start3A_679 = tpu.memref_slice %arg2[%arg0, %dma_start3A_677, %dma_start3A_678] : memref<2x10000x64xf32, #tpu.memory_space<hbm>> -> memref<1x10000x64xf32, #tpu.memory_space<hbm>>
    %dma_start3A_680 = tpu.memref_squeeze %dma_start3A_679 : memref<1x10000x64xf32, #tpu.memory_space<hbm>> -> memref<10000x64xf32, #tpu.memory_space<hbm>>
    %dma_start3A_681 = arith.constant 0 : i32
    %dma_start3A_682 = arith.constant 0 : i32
    %dma_start3A_683 = tpu.memref_slice %dma_start3A_680[%dma_start3A_681, %dma_start3A_682] : memref<10000x64xf32, #tpu.memory_space<hbm>> -> memref<10000x64xf32, #tpu.memory_space<hbm>>
    tpu.enqueue_indirect_dma source(%dma_start3A_683 : memref<10000x64xf32, #tpu.memory_space<hbm>>) target(%arg12 : memref<125x64xf32, #tpu.memory_space<vmem>>) offsets(%dma_start3A_676 : memref<125xi32, #tpu.memory_space<vmem>>) semaphore(%arg19 : memref<!tpu.dma_semaphore, #tpu.memory_space<semaphore_mem>>)
    %dma_start3A_684 = arith.constant 37 : i32
    %dma_start3A_685 = arith.constant 0 : i32
    %dma_start3A_686 = tpu.memref_slice %arg6[%dma_start3A_684, %dma_start3A_685] : memref<40x125xi32, #tpu.memory_space<vmem>> -> memref<1x125xi32, #tpu.memory_space<vmem>>
    %dma_start3A_687 = tpu.memref_squeeze %dma_start3A_686 : memref<1x125xi32, #tpu.memory_space<vmem>> -> memref<125xi32, #tpu.memory_space<vmem>>
    %dma_start3A_688 = arith.constant 0 : i32
    %dma_start3A_689 = arith.constant 0 : i32
    %dma_start3A_690 = tpu.memref_slice %arg2[%arg0, %dma_start3A_688, %dma_start3A_689] : memref<2x10000x64xf32, #tpu.memory_space<hbm>> -> memref<1x10000x64xf32, #tpu.memory_space<hbm>>
    %dma_start3A_691 = tpu.memref_squeeze %dma_start3A_690 : memref<1x10000x64xf32, #tpu.memory_space<hbm>> -> memref<10000x64xf32, #tpu.memory_space<hbm>>
    %dma_start3A_692 = arith.constant 0 : i32
    %dma_start3A_693 = arith.constant 0 : i32
    %dma_start3A_694 = tpu.memref_slice %dma_start3A_691[%dma_start3A_692, %dma_start3A_693] : memref<10000x64xf32, #tpu.memory_space<hbm>> -> memref<10000x64xf32, #tpu.memory_space<hbm>>
    tpu.enqueue_indirect_dma source(%dma_start3A_694 : memref<10000x64xf32, #tpu.memory_space<hbm>>) target(%arg13 : memref<125x64xf32, #tpu.memory_space<vmem>>) offsets(%dma_start3A_687 : memref<125xi32, #tpu.memory_space<vmem>>) semaphore(%arg19 : memref<!tpu.dma_semaphore, #tpu.memory_space<semaphore_mem>>)
    %dma_start3A_695 = arith.constant 38 : i32
    %dma_start3A_696 = arith.constant 0 : i32
    %dma_start3A_697 = tpu.memref_slice %arg6[%dma_start3A_695, %dma_start3A_696] : memref<40x125xi32, #tpu.memory_space<vmem>> -> memref<1x125xi32, #tpu.memory_space<vmem>>
    %dma_start3A_698 = tpu.memref_squeeze %dma_start3A_697 : memref<1x125xi32, #tpu.memory_space<vmem>> -> memref<125xi32, #tpu.memory_space<vmem>>
    %dma_start3A_699 = arith.constant 0 : i32
    %dma_start3A_700 = arith.constant 0 : i32
    %dma_start3A_701 = tpu.memref_slice %arg2[%arg0, %dma_start3A_699, %dma_start3A_700] : memref<2x10000x64xf32, #tpu.memory_space<hbm>> -> memref<1x10000x64xf32, #tpu.memory_space<hbm>>
    %dma_start3A_702 = tpu.memref_squeeze %dma_start3A_701 : memref<1x10000x64xf32, #tpu.memory_space<hbm>> -> memref<10000x64xf32, #tpu.memory_space<hbm>>
    %dma_start3A_703 = arith.constant 0 : i32
    %dma_start3A_704 = arith.constant 0 : i32
    %dma_start3A_705 = tpu.memref_slice %dma_start3A_702[%dma_start3A_703, %dma_start3A_704] : memref<10000x64xf32, #tpu.memory_space<hbm>> -> memref<10000x64xf32, #tpu.memory_space<hbm>>
    tpu.enqueue_indirect_dma source(%dma_start3A_705 : memref<10000x64xf32, #tpu.memory_space<hbm>>) target(%arg14 : memref<125x64xf32, #tpu.memory_space<vmem>>) offsets(%dma_start3A_698 : memref<125xi32, #tpu.memory_space<vmem>>) semaphore(%arg19 : memref<!tpu.dma_semaphore, #tpu.memory_space<semaphore_mem>>)
    %dma_start3A_706 = arith.constant 39 : i32
    %dma_start3A_707 = arith.constant 0 : i32
    %dma_start3A_708 = tpu.memref_slice %arg6[%dma_start3A_706, %dma_start3A_707] : memref<40x125xi32, #tpu.memory_space<vmem>> -> memref<1x125xi32, #tpu.memory_space<vmem>>
    %dma_start3A_709 = tpu.memref_squeeze %dma_start3A_708 : memref<1x125xi32, #tpu.memory_space<vmem>> -> memref<125xi32, #tpu.memory_space<vmem>>
    %dma_start3A_710 = arith.constant 0 : i32
    %dma_start3A_711 = arith.constant 0 : i32
    %dma_start3A_712 = tpu.memref_slice %arg2[%arg0, %dma_start3A_710, %dma_start3A_711] : memref<2x10000x64xf32, #tpu.memory_space<hbm>> -> memref<1x10000x64xf32, #tpu.memory_space<hbm>>
    %dma_start3A_713 = tpu.memref_squeeze %dma_start3A_712 : memref<1x10000x64xf32, #tpu.memory_space<hbm>> -> memref<10000x64xf32, #tpu.memory_space<hbm>>
    %dma_start3A_714 = arith.constant 0 : i32
    %dma_start3A_715 = arith.constant 0 : i32
    %dma_start3A_716 = tpu.memref_slice %dma_start3A_713[%dma_start3A_714, %dma_start3A_715] : memref<10000x64xf32, #tpu.memory_space<hbm>> -> memref<10000x64xf32, #tpu.memory_space<hbm>>
    tpu.enqueue_indirect_dma source(%dma_start3A_716 : memref<10000x64xf32, #tpu.memory_space<hbm>>) target(%arg15 : memref<125x64xf32, #tpu.memory_space<vmem>>) offsets(%dma_start3A_709 : memref<125xi32, #tpu.memory_space<vmem>>) semaphore(%arg19 : memref<!tpu.dma_semaphore, #tpu.memory_space<semaphore_mem>>)
    %dma_wait3A_717 = arith.constant 32 : i32
    %dma_wait3A_718 = arith.constant 0 : i32
    %dma_wait3A_719 = tpu.memref_slice %arg6[%dma_wait3A_717, %dma_wait3A_718] : memref<40x125xi32, #tpu.memory_space<vmem>> -> memref<1x125xi32, #tpu.memory_space<vmem>>
    %dma_wait3A_720 = tpu.memref_squeeze %dma_wait3A_719 : memref<1x125xi32, #tpu.memory_space<vmem>> -> memref<125xi32, #tpu.memory_space<vmem>>
    %dma_wait3A_721 = arith.constant 0 : i32
    %dma_wait3A_722 = arith.constant 0 : i32
    %dma_wait3A_723 = tpu.memref_slice %arg2[%arg0, %dma_wait3A_721, %dma_wait3A_722] : memref<2x10000x64xf32, #tpu.memory_space<hbm>> -> memref<1x10000x64xf32, #tpu.memory_space<hbm>>
    %dma_wait3A_724 = tpu.memref_squeeze %dma_wait3A_723 : memref<1x10000x64xf32, #tpu.memory_space<hbm>> -> memref<10000x64xf32, #tpu.memory_space<hbm>>
    %dma_wait3A_725 = arith.constant 0 : i32
    %dma_wait3A_726 = arith.constant 0 : i32
    %dma_wait3A_727 = tpu.memref_slice %dma_wait3A_724[%dma_wait3A_725, %dma_wait3A_726] : memref<10000x64xf32, #tpu.memory_space<hbm>> -> memref<10000x64xf32, #tpu.memory_space<hbm>>
    tpu.wait_indirect_dma semaphore(%arg18 : memref<!tpu.dma_semaphore, #tpu.memory_space<semaphore_mem>>) src(%dma_wait3A_727 : memref<10000x64xf32, #tpu.memory_space<hbm>>) dst(%arg8 : memref<125x64xf32, #tpu.memory_space<vmem>>)
    %dma_wait3A_728 = arith.constant 33 : i32
    %dma_wait3A_729 = arith.constant 0 : i32
    %dma_wait3A_730 = tpu.memref_slice %arg6[%dma_wait3A_728, %dma_wait3A_729] : memref<40x125xi32, #tpu.memory_space<vmem>> -> memref<1x125xi32, #tpu.memory_space<vmem>>
    %dma_wait3A_731 = tpu.memref_squeeze %dma_wait3A_730 : memref<1x125xi32, #tpu.memory_space<vmem>> -> memref<125xi32, #tpu.memory_space<vmem>>
    %dma_wait3A_732 = arith.constant 0 : i32
    %dma_wait3A_733 = arith.constant 0 : i32
    %dma_wait3A_734 = tpu.memref_slice %arg2[%arg0, %dma_wait3A_732, %dma_wait3A_733] : memref<2x10000x64xf32, #tpu.memory_space<hbm>> -> memref<1x10000x64xf32, #tpu.memory_space<hbm>>
    %dma_wait3A_735 = tpu.memref_squeeze %dma_wait3A_734 : memref<1x10000x64xf32, #tpu.memory_space<hbm>> -> memref<10000x64xf32, #tpu.memory_space<hbm>>
    %dma_wait3A_736 = arith.constant 0 : i32
    %dma_wait3A_737 = arith.constant 0 : i32
    %dma_wait3A_738 = tpu.memref_slice %dma_wait3A_735[%dma_wait3A_736, %dma_wait3A_737] : memref<10000x64xf32, #tpu.memory_space<hbm>> -> memref<10000x64xf32, #tpu.memory_space<hbm>>
    tpu.wait_indirect_dma semaphore(%arg18 : memref<!tpu.dma_semaphore, #tpu.memory_space<semaphore_mem>>) src(%dma_wait3A_738 : memref<10000x64xf32, #tpu.memory_space<hbm>>) dst(%arg9 : memref<125x64xf32, #tpu.memory_space<vmem>>)
    %dma_wait3A_739 = arith.constant 34 : i32
    %dma_wait3A_740 = arith.constant 0 : i32
    %dma_wait3A_741 = tpu.memref_slice %arg6[%dma_wait3A_739, %dma_wait3A_740] : memref<40x125xi32, #tpu.memory_space<vmem>> -> memref<1x125xi32, #tpu.memory_space<vmem>>
    %dma_wait3A_742 = tpu.memref_squeeze %dma_wait3A_741 : memref<1x125xi32, #tpu.memory_space<vmem>> -> memref<125xi32, #tpu.memory_space<vmem>>
    %dma_wait3A_743 = arith.constant 0 : i32
    %dma_wait3A_744 = arith.constant 0 : i32
    %dma_wait3A_745 = tpu.memref_slice %arg2[%arg0, %dma_wait3A_743, %dma_wait3A_744] : memref<2x10000x64xf32, #tpu.memory_space<hbm>> -> memref<1x10000x64xf32, #tpu.memory_space<hbm>>
    %dma_wait3A_746 = tpu.memref_squeeze %dma_wait3A_745 : memref<1x10000x64xf32, #tpu.memory_space<hbm>> -> memref<10000x64xf32, #tpu.memory_space<hbm>>
    %dma_wait3A_747 = arith.constant 0 : i32
    %dma_wait3A_748 = arith.constant 0 : i32
    %dma_wait3A_749 = tpu.memref_slice %dma_wait3A_746[%dma_wait3A_747, %dma_wait3A_748] : memref<10000x64xf32, #tpu.memory_space<hbm>> -> memref<10000x64xf32, #tpu.memory_space<hbm>>
    tpu.wait_indirect_dma semaphore(%arg18 : memref<!tpu.dma_semaphore, #tpu.memory_space<semaphore_mem>>) src(%dma_wait3A_749 : memref<10000x64xf32, #tpu.memory_space<hbm>>) dst(%arg10 : memref<125x64xf32, #tpu.memory_space<vmem>>)
    %dma_wait3A_750 = arith.constant 35 : i32
    %dma_wait3A_751 = arith.constant 0 : i32
    %dma_wait3A_752 = tpu.memref_slice %arg6[%dma_wait3A_750, %dma_wait3A_751] : memref<40x125xi32, #tpu.memory_space<vmem>> -> memref<1x125xi32, #tpu.memory_space<vmem>>
    %dma_wait3A_753 = tpu.memref_squeeze %dma_wait3A_752 : memref<1x125xi32, #tpu.memory_space<vmem>> -> memref<125xi32, #tpu.memory_space<vmem>>
    %dma_wait3A_754 = arith.constant 0 : i32
    %dma_wait3A_755 = arith.constant 0 : i32
    %dma_wait3A_756 = tpu.memref_slice %arg2[%arg0, %dma_wait3A_754, %dma_wait3A_755] : memref<2x10000x64xf32, #tpu.memory_space<hbm>> -> memref<1x10000x64xf32, #tpu.memory_space<hbm>>
    %dma_wait3A_757 = tpu.memref_squeeze %dma_wait3A_756 : memref<1x10000x64xf32, #tpu.memory_space<hbm>> -> memref<10000x64xf32, #tpu.memory_space<hbm>>
    %dma_wait3A_758 = arith.constant 0 : i32
    %dma_wait3A_759 = arith.constant 0 : i32
    %dma_wait3A_760 = tpu.memref_slice %dma_wait3A_757[%dma_wait3A_758, %dma_wait3A_759] : memref<10000x64xf32, #tpu.memory_space<hbm>> -> memref<10000x64xf32, #tpu.memory_space<hbm>>
    tpu.wait_indirect_dma semaphore(%arg18 : memref<!tpu.dma_semaphore, #tpu.memory_space<semaphore_mem>>) src(%dma_wait3A_760 : memref<10000x64xf32, #tpu.memory_space<hbm>>) dst(%arg11 : memref<125x64xf32, #tpu.memory_space<vmem>>)
    %dma_start3A_761 = arith.constant 32 : i32
    %dma_start3A_762 = arith.constant 0 : i32
    %dma_start3A_763 = tpu.memref_slice %arg7[%dma_start3A_761, %dma_start3A_762] : memref<40x125xi32, #tpu.memory_space<vmem>> -> memref<1x125xi32, #tpu.memory_space<vmem>>
    %dma_start3A_764 = tpu.memref_squeeze %dma_start3A_763 : memref<1x125xi32, #tpu.memory_space<vmem>> -> memref<125xi32, #tpu.memory_space<vmem>>
    %dma_start3A_765 = arith.constant 0 : i32
    %dma_start3A_766 = arith.constant 0 : i32
    %dma_start3A_767 = tpu.memref_slice %arg17[%dma_start3A_765, %dma_start3A_766] : memref<10240x64xf32, #tpu.memory_space<vmem_shared>> -> memref<10240x64xf32, #tpu.memory_space<vmem_shared>>
    tpu.enqueue_indirect_dma source(%arg8 : memref<125x64xf32, #tpu.memory_space<vmem>>) target(%dma_start3A_767 : memref<10240x64xf32, #tpu.memory_space<vmem_shared>>) offsets(%dma_start3A_764 : memref<125xi32, #tpu.memory_space<vmem>>) semaphore(%arg20 : memref<!tpu.dma_semaphore, #tpu.memory_space<semaphore_mem>>) {add = true}
    %dma_start3A_768 = arith.constant 33 : i32
    %dma_start3A_769 = arith.constant 0 : i32
    %dma_start3A_770 = tpu.memref_slice %arg7[%dma_start3A_768, %dma_start3A_769] : memref<40x125xi32, #tpu.memory_space<vmem>> -> memref<1x125xi32, #tpu.memory_space<vmem>>
    %dma_start3A_771 = tpu.memref_squeeze %dma_start3A_770 : memref<1x125xi32, #tpu.memory_space<vmem>> -> memref<125xi32, #tpu.memory_space<vmem>>
    %dma_start3A_772 = arith.constant 0 : i32
    %dma_start3A_773 = arith.constant 0 : i32
    %dma_start3A_774 = tpu.memref_slice %arg17[%dma_start3A_772, %dma_start3A_773] : memref<10240x64xf32, #tpu.memory_space<vmem_shared>> -> memref<10240x64xf32, #tpu.memory_space<vmem_shared>>
    tpu.enqueue_indirect_dma source(%arg9 : memref<125x64xf32, #tpu.memory_space<vmem>>) target(%dma_start3A_774 : memref<10240x64xf32, #tpu.memory_space<vmem_shared>>) offsets(%dma_start3A_771 : memref<125xi32, #tpu.memory_space<vmem>>) semaphore(%arg20 : memref<!tpu.dma_semaphore, #tpu.memory_space<semaphore_mem>>) {add = true}
    %dma_start3A_775 = arith.constant 34 : i32
    %dma_start3A_776 = arith.constant 0 : i32
    %dma_start3A_777 = tpu.memref_slice %arg7[%dma_start3A_775, %dma_start3A_776] : memref<40x125xi32, #tpu.memory_space<vmem>> -> memref<1x125xi32, #tpu.memory_space<vmem>>
    %dma_start3A_778 = tpu.memref_squeeze %dma_start3A_777 : memref<1x125xi32, #tpu.memory_space<vmem>> -> memref<125xi32, #tpu.memory_space<vmem>>
    %dma_start3A_779 = arith.constant 0 : i32
    %dma_start3A_780 = arith.constant 0 : i32
    %dma_start3A_781 = tpu.memref_slice %arg17[%dma_start3A_779, %dma_start3A_780] : memref<10240x64xf32, #tpu.memory_space<vmem_shared>> -> memref<10240x64xf32, #tpu.memory_space<vmem_shared>>
    tpu.enqueue_indirect_dma source(%arg10 : memref<125x64xf32, #tpu.memory_space<vmem>>) target(%dma_start3A_781 : memref<10240x64xf32, #tpu.memory_space<vmem_shared>>) offsets(%dma_start3A_778 : memref<125xi32, #tpu.memory_space<vmem>>) semaphore(%arg20 : memref<!tpu.dma_semaphore, #tpu.memory_space<semaphore_mem>>) {add = true}
    %dma_start3A_782 = arith.constant 35 : i32
    %dma_start3A_783 = arith.constant 0 : i32
    %dma_start3A_784 = tpu.memref_slice %arg7[%dma_start3A_782, %dma_start3A_783] : memref<40x125xi32, #tpu.memory_space<vmem>> -> memref<1x125xi32, #tpu.memory_space<vmem>>
    %dma_start3A_785 = tpu.memref_squeeze %dma_start3A_784 : memref<1x125xi32, #tpu.memory_space<vmem>> -> memref<125xi32, #tpu.memory_space<vmem>>
    %dma_start3A_786 = arith.constant 0 : i32
    %dma_start3A_787 = arith.constant 0 : i32
    %dma_start3A_788 = tpu.memref_slice %arg17[%dma_start3A_786, %dma_start3A_787] : memref<10240x64xf32, #tpu.memory_space<vmem_shared>> -> memref<10240x64xf32, #tpu.memory_space<vmem_shared>>
    tpu.enqueue_indirect_dma source(%arg11 : memref<125x64xf32, #tpu.memory_space<vmem>>) target(%dma_start3A_788 : memref<10240x64xf32, #tpu.memory_space<vmem_shared>>) offsets(%dma_start3A_785 : memref<125xi32, #tpu.memory_space<vmem>>) semaphore(%arg20 : memref<!tpu.dma_semaphore, #tpu.memory_space<semaphore_mem>>) {add = true}
    %dma_wait3A_789 = arith.constant 32 : i32
    %dma_wait3A_790 = arith.constant 0 : i32
    %dma_wait3A_791 = tpu.memref_slice %arg7[%dma_wait3A_789, %dma_wait3A_790] : memref<40x125xi32, #tpu.memory_space<vmem>> -> memref<1x125xi32, #tpu.memory_space<vmem>>
    %dma_wait3A_792 = tpu.memref_squeeze %dma_wait3A_791 : memref<1x125xi32, #tpu.memory_space<vmem>> -> memref<125xi32, #tpu.memory_space<vmem>>
    %dma_wait3A_793 = arith.constant 0 : i32
    %dma_wait3A_794 = arith.constant 0 : i32
    %dma_wait3A_795 = tpu.memref_slice %arg17[%dma_wait3A_793, %dma_wait3A_794] : memref<10240x64xf32, #tpu.memory_space<vmem_shared>> -> memref<10240x64xf32, #tpu.memory_space<vmem_shared>>
    tpu.wait_indirect_dma semaphore(%arg20 : memref<!tpu.dma_semaphore, #tpu.memory_space<semaphore_mem>>) src(%arg8 : memref<125x64xf32, #tpu.memory_space<vmem>>) dst(%dma_wait3A_795 : memref<10240x64xf32, #tpu.memory_space<vmem_shared>>)
    %dma_wait3A_796 = arith.constant 33 : i32
    %dma_wait3A_797 = arith.constant 0 : i32
    %dma_wait3A_798 = tpu.memref_slice %arg7[%dma_wait3A_796, %dma_wait3A_797] : memref<40x125xi32, #tpu.memory_space<vmem>> -> memref<1x125xi32, #tpu.memory_space<vmem>>
    %dma_wait3A_799 = tpu.memref_squeeze %dma_wait3A_798 : memref<1x125xi32, #tpu.memory_space<vmem>> -> memref<125xi32, #tpu.memory_space<vmem>>
    %dma_wait3A_800 = arith.constant 0 : i32
    %dma_wait3A_801 = arith.constant 0 : i32
    %dma_wait3A_802 = tpu.memref_slice %arg17[%dma_wait3A_800, %dma_wait3A_801] : memref<10240x64xf32, #tpu.memory_space<vmem_shared>> -> memref<10240x64xf32, #tpu.memory_space<vmem_shared>>
    tpu.wait_indirect_dma semaphore(%arg20 : memref<!tpu.dma_semaphore, #tpu.memory_space<semaphore_mem>>) src(%arg9 : memref<125x64xf32, #tpu.memory_space<vmem>>) dst(%dma_wait3A_802 : memref<10240x64xf32, #tpu.memory_space<vmem_shared>>)
    %dma_wait3A_803 = arith.constant 34 : i32
    %dma_wait3A_804 = arith.constant 0 : i32
    %dma_wait3A_805 = tpu.memref_slice %arg7[%dma_wait3A_803, %dma_wait3A_804] : memref<40x125xi32, #tpu.memory_space<vmem>> -> memref<1x125xi32, #tpu.memory_space<vmem>>
    %dma_wait3A_806 = tpu.memref_squeeze %dma_wait3A_805 : memref<1x125xi32, #tpu.memory_space<vmem>> -> memref<125xi32, #tpu.memory_space<vmem>>
    %dma_wait3A_807 = arith.constant 0 : i32
    %dma_wait3A_808 = arith.constant 0 : i32
    %dma_wait3A_809 = tpu.memref_slice %arg17[%dma_wait3A_807, %dma_wait3A_808] : memref<10240x64xf32, #tpu.memory_space<vmem_shared>> -> memref<10240x64xf32, #tpu.memory_space<vmem_shared>>
    tpu.wait_indirect_dma semaphore(%arg20 : memref<!tpu.dma_semaphore, #tpu.memory_space<semaphore_mem>>) src(%arg10 : memref<125x64xf32, #tpu.memory_space<vmem>>) dst(%dma_wait3A_809 : memref<10240x64xf32, #tpu.memory_space<vmem_shared>>)
    %dma_wait3A_810 = arith.constant 35 : i32
    %dma_wait3A_811 = arith.constant 0 : i32
    %dma_wait3A_812 = tpu.memref_slice %arg7[%dma_wait3A_810, %dma_wait3A_811] : memref<40x125xi32, #tpu.memory_space<vmem>> -> memref<1x125xi32, #tpu.memory_space<vmem>>
    %dma_wait3A_813 = tpu.memref_squeeze %dma_wait3A_812 : memref<1x125xi32, #tpu.memory_space<vmem>> -> memref<125xi32, #tpu.memory_space<vmem>>
    %dma_wait3A_814 = arith.constant 0 : i32
    %dma_wait3A_815 = arith.constant 0 : i32
    %dma_wait3A_816 = tpu.memref_slice %arg17[%dma_wait3A_814, %dma_wait3A_815] : memref<10240x64xf32, #tpu.memory_space<vmem_shared>> -> memref<10240x64xf32, #tpu.memory_space<vmem_shared>>
    tpu.wait_indirect_dma semaphore(%arg20 : memref<!tpu.dma_semaphore, #tpu.memory_space<semaphore_mem>>) src(%arg11 : memref<125x64xf32, #tpu.memory_space<vmem>>) dst(%dma_wait3A_816 : memref<10240x64xf32, #tpu.memory_space<vmem_shared>>)
    %dma_wait3A_817 = arith.constant 36 : i32
    %dma_wait3A_818 = arith.constant 0 : i32
    %dma_wait3A_819 = tpu.memref_slice %arg6[%dma_wait3A_817, %dma_wait3A_818] : memref<40x125xi32, #tpu.memory_space<vmem>> -> memref<1x125xi32, #tpu.memory_space<vmem>>
    %dma_wait3A_820 = tpu.memref_squeeze %dma_wait3A_819 : memref<1x125xi32, #tpu.memory_space<vmem>> -> memref<125xi32, #tpu.memory_space<vmem>>
    %dma_wait3A_821 = arith.constant 0 : i32
    %dma_wait3A_822 = arith.constant 0 : i32
    %dma_wait3A_823 = tpu.memref_slice %arg2[%arg0, %dma_wait3A_821, %dma_wait3A_822] : memref<2x10000x64xf32, #tpu.memory_space<hbm>> -> memref<1x10000x64xf32, #tpu.memory_space<hbm>>
    %dma_wait3A_824 = tpu.memref_squeeze %dma_wait3A_823 : memref<1x10000x64xf32, #tpu.memory_space<hbm>> -> memref<10000x64xf32, #tpu.memory_space<hbm>>
    %dma_wait3A_825 = arith.constant 0 : i32
    %dma_wait3A_826 = arith.constant 0 : i32
    %dma_wait3A_827 = tpu.memref_slice %dma_wait3A_824[%dma_wait3A_825, %dma_wait3A_826] : memref<10000x64xf32, #tpu.memory_space<hbm>> -> memref<10000x64xf32, #tpu.memory_space<hbm>>
    tpu.wait_indirect_dma semaphore(%arg19 : memref<!tpu.dma_semaphore, #tpu.memory_space<semaphore_mem>>) src(%dma_wait3A_827 : memref<10000x64xf32, #tpu.memory_space<hbm>>) dst(%arg12 : memref<125x64xf32, #tpu.memory_space<vmem>>)
    %dma_wait3A_828 = arith.constant 37 : i32
    %dma_wait3A_829 = arith.constant 0 : i32
    %dma_wait3A_830 = tpu.memref_slice %arg6[%dma_wait3A_828, %dma_wait3A_829] : memref<40x125xi32, #tpu.memory_space<vmem>> -> memref<1x125xi32, #tpu.memory_space<vmem>>
    %dma_wait3A_831 = tpu.memref_squeeze %dma_wait3A_830 : memref<1x125xi32, #tpu.memory_space<vmem>> -> memref<125xi32, #tpu.memory_space<vmem>>
    %dma_wait3A_832 = arith.constant 0 : i32
    %dma_wait3A_833 = arith.constant 0 : i32
    %dma_wait3A_834 = tpu.memref_slice %arg2[%arg0, %dma_wait3A_832, %dma_wait3A_833] : memref<2x10000x64xf32, #tpu.memory_space<hbm>> -> memref<1x10000x64xf32, #tpu.memory_space<hbm>>
    %dma_wait3A_835 = tpu.memref_squeeze %dma_wait3A_834 : memref<1x10000x64xf32, #tpu.memory_space<hbm>> -> memref<10000x64xf32, #tpu.memory_space<hbm>>
    %dma_wait3A_836 = arith.constant 0 : i32
    %dma_wait3A_837 = arith.constant 0 : i32
    %dma_wait3A_838 = tpu.memref_slice %dma_wait3A_835[%dma_wait3A_836, %dma_wait3A_837] : memref<10000x64xf32, #tpu.memory_space<hbm>> -> memref<10000x64xf32, #tpu.memory_space<hbm>>
    tpu.wait_indirect_dma semaphore(%arg19 : memref<!tpu.dma_semaphore, #tpu.memory_space<semaphore_mem>>) src(%dma_wait3A_838 : memref<10000x64xf32, #tpu.memory_space<hbm>>) dst(%arg13 : memref<125x64xf32, #tpu.memory_space<vmem>>)
    %dma_wait3A_839 = arith.constant 38 : i32
    %dma_wait3A_840 = arith.constant 0 : i32
    %dma_wait3A_841 = tpu.memref_slice %arg6[%dma_wait3A_839, %dma_wait3A_840] : memref<40x125xi32, #tpu.memory_space<vmem>> -> memref<1x125xi32, #tpu.memory_space<vmem>>
    %dma_wait3A_842 = tpu.memref_squeeze %dma_wait3A_841 : memref<1x125xi32, #tpu.memory_space<vmem>> -> memref<125xi32, #tpu.memory_space<vmem>>
    %dma_wait3A_843 = arith.constant 0 : i32
    %dma_wait3A_844 = arith.constant 0 : i32
    %dma_wait3A_845 = tpu.memref_slice %arg2[%arg0, %dma_wait3A_843, %dma_wait3A_844] : memref<2x10000x64xf32, #tpu.memory_space<hbm>> -> memref<1x10000x64xf32, #tpu.memory_space<hbm>>
    %dma_wait3A_846 = tpu.memref_squeeze %dma_wait3A_845 : memref<1x10000x64xf32, #tpu.memory_space<hbm>> -> memref<10000x64xf32, #tpu.memory_space<hbm>>
    %dma_wait3A_847 = arith.constant 0 : i32
    %dma_wait3A_848 = arith.constant 0 : i32
    %dma_wait3A_849 = tpu.memref_slice %dma_wait3A_846[%dma_wait3A_847, %dma_wait3A_848] : memref<10000x64xf32, #tpu.memory_space<hbm>> -> memref<10000x64xf32, #tpu.memory_space<hbm>>
    tpu.wait_indirect_dma semaphore(%arg19 : memref<!tpu.dma_semaphore, #tpu.memory_space<semaphore_mem>>) src(%dma_wait3A_849 : memref<10000x64xf32, #tpu.memory_space<hbm>>) dst(%arg14 : memref<125x64xf32, #tpu.memory_space<vmem>>)
    %dma_wait3A_850 = arith.constant 39 : i32
    %dma_wait3A_851 = arith.constant 0 : i32
    %dma_wait3A_852 = tpu.memref_slice %arg6[%dma_wait3A_850, %dma_wait3A_851] : memref<40x125xi32, #tpu.memory_space<vmem>> -> memref<1x125xi32, #tpu.memory_space<vmem>>
    %dma_wait3A_853 = tpu.memref_squeeze %dma_wait3A_852 : memref<1x125xi32, #tpu.memory_space<vmem>> -> memref<125xi32, #tpu.memory_space<vmem>>
    %dma_wait3A_854 = arith.constant 0 : i32
    %dma_wait3A_855 = arith.constant 0 : i32
    %dma_wait3A_856 = tpu.memref_slice %arg2[%arg0, %dma_wait3A_854, %dma_wait3A_855] : memref<2x10000x64xf32, #tpu.memory_space<hbm>> -> memref<1x10000x64xf32, #tpu.memory_space<hbm>>
    %dma_wait3A_857 = tpu.memref_squeeze %dma_wait3A_856 : memref<1x10000x64xf32, #tpu.memory_space<hbm>> -> memref<10000x64xf32, #tpu.memory_space<hbm>>
    %dma_wait3A_858 = arith.constant 0 : i32
    %dma_wait3A_859 = arith.constant 0 : i32
    %dma_wait3A_860 = tpu.memref_slice %dma_wait3A_857[%dma_wait3A_858, %dma_wait3A_859] : memref<10000x64xf32, #tpu.memory_space<hbm>> -> memref<10000x64xf32, #tpu.memory_space<hbm>>
    tpu.wait_indirect_dma semaphore(%arg19 : memref<!tpu.dma_semaphore, #tpu.memory_space<semaphore_mem>>) src(%dma_wait3A_860 : memref<10000x64xf32, #tpu.memory_space<hbm>>) dst(%arg15 : memref<125x64xf32, #tpu.memory_space<vmem>>)
    %dma_start3A_861 = arith.constant 36 : i32
    %dma_start3A_862 = arith.constant 0 : i32
    %dma_start3A_863 = tpu.memref_slice %arg7[%dma_start3A_861, %dma_start3A_862] : memref<40x125xi32, #tpu.memory_space<vmem>> -> memref<1x125xi32, #tpu.memory_space<vmem>>
    %dma_start3A_864 = tpu.memref_squeeze %dma_start3A_863 : memref<1x125xi32, #tpu.memory_space<vmem>> -> memref<125xi32, #tpu.memory_space<vmem>>
    %dma_start3A_865 = arith.constant 0 : i32
    %dma_start3A_866 = arith.constant 0 : i32
    %dma_start3A_867 = tpu.memref_slice %arg17[%dma_start3A_865, %dma_start3A_866] : memref<10240x64xf32, #tpu.memory_space<vmem_shared>> -> memref<10240x64xf32, #tpu.memory_space<vmem_shared>>
    tpu.enqueue_indirect_dma source(%arg12 : memref<125x64xf32, #tpu.memory_space<vmem>>) target(%dma_start3A_867 : memref<10240x64xf32, #tpu.memory_space<vmem_shared>>) offsets(%dma_start3A_864 : memref<125xi32, #tpu.memory_space<vmem>>) semaphore(%arg20 : memref<!tpu.dma_semaphore, #tpu.memory_space<semaphore_mem>>) {add = true}
    %dma_start3A_868 = arith.constant 37 : i32
    %dma_start3A_869 = arith.constant 0 : i32
    %dma_start3A_870 = tpu.memref_slice %arg7[%dma_start3A_868, %dma_start3A_869] : memref<40x125xi32, #tpu.memory_space<vmem>> -> memref<1x125xi32, #tpu.memory_space<vmem>>
    %dma_start3A_871 = tpu.memref_squeeze %dma_start3A_870 : memref<1x125xi32, #tpu.memory_space<vmem>> -> memref<125xi32, #tpu.memory_space<vmem>>
    %dma_start3A_872 = arith.constant 0 : i32
    %dma_start3A_873 = arith.constant 0 : i32
    %dma_start3A_874 = tpu.memref_slice %arg17[%dma_start3A_872, %dma_start3A_873] : memref<10240x64xf32, #tpu.memory_space<vmem_shared>> -> memref<10240x64xf32, #tpu.memory_space<vmem_shared>>
    tpu.enqueue_indirect_dma source(%arg13 : memref<125x64xf32, #tpu.memory_space<vmem>>) target(%dma_start3A_874 : memref<10240x64xf32, #tpu.memory_space<vmem_shared>>) offsets(%dma_start3A_871 : memref<125xi32, #tpu.memory_space<vmem>>) semaphore(%arg20 : memref<!tpu.dma_semaphore, #tpu.memory_space<semaphore_mem>>) {add = true}
    %dma_start3A_875 = arith.constant 38 : i32
    %dma_start3A_876 = arith.constant 0 : i32
    %dma_start3A_877 = tpu.memref_slice %arg7[%dma_start3A_875, %dma_start3A_876] : memref<40x125xi32, #tpu.memory_space<vmem>> -> memref<1x125xi32, #tpu.memory_space<vmem>>
    %dma_start3A_878 = tpu.memref_squeeze %dma_start3A_877 : memref<1x125xi32, #tpu.memory_space<vmem>> -> memref<125xi32, #tpu.memory_space<vmem>>
    %dma_start3A_879 = arith.constant 0 : i32
    %dma_start3A_880 = arith.constant 0 : i32
    %dma_start3A_881 = tpu.memref_slice %arg17[%dma_start3A_879, %dma_start3A_880] : memref<10240x64xf32, #tpu.memory_space<vmem_shared>> -> memref<10240x64xf32, #tpu.memory_space<vmem_shared>>
    tpu.enqueue_indirect_dma source(%arg14 : memref<125x64xf32, #tpu.memory_space<vmem>>) target(%dma_start3A_881 : memref<10240x64xf32, #tpu.memory_space<vmem_shared>>) offsets(%dma_start3A_878 : memref<125xi32, #tpu.memory_space<vmem>>) semaphore(%arg20 : memref<!tpu.dma_semaphore, #tpu.memory_space<semaphore_mem>>) {add = true}
    %dma_start3A_882 = arith.constant 39 : i32
    %dma_start3A_883 = arith.constant 0 : i32
    %dma_start3A_884 = tpu.memref_slice %arg7[%dma_start3A_882, %dma_start3A_883] : memref<40x125xi32, #tpu.memory_space<vmem>> -> memref<1x125xi32, #tpu.memory_space<vmem>>
    %dma_start3A_885 = tpu.memref_squeeze %dma_start3A_884 : memref<1x125xi32, #tpu.memory_space<vmem>> -> memref<125xi32, #tpu.memory_space<vmem>>
    %dma_start3A_886 = arith.constant 0 : i32
    %dma_start3A_887 = arith.constant 0 : i32
    %dma_start3A_888 = tpu.memref_slice %arg17[%dma_start3A_886, %dma_start3A_887] : memref<10240x64xf32, #tpu.memory_space<vmem_shared>> -> memref<10240x64xf32, #tpu.memory_space<vmem_shared>>
    tpu.enqueue_indirect_dma source(%arg15 : memref<125x64xf32, #tpu.memory_space<vmem>>) target(%dma_start3A_888 : memref<10240x64xf32, #tpu.memory_space<vmem_shared>>) offsets(%dma_start3A_885 : memref<125xi32, #tpu.memory_space<vmem>>) semaphore(%arg20 : memref<!tpu.dma_semaphore, #tpu.memory_space<semaphore_mem>>) {add = true}
    %dma_wait3A_889 = arith.constant 36 : i32
    %dma_wait3A_890 = arith.constant 0 : i32
    %dma_wait3A_891 = tpu.memref_slice %arg7[%dma_wait3A_889, %dma_wait3A_890] : memref<40x125xi32, #tpu.memory_space<vmem>> -> memref<1x125xi32, #tpu.memory_space<vmem>>
    %dma_wait3A_892 = tpu.memref_squeeze %dma_wait3A_891 : memref<1x125xi32, #tpu.memory_space<vmem>> -> memref<125xi32, #tpu.memory_space<vmem>>
    %dma_wait3A_893 = arith.constant 0 : i32
    %dma_wait3A_894 = arith.constant 0 : i32
    %dma_wait3A_895 = tpu.memref_slice %arg17[%dma_wait3A_893, %dma_wait3A_894] : memref<10240x64xf32, #tpu.memory_space<vmem_shared>> -> memref<10240x64xf32, #tpu.memory_space<vmem_shared>>
    tpu.wait_indirect_dma semaphore(%arg20 : memref<!tpu.dma_semaphore, #tpu.memory_space<semaphore_mem>>) src(%arg12 : memref<125x64xf32, #tpu.memory_space<vmem>>) dst(%dma_wait3A_895 : memref<10240x64xf32, #tpu.memory_space<vmem_shared>>)
    %dma_wait3A_896 = arith.constant 37 : i32
    %dma_wait3A_897 = arith.constant 0 : i32
    %dma_wait3A_898 = tpu.memref_slice %arg7[%dma_wait3A_896, %dma_wait3A_897] : memref<40x125xi32, #tpu.memory_space<vmem>> -> memref<1x125xi32, #tpu.memory_space<vmem>>
    %dma_wait3A_899 = tpu.memref_squeeze %dma_wait3A_898 : memref<1x125xi32, #tpu.memory_space<vmem>> -> memref<125xi32, #tpu.memory_space<vmem>>
    %dma_wait3A_900 = arith.constant 0 : i32
    %dma_wait3A_901 = arith.constant 0 : i32
    %dma_wait3A_902 = tpu.memref_slice %arg17[%dma_wait3A_900, %dma_wait3A_901] : memref<10240x64xf32, #tpu.memory_space<vmem_shared>> -> memref<10240x64xf32, #tpu.memory_space<vmem_shared>>
    tpu.wait_indirect_dma semaphore(%arg20 : memref<!tpu.dma_semaphore, #tpu.memory_space<semaphore_mem>>) src(%arg13 : memref<125x64xf32, #tpu.memory_space<vmem>>) dst(%dma_wait3A_902 : memref<10240x64xf32, #tpu.memory_space<vmem_shared>>)
    %dma_wait3A_903 = arith.constant 38 : i32
    %dma_wait3A_904 = arith.constant 0 : i32
    %dma_wait3A_905 = tpu.memref_slice %arg7[%dma_wait3A_903, %dma_wait3A_904] : memref<40x125xi32, #tpu.memory_space<vmem>> -> memref<1x125xi32, #tpu.memory_space<vmem>>
    %dma_wait3A_906 = tpu.memref_squeeze %dma_wait3A_905 : memref<1x125xi32, #tpu.memory_space<vmem>> -> memref<125xi32, #tpu.memory_space<vmem>>
    %dma_wait3A_907 = arith.constant 0 : i32
    %dma_wait3A_908 = arith.constant 0 : i32
    %dma_wait3A_909 = tpu.memref_slice %arg17[%dma_wait3A_907, %dma_wait3A_908] : memref<10240x64xf32, #tpu.memory_space<vmem_shared>> -> memref<10240x64xf32, #tpu.memory_space<vmem_shared>>
    tpu.wait_indirect_dma semaphore(%arg20 : memref<!tpu.dma_semaphore, #tpu.memory_space<semaphore_mem>>) src(%arg14 : memref<125x64xf32, #tpu.memory_space<vmem>>) dst(%dma_wait3A_909 : memref<10240x64xf32, #tpu.memory_space<vmem_shared>>)
    %dma_wait3A_910 = arith.constant 39 : i32
    %dma_wait3A_911 = arith.constant 0 : i32
    %dma_wait3A_912 = tpu.memref_slice %arg7[%dma_wait3A_910, %dma_wait3A_911] : memref<40x125xi32, #tpu.memory_space<vmem>> -> memref<1x125xi32, #tpu.memory_space<vmem>>
    %dma_wait3A_913 = tpu.memref_squeeze %dma_wait3A_912 : memref<1x125xi32, #tpu.memory_space<vmem>> -> memref<125xi32, #tpu.memory_space<vmem>>
    %dma_wait3A_914 = arith.constant 0 : i32
    %dma_wait3A_915 = arith.constant 0 : i32
    %dma_wait3A_916 = tpu.memref_slice %arg17[%dma_wait3A_914, %dma_wait3A_915] : memref<10240x64xf32, #tpu.memory_space<vmem_shared>> -> memref<10240x64xf32, #tpu.memory_space<vmem_shared>>
    tpu.wait_indirect_dma semaphore(%arg20 : memref<!tpu.dma_semaphore, #tpu.memory_space<semaphore_mem>>) src(%arg15 : memref<125x64xf32, #tpu.memory_space<vmem>>) dst(%dma_wait3A_916 : memref<10240x64xf32, #tpu.memory_space<vmem_shared>>)
    %mul3A_917 = arith.constant 160 : i32
    %mul3A_918 = arith.muli %arg1, %mul3A_917 : i32
    %add3A_919 = arith.constant 120 : i32
    %add3A_920 = arith.addi %mul3A_918, %add3A_919 : i32
    "tpu.region"() ({
      %run_scoped3A = tpu.sem_alloc : memref<!tpu.dma_semaphore, #tpu.memory_space<semaphore_mem>>
      %dma_start3A_1224 = arith.constant 0 : i32
      %dma_start3A_1225 = tpu.memref_slice %arg3[%add3A_920, %dma_start3A_1224] : memref<5120x125xi32, #tpu.memory_space<hbm>> -> memref<40x125xi32, #tpu.memory_space<hbm>>
      %dma_start3A_1226 = arith.constant 0 : i32
      %dma_start3A_1227 = tpu.memref_slice %arg3[%add3A_920, %dma_start3A_1226] : memref<5120x125xi32, #tpu.memory_space<hbm>> -> memref<40x125xi32, #tpu.memory_space<hbm>>
      tpu.enqueue_dma source(%dma_start3A_1227 : memref<40x125xi32, #tpu.memory_space<hbm>>) target(%arg6 : memref<40x125xi32, #tpu.memory_space<vmem>>) target_semaphore(%run_scoped3A : memref<!tpu.dma_semaphore, #tpu.memory_space<semaphore_mem>>)
      %dma_wait3A_1228 = arith.constant 0 : i32
      %dma_wait3A_1229 = tpu.memref_slice %arg3[%add3A_920, %dma_wait3A_1228] : memref<5120x125xi32, #tpu.memory_space<hbm>> -> memref<40x125xi32, #tpu.memory_space<hbm>>
      %dma_wait3A_1230 = arith.constant 0 : i32
      %dma_wait3A_1231 = tpu.memref_slice %arg3[%add3A_920, %dma_wait3A_1230] : memref<5120x125xi32, #tpu.memory_space<hbm>> -> memref<40x125xi32, #tpu.memory_space<hbm>>
      tpu.wait_dma2 semaphore(%run_scoped3A : memref<!tpu.dma_semaphore, #tpu.memory_space<semaphore_mem>>) src(%dma_wait3A_1231 : memref<40x125xi32, #tpu.memory_space<hbm>>) dst(%arg6 : memref<40x125xi32, #tpu.memory_space<vmem>>)
      tpu.yield
    }) : () -> ()
    %add3A_921 = arith.constant 2560 : i32
    %add3A_922 = arith.addi %add3A_921, %add3A_920 : i32
    "tpu.region"() ({
      %run_scoped3A = tpu.sem_alloc : memref<!tpu.dma_semaphore, #tpu.memory_space<semaphore_mem>>
      %dma_start3A_1224 = arith.constant 0 : i32
      %dma_start3A_1225 = tpu.memref_slice %arg3[%add3A_922, %dma_start3A_1224] : memref<5120x125xi32, #tpu.memory_space<hbm>> -> memref<40x125xi32, #tpu.memory_space<hbm>>
      %dma_start3A_1226 = arith.constant 0 : i32
      %dma_start3A_1227 = tpu.memref_slice %arg3[%add3A_922, %dma_start3A_1226] : memref<5120x125xi32, #tpu.memory_space<hbm>> -> memref<40x125xi32, #tpu.memory_space<hbm>>
      tpu.enqueue_dma source(%dma_start3A_1227 : memref<40x125xi32, #tpu.memory_space<hbm>>) target(%arg7 : memref<40x125xi32, #tpu.memory_space<vmem>>) target_semaphore(%run_scoped3A : memref<!tpu.dma_semaphore, #tpu.memory_space<semaphore_mem>>)
      %dma_wait3A_1228 = arith.constant 0 : i32
      %dma_wait3A_1229 = tpu.memref_slice %arg3[%add3A_922, %dma_wait3A_1228] : memref<5120x125xi32, #tpu.memory_space<hbm>> -> memref<40x125xi32, #tpu.memory_space<hbm>>
      %dma_wait3A_1230 = arith.constant 0 : i32
      %dma_wait3A_1231 = tpu.memref_slice %arg3[%add3A_922, %dma_wait3A_1230] : memref<5120x125xi32, #tpu.memory_space<hbm>> -> memref<40x125xi32, #tpu.memory_space<hbm>>
      tpu.wait_dma2 semaphore(%run_scoped3A : memref<!tpu.dma_semaphore, #tpu.memory_space<semaphore_mem>>) src(%dma_wait3A_1231 : memref<40x125xi32, #tpu.memory_space<hbm>>) dst(%arg7 : memref<40x125xi32, #tpu.memory_space<vmem>>)
      tpu.yield
    }) : () -> ()
    %dma_start3A_923 = arith.constant 0 : i32
    %dma_start3A_924 = arith.constant 0 : i32
    %dma_start3A_925 = tpu.memref_slice %arg6[%dma_start3A_923, %dma_start3A_924] : memref<40x125xi32, #tpu.memory_space<vmem>> -> memref<1x125xi32, #tpu.memory_space<vmem>>
    %dma_start3A_926 = tpu.memref_squeeze %dma_start3A_925 : memref<1x125xi32, #tpu.memory_space<vmem>> -> memref<125xi32, #tpu.memory_space<vmem>>
    %dma_start3A_927 = arith.constant 0 : i32
    %dma_start3A_928 = arith.constant 0 : i32
    %dma_start3A_929 = tpu.memref_slice %arg2[%arg0, %dma_start3A_927, %dma_start3A_928] : memref<2x10000x64xf32, #tpu.memory_space<hbm>> -> memref<1x10000x64xf32, #tpu.memory_space<hbm>>
    %dma_start3A_930 = tpu.memref_squeeze %dma_start3A_929 : memref<1x10000x64xf32, #tpu.memory_space<hbm>> -> memref<10000x64xf32, #tpu.memory_space<hbm>>
    %dma_start3A_931 = arith.constant 0 : i32
    %dma_start3A_932 = arith.constant 0 : i32
    %dma_start3A_933 = tpu.memref_slice %dma_start3A_930[%dma_start3A_931, %dma_start3A_932] : memref<10000x64xf32, #tpu.memory_space<hbm>> -> memref<10000x64xf32, #tpu.memory_space<hbm>>
    tpu.enqueue_indirect_dma source(%dma_start3A_933 : memref<10000x64xf32, #tpu.memory_space<hbm>>) target(%arg8 : memref<125x64xf32, #tpu.memory_space<vmem>>) offsets(%dma_start3A_926 : memref<125xi32, #tpu.memory_space<vmem>>) semaphore(%arg18 : memref<!tpu.dma_semaphore, #tpu.memory_space<semaphore_mem>>)
    %dma_start3A_934 = arith.constant 1 : i32
    %dma_start3A_935 = arith.constant 0 : i32
    %dma_start3A_936 = tpu.memref_slice %arg6[%dma_start3A_934, %dma_start3A_935] : memref<40x125xi32, #tpu.memory_space<vmem>> -> memref<1x125xi32, #tpu.memory_space<vmem>>
    %dma_start3A_937 = tpu.memref_squeeze %dma_start3A_936 : memref<1x125xi32, #tpu.memory_space<vmem>> -> memref<125xi32, #tpu.memory_space<vmem>>
    %dma_start3A_938 = arith.constant 0 : i32
    %dma_start3A_939 = arith.constant 0 : i32
    %dma_start3A_940 = tpu.memref_slice %arg2[%arg0, %dma_start3A_938, %dma_start3A_939] : memref<2x10000x64xf32, #tpu.memory_space<hbm>> -> memref<1x10000x64xf32, #tpu.memory_space<hbm>>
    %dma_start3A_941 = tpu.memref_squeeze %dma_start3A_940 : memref<1x10000x64xf32, #tpu.memory_space<hbm>> -> memref<10000x64xf32, #tpu.memory_space<hbm>>
    %dma_start3A_942 = arith.constant 0 : i32
    %dma_start3A_943 = arith.constant 0 : i32
    %dma_start3A_944 = tpu.memref_slice %dma_start3A_941[%dma_start3A_942, %dma_start3A_943] : memref<10000x64xf32, #tpu.memory_space<hbm>> -> memref<10000x64xf32, #tpu.memory_space<hbm>>
    tpu.enqueue_indirect_dma source(%dma_start3A_944 : memref<10000x64xf32, #tpu.memory_space<hbm>>) target(%arg9 : memref<125x64xf32, #tpu.memory_space<vmem>>) offsets(%dma_start3A_937 : memref<125xi32, #tpu.memory_space<vmem>>) semaphore(%arg18 : memref<!tpu.dma_semaphore, #tpu.memory_space<semaphore_mem>>)
    %dma_start3A_945 = arith.constant 2 : i32
    %dma_start3A_946 = arith.constant 0 : i32
    %dma_start3A_947 = tpu.memref_slice %arg6[%dma_start3A_945, %dma_start3A_946] : memref<40x125xi32, #tpu.memory_space<vmem>> -> memref<1x125xi32, #tpu.memory_space<vmem>>
    %dma_start3A_948 = tpu.memref_squeeze %dma_start3A_947 : memref<1x125xi32, #tpu.memory_space<vmem>> -> memref<125xi32, #tpu.memory_space<vmem>>
    %dma_start3A_949 = arith.constant 0 : i32
    %dma_start3A_950 = arith.constant 0 : i32
    %dma_start3A_951 = tpu.memref_slice %arg2[%arg0, %dma_start3A_949, %dma_start3A_950] : memref<2x10000x64xf32, #tpu.memory_space<hbm>> -> memref<1x10000x64xf32, #tpu.memory_space<hbm>>
    %dma_start3A_952 = tpu.memref_squeeze %dma_start3A_951 : memref<1x10000x64xf32, #tpu.memory_space<hbm>> -> memref<10000x64xf32, #tpu.memory_space<hbm>>
    %dma_start3A_953 = arith.constant 0 : i32
    %dma_start3A_954 = arith.constant 0 : i32
    %dma_start3A_955 = tpu.memref_slice %dma_start3A_952[%dma_start3A_953, %dma_start3A_954] : memref<10000x64xf32, #tpu.memory_space<hbm>> -> memref<10000x64xf32, #tpu.memory_space<hbm>>
    tpu.enqueue_indirect_dma source(%dma_start3A_955 : memref<10000x64xf32, #tpu.memory_space<hbm>>) target(%arg10 : memref<125x64xf32, #tpu.memory_space<vmem>>) offsets(%dma_start3A_948 : memref<125xi32, #tpu.memory_space<vmem>>) semaphore(%arg18 : memref<!tpu.dma_semaphore, #tpu.memory_space<semaphore_mem>>)
    %dma_start3A_956 = arith.constant 3 : i32
    %dma_start3A_957 = arith.constant 0 : i32
    %dma_start3A_958 = tpu.memref_slice %arg6[%dma_start3A_956, %dma_start3A_957] : memref<40x125xi32, #tpu.memory_space<vmem>> -> memref<1x125xi32, #tpu.memory_space<vmem>>
    %dma_start3A_959 = tpu.memref_squeeze %dma_start3A_958 : memref<1x125xi32, #tpu.memory_space<vmem>> -> memref<125xi32, #tpu.memory_space<vmem>>
    %dma_start3A_960 = arith.constant 0 : i32
    %dma_start3A_961 = arith.constant 0 : i32
    %dma_start3A_962 = tpu.memref_slice %arg2[%arg0, %dma_start3A_960, %dma_start3A_961] : memref<2x10000x64xf32, #tpu.memory_space<hbm>> -> memref<1x10000x64xf32, #tpu.memory_space<hbm>>
    %dma_start3A_963 = tpu.memref_squeeze %dma_start3A_962 : memref<1x10000x64xf32, #tpu.memory_space<hbm>> -> memref<10000x64xf32, #tpu.memory_space<hbm>>
    %dma_start3A_964 = arith.constant 0 : i32
    %dma_start3A_965 = arith.constant 0 : i32
    %dma_start3A_966 = tpu.memref_slice %dma_start3A_963[%dma_start3A_964, %dma_start3A_965] : memref<10000x64xf32, #tpu.memory_space<hbm>> -> memref<10000x64xf32, #tpu.memory_space<hbm>>
    tpu.enqueue_indirect_dma source(%dma_start3A_966 : memref<10000x64xf32, #tpu.memory_space<hbm>>) target(%arg11 : memref<125x64xf32, #tpu.memory_space<vmem>>) offsets(%dma_start3A_959 : memref<125xi32, #tpu.memory_space<vmem>>) semaphore(%arg18 : memref<!tpu.dma_semaphore, #tpu.memory_space<semaphore_mem>>)
    %scan3A_967 = arith.constant 0 : i32
    %scan3A_968 = arith.constant 4 : i32
    %scan3A_969 = arith.addi %scan3A_967, %scan3A_968 : i32
    %scan3A_970 = arith.constant 1 : i32
    scf.for %scan3A_1224 = %scan3A_967 to %scan3A_969 step %scan3A_970  : i32 {
      %mul3A_1225 = arith.constant 1 : i32
      %mul3A_1226 = arith.muli %scan3A_1224, %mul3A_1225 : i32
      %add3A_1227 = arith.constant 0 : i32
      %add3A_1228 = arith.addi %add3A_1227, %mul3A_1226 : i32
      %mul3A_1229 = arith.constant 8 : i32
      %mul3A_1230 = arith.muli %add3A_1228, %mul3A_1229 : i32
      %add3A_1231 = arith.constant 4 : i32
      %add3A_1232 = arith.addi %mul3A_1230, %add3A_1231 : i32
      %add3A_1233 = arith.constant 0 : i32
      %add3A_1234 = arith.addi %add3A_1232, %add3A_1233 : i32
      %dma_start3A_1235 = arith.constant 0 : i32
      %dma_start3A_1236 = tpu.memref_slice %arg6[%add3A_1234, %dma_start3A_1235] : memref<40x125xi32, #tpu.memory_space<vmem>> -> memref<1x125xi32, #tpu.memory_space<vmem>>
      %dma_start3A_1237 = tpu.memref_squeeze %dma_start3A_1236 : memref<1x125xi32, #tpu.memory_space<vmem>> -> memref<125xi32, #tpu.memory_space<vmem>>
      %dma_start3A_1238 = arith.constant 0 : i32
      %dma_start3A_1239 = arith.constant 0 : i32
      %dma_start3A_1240 = tpu.memref_slice %arg2[%arg0, %dma_start3A_1238, %dma_start3A_1239] : memref<2x10000x64xf32, #tpu.memory_space<hbm>> -> memref<1x10000x64xf32, #tpu.memory_space<hbm>>
      %dma_start3A_1241 = tpu.memref_squeeze %dma_start3A_1240 : memref<1x10000x64xf32, #tpu.memory_space<hbm>> -> memref<10000x64xf32, #tpu.memory_space<hbm>>
      %dma_start3A_1242 = arith.constant 0 : i32
      %dma_start3A_1243 = arith.constant 0 : i32
      %dma_start3A_1244 = tpu.memref_slice %dma_start3A_1241[%dma_start3A_1242, %dma_start3A_1243] : memref<10000x64xf32, #tpu.memory_space<hbm>> -> memref<10000x64xf32, #tpu.memory_space<hbm>>
      tpu.enqueue_indirect_dma source(%dma_start3A_1244 : memref<10000x64xf32, #tpu.memory_space<hbm>>) target(%arg12 : memref<125x64xf32, #tpu.memory_space<vmem>>) offsets(%dma_start3A_1237 : memref<125xi32, #tpu.memory_space<vmem>>) semaphore(%arg19 : memref<!tpu.dma_semaphore, #tpu.memory_space<semaphore_mem>>)
      %add3A_1245 = arith.constant 1 : i32
      %add3A_1246 = arith.addi %add3A_1232, %add3A_1245 : i32
      %dma_start3A_1247 = arith.constant 0 : i32
      %dma_start3A_1248 = tpu.memref_slice %arg6[%add3A_1246, %dma_start3A_1247] : memref<40x125xi32, #tpu.memory_space<vmem>> -> memref<1x125xi32, #tpu.memory_space<vmem>>
      %dma_start3A_1249 = tpu.memref_squeeze %dma_start3A_1248 : memref<1x125xi32, #tpu.memory_space<vmem>> -> memref<125xi32, #tpu.memory_space<vmem>>
      %dma_start3A_1250 = arith.constant 0 : i32
      %dma_start3A_1251 = arith.constant 0 : i32
      %dma_start3A_1252 = tpu.memref_slice %arg2[%arg0, %dma_start3A_1250, %dma_start3A_1251] : memref<2x10000x64xf32, #tpu.memory_space<hbm>> -> memref<1x10000x64xf32, #tpu.memory_space<hbm>>
      %dma_start3A_1253 = tpu.memref_squeeze %dma_start3A_1252 : memref<1x10000x64xf32, #tpu.memory_space<hbm>> -> memref<10000x64xf32, #tpu.memory_space<hbm>>
      %dma_start3A_1254 = arith.constant 0 : i32
      %dma_start3A_1255 = arith.constant 0 : i32
      %dma_start3A_1256 = tpu.memref_slice %dma_start3A_1253[%dma_start3A_1254, %dma_start3A_1255] : memref<10000x64xf32, #tpu.memory_space<hbm>> -> memref<10000x64xf32, #tpu.memory_space<hbm>>
      tpu.enqueue_indirect_dma source(%dma_start3A_1256 : memref<10000x64xf32, #tpu.memory_space<hbm>>) target(%arg13 : memref<125x64xf32, #tpu.memory_space<vmem>>) offsets(%dma_start3A_1249 : memref<125xi32, #tpu.memory_space<vmem>>) semaphore(%arg19 : memref<!tpu.dma_semaphore, #tpu.memory_space<semaphore_mem>>)
      %add3A_1257 = arith.constant 2 : i32
      %add3A_1258 = arith.addi %add3A_1232, %add3A_1257 : i32
      %dma_start3A_1259 = arith.constant 0 : i32
      %dma_start3A_1260 = tpu.memref_slice %arg6[%add3A_1258, %dma_start3A_1259] : memref<40x125xi32, #tpu.memory_space<vmem>> -> memref<1x125xi32, #tpu.memory_space<vmem>>
      %dma_start3A_1261 = tpu.memref_squeeze %dma_start3A_1260 : memref<1x125xi32, #tpu.memory_space<vmem>> -> memref<125xi32, #tpu.memory_space<vmem>>
      %dma_start3A_1262 = arith.constant 0 : i32
      %dma_start3A_1263 = arith.constant 0 : i32
      %dma_start3A_1264 = tpu.memref_slice %arg2[%arg0, %dma_start3A_1262, %dma_start3A_1263] : memref<2x10000x64xf32, #tpu.memory_space<hbm>> -> memref<1x10000x64xf32, #tpu.memory_space<hbm>>
      %dma_start3A_1265 = tpu.memref_squeeze %dma_start3A_1264 : memref<1x10000x64xf32, #tpu.memory_space<hbm>> -> memref<10000x64xf32, #tpu.memory_space<hbm>>
      %dma_start3A_1266 = arith.constant 0 : i32
      %dma_start3A_1267 = arith.constant 0 : i32
      %dma_start3A_1268 = tpu.memref_slice %dma_start3A_1265[%dma_start3A_1266, %dma_start3A_1267] : memref<10000x64xf32, #tpu.memory_space<hbm>> -> memref<10000x64xf32, #tpu.memory_space<hbm>>
      tpu.enqueue_indirect_dma source(%dma_start3A_1268 : memref<10000x64xf32, #tpu.memory_space<hbm>>) target(%arg14 : memref<125x64xf32, #tpu.memory_space<vmem>>) offsets(%dma_start3A_1261 : memref<125xi32, #tpu.memory_space<vmem>>) semaphore(%arg19 : memref<!tpu.dma_semaphore, #tpu.memory_space<semaphore_mem>>)
      %add3A_1269 = arith.constant 3 : i32
      %add3A_1270 = arith.addi %add3A_1232, %add3A_1269 : i32
      %dma_start3A_1271 = arith.constant 0 : i32
      %dma_start3A_1272 = tpu.memref_slice %arg6[%add3A_1270, %dma_start3A_1271] : memref<40x125xi32, #tpu.memory_space<vmem>> -> memref<1x125xi32, #tpu.memory_space<vmem>>
      %dma_start3A_1273 = tpu.memref_squeeze %dma_start3A_1272 : memref<1x125xi32, #tpu.memory_space<vmem>> -> memref<125xi32, #tpu.memory_space<vmem>>
      %dma_start3A_1274 = arith.constant 0 : i32
      %dma_start3A_1275 = arith.constant 0 : i32
      %dma_start3A_1276 = tpu.memref_slice %arg2[%arg0, %dma_start3A_1274, %dma_start3A_1275] : memref<2x10000x64xf32, #tpu.memory_space<hbm>> -> memref<1x10000x64xf32, #tpu.memory_space<hbm>>
      %dma_start3A_1277 = tpu.memref_squeeze %dma_start3A_1276 : memref<1x10000x64xf32, #tpu.memory_space<hbm>> -> memref<10000x64xf32, #tpu.memory_space<hbm>>
      %dma_start3A_1278 = arith.constant 0 : i32
      %dma_start3A_1279 = arith.constant 0 : i32
      %dma_start3A_1280 = tpu.memref_slice %dma_start3A_1277[%dma_start3A_1278, %dma_start3A_1279] : memref<10000x64xf32, #tpu.memory_space<hbm>> -> memref<10000x64xf32, #tpu.memory_space<hbm>>
      tpu.enqueue_indirect_dma source(%dma_start3A_1280 : memref<10000x64xf32, #tpu.memory_space<hbm>>) target(%arg15 : memref<125x64xf32, #tpu.memory_space<vmem>>) offsets(%dma_start3A_1273 : memref<125xi32, #tpu.memory_space<vmem>>) semaphore(%arg19 : memref<!tpu.dma_semaphore, #tpu.memory_space<semaphore_mem>>)
      %add3A_1281 = arith.constant 0 : i32
      %add3A_1282 = arith.addi %mul3A_1230, %add3A_1281 : i32
      %dma_wait3A_1283 = arith.constant 0 : i32
      %dma_wait3A_1284 = tpu.memref_slice %arg6[%add3A_1282, %dma_wait3A_1283] : memref<40x125xi32, #tpu.memory_space<vmem>> -> memref<1x125xi32, #tpu.memory_space<vmem>>
      %dma_wait3A_1285 = tpu.memref_squeeze %dma_wait3A_1284 : memref<1x125xi32, #tpu.memory_space<vmem>> -> memref<125xi32, #tpu.memory_space<vmem>>
      %dma_wait3A_1286 = arith.constant 0 : i32
      %dma_wait3A_1287 = arith.constant 0 : i32
      %dma_wait3A_1288 = tpu.memref_slice %arg2[%arg0, %dma_wait3A_1286, %dma_wait3A_1287] : memref<2x10000x64xf32, #tpu.memory_space<hbm>> -> memref<1x10000x64xf32, #tpu.memory_space<hbm>>
      %dma_wait3A_1289 = tpu.memref_squeeze %dma_wait3A_1288 : memref<1x10000x64xf32, #tpu.memory_space<hbm>> -> memref<10000x64xf32, #tpu.memory_space<hbm>>
      %dma_wait3A_1290 = arith.constant 0 : i32
      %dma_wait3A_1291 = arith.constant 0 : i32
      %dma_wait3A_1292 = tpu.memref_slice %dma_wait3A_1289[%dma_wait3A_1290, %dma_wait3A_1291] : memref<10000x64xf32, #tpu.memory_space<hbm>> -> memref<10000x64xf32, #tpu.memory_space<hbm>>
      tpu.wait_indirect_dma semaphore(%arg18 : memref<!tpu.dma_semaphore, #tpu.memory_space<semaphore_mem>>) src(%dma_wait3A_1292 : memref<10000x64xf32, #tpu.memory_space<hbm>>) dst(%arg8 : memref<125x64xf32, #tpu.memory_space<vmem>>)
      %add3A_1293 = arith.constant 1 : i32
      %add3A_1294 = arith.addi %mul3A_1230, %add3A_1293 : i32
      %dma_wait3A_1295 = arith.constant 0 : i32
      %dma_wait3A_1296 = tpu.memref_slice %arg6[%add3A_1294, %dma_wait3A_1295] : memref<40x125xi32, #tpu.memory_space<vmem>> -> memref<1x125xi32, #tpu.memory_space<vmem>>
      %dma_wait3A_1297 = tpu.memref_squeeze %dma_wait3A_1296 : memref<1x125xi32, #tpu.memory_space<vmem>> -> memref<125xi32, #tpu.memory_space<vmem>>
      %dma_wait3A_1298 = arith.constant 0 : i32
      %dma_wait3A_1299 = arith.constant 0 : i32
      %dma_wait3A_1300 = tpu.memref_slice %arg2[%arg0, %dma_wait3A_1298, %dma_wait3A_1299] : memref<2x10000x64xf32, #tpu.memory_space<hbm>> -> memref<1x10000x64xf32, #tpu.memory_space<hbm>>
      %dma_wait3A_1301 = tpu.memref_squeeze %dma_wait3A_1300 : memref<1x10000x64xf32, #tpu.memory_space<hbm>> -> memref<10000x64xf32, #tpu.memory_space<hbm>>
      %dma_wait3A_1302 = arith.constant 0 : i32
      %dma_wait3A_1303 = arith.constant 0 : i32
      %dma_wait3A_1304 = tpu.memref_slice %dma_wait3A_1301[%dma_wait3A_1302, %dma_wait3A_1303] : memref<10000x64xf32, #tpu.memory_space<hbm>> -> memref<10000x64xf32, #tpu.memory_space<hbm>>
      tpu.wait_indirect_dma semaphore(%arg18 : memref<!tpu.dma_semaphore, #tpu.memory_space<semaphore_mem>>) src(%dma_wait3A_1304 : memref<10000x64xf32, #tpu.memory_space<hbm>>) dst(%arg9 : memref<125x64xf32, #tpu.memory_space<vmem>>)
      %add3A_1305 = arith.constant 2 : i32
      %add3A_1306 = arith.addi %mul3A_1230, %add3A_1305 : i32
      %dma_wait3A_1307 = arith.constant 0 : i32
      %dma_wait3A_1308 = tpu.memref_slice %arg6[%add3A_1306, %dma_wait3A_1307] : memref<40x125xi32, #tpu.memory_space<vmem>> -> memref<1x125xi32, #tpu.memory_space<vmem>>
      %dma_wait3A_1309 = tpu.memref_squeeze %dma_wait3A_1308 : memref<1x125xi32, #tpu.memory_space<vmem>> -> memref<125xi32, #tpu.memory_space<vmem>>
      %dma_wait3A_1310 = arith.constant 0 : i32
      %dma_wait3A_1311 = arith.constant 0 : i32
      %dma_wait3A_1312 = tpu.memref_slice %arg2[%arg0, %dma_wait3A_1310, %dma_wait3A_1311] : memref<2x10000x64xf32, #tpu.memory_space<hbm>> -> memref<1x10000x64xf32, #tpu.memory_space<hbm>>
      %dma_wait3A_1313 = tpu.memref_squeeze %dma_wait3A_1312 : memref<1x10000x64xf32, #tpu.memory_space<hbm>> -> memref<10000x64xf32, #tpu.memory_space<hbm>>
      %dma_wait3A_1314 = arith.constant 0 : i32
      %dma_wait3A_1315 = arith.constant 0 : i32
      %dma_wait3A_1316 = tpu.memref_slice %dma_wait3A_1313[%dma_wait3A_1314, %dma_wait3A_1315] : memref<10000x64xf32, #tpu.memory_space<hbm>> -> memref<10000x64xf32, #tpu.memory_space<hbm>>
      tpu.wait_indirect_dma semaphore(%arg18 : memref<!tpu.dma_semaphore, #tpu.memory_space<semaphore_mem>>) src(%dma_wait3A_1316 : memref<10000x64xf32, #tpu.memory_space<hbm>>) dst(%arg10 : memref<125x64xf32, #tpu.memory_space<vmem>>)
      %add3A_1317 = arith.constant 3 : i32
      %add3A_1318 = arith.addi %mul3A_1230, %add3A_1317 : i32
      %dma_wait3A_1319 = arith.constant 0 : i32
      %dma_wait3A_1320 = tpu.memref_slice %arg6[%add3A_1318, %dma_wait3A_1319] : memref<40x125xi32, #tpu.memory_space<vmem>> -> memref<1x125xi32, #tpu.memory_space<vmem>>
      %dma_wait3A_1321 = tpu.memref_squeeze %dma_wait3A_1320 : memref<1x125xi32, #tpu.memory_space<vmem>> -> memref<125xi32, #tpu.memory_space<vmem>>
      %dma_wait3A_1322 = arith.constant 0 : i32
      %dma_wait3A_1323 = arith.constant 0 : i32
      %dma_wait3A_1324 = tpu.memref_slice %arg2[%arg0, %dma_wait3A_1322, %dma_wait3A_1323] : memref<2x10000x64xf32, #tpu.memory_space<hbm>> -> memref<1x10000x64xf32, #tpu.memory_space<hbm>>
      %dma_wait3A_1325 = tpu.memref_squeeze %dma_wait3A_1324 : memref<1x10000x64xf32, #tpu.memory_space<hbm>> -> memref<10000x64xf32, #tpu.memory_space<hbm>>
      %dma_wait3A_1326 = arith.constant 0 : i32
      %dma_wait3A_1327 = arith.constant 0 : i32
      %dma_wait3A_1328 = tpu.memref_slice %dma_wait3A_1325[%dma_wait3A_1326, %dma_wait3A_1327] : memref<10000x64xf32, #tpu.memory_space<hbm>> -> memref<10000x64xf32, #tpu.memory_space<hbm>>
      tpu.wait_indirect_dma semaphore(%arg18 : memref<!tpu.dma_semaphore, #tpu.memory_space<semaphore_mem>>) src(%dma_wait3A_1328 : memref<10000x64xf32, #tpu.memory_space<hbm>>) dst(%arg11 : memref<125x64xf32, #tpu.memory_space<vmem>>)
      %add3A_1329 = arith.constant 0 : i32
      %add3A_1330 = arith.addi %mul3A_1230, %add3A_1329 : i32
      %dma_start3A_1331 = arith.constant 0 : i32
      %dma_start3A_1332 = tpu.memref_slice %arg7[%add3A_1330, %dma_start3A_1331] : memref<40x125xi32, #tpu.memory_space<vmem>> -> memref<1x125xi32, #tpu.memory_space<vmem>>
      %dma_start3A_1333 = tpu.memref_squeeze %dma_start3A_1332 : memref<1x125xi32, #tpu.memory_space<vmem>> -> memref<125xi32, #tpu.memory_space<vmem>>
      %dma_start3A_1334 = arith.constant 0 : i32
      %dma_start3A_1335 = arith.constant 0 : i32
      %dma_start3A_1336 = tpu.memref_slice %arg17[%dma_start3A_1334, %dma_start3A_1335] : memref<10240x64xf32, #tpu.memory_space<vmem_shared>> -> memref<10240x64xf32, #tpu.memory_space<vmem_shared>>
      tpu.enqueue_indirect_dma source(%arg8 : memref<125x64xf32, #tpu.memory_space<vmem>>) target(%dma_start3A_1336 : memref<10240x64xf32, #tpu.memory_space<vmem_shared>>) offsets(%dma_start3A_1333 : memref<125xi32, #tpu.memory_space<vmem>>) semaphore(%arg20 : memref<!tpu.dma_semaphore, #tpu.memory_space<semaphore_mem>>) {add = true}
      %add3A_1337 = arith.constant 1 : i32
      %add3A_1338 = arith.addi %mul3A_1230, %add3A_1337 : i32
      %dma_start3A_1339 = arith.constant 0 : i32
      %dma_start3A_1340 = tpu.memref_slice %arg7[%add3A_1338, %dma_start3A_1339] : memref<40x125xi32, #tpu.memory_space<vmem>> -> memref<1x125xi32, #tpu.memory_space<vmem>>
      %dma_start3A_1341 = tpu.memref_squeeze %dma_start3A_1340 : memref<1x125xi32, #tpu.memory_space<vmem>> -> memref<125xi32, #tpu.memory_space<vmem>>
      %dma_start3A_1342 = arith.constant 0 : i32
      %dma_start3A_1343 = arith.constant 0 : i32
      %dma_start3A_1344 = tpu.memref_slice %arg17[%dma_start3A_1342, %dma_start3A_1343] : memref<10240x64xf32, #tpu.memory_space<vmem_shared>> -> memref<10240x64xf32, #tpu.memory_space<vmem_shared>>
      tpu.enqueue_indirect_dma source(%arg9 : memref<125x64xf32, #tpu.memory_space<vmem>>) target(%dma_start3A_1344 : memref<10240x64xf32, #tpu.memory_space<vmem_shared>>) offsets(%dma_start3A_1341 : memref<125xi32, #tpu.memory_space<vmem>>) semaphore(%arg20 : memref<!tpu.dma_semaphore, #tpu.memory_space<semaphore_mem>>) {add = true}
      %add3A_1345 = arith.constant 2 : i32
      %add3A_1346 = arith.addi %mul3A_1230, %add3A_1345 : i32
      %dma_start3A_1347 = arith.constant 0 : i32
      %dma_start3A_1348 = tpu.memref_slice %arg7[%add3A_1346, %dma_start3A_1347] : memref<40x125xi32, #tpu.memory_space<vmem>> -> memref<1x125xi32, #tpu.memory_space<vmem>>
      %dma_start3A_1349 = tpu.memref_squeeze %dma_start3A_1348 : memref<1x125xi32, #tpu.memory_space<vmem>> -> memref<125xi32, #tpu.memory_space<vmem>>
      %dma_start3A_1350 = arith.constant 0 : i32
      %dma_start3A_1351 = arith.constant 0 : i32
      %dma_start3A_1352 = tpu.memref_slice %arg17[%dma_start3A_1350, %dma_start3A_1351] : memref<10240x64xf32, #tpu.memory_space<vmem_shared>> -> memref<10240x64xf32, #tpu.memory_space<vmem_shared>>
      tpu.enqueue_indirect_dma source(%arg10 : memref<125x64xf32, #tpu.memory_space<vmem>>) target(%dma_start3A_1352 : memref<10240x64xf32, #tpu.memory_space<vmem_shared>>) offsets(%dma_start3A_1349 : memref<125xi32, #tpu.memory_space<vmem>>) semaphore(%arg20 : memref<!tpu.dma_semaphore, #tpu.memory_space<semaphore_mem>>) {add = true}
      %add3A_1353 = arith.constant 3 : i32
      %add3A_1354 = arith.addi %mul3A_1230, %add3A_1353 : i32
      %dma_start3A_1355 = arith.constant 0 : i32
      %dma_start3A_1356 = tpu.memref_slice %arg7[%add3A_1354, %dma_start3A_1355] : memref<40x125xi32, #tpu.memory_space<vmem>> -> memref<1x125xi32, #tpu.memory_space<vmem>>
      %dma_start3A_1357 = tpu.memref_squeeze %dma_start3A_1356 : memref<1x125xi32, #tpu.memory_space<vmem>> -> memref<125xi32, #tpu.memory_space<vmem>>
      %dma_start3A_1358 = arith.constant 0 : i32
      %dma_start3A_1359 = arith.constant 0 : i32
      %dma_start3A_1360 = tpu.memref_slice %arg17[%dma_start3A_1358, %dma_start3A_1359] : memref<10240x64xf32, #tpu.memory_space<vmem_shared>> -> memref<10240x64xf32, #tpu.memory_space<vmem_shared>>
      tpu.enqueue_indirect_dma source(%arg11 : memref<125x64xf32, #tpu.memory_space<vmem>>) target(%dma_start3A_1360 : memref<10240x64xf32, #tpu.memory_space<vmem_shared>>) offsets(%dma_start3A_1357 : memref<125xi32, #tpu.memory_space<vmem>>) semaphore(%arg20 : memref<!tpu.dma_semaphore, #tpu.memory_space<semaphore_mem>>) {add = true}
      %add3A_1361 = arith.constant 0 : i32
      %add3A_1362 = arith.addi %mul3A_1230, %add3A_1361 : i32
      %dma_wait3A_1363 = arith.constant 0 : i32
      %dma_wait3A_1364 = tpu.memref_slice %arg7[%add3A_1362, %dma_wait3A_1363] : memref<40x125xi32, #tpu.memory_space<vmem>> -> memref<1x125xi32, #tpu.memory_space<vmem>>
      %dma_wait3A_1365 = tpu.memref_squeeze %dma_wait3A_1364 : memref<1x125xi32, #tpu.memory_space<vmem>> -> memref<125xi32, #tpu.memory_space<vmem>>
      %dma_wait3A_1366 = arith.constant 0 : i32
      %dma_wait3A_1367 = arith.constant 0 : i32
      %dma_wait3A_1368 = tpu.memref_slice %arg17[%dma_wait3A_1366, %dma_wait3A_1367] : memref<10240x64xf32, #tpu.memory_space<vmem_shared>> -> memref<10240x64xf32, #tpu.memory_space<vmem_shared>>
      tpu.wait_indirect_dma semaphore(%arg20 : memref<!tpu.dma_semaphore, #tpu.memory_space<semaphore_mem>>) src(%arg8 : memref<125x64xf32, #tpu.memory_space<vmem>>) dst(%dma_wait3A_1368 : memref<10240x64xf32, #tpu.memory_space<vmem_shared>>)
      %add3A_1369 = arith.constant 1 : i32
      %add3A_1370 = arith.addi %mul3A_1230, %add3A_1369 : i32
      %dma_wait3A_1371 = arith.constant 0 : i32
      %dma_wait3A_1372 = tpu.memref_slice %arg7[%add3A_1370, %dma_wait3A_1371] : memref<40x125xi32, #tpu.memory_space<vmem>> -> memref<1x125xi32, #tpu.memory_space<vmem>>
      %dma_wait3A_1373 = tpu.memref_squeeze %dma_wait3A_1372 : memref<1x125xi32, #tpu.memory_space<vmem>> -> memref<125xi32, #tpu.memory_space<vmem>>
      %dma_wait3A_1374 = arith.constant 0 : i32
      %dma_wait3A_1375 = arith.constant 0 : i32
      %dma_wait3A_1376 = tpu.memref_slice %arg17[%dma_wait3A_1374, %dma_wait3A_1375] : memref<10240x64xf32, #tpu.memory_space<vmem_shared>> -> memref<10240x64xf32, #tpu.memory_space<vmem_shared>>
      tpu.wait_indirect_dma semaphore(%arg20 : memref<!tpu.dma_semaphore, #tpu.memory_space<semaphore_mem>>) src(%arg9 : memref<125x64xf32, #tpu.memory_space<vmem>>) dst(%dma_wait3A_1376 : memref<10240x64xf32, #tpu.memory_space<vmem_shared>>)
      %add3A_1377 = arith.constant 2 : i32
      %add3A_1378 = arith.addi %mul3A_1230, %add3A_1377 : i32
      %dma_wait3A_1379 = arith.constant 0 : i32
      %dma_wait3A_1380 = tpu.memref_slice %arg7[%add3A_1378, %dma_wait3A_1379] : memref<40x125xi32, #tpu.memory_space<vmem>> -> memref<1x125xi32, #tpu.memory_space<vmem>>
      %dma_wait3A_1381 = tpu.memref_squeeze %dma_wait3A_1380 : memref<1x125xi32, #tpu.memory_space<vmem>> -> memref<125xi32, #tpu.memory_space<vmem>>
      %dma_wait3A_1382 = arith.constant 0 : i32
      %dma_wait3A_1383 = arith.constant 0 : i32
      %dma_wait3A_1384 = tpu.memref_slice %arg17[%dma_wait3A_1382, %dma_wait3A_1383] : memref<10240x64xf32, #tpu.memory_space<vmem_shared>> -> memref<10240x64xf32, #tpu.memory_space<vmem_shared>>
      tpu.wait_indirect_dma semaphore(%arg20 : memref<!tpu.dma_semaphore, #tpu.memory_space<semaphore_mem>>) src(%arg10 : memref<125x64xf32, #tpu.memory_space<vmem>>) dst(%dma_wait3A_1384 : memref<10240x64xf32, #tpu.memory_space<vmem_shared>>)
      %add3A_1385 = arith.constant 3 : i32
      %add3A_1386 = arith.addi %mul3A_1230, %add3A_1385 : i32
      %dma_wait3A_1387 = arith.constant 0 : i32
      %dma_wait3A_1388 = tpu.memref_slice %arg7[%add3A_1386, %dma_wait3A_1387] : memref<40x125xi32, #tpu.memory_space<vmem>> -> memref<1x125xi32, #tpu.memory_space<vmem>>
      %dma_wait3A_1389 = tpu.memref_squeeze %dma_wait3A_1388 : memref<1x125xi32, #tpu.memory_space<vmem>> -> memref<125xi32, #tpu.memory_space<vmem>>
      %dma_wait3A_1390 = arith.constant 0 : i32
      %dma_wait3A_1391 = arith.constant 0 : i32
      %dma_wait3A_1392 = tpu.memref_slice %arg17[%dma_wait3A_1390, %dma_wait3A_1391] : memref<10240x64xf32, #tpu.memory_space<vmem_shared>> -> memref<10240x64xf32, #tpu.memory_space<vmem_shared>>
      tpu.wait_indirect_dma semaphore(%arg20 : memref<!tpu.dma_semaphore, #tpu.memory_space<semaphore_mem>>) src(%arg11 : memref<125x64xf32, #tpu.memory_space<vmem>>) dst(%dma_wait3A_1392 : memref<10240x64xf32, #tpu.memory_space<vmem_shared>>)
      %add3A_1393 = arith.constant 8 : i32
      %add3A_1394 = arith.addi %mul3A_1230, %add3A_1393 : i32
      %add3A_1395 = arith.constant 0 : i32
      %add3A_1396 = arith.addi %add3A_1394, %add3A_1395 : i32
      %dma_start3A_1397 = arith.constant 0 : i32
      %dma_start3A_1398 = tpu.memref_slice %arg6[%add3A_1396, %dma_start3A_1397] : memref<40x125xi32, #tpu.memory_space<vmem>> -> memref<1x125xi32, #tpu.memory_space<vmem>>
      %dma_start3A_1399 = tpu.memref_squeeze %dma_start3A_1398 : memref<1x125xi32, #tpu.memory_space<vmem>> -> memref<125xi32, #tpu.memory_space<vmem>>
      %dma_start3A_1400 = arith.constant 0 : i32
      %dma_start3A_1401 = arith.constant 0 : i32
      %dma_start3A_1402 = tpu.memref_slice %arg2[%arg0, %dma_start3A_1400, %dma_start3A_1401] : memref<2x10000x64xf32, #tpu.memory_space<hbm>> -> memref<1x10000x64xf32, #tpu.memory_space<hbm>>
      %dma_start3A_1403 = tpu.memref_squeeze %dma_start3A_1402 : memref<1x10000x64xf32, #tpu.memory_space<hbm>> -> memref<10000x64xf32, #tpu.memory_space<hbm>>
      %dma_start3A_1404 = arith.constant 0 : i32
      %dma_start3A_1405 = arith.constant 0 : i32
      %dma_start3A_1406 = tpu.memref_slice %dma_start3A_1403[%dma_start3A_1404, %dma_start3A_1405] : memref<10000x64xf32, #tpu.memory_space<hbm>> -> memref<10000x64xf32, #tpu.memory_space<hbm>>
      tpu.enqueue_indirect_dma source(%dma_start3A_1406 : memref<10000x64xf32, #tpu.memory_space<hbm>>) target(%arg8 : memref<125x64xf32, #tpu.memory_space<vmem>>) offsets(%dma_start3A_1399 : memref<125xi32, #tpu.memory_space<vmem>>) semaphore(%arg18 : memref<!tpu.dma_semaphore, #tpu.memory_space<semaphore_mem>>)
      %add3A_1407 = arith.constant 1 : i32
      %add3A_1408 = arith.addi %add3A_1394, %add3A_1407 : i32
      %dma_start3A_1409 = arith.constant 0 : i32
      %dma_start3A_1410 = tpu.memref_slice %arg6[%add3A_1408, %dma_start3A_1409] : memref<40x125xi32, #tpu.memory_space<vmem>> -> memref<1x125xi32, #tpu.memory_space<vmem>>
      %dma_start3A_1411 = tpu.memref_squeeze %dma_start3A_1410 : memref<1x125xi32, #tpu.memory_space<vmem>> -> memref<125xi32, #tpu.memory_space<vmem>>
      %dma_start3A_1412 = arith.constant 0 : i32
      %dma_start3A_1413 = arith.constant 0 : i32
      %dma_start3A_1414 = tpu.memref_slice %arg2[%arg0, %dma_start3A_1412, %dma_start3A_1413] : memref<2x10000x64xf32, #tpu.memory_space<hbm>> -> memref<1x10000x64xf32, #tpu.memory_space<hbm>>
      %dma_start3A_1415 = tpu.memref_squeeze %dma_start3A_1414 : memref<1x10000x64xf32, #tpu.memory_space<hbm>> -> memref<10000x64xf32, #tpu.memory_space<hbm>>
      %dma_start3A_1416 = arith.constant 0 : i32
      %dma_start3A_1417 = arith.constant 0 : i32
      %dma_start3A_1418 = tpu.memref_slice %dma_start3A_1415[%dma_start3A_1416, %dma_start3A_1417] : memref<10000x64xf32, #tpu.memory_space<hbm>> -> memref<10000x64xf32, #tpu.memory_space<hbm>>
      tpu.enqueue_indirect_dma source(%dma_start3A_1418 : memref<10000x64xf32, #tpu.memory_space<hbm>>) target(%arg9 : memref<125x64xf32, #tpu.memory_space<vmem>>) offsets(%dma_start3A_1411 : memref<125xi32, #tpu.memory_space<vmem>>) semaphore(%arg18 : memref<!tpu.dma_semaphore, #tpu.memory_space<semaphore_mem>>)
      %add3A_1419 = arith.constant 2 : i32
      %add3A_1420 = arith.addi %add3A_1394, %add3A_1419 : i32
      %dma_start3A_1421 = arith.constant 0 : i32
      %dma_start3A_1422 = tpu.memref_slice %arg6[%add3A_1420, %dma_start3A_1421] : memref<40x125xi32, #tpu.memory_space<vmem>> -> memref<1x125xi32, #tpu.memory_space<vmem>>
      %dma_start3A_1423 = tpu.memref_squeeze %dma_start3A_1422 : memref<1x125xi32, #tpu.memory_space<vmem>> -> memref<125xi32, #tpu.memory_space<vmem>>
      %dma_start3A_1424 = arith.constant 0 : i32
      %dma_start3A_1425 = arith.constant 0 : i32
      %dma_start3A_1426 = tpu.memref_slice %arg2[%arg0, %dma_start3A_1424, %dma_start3A_1425] : memref<2x10000x64xf32, #tpu.memory_space<hbm>> -> memref<1x10000x64xf32, #tpu.memory_space<hbm>>
      %dma_start3A_1427 = tpu.memref_squeeze %dma_start3A_1426 : memref<1x10000x64xf32, #tpu.memory_space<hbm>> -> memref<10000x64xf32, #tpu.memory_space<hbm>>
      %dma_start3A_1428 = arith.constant 0 : i32
      %dma_start3A_1429 = arith.constant 0 : i32
      %dma_start3A_1430 = tpu.memref_slice %dma_start3A_1427[%dma_start3A_1428, %dma_start3A_1429] : memref<10000x64xf32, #tpu.memory_space<hbm>> -> memref<10000x64xf32, #tpu.memory_space<hbm>>
      tpu.enqueue_indirect_dma source(%dma_start3A_1430 : memref<10000x64xf32, #tpu.memory_space<hbm>>) target(%arg10 : memref<125x64xf32, #tpu.memory_space<vmem>>) offsets(%dma_start3A_1423 : memref<125xi32, #tpu.memory_space<vmem>>) semaphore(%arg18 : memref<!tpu.dma_semaphore, #tpu.memory_space<semaphore_mem>>)
      %add3A_1431 = arith.constant 3 : i32
      %add3A_1432 = arith.addi %add3A_1394, %add3A_1431 : i32
      %dma_start3A_1433 = arith.constant 0 : i32
      %dma_start3A_1434 = tpu.memref_slice %arg6[%add3A_1432, %dma_start3A_1433] : memref<40x125xi32, #tpu.memory_space<vmem>> -> memref<1x125xi32, #tpu.memory_space<vmem>>
      %dma_start3A_1435 = tpu.memref_squeeze %dma_start3A_1434 : memref<1x125xi32, #tpu.memory_space<vmem>> -> memref<125xi32, #tpu.memory_space<vmem>>
      %dma_start3A_1436 = arith.constant 0 : i32
      %dma_start3A_1437 = arith.constant 0 : i32
      %dma_start3A_1438 = tpu.memref_slice %arg2[%arg0, %dma_start3A_1436, %dma_start3A_1437] : memref<2x10000x64xf32, #tpu.memory_space<hbm>> -> memref<1x10000x64xf32, #tpu.memory_space<hbm>>
      %dma_start3A_1439 = tpu.memref_squeeze %dma_start3A_1438 : memref<1x10000x64xf32, #tpu.memory_space<hbm>> -> memref<10000x64xf32, #tpu.memory_space<hbm>>
      %dma_start3A_1440 = arith.constant 0 : i32
      %dma_start3A_1441 = arith.constant 0 : i32
      %dma_start3A_1442 = tpu.memref_slice %dma_start3A_1439[%dma_start3A_1440, %dma_start3A_1441] : memref<10000x64xf32, #tpu.memory_space<hbm>> -> memref<10000x64xf32, #tpu.memory_space<hbm>>
      tpu.enqueue_indirect_dma source(%dma_start3A_1442 : memref<10000x64xf32, #tpu.memory_space<hbm>>) target(%arg11 : memref<125x64xf32, #tpu.memory_space<vmem>>) offsets(%dma_start3A_1435 : memref<125xi32, #tpu.memory_space<vmem>>) semaphore(%arg18 : memref<!tpu.dma_semaphore, #tpu.memory_space<semaphore_mem>>)
      %add3A_1443 = arith.constant 4 : i32
      %add3A_1444 = arith.addi %mul3A_1230, %add3A_1443 : i32
      %add3A_1445 = arith.constant 0 : i32
      %add3A_1446 = arith.addi %add3A_1444, %add3A_1445 : i32
      %dma_wait3A_1447 = arith.constant 0 : i32
      %dma_wait3A_1448 = tpu.memref_slice %arg6[%add3A_1446, %dma_wait3A_1447] : memref<40x125xi32, #tpu.memory_space<vmem>> -> memref<1x125xi32, #tpu.memory_space<vmem>>
      %dma_wait3A_1449 = tpu.memref_squeeze %dma_wait3A_1448 : memref<1x125xi32, #tpu.memory_space<vmem>> -> memref<125xi32, #tpu.memory_space<vmem>>
      %dma_wait3A_1450 = arith.constant 0 : i32
      %dma_wait3A_1451 = arith.constant 0 : i32
      %dma_wait3A_1452 = tpu.memref_slice %arg2[%arg0, %dma_wait3A_1450, %dma_wait3A_1451] : memref<2x10000x64xf32, #tpu.memory_space<hbm>> -> memref<1x10000x64xf32, #tpu.memory_space<hbm>>
      %dma_wait3A_1453 = tpu.memref_squeeze %dma_wait3A_1452 : memref<1x10000x64xf32, #tpu.memory_space<hbm>> -> memref<10000x64xf32, #tpu.memory_space<hbm>>
      %dma_wait3A_1454 = arith.constant 0 : i32
      %dma_wait3A_1455 = arith.constant 0 : i32
      %dma_wait3A_1456 = tpu.memref_slice %dma_wait3A_1453[%dma_wait3A_1454, %dma_wait3A_1455] : memref<10000x64xf32, #tpu.memory_space<hbm>> -> memref<10000x64xf32, #tpu.memory_space<hbm>>
      tpu.wait_indirect_dma semaphore(%arg19 : memref<!tpu.dma_semaphore, #tpu.memory_space<semaphore_mem>>) src(%dma_wait3A_1456 : memref<10000x64xf32, #tpu.memory_space<hbm>>) dst(%arg12 : memref<125x64xf32, #tpu.memory_space<vmem>>)
      %add3A_1457 = arith.constant 1 : i32
      %add3A_1458 = arith.addi %add3A_1444, %add3A_1457 : i32
      %dma_wait3A_1459 = arith.constant 0 : i32
      %dma_wait3A_1460 = tpu.memref_slice %arg6[%add3A_1458, %dma_wait3A_1459] : memref<40x125xi32, #tpu.memory_space<vmem>> -> memref<1x125xi32, #tpu.memory_space<vmem>>
      %dma_wait3A_1461 = tpu.memref_squeeze %dma_wait3A_1460 : memref<1x125xi32, #tpu.memory_space<vmem>> -> memref<125xi32, #tpu.memory_space<vmem>>
      %dma_wait3A_1462 = arith.constant 0 : i32
      %dma_wait3A_1463 = arith.constant 0 : i32
      %dma_wait3A_1464 = tpu.memref_slice %arg2[%arg0, %dma_wait3A_1462, %dma_wait3A_1463] : memref<2x10000x64xf32, #tpu.memory_space<hbm>> -> memref<1x10000x64xf32, #tpu.memory_space<hbm>>
      %dma_wait3A_1465 = tpu.memref_squeeze %dma_wait3A_1464 : memref<1x10000x64xf32, #tpu.memory_space<hbm>> -> memref<10000x64xf32, #tpu.memory_space<hbm>>
      %dma_wait3A_1466 = arith.constant 0 : i32
      %dma_wait3A_1467 = arith.constant 0 : i32
      %dma_wait3A_1468 = tpu.memref_slice %dma_wait3A_1465[%dma_wait3A_1466, %dma_wait3A_1467] : memref<10000x64xf32, #tpu.memory_space<hbm>> -> memref<10000x64xf32, #tpu.memory_space<hbm>>
      tpu.wait_indirect_dma semaphore(%arg19 : memref<!tpu.dma_semaphore, #tpu.memory_space<semaphore_mem>>) src(%dma_wait3A_1468 : memref<10000x64xf32, #tpu.memory_space<hbm>>) dst(%arg13 : memref<125x64xf32, #tpu.memory_space<vmem>>)
      %add3A_1469 = arith.constant 2 : i32
      %add3A_1470 = arith.addi %add3A_1444, %add3A_1469 : i32
      %dma_wait3A_1471 = arith.constant 0 : i32
      %dma_wait3A_1472 = tpu.memref_slice %arg6[%add3A_1470, %dma_wait3A_1471] : memref<40x125xi32, #tpu.memory_space<vmem>> -> memref<1x125xi32, #tpu.memory_space<vmem>>
      %dma_wait3A_1473 = tpu.memref_squeeze %dma_wait3A_1472 : memref<1x125xi32, #tpu.memory_space<vmem>> -> memref<125xi32, #tpu.memory_space<vmem>>
      %dma_wait3A_1474 = arith.constant 0 : i32
      %dma_wait3A_1475 = arith.constant 0 : i32
      %dma_wait3A_1476 = tpu.memref_slice %arg2[%arg0, %dma_wait3A_1474, %dma_wait3A_1475] : memref<2x10000x64xf32, #tpu.memory_space<hbm>> -> memref<1x10000x64xf32, #tpu.memory_space<hbm>>
      %dma_wait3A_1477 = tpu.memref_squeeze %dma_wait3A_1476 : memref<1x10000x64xf32, #tpu.memory_space<hbm>> -> memref<10000x64xf32, #tpu.memory_space<hbm>>
      %dma_wait3A_1478 = arith.constant 0 : i32
      %dma_wait3A_1479 = arith.constant 0 : i32
      %dma_wait3A_1480 = tpu.memref_slice %dma_wait3A_1477[%dma_wait3A_1478, %dma_wait3A_1479] : memref<10000x64xf32, #tpu.memory_space<hbm>> -> memref<10000x64xf32, #tpu.memory_space<hbm>>
      tpu.wait_indirect_dma semaphore(%arg19 : memref<!tpu.dma_semaphore, #tpu.memory_space<semaphore_mem>>) src(%dma_wait3A_1480 : memref<10000x64xf32, #tpu.memory_space<hbm>>) dst(%arg14 : memref<125x64xf32, #tpu.memory_space<vmem>>)
      %add3A_1481 = arith.constant 3 : i32
      %add3A_1482 = arith.addi %add3A_1444, %add3A_1481 : i32
      %dma_wait3A_1483 = arith.constant 0 : i32
      %dma_wait3A_1484 = tpu.memref_slice %arg6[%add3A_1482, %dma_wait3A_1483] : memref<40x125xi32, #tpu.memory_space<vmem>> -> memref<1x125xi32, #tpu.memory_space<vmem>>
      %dma_wait3A_1485 = tpu.memref_squeeze %dma_wait3A_1484 : memref<1x125xi32, #tpu.memory_space<vmem>> -> memref<125xi32, #tpu.memory_space<vmem>>
      %dma_wait3A_1486 = arith.constant 0 : i32
      %dma_wait3A_1487 = arith.constant 0 : i32
      %dma_wait3A_1488 = tpu.memref_slice %arg2[%arg0, %dma_wait3A_1486, %dma_wait3A_1487] : memref<2x10000x64xf32, #tpu.memory_space<hbm>> -> memref<1x10000x64xf32, #tpu.memory_space<hbm>>
      %dma_wait3A_1489 = tpu.memref_squeeze %dma_wait3A_1488 : memref<1x10000x64xf32, #tpu.memory_space<hbm>> -> memref<10000x64xf32, #tpu.memory_space<hbm>>
      %dma_wait3A_1490 = arith.constant 0 : i32
      %dma_wait3A_1491 = arith.constant 0 : i32
      %dma_wait3A_1492 = tpu.memref_slice %dma_wait3A_1489[%dma_wait3A_1490, %dma_wait3A_1491] : memref<10000x64xf32, #tpu.memory_space<hbm>> -> memref<10000x64xf32, #tpu.memory_space<hbm>>
      tpu.wait_indirect_dma semaphore(%arg19 : memref<!tpu.dma_semaphore, #tpu.memory_space<semaphore_mem>>) src(%dma_wait3A_1492 : memref<10000x64xf32, #tpu.memory_space<hbm>>) dst(%arg15 : memref<125x64xf32, #tpu.memory_space<vmem>>)
      %add3A_1493 = arith.constant 4 : i32
      %add3A_1494 = arith.addi %mul3A_1230, %add3A_1493 : i32
      %add3A_1495 = arith.constant 0 : i32
      %add3A_1496 = arith.addi %add3A_1494, %add3A_1495 : i32
      %dma_start3A_1497 = arith.constant 0 : i32
      %dma_start3A_1498 = tpu.memref_slice %arg7[%add3A_1496, %dma_start3A_1497] : memref<40x125xi32, #tpu.memory_space<vmem>> -> memref<1x125xi32, #tpu.memory_space<vmem>>
      %dma_start3A_1499 = tpu.memref_squeeze %dma_start3A_1498 : memref<1x125xi32, #tpu.memory_space<vmem>> -> memref<125xi32, #tpu.memory_space<vmem>>
      %dma_start3A_1500 = arith.constant 0 : i32
      %dma_start3A_1501 = arith.constant 0 : i32
      %dma_start3A_1502 = tpu.memref_slice %arg17[%dma_start3A_1500, %dma_start3A_1501] : memref<10240x64xf32, #tpu.memory_space<vmem_shared>> -> memref<10240x64xf32, #tpu.memory_space<vmem_shared>>
      tpu.enqueue_indirect_dma source(%arg12 : memref<125x64xf32, #tpu.memory_space<vmem>>) target(%dma_start3A_1502 : memref<10240x64xf32, #tpu.memory_space<vmem_shared>>) offsets(%dma_start3A_1499 : memref<125xi32, #tpu.memory_space<vmem>>) semaphore(%arg20 : memref<!tpu.dma_semaphore, #tpu.memory_space<semaphore_mem>>) {add = true}
      %add3A_1503 = arith.constant 1 : i32
      %add3A_1504 = arith.addi %add3A_1494, %add3A_1503 : i32
      %dma_start3A_1505 = arith.constant 0 : i32
      %dma_start3A_1506 = tpu.memref_slice %arg7[%add3A_1504, %dma_start3A_1505] : memref<40x125xi32, #tpu.memory_space<vmem>> -> memref<1x125xi32, #tpu.memory_space<vmem>>
      %dma_start3A_1507 = tpu.memref_squeeze %dma_start3A_1506 : memref<1x125xi32, #tpu.memory_space<vmem>> -> memref<125xi32, #tpu.memory_space<vmem>>
      %dma_start3A_1508 = arith.constant 0 : i32
      %dma_start3A_1509 = arith.constant 0 : i32
      %dma_start3A_1510 = tpu.memref_slice %arg17[%dma_start3A_1508, %dma_start3A_1509] : memref<10240x64xf32, #tpu.memory_space<vmem_shared>> -> memref<10240x64xf32, #tpu.memory_space<vmem_shared>>
      tpu.enqueue_indirect_dma source(%arg13 : memref<125x64xf32, #tpu.memory_space<vmem>>) target(%dma_start3A_1510 : memref<10240x64xf32, #tpu.memory_space<vmem_shared>>) offsets(%dma_start3A_1507 : memref<125xi32, #tpu.memory_space<vmem>>) semaphore(%arg20 : memref<!tpu.dma_semaphore, #tpu.memory_space<semaphore_mem>>) {add = true}
      %add3A_1511 = arith.constant 2 : i32
      %add3A_1512 = arith.addi %add3A_1494, %add3A_1511 : i32
      %dma_start3A_1513 = arith.constant 0 : i32
      %dma_start3A_1514 = tpu.memref_slice %arg7[%add3A_1512, %dma_start3A_1513] : memref<40x125xi32, #tpu.memory_space<vmem>> -> memref<1x125xi32, #tpu.memory_space<vmem>>
      %dma_start3A_1515 = tpu.memref_squeeze %dma_start3A_1514 : memref<1x125xi32, #tpu.memory_space<vmem>> -> memref<125xi32, #tpu.memory_space<vmem>>
      %dma_start3A_1516 = arith.constant 0 : i32
      %dma_start3A_1517 = arith.constant 0 : i32
      %dma_start3A_1518 = tpu.memref_slice %arg17[%dma_start3A_1516, %dma_start3A_1517] : memref<10240x64xf32, #tpu.memory_space<vmem_shared>> -> memref<10240x64xf32, #tpu.memory_space<vmem_shared>>
      tpu.enqueue_indirect_dma source(%arg14 : memref<125x64xf32, #tpu.memory_space<vmem>>) target(%dma_start3A_1518 : memref<10240x64xf32, #tpu.memory_space<vmem_shared>>) offsets(%dma_start3A_1515 : memref<125xi32, #tpu.memory_space<vmem>>) semaphore(%arg20 : memref<!tpu.dma_semaphore, #tpu.memory_space<semaphore_mem>>) {add = true}
      %add3A_1519 = arith.constant 3 : i32
      %add3A_1520 = arith.addi %add3A_1494, %add3A_1519 : i32
      %dma_start3A_1521 = arith.constant 0 : i32
      %dma_start3A_1522 = tpu.memref_slice %arg7[%add3A_1520, %dma_start3A_1521] : memref<40x125xi32, #tpu.memory_space<vmem>> -> memref<1x125xi32, #tpu.memory_space<vmem>>
      %dma_start3A_1523 = tpu.memref_squeeze %dma_start3A_1522 : memref<1x125xi32, #tpu.memory_space<vmem>> -> memref<125xi32, #tpu.memory_space<vmem>>
      %dma_start3A_1524 = arith.constant 0 : i32
      %dma_start3A_1525 = arith.constant 0 : i32
      %dma_start3A_1526 = tpu.memref_slice %arg17[%dma_start3A_1524, %dma_start3A_1525] : memref<10240x64xf32, #tpu.memory_space<vmem_shared>> -> memref<10240x64xf32, #tpu.memory_space<vmem_shared>>
      tpu.enqueue_indirect_dma source(%arg15 : memref<125x64xf32, #tpu.memory_space<vmem>>) target(%dma_start3A_1526 : memref<10240x64xf32, #tpu.memory_space<vmem_shared>>) offsets(%dma_start3A_1523 : memref<125xi32, #tpu.memory_space<vmem>>) semaphore(%arg20 : memref<!tpu.dma_semaphore, #tpu.memory_space<semaphore_mem>>) {add = true}
      %add3A_1527 = arith.constant 4 : i32
      %add3A_1528 = arith.addi %mul3A_1230, %add3A_1527 : i32
      %add3A_1529 = arith.constant 0 : i32
      %add3A_1530 = arith.addi %add3A_1528, %add3A_1529 : i32
      %dma_wait3A_1531 = arith.constant 0 : i32
      %dma_wait3A_1532 = tpu.memref_slice %arg7[%add3A_1530, %dma_wait3A_1531] : memref<40x125xi32, #tpu.memory_space<vmem>> -> memref<1x125xi32, #tpu.memory_space<vmem>>
      %dma_wait3A_1533 = tpu.memref_squeeze %dma_wait3A_1532 : memref<1x125xi32, #tpu.memory_space<vmem>> -> memref<125xi32, #tpu.memory_space<vmem>>
      %dma_wait3A_1534 = arith.constant 0 : i32
      %dma_wait3A_1535 = arith.constant 0 : i32
      %dma_wait3A_1536 = tpu.memref_slice %arg17[%dma_wait3A_1534, %dma_wait3A_1535] : memref<10240x64xf32, #tpu.memory_space<vmem_shared>> -> memref<10240x64xf32, #tpu.memory_space<vmem_shared>>
      tpu.wait_indirect_dma semaphore(%arg20 : memref<!tpu.dma_semaphore, #tpu.memory_space<semaphore_mem>>) src(%arg12 : memref<125x64xf32, #tpu.memory_space<vmem>>) dst(%dma_wait3A_1536 : memref<10240x64xf32, #tpu.memory_space<vmem_shared>>)
      %add3A_1537 = arith.constant 1 : i32
      %add3A_1538 = arith.addi %add3A_1528, %add3A_1537 : i32
      %dma_wait3A_1539 = arith.constant 0 : i32
      %dma_wait3A_1540 = tpu.memref_slice %arg7[%add3A_1538, %dma_wait3A_1539] : memref<40x125xi32, #tpu.memory_space<vmem>> -> memref<1x125xi32, #tpu.memory_space<vmem>>
      %dma_wait3A_1541 = tpu.memref_squeeze %dma_wait3A_1540 : memref<1x125xi32, #tpu.memory_space<vmem>> -> memref<125xi32, #tpu.memory_space<vmem>>
      %dma_wait3A_1542 = arith.constant 0 : i32
      %dma_wait3A_1543 = arith.constant 0 : i32
      %dma_wait3A_1544 = tpu.memref_slice %arg17[%dma_wait3A_1542, %dma_wait3A_1543] : memref<10240x64xf32, #tpu.memory_space<vmem_shared>> -> memref<10240x64xf32, #tpu.memory_space<vmem_shared>>
      tpu.wait_indirect_dma semaphore(%arg20 : memref<!tpu.dma_semaphore, #tpu.memory_space<semaphore_mem>>) src(%arg13 : memref<125x64xf32, #tpu.memory_space<vmem>>) dst(%dma_wait3A_1544 : memref<10240x64xf32, #tpu.memory_space<vmem_shared>>)
      %add3A_1545 = arith.constant 2 : i32
      %add3A_1546 = arith.addi %add3A_1528, %add3A_1545 : i32
      %dma_wait3A_1547 = arith.constant 0 : i32
      %dma_wait3A_1548 = tpu.memref_slice %arg7[%add3A_1546, %dma_wait3A_1547] : memref<40x125xi32, #tpu.memory_space<vmem>> -> memref<1x125xi32, #tpu.memory_space<vmem>>
      %dma_wait3A_1549 = tpu.memref_squeeze %dma_wait3A_1548 : memref<1x125xi32, #tpu.memory_space<vmem>> -> memref<125xi32, #tpu.memory_space<vmem>>
      %dma_wait3A_1550 = arith.constant 0 : i32
      %dma_wait3A_1551 = arith.constant 0 : i32
      %dma_wait3A_1552 = tpu.memref_slice %arg17[%dma_wait3A_1550, %dma_wait3A_1551] : memref<10240x64xf32, #tpu.memory_space<vmem_shared>> -> memref<10240x64xf32, #tpu.memory_space<vmem_shared>>
      tpu.wait_indirect_dma semaphore(%arg20 : memref<!tpu.dma_semaphore, #tpu.memory_space<semaphore_mem>>) src(%arg14 : memref<125x64xf32, #tpu.memory_space<vmem>>) dst(%dma_wait3A_1552 : memref<10240x64xf32, #tpu.memory_space<vmem_shared>>)
      %add3A_1553 = arith.constant 3 : i32
      %add3A_1554 = arith.addi %add3A_1528, %add3A_1553 : i32
      %dma_wait3A_1555 = arith.constant 0 : i32
      %dma_wait3A_1556 = tpu.memref_slice %arg7[%add3A_1554, %dma_wait3A_1555] : memref<40x125xi32, #tpu.memory_space<vmem>> -> memref<1x125xi32, #tpu.memory_space<vmem>>
      %dma_wait3A_1557 = tpu.memref_squeeze %dma_wait3A_1556 : memref<1x125xi32, #tpu.memory_space<vmem>> -> memref<125xi32, #tpu.memory_space<vmem>>
      %dma_wait3A_1558 = arith.constant 0 : i32
      %dma_wait3A_1559 = arith.constant 0 : i32
      %dma_wait3A_1560 = tpu.memref_slice %arg17[%dma_wait3A_1558, %dma_wait3A_1559] : memref<10240x64xf32, #tpu.memory_space<vmem_shared>> -> memref<10240x64xf32, #tpu.memory_space<vmem_shared>>
      tpu.wait_indirect_dma semaphore(%arg20 : memref<!tpu.dma_semaphore, #tpu.memory_space<semaphore_mem>>) src(%arg15 : memref<125x64xf32, #tpu.memory_space<vmem>>) dst(%dma_wait3A_1560 : memref<10240x64xf32, #tpu.memory_space<vmem_shared>>)
    }
    %scan3A_971 = arith.constant 4 : i32
    %dma_start3A_972 = arith.constant 36 : i32
    %dma_start3A_973 = arith.constant 0 : i32
    %dma_start3A_974 = tpu.memref_slice %arg6[%dma_start3A_972, %dma_start3A_973] : memref<40x125xi32, #tpu.memory_space<vmem>> -> memref<1x125xi32, #tpu.memory_space<vmem>>
    %dma_start3A_975 = tpu.memref_squeeze %dma_start3A_974 : memref<1x125xi32, #tpu.memory_space<vmem>> -> memref<125xi32, #tpu.memory_space<vmem>>
    %dma_start3A_976 = arith.constant 0 : i32
    %dma_start3A_977 = arith.constant 0 : i32
    %dma_start3A_978 = tpu.memref_slice %arg2[%arg0, %dma_start3A_976, %dma_start3A_977] : memref<2x10000x64xf32, #tpu.memory_space<hbm>> -> memref<1x10000x64xf32, #tpu.memory_space<hbm>>
    %dma_start3A_979 = tpu.memref_squeeze %dma_start3A_978 : memref<1x10000x64xf32, #tpu.memory_space<hbm>> -> memref<10000x64xf32, #tpu.memory_space<hbm>>
    %dma_start3A_980 = arith.constant 0 : i32
    %dma_start3A_981 = arith.constant 0 : i32
    %dma_start3A_982 = tpu.memref_slice %dma_start3A_979[%dma_start3A_980, %dma_start3A_981] : memref<10000x64xf32, #tpu.memory_space<hbm>> -> memref<10000x64xf32, #tpu.memory_space<hbm>>
    tpu.enqueue_indirect_dma source(%dma_start3A_982 : memref<10000x64xf32, #tpu.memory_space<hbm>>) target(%arg12 : memref<125x64xf32, #tpu.memory_space<vmem>>) offsets(%dma_start3A_975 : memref<125xi32, #tpu.memory_space<vmem>>) semaphore(%arg19 : memref<!tpu.dma_semaphore, #tpu.memory_space<semaphore_mem>>)
    %dma_start3A_983 = arith.constant 37 : i32
    %dma_start3A_984 = arith.constant 0 : i32
    %dma_start3A_985 = tpu.memref_slice %arg6[%dma_start3A_983, %dma_start3A_984] : memref<40x125xi32, #tpu.memory_space<vmem>> -> memref<1x125xi32, #tpu.memory_space<vmem>>
    %dma_start3A_986 = tpu.memref_squeeze %dma_start3A_985 : memref<1x125xi32, #tpu.memory_space<vmem>> -> memref<125xi32, #tpu.memory_space<vmem>>
    %dma_start3A_987 = arith.constant 0 : i32
    %dma_start3A_988 = arith.constant 0 : i32
    %dma_start3A_989 = tpu.memref_slice %arg2[%arg0, %dma_start3A_987, %dma_start3A_988] : memref<2x10000x64xf32, #tpu.memory_space<hbm>> -> memref<1x10000x64xf32, #tpu.memory_space<hbm>>
    %dma_start3A_990 = tpu.memref_squeeze %dma_start3A_989 : memref<1x10000x64xf32, #tpu.memory_space<hbm>> -> memref<10000x64xf32, #tpu.memory_space<hbm>>
    %dma_start3A_991 = arith.constant 0 : i32
    %dma_start3A_992 = arith.constant 0 : i32
    %dma_start3A_993 = tpu.memref_slice %dma_start3A_990[%dma_start3A_991, %dma_start3A_992] : memref<10000x64xf32, #tpu.memory_space<hbm>> -> memref<10000x64xf32, #tpu.memory_space<hbm>>
    tpu.enqueue_indirect_dma source(%dma_start3A_993 : memref<10000x64xf32, #tpu.memory_space<hbm>>) target(%arg13 : memref<125x64xf32, #tpu.memory_space<vmem>>) offsets(%dma_start3A_986 : memref<125xi32, #tpu.memory_space<vmem>>) semaphore(%arg19 : memref<!tpu.dma_semaphore, #tpu.memory_space<semaphore_mem>>)
    %dma_start3A_994 = arith.constant 38 : i32
    %dma_start3A_995 = arith.constant 0 : i32
    %dma_start3A_996 = tpu.memref_slice %arg6[%dma_start3A_994, %dma_start3A_995] : memref<40x125xi32, #tpu.memory_space<vmem>> -> memref<1x125xi32, #tpu.memory_space<vmem>>
    %dma_start3A_997 = tpu.memref_squeeze %dma_start3A_996 : memref<1x125xi32, #tpu.memory_space<vmem>> -> memref<125xi32, #tpu.memory_space<vmem>>
    %dma_start3A_998 = arith.constant 0 : i32
    %dma_start3A_999 = arith.constant 0 : i32
    %dma_start3A_1000 = tpu.memref_slice %arg2[%arg0, %dma_start3A_998, %dma_start3A_999] : memref<2x10000x64xf32, #tpu.memory_space<hbm>> -> memref<1x10000x64xf32, #tpu.memory_space<hbm>>
    %dma_start3A_1001 = tpu.memref_squeeze %dma_start3A_1000 : memref<1x10000x64xf32, #tpu.memory_space<hbm>> -> memref<10000x64xf32, #tpu.memory_space<hbm>>
    %dma_start3A_1002 = arith.constant 0 : i32
    %dma_start3A_1003 = arith.constant 0 : i32
    %dma_start3A_1004 = tpu.memref_slice %dma_start3A_1001[%dma_start3A_1002, %dma_start3A_1003] : memref<10000x64xf32, #tpu.memory_space<hbm>> -> memref<10000x64xf32, #tpu.memory_space<hbm>>
    tpu.enqueue_indirect_dma source(%dma_start3A_1004 : memref<10000x64xf32, #tpu.memory_space<hbm>>) target(%arg14 : memref<125x64xf32, #tpu.memory_space<vmem>>) offsets(%dma_start3A_997 : memref<125xi32, #tpu.memory_space<vmem>>) semaphore(%arg19 : memref<!tpu.dma_semaphore, #tpu.memory_space<semaphore_mem>>)
    %dma_start3A_1005 = arith.constant 39 : i32
    %dma_start3A_1006 = arith.constant 0 : i32
    %dma_start3A_1007 = tpu.memref_slice %arg6[%dma_start3A_1005, %dma_start3A_1006] : memref<40x125xi32, #tpu.memory_space<vmem>> -> memref<1x125xi32, #tpu.memory_space<vmem>>
    %dma_start3A_1008 = tpu.memref_squeeze %dma_start3A_1007 : memref<1x125xi32, #tpu.memory_space<vmem>> -> memref<125xi32, #tpu.memory_space<vmem>>
    %dma_start3A_1009 = arith.constant 0 : i32
    %dma_start3A_1010 = arith.constant 0 : i32
    %dma_start3A_1011 = tpu.memref_slice %arg2[%arg0, %dma_start3A_1009, %dma_start3A_1010] : memref<2x10000x64xf32, #tpu.memory_space<hbm>> -> memref<1x10000x64xf32, #tpu.memory_space<hbm>>
    %dma_start3A_1012 = tpu.memref_squeeze %dma_start3A_1011 : memref<1x10000x64xf32, #tpu.memory_space<hbm>> -> memref<10000x64xf32, #tpu.memory_space<hbm>>
    %dma_start3A_1013 = arith.constant 0 : i32
    %dma_start3A_1014 = arith.constant 0 : i32
    %dma_start3A_1015 = tpu.memref_slice %dma_start3A_1012[%dma_start3A_1013, %dma_start3A_1014] : memref<10000x64xf32, #tpu.memory_space<hbm>> -> memref<10000x64xf32, #tpu.memory_space<hbm>>
    tpu.enqueue_indirect_dma source(%dma_start3A_1015 : memref<10000x64xf32, #tpu.memory_space<hbm>>) target(%arg15 : memref<125x64xf32, #tpu.memory_space<vmem>>) offsets(%dma_start3A_1008 : memref<125xi32, #tpu.memory_space<vmem>>) semaphore(%arg19 : memref<!tpu.dma_semaphore, #tpu.memory_space<semaphore_mem>>)
    %dma_wait3A_1016 = arith.constant 32 : i32
    %dma_wait3A_1017 = arith.constant 0 : i32
    %dma_wait3A_1018 = tpu.memref_slice %arg6[%dma_wait3A_1016, %dma_wait3A_1017] : memref<40x125xi32, #tpu.memory_space<vmem>> -> memref<1x125xi32, #tpu.memory_space<vmem>>
    %dma_wait3A_1019 = tpu.memref_squeeze %dma_wait3A_1018 : memref<1x125xi32, #tpu.memory_space<vmem>> -> memref<125xi32, #tpu.memory_space<vmem>>
    %dma_wait3A_1020 = arith.constant 0 : i32
    %dma_wait3A_1021 = arith.constant 0 : i32
    %dma_wait3A_1022 = tpu.memref_slice %arg2[%arg0, %dma_wait3A_1020, %dma_wait3A_1021] : memref<2x10000x64xf32, #tpu.memory_space<hbm>> -> memref<1x10000x64xf32, #tpu.memory_space<hbm>>
    %dma_wait3A_1023 = tpu.memref_squeeze %dma_wait3A_1022 : memref<1x10000x64xf32, #tpu.memory_space<hbm>> -> memref<10000x64xf32, #tpu.memory_space<hbm>>
    %dma_wait3A_1024 = arith.constant 0 : i32
    %dma_wait3A_1025 = arith.constant 0 : i32
    %dma_wait3A_1026 = tpu.memref_slice %dma_wait3A_1023[%dma_wait3A_1024, %dma_wait3A_1025] : memref<10000x64xf32, #tpu.memory_space<hbm>> -> memref<10000x64xf32, #tpu.memory_space<hbm>>
    tpu.wait_indirect_dma semaphore(%arg18 : memref<!tpu.dma_semaphore, #tpu.memory_space<semaphore_mem>>) src(%dma_wait3A_1026 : memref<10000x64xf32, #tpu.memory_space<hbm>>) dst(%arg8 : memref<125x64xf32, #tpu.memory_space<vmem>>)
    %dma_wait3A_1027 = arith.constant 33 : i32
    %dma_wait3A_1028 = arith.constant 0 : i32
    %dma_wait3A_1029 = tpu.memref_slice %arg6[%dma_wait3A_1027, %dma_wait3A_1028] : memref<40x125xi32, #tpu.memory_space<vmem>> -> memref<1x125xi32, #tpu.memory_space<vmem>>
    %dma_wait3A_1030 = tpu.memref_squeeze %dma_wait3A_1029 : memref<1x125xi32, #tpu.memory_space<vmem>> -> memref<125xi32, #tpu.memory_space<vmem>>
    %dma_wait3A_1031 = arith.constant 0 : i32
    %dma_wait3A_1032 = arith.constant 0 : i32
    %dma_wait3A_1033 = tpu.memref_slice %arg2[%arg0, %dma_wait3A_1031, %dma_wait3A_1032] : memref<2x10000x64xf32, #tpu.memory_space<hbm>> -> memref<1x10000x64xf32, #tpu.memory_space<hbm>>
    %dma_wait3A_1034 = tpu.memref_squeeze %dma_wait3A_1033 : memref<1x10000x64xf32, #tpu.memory_space<hbm>> -> memref<10000x64xf32, #tpu.memory_space<hbm>>
    %dma_wait3A_1035 = arith.constant 0 : i32
    %dma_wait3A_1036 = arith.constant 0 : i32
    %dma_wait3A_1037 = tpu.memref_slice %dma_wait3A_1034[%dma_wait3A_1035, %dma_wait3A_1036] : memref<10000x64xf32, #tpu.memory_space<hbm>> -> memref<10000x64xf32, #tpu.memory_space<hbm>>
    tpu.wait_indirect_dma semaphore(%arg18 : memref<!tpu.dma_semaphore, #tpu.memory_space<semaphore_mem>>) src(%dma_wait3A_1037 : memref<10000x64xf32, #tpu.memory_space<hbm>>) dst(%arg9 : memref<125x64xf32, #tpu.memory_space<vmem>>)
    %dma_wait3A_1038 = arith.constant 34 : i32
    %dma_wait3A_1039 = arith.constant 0 : i32
    %dma_wait3A_1040 = tpu.memref_slice %arg6[%dma_wait3A_1038, %dma_wait3A_1039] : memref<40x125xi32, #tpu.memory_space<vmem>> -> memref<1x125xi32, #tpu.memory_space<vmem>>
    %dma_wait3A_1041 = tpu.memref_squeeze %dma_wait3A_1040 : memref<1x125xi32, #tpu.memory_space<vmem>> -> memref<125xi32, #tpu.memory_space<vmem>>
    %dma_wait3A_1042 = arith.constant 0 : i32
    %dma_wait3A_1043 = arith.constant 0 : i32
    %dma_wait3A_1044 = tpu.memref_slice %arg2[%arg0, %dma_wait3A_1042, %dma_wait3A_1043] : memref<2x10000x64xf32, #tpu.memory_space<hbm>> -> memref<1x10000x64xf32, #tpu.memory_space<hbm>>
    %dma_wait3A_1045 = tpu.memref_squeeze %dma_wait3A_1044 : memref<1x10000x64xf32, #tpu.memory_space<hbm>> -> memref<10000x64xf32, #tpu.memory_space<hbm>>
    %dma_wait3A_1046 = arith.constant 0 : i32
    %dma_wait3A_1047 = arith.constant 0 : i32
    %dma_wait3A_1048 = tpu.memref_slice %dma_wait3A_1045[%dma_wait3A_1046, %dma_wait3A_1047] : memref<10000x64xf32, #tpu.memory_space<hbm>> -> memref<10000x64xf32, #tpu.memory_space<hbm>>
    tpu.wait_indirect_dma semaphore(%arg18 : memref<!tpu.dma_semaphore, #tpu.memory_space<semaphore_mem>>) src(%dma_wait3A_1048 : memref<10000x64xf32, #tpu.memory_space<hbm>>) dst(%arg10 : memref<125x64xf32, #tpu.memory_space<vmem>>)
    %dma_wait3A_1049 = arith.constant 35 : i32
    %dma_wait3A_1050 = arith.constant 0 : i32
    %dma_wait3A_1051 = tpu.memref_slice %arg6[%dma_wait3A_1049, %dma_wait3A_1050] : memref<40x125xi32, #tpu.memory_space<vmem>> -> memref<1x125xi32, #tpu.memory_space<vmem>>
    %dma_wait3A_1052 = tpu.memref_squeeze %dma_wait3A_1051 : memref<1x125xi32, #tpu.memory_space<vmem>> -> memref<125xi32, #tpu.memory_space<vmem>>
    %dma_wait3A_1053 = arith.constant 0 : i32
    %dma_wait3A_1054 = arith.constant 0 : i32
    %dma_wait3A_1055 = tpu.memref_slice %arg2[%arg0, %dma_wait3A_1053, %dma_wait3A_1054] : memref<2x10000x64xf32, #tpu.memory_space<hbm>> -> memref<1x10000x64xf32, #tpu.memory_space<hbm>>
    %dma_wait3A_1056 = tpu.memref_squeeze %dma_wait3A_1055 : memref<1x10000x64xf32, #tpu.memory_space<hbm>> -> memref<10000x64xf32, #tpu.memory_space<hbm>>
    %dma_wait3A_1057 = arith.constant 0 : i32
    %dma_wait3A_1058 = arith.constant 0 : i32
    %dma_wait3A_1059 = tpu.memref_slice %dma_wait3A_1056[%dma_wait3A_1057, %dma_wait3A_1058] : memref<10000x64xf32, #tpu.memory_space<hbm>> -> memref<10000x64xf32, #tpu.memory_space<hbm>>
    tpu.wait_indirect_dma semaphore(%arg18 : memref<!tpu.dma_semaphore, #tpu.memory_space<semaphore_mem>>) src(%dma_wait3A_1059 : memref<10000x64xf32, #tpu.memory_space<hbm>>) dst(%arg11 : memref<125x64xf32, #tpu.memory_space<vmem>>)
    %dma_start3A_1060 = arith.constant 32 : i32
    %dma_start3A_1061 = arith.constant 0 : i32
    %dma_start3A_1062 = tpu.memref_slice %arg7[%dma_start3A_1060, %dma_start3A_1061] : memref<40x125xi32, #tpu.memory_space<vmem>> -> memref<1x125xi32, #tpu.memory_space<vmem>>
    %dma_start3A_1063 = tpu.memref_squeeze %dma_start3A_1062 : memref<1x125xi32, #tpu.memory_space<vmem>> -> memref<125xi32, #tpu.memory_space<vmem>>
    %dma_start3A_1064 = arith.constant 0 : i32
    %dma_start3A_1065 = arith.constant 0 : i32
    %dma_start3A_1066 = tpu.memref_slice %arg17[%dma_start3A_1064, %dma_start3A_1065] : memref<10240x64xf32, #tpu.memory_space<vmem_shared>> -> memref<10240x64xf32, #tpu.memory_space<vmem_shared>>
    tpu.enqueue_indirect_dma source(%arg8 : memref<125x64xf32, #tpu.memory_space<vmem>>) target(%dma_start3A_1066 : memref<10240x64xf32, #tpu.memory_space<vmem_shared>>) offsets(%dma_start3A_1063 : memref<125xi32, #tpu.memory_space<vmem>>) semaphore(%arg20 : memref<!tpu.dma_semaphore, #tpu.memory_space<semaphore_mem>>) {add = true}
    %dma_start3A_1067 = arith.constant 33 : i32
    %dma_start3A_1068 = arith.constant 0 : i32
    %dma_start3A_1069 = tpu.memref_slice %arg7[%dma_start3A_1067, %dma_start3A_1068] : memref<40x125xi32, #tpu.memory_space<vmem>> -> memref<1x125xi32, #tpu.memory_space<vmem>>
    %dma_start3A_1070 = tpu.memref_squeeze %dma_start3A_1069 : memref<1x125xi32, #tpu.memory_space<vmem>> -> memref<125xi32, #tpu.memory_space<vmem>>
    %dma_start3A_1071 = arith.constant 0 : i32
    %dma_start3A_1072 = arith.constant 0 : i32
    %dma_start3A_1073 = tpu.memref_slice %arg17[%dma_start3A_1071, %dma_start3A_1072] : memref<10240x64xf32, #tpu.memory_space<vmem_shared>> -> memref<10240x64xf32, #tpu.memory_space<vmem_shared>>
    tpu.enqueue_indirect_dma source(%arg9 : memref<125x64xf32, #tpu.memory_space<vmem>>) target(%dma_start3A_1073 : memref<10240x64xf32, #tpu.memory_space<vmem_shared>>) offsets(%dma_start3A_1070 : memref<125xi32, #tpu.memory_space<vmem>>) semaphore(%arg20 : memref<!tpu.dma_semaphore, #tpu.memory_space<semaphore_mem>>) {add = true}
    %dma_start3A_1074 = arith.constant 34 : i32
    %dma_start3A_1075 = arith.constant 0 : i32
    %dma_start3A_1076 = tpu.memref_slice %arg7[%dma_start3A_1074, %dma_start3A_1075] : memref<40x125xi32, #tpu.memory_space<vmem>> -> memref<1x125xi32, #tpu.memory_space<vmem>>
    %dma_start3A_1077 = tpu.memref_squeeze %dma_start3A_1076 : memref<1x125xi32, #tpu.memory_space<vmem>> -> memref<125xi32, #tpu.memory_space<vmem>>
    %dma_start3A_1078 = arith.constant 0 : i32
    %dma_start3A_1079 = arith.constant 0 : i32
    %dma_start3A_1080 = tpu.memref_slice %arg17[%dma_start3A_1078, %dma_start3A_1079] : memref<10240x64xf32, #tpu.memory_space<vmem_shared>> -> memref<10240x64xf32, #tpu.memory_space<vmem_shared>>
    tpu.enqueue_indirect_dma source(%arg10 : memref<125x64xf32, #tpu.memory_space<vmem>>) target(%dma_start3A_1080 : memref<10240x64xf32, #tpu.memory_space<vmem_shared>>) offsets(%dma_start3A_1077 : memref<125xi32, #tpu.memory_space<vmem>>) semaphore(%arg20 : memref<!tpu.dma_semaphore, #tpu.memory_space<semaphore_mem>>) {add = true}
    %dma_start3A_1081 = arith.constant 35 : i32
    %dma_start3A_1082 = arith.constant 0 : i32
    %dma_start3A_1083 = tpu.memref_slice %arg7[%dma_start3A_1081, %dma_start3A_1082] : memref<40x125xi32, #tpu.memory_space<vmem>> -> memref<1x125xi32, #tpu.memory_space<vmem>>
    %dma_start3A_1084 = tpu.memref_squeeze %dma_start3A_1083 : memref<1x125xi32, #tpu.memory_space<vmem>> -> memref<125xi32, #tpu.memory_space<vmem>>
    %dma_start3A_1085 = arith.constant 0 : i32
    %dma_start3A_1086 = arith.constant 0 : i32
    %dma_start3A_1087 = tpu.memref_slice %arg17[%dma_start3A_1085, %dma_start3A_1086] : memref<10240x64xf32, #tpu.memory_space<vmem_shared>> -> memref<10240x64xf32, #tpu.memory_space<vmem_shared>>
    tpu.enqueue_indirect_dma source(%arg11 : memref<125x64xf32, #tpu.memory_space<vmem>>) target(%dma_start3A_1087 : memref<10240x64xf32, #tpu.memory_space<vmem_shared>>) offsets(%dma_start3A_1084 : memref<125xi32, #tpu.memory_space<vmem>>) semaphore(%arg20 : memref<!tpu.dma_semaphore, #tpu.memory_space<semaphore_mem>>) {add = true}
    %dma_wait3A_1088 = arith.constant 32 : i32
    %dma_wait3A_1089 = arith.constant 0 : i32
    %dma_wait3A_1090 = tpu.memref_slice %arg7[%dma_wait3A_1088, %dma_wait3A_1089] : memref<40x125xi32, #tpu.memory_space<vmem>> -> memref<1x125xi32, #tpu.memory_space<vmem>>
    %dma_wait3A_1091 = tpu.memref_squeeze %dma_wait3A_1090 : memref<1x125xi32, #tpu.memory_space<vmem>> -> memref<125xi32, #tpu.memory_space<vmem>>
    %dma_wait3A_1092 = arith.constant 0 : i32
    %dma_wait3A_1093 = arith.constant 0 : i32
    %dma_wait3A_1094 = tpu.memref_slice %arg17[%dma_wait3A_1092, %dma_wait3A_1093] : memref<10240x64xf32, #tpu.memory_space<vmem_shared>> -> memref<10240x64xf32, #tpu.memory_space<vmem_shared>>
    tpu.wait_indirect_dma semaphore(%arg20 : memref<!tpu.dma_semaphore, #tpu.memory_space<semaphore_mem>>) src(%arg8 : memref<125x64xf32, #tpu.memory_space<vmem>>) dst(%dma_wait3A_1094 : memref<10240x64xf32, #tpu.memory_space<vmem_shared>>)
    %dma_wait3A_1095 = arith.constant 33 : i32
    %dma_wait3A_1096 = arith.constant 0 : i32
    %dma_wait3A_1097 = tpu.memref_slice %arg7[%dma_wait3A_1095, %dma_wait3A_1096] : memref<40x125xi32, #tpu.memory_space<vmem>> -> memref<1x125xi32, #tpu.memory_space<vmem>>
    %dma_wait3A_1098 = tpu.memref_squeeze %dma_wait3A_1097 : memref<1x125xi32, #tpu.memory_space<vmem>> -> memref<125xi32, #tpu.memory_space<vmem>>
    %dma_wait3A_1099 = arith.constant 0 : i32
    %dma_wait3A_1100 = arith.constant 0 : i32
    %dma_wait3A_1101 = tpu.memref_slice %arg17[%dma_wait3A_1099, %dma_wait3A_1100] : memref<10240x64xf32, #tpu.memory_space<vmem_shared>> -> memref<10240x64xf32, #tpu.memory_space<vmem_shared>>
    tpu.wait_indirect_dma semaphore(%arg20 : memref<!tpu.dma_semaphore, #tpu.memory_space<semaphore_mem>>) src(%arg9 : memref<125x64xf32, #tpu.memory_space<vmem>>) dst(%dma_wait3A_1101 : memref<10240x64xf32, #tpu.memory_space<vmem_shared>>)
    %dma_wait3A_1102 = arith.constant 34 : i32
    %dma_wait3A_1103 = arith.constant 0 : i32
    %dma_wait3A_1104 = tpu.memref_slice %arg7[%dma_wait3A_1102, %dma_wait3A_1103] : memref<40x125xi32, #tpu.memory_space<vmem>> -> memref<1x125xi32, #tpu.memory_space<vmem>>
    %dma_wait3A_1105 = tpu.memref_squeeze %dma_wait3A_1104 : memref<1x125xi32, #tpu.memory_space<vmem>> -> memref<125xi32, #tpu.memory_space<vmem>>
    %dma_wait3A_1106 = arith.constant 0 : i32
    %dma_wait3A_1107 = arith.constant 0 : i32
    %dma_wait3A_1108 = tpu.memref_slice %arg17[%dma_wait3A_1106, %dma_wait3A_1107] : memref<10240x64xf32, #tpu.memory_space<vmem_shared>> -> memref<10240x64xf32, #tpu.memory_space<vmem_shared>>
    tpu.wait_indirect_dma semaphore(%arg20 : memref<!tpu.dma_semaphore, #tpu.memory_space<semaphore_mem>>) src(%arg10 : memref<125x64xf32, #tpu.memory_space<vmem>>) dst(%dma_wait3A_1108 : memref<10240x64xf32, #tpu.memory_space<vmem_shared>>)
    %dma_wait3A_1109 = arith.constant 35 : i32
    %dma_wait3A_1110 = arith.constant 0 : i32
    %dma_wait3A_1111 = tpu.memref_slice %arg7[%dma_wait3A_1109, %dma_wait3A_1110] : memref<40x125xi32, #tpu.memory_space<vmem>> -> memref<1x125xi32, #tpu.memory_space<vmem>>
    %dma_wait3A_1112 = tpu.memref_squeeze %dma_wait3A_1111 : memref<1x125xi32, #tpu.memory_space<vmem>> -> memref<125xi32, #tpu.memory_space<vmem>>
    %dma_wait3A_1113 = arith.constant 0 : i32
    %dma_wait3A_1114 = arith.constant 0 : i32
    %dma_wait3A_1115 = tpu.memref_slice %arg17[%dma_wait3A_1113, %dma_wait3A_1114] : memref<10240x64xf32, #tpu.memory_space<vmem_shared>> -> memref<10240x64xf32, #tpu.memory_space<vmem_shared>>
    tpu.wait_indirect_dma semaphore(%arg20 : memref<!tpu.dma_semaphore, #tpu.memory_space<semaphore_mem>>) src(%arg11 : memref<125x64xf32, #tpu.memory_space<vmem>>) dst(%dma_wait3A_1115 : memref<10240x64xf32, #tpu.memory_space<vmem_shared>>)
    %dma_wait3A_1116 = arith.constant 36 : i32
    %dma_wait3A_1117 = arith.constant 0 : i32
    %dma_wait3A_1118 = tpu.memref_slice %arg6[%dma_wait3A_1116, %dma_wait3A_1117] : memref<40x125xi32, #tpu.memory_space<vmem>> -> memref<1x125xi32, #tpu.memory_space<vmem>>
    %dma_wait3A_1119 = tpu.memref_squeeze %dma_wait3A_1118 : memref<1x125xi32, #tpu.memory_space<vmem>> -> memref<125xi32, #tpu.memory_space<vmem>>
    %dma_wait3A_1120 = arith.constant 0 : i32
    %dma_wait3A_1121 = arith.constant 0 : i32
    %dma_wait3A_1122 = tpu.memref_slice %arg2[%arg0, %dma_wait3A_1120, %dma_wait3A_1121] : memref<2x10000x64xf32, #tpu.memory_space<hbm>> -> memref<1x10000x64xf32, #tpu.memory_space<hbm>>
    %dma_wait3A_1123 = tpu.memref_squeeze %dma_wait3A_1122 : memref<1x10000x64xf32, #tpu.memory_space<hbm>> -> memref<10000x64xf32, #tpu.memory_space<hbm>>
    %dma_wait3A_1124 = arith.constant 0 : i32
    %dma_wait3A_1125 = arith.constant 0 : i32
    %dma_wait3A_1126 = tpu.memref_slice %dma_wait3A_1123[%dma_wait3A_1124, %dma_wait3A_1125] : memref<10000x64xf32, #tpu.memory_space<hbm>> -> memref<10000x64xf32, #tpu.memory_space<hbm>>
    tpu.wait_indirect_dma semaphore(%arg19 : memref<!tpu.dma_semaphore, #tpu.memory_space<semaphore_mem>>) src(%dma_wait3A_1126 : memref<10000x64xf32, #tpu.memory_space<hbm>>) dst(%arg12 : memref<125x64xf32, #tpu.memory_space<vmem>>)
    %dma_wait3A_1127 = arith.constant 37 : i32
    %dma_wait3A_1128 = arith.constant 0 : i32
    %dma_wait3A_1129 = tpu.memref_slice %arg6[%dma_wait3A_1127, %dma_wait3A_1128] : memref<40x125xi32, #tpu.memory_space<vmem>> -> memref<1x125xi32, #tpu.memory_space<vmem>>
    %dma_wait3A_1130 = tpu.memref_squeeze %dma_wait3A_1129 : memref<1x125xi32, #tpu.memory_space<vmem>> -> memref<125xi32, #tpu.memory_space<vmem>>
    %dma_wait3A_1131 = arith.constant 0 : i32
    %dma_wait3A_1132 = arith.constant 0 : i32
    %dma_wait3A_1133 = tpu.memref_slice %arg2[%arg0, %dma_wait3A_1131, %dma_wait3A_1132] : memref<2x10000x64xf32, #tpu.memory_space<hbm>> -> memref<1x10000x64xf32, #tpu.memory_space<hbm>>
    %dma_wait3A_1134 = tpu.memref_squeeze %dma_wait3A_1133 : memref<1x10000x64xf32, #tpu.memory_space<hbm>> -> memref<10000x64xf32, #tpu.memory_space<hbm>>
    %dma_wait3A_1135 = arith.constant 0 : i32
    %dma_wait3A_1136 = arith.constant 0 : i32
    %dma_wait3A_1137 = tpu.memref_slice %dma_wait3A_1134[%dma_wait3A_1135, %dma_wait3A_1136] : memref<10000x64xf32, #tpu.memory_space<hbm>> -> memref<10000x64xf32, #tpu.memory_space<hbm>>
    tpu.wait_indirect_dma semaphore(%arg19 : memref<!tpu.dma_semaphore, #tpu.memory_space<semaphore_mem>>) src(%dma_wait3A_1137 : memref<10000x64xf32, #tpu.memory_space<hbm>>) dst(%arg13 : memref<125x64xf32, #tpu.memory_space<vmem>>)
    %dma_wait3A_1138 = arith.constant 38 : i32
    %dma_wait3A_1139 = arith.constant 0 : i32
    %dma_wait3A_1140 = tpu.memref_slice %arg6[%dma_wait3A_1138, %dma_wait3A_1139] : memref<40x125xi32, #tpu.memory_space<vmem>> -> memref<1x125xi32, #tpu.memory_space<vmem>>
    %dma_wait3A_1141 = tpu.memref_squeeze %dma_wait3A_1140 : memref<1x125xi32, #tpu.memory_space<vmem>> -> memref<125xi32, #tpu.memory_space<vmem>>
    %dma_wait3A_1142 = arith.constant 0 : i32
    %dma_wait3A_1143 = arith.constant 0 : i32
    %dma_wait3A_1144 = tpu.memref_slice %arg2[%arg0, %dma_wait3A_1142, %dma_wait3A_1143] : memref<2x10000x64xf32, #tpu.memory_space<hbm>> -> memref<1x10000x64xf32, #tpu.memory_space<hbm>>
    %dma_wait3A_1145 = tpu.memref_squeeze %dma_wait3A_1144 : memref<1x10000x64xf32, #tpu.memory_space<hbm>> -> memref<10000x64xf32, #tpu.memory_space<hbm>>
    %dma_wait3A_1146 = arith.constant 0 : i32
    %dma_wait3A_1147 = arith.constant 0 : i32
    %dma_wait3A_1148 = tpu.memref_slice %dma_wait3A_1145[%dma_wait3A_1146, %dma_wait3A_1147] : memref<10000x64xf32, #tpu.memory_space<hbm>> -> memref<10000x64xf32, #tpu.memory_space<hbm>>
    tpu.wait_indirect_dma semaphore(%arg19 : memref<!tpu.dma_semaphore, #tpu.memory_space<semaphore_mem>>) src(%dma_wait3A_1148 : memref<10000x64xf32, #tpu.memory_space<hbm>>) dst(%arg14 : memref<125x64xf32, #tpu.memory_space<vmem>>)
    %dma_wait3A_1149 = arith.constant 39 : i32
    %dma_wait3A_1150 = arith.constant 0 : i32
    %dma_wait3A_1151 = tpu.memref_slice %arg6[%dma_wait3A_1149, %dma_wait3A_1150] : memref<40x125xi32, #tpu.memory_space<vmem>> -> memref<1x125xi32, #tpu.memory_space<vmem>>
    %dma_wait3A_1152 = tpu.memref_squeeze %dma_wait3A_1151 : memref<1x125xi32, #tpu.memory_space<vmem>> -> memref<125xi32, #tpu.memory_space<vmem>>
    %dma_wait3A_1153 = arith.constant 0 : i32
    %dma_wait3A_1154 = arith.constant 0 : i32
    %dma_wait3A_1155 = tpu.memref_slice %arg2[%arg0, %dma_wait3A_1153, %dma_wait3A_1154] : memref<2x10000x64xf32, #tpu.memory_space<hbm>> -> memref<1x10000x64xf32, #tpu.memory_space<hbm>>
    %dma_wait3A_1156 = tpu.memref_squeeze %dma_wait3A_1155 : memref<1x10000x64xf32, #tpu.memory_space<hbm>> -> memref<10000x64xf32, #tpu.memory_space<hbm>>
    %dma_wait3A_1157 = arith.constant 0 : i32
    %dma_wait3A_1158 = arith.constant 0 : i32
    %dma_wait3A_1159 = tpu.memref_slice %dma_wait3A_1156[%dma_wait3A_1157, %dma_wait3A_1158] : memref<10000x64xf32, #tpu.memory_space<hbm>> -> memref<10000x64xf32, #tpu.memory_space<hbm>>
    tpu.wait_indirect_dma semaphore(%arg19 : memref<!tpu.dma_semaphore, #tpu.memory_space<semaphore_mem>>) src(%dma_wait3A_1159 : memref<10000x64xf32, #tpu.memory_space<hbm>>) dst(%arg15 : memref<125x64xf32, #tpu.memory_space<vmem>>)
    %dma_start3A_1160 = arith.constant 36 : i32
    %dma_start3A_1161 = arith.constant 0 : i32
    %dma_start3A_1162 = tpu.memref_slice %arg7[%dma_start3A_1160, %dma_start3A_1161] : memref<40x125xi32, #tpu.memory_space<vmem>> -> memref<1x125xi32, #tpu.memory_space<vmem>>
    %dma_start3A_1163 = tpu.memref_squeeze %dma_start3A_1162 : memref<1x125xi32, #tpu.memory_space<vmem>> -> memref<125xi32, #tpu.memory_space<vmem>>
    %dma_start3A_1164 = arith.constant 0 : i32
    %dma_start3A_1165 = arith.constant 0 : i32
    %dma_start3A_1166 = tpu.memref_slice %arg17[%dma_start3A_1164, %dma_start3A_1165] : memref<10240x64xf32, #tpu.memory_space<vmem_shared>> -> memref<10240x64xf32, #tpu.memory_space<vmem_shared>>
    tpu.enqueue_indirect_dma source(%arg12 : memref<125x64xf32, #tpu.memory_space<vmem>>) target(%dma_start3A_1166 : memref<10240x64xf32, #tpu.memory_space<vmem_shared>>) offsets(%dma_start3A_1163 : memref<125xi32, #tpu.memory_space<vmem>>) semaphore(%arg20 : memref<!tpu.dma_semaphore, #tpu.memory_space<semaphore_mem>>) {add = true}
    %dma_start3A_1167 = arith.constant 37 : i32
    %dma_start3A_1168 = arith.constant 0 : i32
    %dma_start3A_1169 = tpu.memref_slice %arg7[%dma_start3A_1167, %dma_start3A_1168] : memref<40x125xi32, #tpu.memory_space<vmem>> -> memref<1x125xi32, #tpu.memory_space<vmem>>
    %dma_start3A_1170 = tpu.memref_squeeze %dma_start3A_1169 : memref<1x125xi32, #tpu.memory_space<vmem>> -> memref<125xi32, #tpu.memory_space<vmem>>
    %dma_start3A_1171 = arith.constant 0 : i32
    %dma_start3A_1172 = arith.constant 0 : i32
    %dma_start3A_1173 = tpu.memref_slice %arg17[%dma_start3A_1171, %dma_start3A_1172] : memref<10240x64xf32, #tpu.memory_space<vmem_shared>> -> memref<10240x64xf32, #tpu.memory_space<vmem_shared>>
    tpu.enqueue_indirect_dma source(%arg13 : memref<125x64xf32, #tpu.memory_space<vmem>>) target(%dma_start3A_1173 : memref<10240x64xf32, #tpu.memory_space<vmem_shared>>) offsets(%dma_start3A_1170 : memref<125xi32, #tpu.memory_space<vmem>>) semaphore(%arg20 : memref<!tpu.dma_semaphore, #tpu.memory_space<semaphore_mem>>) {add = true}
    %dma_start3A_1174 = arith.constant 38 : i32
    %dma_start3A_1175 = arith.constant 0 : i32
    %dma_start3A_1176 = tpu.memref_slice %arg7[%dma_start3A_1174, %dma_start3A_1175] : memref<40x125xi32, #tpu.memory_space<vmem>> -> memref<1x125xi32, #tpu.memory_space<vmem>>
    %dma_start3A_1177 = tpu.memref_squeeze %dma_start3A_1176 : memref<1x125xi32, #tpu.memory_space<vmem>> -> memref<125xi32, #tpu.memory_space<vmem>>
    %dma_start3A_1178 = arith.constant 0 : i32
    %dma_start3A_1179 = arith.constant 0 : i32
    %dma_start3A_1180 = tpu.memref_slice %arg17[%dma_start3A_1178, %dma_start3A_1179] : memref<10240x64xf32, #tpu.memory_space<vmem_shared>> -> memref<10240x64xf32, #tpu.memory_space<vmem_shared>>
    tpu.enqueue_indirect_dma source(%arg14 : memref<125x64xf32, #tpu.memory_space<vmem>>) target(%dma_start3A_1180 : memref<10240x64xf32, #tpu.memory_space<vmem_shared>>) offsets(%dma_start3A_1177 : memref<125xi32, #tpu.memory_space<vmem>>) semaphore(%arg20 : memref<!tpu.dma_semaphore, #tpu.memory_space<semaphore_mem>>) {add = true}
    %dma_start3A_1181 = arith.constant 39 : i32
    %dma_start3A_1182 = arith.constant 0 : i32
    %dma_start3A_1183 = tpu.memref_slice %arg7[%dma_start3A_1181, %dma_start3A_1182] : memref<40x125xi32, #tpu.memory_space<vmem>> -> memref<1x125xi32, #tpu.memory_space<vmem>>
    %dma_start3A_1184 = tpu.memref_squeeze %dma_start3A_1183 : memref<1x125xi32, #tpu.memory_space<vmem>> -> memref<125xi32, #tpu.memory_space<vmem>>
    %dma_start3A_1185 = arith.constant 0 : i32
    %dma_start3A_1186 = arith.constant 0 : i32
    %dma_start3A_1187 = tpu.memref_slice %arg17[%dma_start3A_1185, %dma_start3A_1186] : memref<10240x64xf32, #tpu.memory_space<vmem_shared>> -> memref<10240x64xf32, #tpu.memory_space<vmem_shared>>
    tpu.enqueue_indirect_dma source(%arg15 : memref<125x64xf32, #tpu.memory_space<vmem>>) target(%dma_start3A_1187 : memref<10240x64xf32, #tpu.memory_space<vmem_shared>>) offsets(%dma_start3A_1184 : memref<125xi32, #tpu.memory_space<vmem>>) semaphore(%arg20 : memref<!tpu.dma_semaphore, #tpu.memory_space<semaphore_mem>>) {add = true}
    %dma_wait3A_1188 = arith.constant 36 : i32
    %dma_wait3A_1189 = arith.constant 0 : i32
    %dma_wait3A_1190 = tpu.memref_slice %arg7[%dma_wait3A_1188, %dma_wait3A_1189] : memref<40x125xi32, #tpu.memory_space<vmem>> -> memref<1x125xi32, #tpu.memory_space<vmem>>
    %dma_wait3A_1191 = tpu.memref_squeeze %dma_wait3A_1190 : memref<1x125xi32, #tpu.memory_space<vmem>> -> memref<125xi32, #tpu.memory_space<vmem>>
    %dma_wait3A_1192 = arith.constant 0 : i32
    %dma_wait3A_1193 = arith.constant 0 : i32
    %dma_wait3A_1194 = tpu.memref_slice %arg17[%dma_wait3A_1192, %dma_wait3A_1193] : memref<10240x64xf32, #tpu.memory_space<vmem_shared>> -> memref<10240x64xf32, #tpu.memory_space<vmem_shared>>
    tpu.wait_indirect_dma semaphore(%arg20 : memref<!tpu.dma_semaphore, #tpu.memory_space<semaphore_mem>>) src(%arg12 : memref<125x64xf32, #tpu.memory_space<vmem>>) dst(%dma_wait3A_1194 : memref<10240x64xf32, #tpu.memory_space<vmem_shared>>)
    %dma_wait3A_1195 = arith.constant 37 : i32
    %dma_wait3A_1196 = arith.constant 0 : i32
    %dma_wait3A_1197 = tpu.memref_slice %arg7[%dma_wait3A_1195, %dma_wait3A_1196] : memref<40x125xi32, #tpu.memory_space<vmem>> -> memref<1x125xi32, #tpu.memory_space<vmem>>
    %dma_wait3A_1198 = tpu.memref_squeeze %dma_wait3A_1197 : memref<1x125xi32, #tpu.memory_space<vmem>> -> memref<125xi32, #tpu.memory_space<vmem>>
    %dma_wait3A_1199 = arith.constant 0 : i32
    %dma_wait3A_1200 = arith.constant 0 : i32
    %dma_wait3A_1201 = tpu.memref_slice %arg17[%dma_wait3A_1199, %dma_wait3A_1200] : memref<10240x64xf32, #tpu.memory_space<vmem_shared>> -> memref<10240x64xf32, #tpu.memory_space<vmem_shared>>
    tpu.wait_indirect_dma semaphore(%arg20 : memref<!tpu.dma_semaphore, #tpu.memory_space<semaphore_mem>>) src(%arg13 : memref<125x64xf32, #tpu.memory_space<vmem>>) dst(%dma_wait3A_1201 : memref<10240x64xf32, #tpu.memory_space<vmem_shared>>)
    %dma_wait3A_1202 = arith.constant 38 : i32
    %dma_wait3A_1203 = arith.constant 0 : i32
    %dma_wait3A_1204 = tpu.memref_slice %arg7[%dma_wait3A_1202, %dma_wait3A_1203] : memref<40x125xi32, #tpu.memory_space<vmem>> -> memref<1x125xi32, #tpu.memory_space<vmem>>
    %dma_wait3A_1205 = tpu.memref_squeeze %dma_wait3A_1204 : memref<1x125xi32, #tpu.memory_space<vmem>> -> memref<125xi32, #tpu.memory_space<vmem>>
    %dma_wait3A_1206 = arith.constant 0 : i32
    %dma_wait3A_1207 = arith.constant 0 : i32
    %dma_wait3A_1208 = tpu.memref_slice %arg17[%dma_wait3A_1206, %dma_wait3A_1207] : memref<10240x64xf32, #tpu.memory_space<vmem_shared>> -> memref<10240x64xf32, #tpu.memory_space<vmem_shared>>
    tpu.wait_indirect_dma semaphore(%arg20 : memref<!tpu.dma_semaphore, #tpu.memory_space<semaphore_mem>>) src(%arg14 : memref<125x64xf32, #tpu.memory_space<vmem>>) dst(%dma_wait3A_1208 : memref<10240x64xf32, #tpu.memory_space<vmem_shared>>)
    %dma_wait3A_1209 = arith.constant 39 : i32
    %dma_wait3A_1210 = arith.constant 0 : i32
    %dma_wait3A_1211 = tpu.memref_slice %arg7[%dma_wait3A_1209, %dma_wait3A_1210] : memref<40x125xi32, #tpu.memory_space<vmem>> -> memref<1x125xi32, #tpu.memory_space<vmem>>
    %dma_wait3A_1212 = tpu.memref_squeeze %dma_wait3A_1211 : memref<1x125xi32, #tpu.memory_space<vmem>> -> memref<125xi32, #tpu.memory_space<vmem>>
    %dma_wait3A_1213 = arith.constant 0 : i32
    %dma_wait3A_1214 = arith.constant 0 : i32
    %dma_wait3A_1215 = tpu.memref_slice %arg17[%dma_wait3A_1213, %dma_wait3A_1214] : memref<10240x64xf32, #tpu.memory_space<vmem_shared>> -> memref<10240x64xf32, #tpu.memory_space<vmem_shared>>
    tpu.wait_indirect_dma semaphore(%arg20 : memref<!tpu.dma_semaphore, #tpu.memory_space<semaphore_mem>>) src(%arg15 : memref<125x64xf32, #tpu.memory_space<vmem>>) dst(%dma_wait3A_1215 : memref<10240x64xf32, #tpu.memory_space<vmem_shared>>)
    %barrier3A_1216 = arith.constant 0 : index
    tpu.barrier barrier_id(%barrier3A_1216)
    %eq3A = arith.constant 0 : i32
    %eq3A_1217 = arith.cmpi eq, %arg0, %eq3A : i32
    %convert_element_type3A = arith.extui %eq3A_1217 : i1 to i32
    %cond3A = arith.constant 0 : i32
    %cond3A_1218 = arith.cmpi ne, %convert_element_type3A, %cond3A : i32
    scf.if %cond3A_1218 {
      %mul3A_1224 = arith.constant 640 : i32
      %mul3A_1225 = arith.muli %arg1, %mul3A_1224 : i32
      %mul3A_1226 = arith.constant 640 : i32
      %mul3A_1227 = arith.muli %arg1, %mul3A_1226 : i32
      "tpu.region"() ({
        %run_scoped3A = tpu.sem_alloc : memref<!tpu.dma_semaphore, #tpu.memory_space<semaphore_mem>>
        %dma_start3A_1228 = arith.constant 0 : i32
        %dma_start3A_1229 = tpu.memref_slice %arg4[%mul3A_1227, %dma_start3A_1228] : memref<10240x64xf32, #tpu.memory_space<hbm>> -> memref<640x64xf32, #tpu.memory_space<hbm>>
        %dma_start3A_1230 = arith.constant 0 : i32
        %dma_start3A_1231 = tpu.memref_slice %arg17[%mul3A_1225, %dma_start3A_1230] : memref<10240x64xf32, #tpu.memory_space<vmem_shared>> -> memref<640x64xf32, #tpu.memory_space<vmem_shared>>
        tpu.enqueue_dma source(%dma_start3A_1231 : memref<640x64xf32, #tpu.memory_space<vmem_shared>>) target(%dma_start3A_1229 : memref<640x64xf32, #tpu.memory_space<hbm>>) target_semaphore(%run_scoped3A : memref<!tpu.dma_semaphore, #tpu.memory_space<semaphore_mem>>)
        %dma_wait3A_1232 = arith.constant 0 : i32
        %dma_wait3A_1233 = tpu.memref_slice %arg4[%mul3A_1227, %dma_wait3A_1232] : memref<10240x64xf32, #tpu.memory_space<hbm>> -> memref<640x64xf32, #tpu.memory_space<hbm>>
        %dma_wait3A_1234 = arith.constant 0 : i32
        %dma_wait3A_1235 = tpu.memref_slice %arg17[%mul3A_1225, %dma_wait3A_1234] : memref<10240x64xf32, #tpu.memory_space<vmem_shared>> -> memref<640x64xf32, #tpu.memory_space<vmem_shared>>
        tpu.wait_dma2 semaphore(%run_scoped3A : memref<!tpu.dma_semaphore, #tpu.memory_space<semaphore_mem>>) src(%dma_wait3A_1235 : memref<640x64xf32, #tpu.memory_space<vmem_shared>>) dst(%dma_wait3A_1233 : memref<640x64xf32, #tpu.memory_space<hbm>>)
        tpu.yield
      }) : () -> ()
    } else {
    }
    %eq3A_1219 = arith.constant 1 : i32
    %eq3A_1220 = arith.cmpi eq, %arg0, %eq3A_1219 : i32
    %convert_element_type3A_1221 = arith.extui %eq3A_1220 : i1 to i32
    %cond3A_1222 = arith.constant 0 : i32
    %cond3A_1223 = arith.cmpi ne, %convert_element_type3A_1221, %cond3A_1222 : i32
    scf.if %cond3A_1223 {
      %mul3A_1224 = arith.constant 640 : i32
      %mul3A_1225 = arith.muli %arg1, %mul3A_1224 : i32
      %mul3A_1226 = arith.constant 640 : i32
      %mul3A_1227 = arith.muli %arg1, %mul3A_1226 : i32
      "tpu.region"() ({
        %run_scoped3A = tpu.sem_alloc : memref<!tpu.dma_semaphore, #tpu.memory_space<semaphore_mem>>
        %dma_start3A_1228 = arith.constant 0 : i32
        %dma_start3A_1229 = tpu.memref_slice %arg5[%mul3A_1227, %dma_start3A_1228] : memref<10240x64xf32, #tpu.memory_space<hbm>> -> memref<640x64xf32, #tpu.memory_space<hbm>>
        %dma_start3A_1230 = arith.constant 0 : i32
        %dma_start3A_1231 = tpu.memref_slice %arg17[%mul3A_1225, %dma_start3A_1230] : memref<10240x64xf32, #tpu.memory_space<vmem_shared>> -> memref<640x64xf32, #tpu.memory_space<vmem_shared>>
        tpu.enqueue_dma source(%dma_start3A_1231 : memref<640x64xf32, #tpu.memory_space<vmem_shared>>) target(%dma_start3A_1229 : memref<640x64xf32, #tpu.memory_space<hbm>>) target_semaphore(%run_scoped3A : memref<!tpu.dma_semaphore, #tpu.memory_space<semaphore_mem>>)
        %dma_wait3A_1232 = arith.constant 0 : i32
        %dma_wait3A_1233 = tpu.memref_slice %arg5[%mul3A_1227, %dma_wait3A_1232] : memref<10240x64xf32, #tpu.memory_space<hbm>> -> memref<640x64xf32, #tpu.memory_space<hbm>>
        %dma_wait3A_1234 = arith.constant 0 : i32
        %dma_wait3A_1235 = tpu.memref_slice %arg17[%mul3A_1225, %dma_wait3A_1234] : memref<10240x64xf32, #tpu.memory_space<vmem_shared>> -> memref<640x64xf32, #tpu.memory_space<vmem_shared>>
        tpu.wait_dma2 semaphore(%run_scoped3A : memref<!tpu.dma_semaphore, #tpu.memory_space<semaphore_mem>>) src(%dma_wait3A_1235 : memref<640x64xf32, #tpu.memory_space<vmem_shared>>) dst(%dma_wait3A_1233 : memref<640x64xf32, #tpu.memory_space<hbm>>)
        tpu.yield
      }) : () -> ()
    } else {
    }
    return
  }
}

#map = affine_map<(d0, d1) -> (0, 0)>
module attributes {stable_mosaic.version = 14 : i64} {
  func.func @_degree_kernel(%arg0: i32, %arg1: i32, %arg2: memref<5120x125xi32, #tpu.memory_space<hbm>>, %arg3: memref<10240x16xf32, #tpu.memory_space<hbm>>, %arg4: memref<10240x16xf32, #tpu.memory_space<hbm>>, %arg5: memref<160x125xi32, #tpu.memory_space<vmem>>, %arg6: memref<125x16xf32, #tpu.memory_space<vmem>>, %arg7: memref<640x16xf32, #tpu.memory_space<vmem>>, %arg8: memref<10240x16xf32, #tpu.memory_space<vmem_shared>>, %arg9: memref<!tpu.dma_semaphore, #tpu.memory_space<semaphore_mem>>) attributes {dimension_semantics = [#tpu.dimension_semantics<core_parallel>, #tpu.dimension_semantics<subcore_parallel>], iteration_bounds = array<i64: 2, 16>, scalar_prefetch = 0 : i64, scratch_operands = 5 : i64, tpu.core_type = #tpu.core_type<sc_vector_subcore>, window_params = [{transform_indices = #map}, {transform_indices = #map}, {transform_indices = #map}]} {
    %scan3A = arith.constant 0 : i32
    %scan3A_0 = arith.constant 125 : i32
    %scan3A_1 = arith.addi %scan3A, %scan3A_0 : i32
    %scan3A_2 = arith.constant 1 : i32
    scf.for %scan3A_137 = %scan3A to %scan3A_1 step %scan3A_2  : i32 {
      %mul3A_138 = arith.constant 1 : i32
      %mul3A_139 = arith.muli %scan3A_137, %mul3A_138 : i32
      %add3A_140 = arith.constant 0 : i32
      %add3A_141 = arith.addi %add3A_140, %mul3A_139 : i32
      %broadcast_in_dim3A = arith.constant 1.000000e+00 : f32
      %broadcast_in_dim3A_142 = vector.broadcast %broadcast_in_dim3A : f32 to vector<16xf32>
      %swap3A = arith.index_cast %add3A_141 : i32 to index
      %swap3A_143 = arith.constant 0 : index
      %swap3A_144 = tpu.vector_load %arg6[%swap3A, %swap3A_143] {strides = array<i32>} : memref<125x16xf32, #tpu.memory_space<vmem>>, vector<1x16xf32>,
      %swap3A_145 = vector.shape_cast %swap3A_144 : vector<1x16xf32> to vector<16xf32>
      %swap3A_146 = vector.shape_cast %broadcast_in_dim3A_142 : vector<16xf32> to vector<1x16xf32>
      tpu.vector_store %arg6[%swap3A, %swap3A_143], %swap3A_146 {strides = array<i32>} : memref<125x16xf32, #tpu.memory_space<vmem>>, vector<1x16xf32>,
    }
    %scan3A_3 = arith.constant 125 : i32
    %scan3A_4 = arith.constant 0 : i32
    %scan3A_5 = arith.constant 640 : i32
    %scan3A_6 = arith.addi %scan3A_4, %scan3A_5 : i32
    %scan3A_7 = arith.constant 1 : i32
    scf.for %scan3A_137 = %scan3A_4 to %scan3A_6 step %scan3A_7  : i32 {
      %mul3A_138 = arith.constant 1 : i32
      %mul3A_139 = arith.muli %scan3A_137, %mul3A_138 : i32
      %add3A_140 = arith.constant 0 : i32
      %add3A_141 = arith.addi %add3A_140, %mul3A_139 : i32
      %broadcast_in_dim3A = arith.constant 0.000000e+00 : f32
      %broadcast_in_dim3A_142 = vector.broadcast %broadcast_in_dim3A : f32 to vector<16xf32>
      %swap3A = arith.index_cast %add3A_141 : i32 to index
      %swap3A_143 = arith.constant 0 : index
      %swap3A_144 = tpu.vector_load %arg7[%swap3A, %swap3A_143] {strides = array<i32>} : memref<640x16xf32, #tpu.memory_space<vmem>>, vector<1x16xf32>,
      %swap3A_145 = vector.shape_cast %swap3A_144 : vector<1x16xf32> to vector<16xf32>
      %swap3A_146 = vector.shape_cast %broadcast_in_dim3A_142 : vector<16xf32> to vector<1x16xf32>
      tpu.vector_store %arg7[%swap3A, %swap3A_143], %swap3A_146 {strides = array<i32>} : memref<640x16xf32, #tpu.memory_space<vmem>>, vector<1x16xf32>,
    }
    %scan3A_8 = arith.constant 640 : i32
    %mul3A = arith.constant 640 : i32
    %mul3A_9 = arith.muli %arg1, %mul3A : i32
    "tpu.region"() ({
      %run_scoped3A = tpu.sem_alloc : memref<!tpu.dma_semaphore, #tpu.memory_space<semaphore_mem>>
      %dma_start3A_137 = arith.constant 0 : i32
      %dma_start3A_138 = tpu.memref_slice %arg8[%mul3A_9, %dma_start3A_137] : memref<10240x16xf32, #tpu.memory_space<vmem_shared>> -> memref<640x16xf32, #tpu.memory_space<vmem_shared>>
      %dma_start3A_139 = arith.constant 0 : i32
      %dma_start3A_140 = tpu.memref_slice %arg8[%mul3A_9, %dma_start3A_139] : memref<10240x16xf32, #tpu.memory_space<vmem_shared>> -> memref<640x16xf32, #tpu.memory_space<vmem_shared>>
      tpu.enqueue_dma source(%arg7 : memref<640x16xf32, #tpu.memory_space<vmem>>) target(%dma_start3A_140 : memref<640x16xf32, #tpu.memory_space<vmem_shared>>) target_semaphore(%run_scoped3A : memref<!tpu.dma_semaphore, #tpu.memory_space<semaphore_mem>>)
      %dma_wait3A_141 = arith.constant 0 : i32
      %dma_wait3A_142 = tpu.memref_slice %arg8[%mul3A_9, %dma_wait3A_141] : memref<10240x16xf32, #tpu.memory_space<vmem_shared>> -> memref<640x16xf32, #tpu.memory_space<vmem_shared>>
      %dma_wait3A_143 = arith.constant 0 : i32
      %dma_wait3A_144 = tpu.memref_slice %arg8[%mul3A_9, %dma_wait3A_143] : memref<10240x16xf32, #tpu.memory_space<vmem_shared>> -> memref<640x16xf32, #tpu.memory_space<vmem_shared>>
      tpu.wait_dma2 semaphore(%run_scoped3A : memref<!tpu.dma_semaphore, #tpu.memory_space<semaphore_mem>>) src(%arg7 : memref<640x16xf32, #tpu.memory_space<vmem>>) dst(%dma_wait3A_144 : memref<640x16xf32, #tpu.memory_space<vmem_shared>>)
      tpu.yield
    }) : () -> ()
    %barrier3A = arith.constant 0 : index
    tpu.barrier barrier_id(%barrier3A)
    %mul3A_10 = arith.constant 2560 : i32
    %mul3A_11 = arith.muli %arg0, %mul3A_10 : i32
    %mul3A_12 = arith.constant 160 : i32
    %mul3A_13 = arith.muli %arg1, %mul3A_12 : i32
    %add3A = arith.addi %mul3A_11, %mul3A_13 : i32
    "tpu.region"() ({
      %run_scoped3A = tpu.sem_alloc : memref<!tpu.dma_semaphore, #tpu.memory_space<semaphore_mem>>
      %dma_start3A_137 = arith.constant 0 : i32
      %dma_start3A_138 = tpu.memref_slice %arg2[%add3A, %dma_start3A_137] : memref<5120x125xi32, #tpu.memory_space<hbm>> -> memref<160x125xi32, #tpu.memory_space<hbm>>
      %dma_start3A_139 = arith.constant 0 : i32
      %dma_start3A_140 = tpu.memref_slice %arg2[%add3A, %dma_start3A_139] : memref<5120x125xi32, #tpu.memory_space<hbm>> -> memref<160x125xi32, #tpu.memory_space<hbm>>
      tpu.enqueue_dma source(%dma_start3A_140 : memref<160x125xi32, #tpu.memory_space<hbm>>) target(%arg5 : memref<160x125xi32, #tpu.memory_space<vmem>>) target_semaphore(%run_scoped3A : memref<!tpu.dma_semaphore, #tpu.memory_space<semaphore_mem>>)
      %dma_wait3A_141 = arith.constant 0 : i32
      %dma_wait3A_142 = tpu.memref_slice %arg2[%add3A, %dma_wait3A_141] : memref<5120x125xi32, #tpu.memory_space<hbm>> -> memref<160x125xi32, #tpu.memory_space<hbm>>
      %dma_wait3A_143 = arith.constant 0 : i32
      %dma_wait3A_144 = tpu.memref_slice %arg2[%add3A, %dma_wait3A_143] : memref<5120x125xi32, #tpu.memory_space<hbm>> -> memref<160x125xi32, #tpu.memory_space<hbm>>
      tpu.wait_dma2 semaphore(%run_scoped3A : memref<!tpu.dma_semaphore, #tpu.memory_space<semaphore_mem>>) src(%dma_wait3A_144 : memref<160x125xi32, #tpu.memory_space<hbm>>) dst(%arg5 : memref<160x125xi32, #tpu.memory_space<vmem>>)
      tpu.yield
    }) : () -> ()
    %dma_start3A = arith.constant 0 : i32
    %dma_start3A_14 = arith.constant 0 : i32
    %dma_start3A_15 = tpu.memref_slice %arg5[%dma_start3A, %dma_start3A_14] : memref<160x125xi32, #tpu.memory_space<vmem>> -> memref<1x125xi32, #tpu.memory_space<vmem>>
    %dma_start3A_16 = tpu.memref_squeeze %dma_start3A_15 : memref<1x125xi32, #tpu.memory_space<vmem>> -> memref<125xi32, #tpu.memory_space<vmem>>
    %dma_start3A_17 = arith.constant 0 : i32
    %dma_start3A_18 = arith.constant 0 : i32
    %dma_start3A_19 = tpu.memref_slice %arg8[%dma_start3A_17, %dma_start3A_18] : memref<10240x16xf32, #tpu.memory_space<vmem_shared>> -> memref<10240x16xf32, #tpu.memory_space<vmem_shared>>
    tpu.enqueue_indirect_dma source(%arg6 : memref<125x16xf32, #tpu.memory_space<vmem>>) target(%dma_start3A_19 : memref<10240x16xf32, #tpu.memory_space<vmem_shared>>) offsets(%dma_start3A_16 : memref<125xi32, #tpu.memory_space<vmem>>) semaphore(%arg9 : memref<!tpu.dma_semaphore, #tpu.memory_space<semaphore_mem>>) {add = true}
    %dma_start3A_20 = arith.constant 1 : i32
    %dma_start3A_21 = arith.constant 0 : i32
    %dma_start3A_22 = tpu.memref_slice %arg5[%dma_start3A_20, %dma_start3A_21] : memref<160x125xi32, #tpu.memory_space<vmem>> -> memref<1x125xi32, #tpu.memory_space<vmem>>
    %dma_start3A_23 = tpu.memref_squeeze %dma_start3A_22 : memref<1x125xi32, #tpu.memory_space<vmem>> -> memref<125xi32, #tpu.memory_space<vmem>>
    %dma_start3A_24 = arith.constant 0 : i32
    %dma_start3A_25 = arith.constant 0 : i32
    %dma_start3A_26 = tpu.memref_slice %arg8[%dma_start3A_24, %dma_start3A_25] : memref<10240x16xf32, #tpu.memory_space<vmem_shared>> -> memref<10240x16xf32, #tpu.memory_space<vmem_shared>>
    tpu.enqueue_indirect_dma source(%arg6 : memref<125x16xf32, #tpu.memory_space<vmem>>) target(%dma_start3A_26 : memref<10240x16xf32, #tpu.memory_space<vmem_shared>>) offsets(%dma_start3A_23 : memref<125xi32, #tpu.memory_space<vmem>>) semaphore(%arg9 : memref<!tpu.dma_semaphore, #tpu.memory_space<semaphore_mem>>) {add = true}
    %dma_start3A_27 = arith.constant 2 : i32
    %dma_start3A_28 = arith.constant 0 : i32
    %dma_start3A_29 = tpu.memref_slice %arg5[%dma_start3A_27, %dma_start3A_28] : memref<160x125xi32, #tpu.memory_space<vmem>> -> memref<1x125xi32, #tpu.memory_space<vmem>>
    %dma_start3A_30 = tpu.memref_squeeze %dma_start3A_29 : memref<1x125xi32, #tpu.memory_space<vmem>> -> memref<125xi32, #tpu.memory_space<vmem>>
    %dma_start3A_31 = arith.constant 0 : i32
    %dma_start3A_32 = arith.constant 0 : i32
    %dma_start3A_33 = tpu.memref_slice %arg8[%dma_start3A_31, %dma_start3A_32] : memref<10240x16xf32, #tpu.memory_space<vmem_shared>> -> memref<10240x16xf32, #tpu.memory_space<vmem_shared>>
    tpu.enqueue_indirect_dma source(%arg6 : memref<125x16xf32, #tpu.memory_space<vmem>>) target(%dma_start3A_33 : memref<10240x16xf32, #tpu.memory_space<vmem_shared>>) offsets(%dma_start3A_30 : memref<125xi32, #tpu.memory_space<vmem>>) semaphore(%arg9 : memref<!tpu.dma_semaphore, #tpu.memory_space<semaphore_mem>>) {add = true}
    %dma_start3A_34 = arith.constant 3 : i32
    %dma_start3A_35 = arith.constant 0 : i32
    %dma_start3A_36 = tpu.memref_slice %arg5[%dma_start3A_34, %dma_start3A_35] : memref<160x125xi32, #tpu.memory_space<vmem>> -> memref<1x125xi32, #tpu.memory_space<vmem>>
    %dma_start3A_37 = tpu.memref_squeeze %dma_start3A_36 : memref<1x125xi32, #tpu.memory_space<vmem>> -> memref<125xi32, #tpu.memory_space<vmem>>
    %dma_start3A_38 = arith.constant 0 : i32
    %dma_start3A_39 = arith.constant 0 : i32
    %dma_start3A_40 = tpu.memref_slice %arg8[%dma_start3A_38, %dma_start3A_39] : memref<10240x16xf32, #tpu.memory_space<vmem_shared>> -> memref<10240x16xf32, #tpu.memory_space<vmem_shared>>
    tpu.enqueue_indirect_dma source(%arg6 : memref<125x16xf32, #tpu.memory_space<vmem>>) target(%dma_start3A_40 : memref<10240x16xf32, #tpu.memory_space<vmem_shared>>) offsets(%dma_start3A_37 : memref<125xi32, #tpu.memory_space<vmem>>) semaphore(%arg9 : memref<!tpu.dma_semaphore, #tpu.memory_space<semaphore_mem>>) {add = true}
    %dma_start3A_41 = arith.constant 4 : i32
    %dma_start3A_42 = arith.constant 0 : i32
    %dma_start3A_43 = tpu.memref_slice %arg5[%dma_start3A_41, %dma_start3A_42] : memref<160x125xi32, #tpu.memory_space<vmem>> -> memref<1x125xi32, #tpu.memory_space<vmem>>
    %dma_start3A_44 = tpu.memref_squeeze %dma_start3A_43 : memref<1x125xi32, #tpu.memory_space<vmem>> -> memref<125xi32, #tpu.memory_space<vmem>>
    %dma_start3A_45 = arith.constant 0 : i32
    %dma_start3A_46 = arith.constant 0 : i32
    %dma_start3A_47 = tpu.memref_slice %arg8[%dma_start3A_45, %dma_start3A_46] : memref<10240x16xf32, #tpu.memory_space<vmem_shared>> -> memref<10240x16xf32, #tpu.memory_space<vmem_shared>>
    tpu.enqueue_indirect_dma source(%arg6 : memref<125x16xf32, #tpu.memory_space<vmem>>) target(%dma_start3A_47 : memref<10240x16xf32, #tpu.memory_space<vmem_shared>>) offsets(%dma_start3A_44 : memref<125xi32, #tpu.memory_space<vmem>>) semaphore(%arg9 : memref<!tpu.dma_semaphore, #tpu.memory_space<semaphore_mem>>) {add = true}
    %dma_start3A_48 = arith.constant 5 : i32
    %dma_start3A_49 = arith.constant 0 : i32
    %dma_start3A_50 = tpu.memref_slice %arg5[%dma_start3A_48, %dma_start3A_49] : memref<160x125xi32, #tpu.memory_space<vmem>> -> memref<1x125xi32, #tpu.memory_space<vmem>>
    %dma_start3A_51 = tpu.memref_squeeze %dma_start3A_50 : memref<1x125xi32, #tpu.memory_space<vmem>> -> memref<125xi32, #tpu.memory_space<vmem>>
    %dma_start3A_52 = arith.constant 0 : i32
    %dma_start3A_53 = arith.constant 0 : i32
    %dma_start3A_54 = tpu.memref_slice %arg8[%dma_start3A_52, %dma_start3A_53] : memref<10240x16xf32, #tpu.memory_space<vmem_shared>> -> memref<10240x16xf32, #tpu.memory_space<vmem_shared>>
    tpu.enqueue_indirect_dma source(%arg6 : memref<125x16xf32, #tpu.memory_space<vmem>>) target(%dma_start3A_54 : memref<10240x16xf32, #tpu.memory_space<vmem_shared>>) offsets(%dma_start3A_51 : memref<125xi32, #tpu.memory_space<vmem>>) semaphore(%arg9 : memref<!tpu.dma_semaphore, #tpu.memory_space<semaphore_mem>>) {add = true}
    %dma_start3A_55 = arith.constant 6 : i32
    %dma_start3A_56 = arith.constant 0 : i32
    %dma_start3A_57 = tpu.memref_slice %arg5[%dma_start3A_55, %dma_start3A_56] : memref<160x125xi32, #tpu.memory_space<vmem>> -> memref<1x125xi32, #tpu.memory_space<vmem>>
    %dma_start3A_58 = tpu.memref_squeeze %dma_start3A_57 : memref<1x125xi32, #tpu.memory_space<vmem>> -> memref<125xi32, #tpu.memory_space<vmem>>
    %dma_start3A_59 = arith.constant 0 : i32
    %dma_start3A_60 = arith.constant 0 : i32
    %dma_start3A_61 = tpu.memref_slice %arg8[%dma_start3A_59, %dma_start3A_60] : memref<10240x16xf32, #tpu.memory_space<vmem_shared>> -> memref<10240x16xf32, #tpu.memory_space<vmem_shared>>
    tpu.enqueue_indirect_dma source(%arg6 : memref<125x16xf32, #tpu.memory_space<vmem>>) target(%dma_start3A_61 : memref<10240x16xf32, #tpu.memory_space<vmem_shared>>) offsets(%dma_start3A_58 : memref<125xi32, #tpu.memory_space<vmem>>) semaphore(%arg9 : memref<!tpu.dma_semaphore, #tpu.memory_space<semaphore_mem>>) {add = true}
    %dma_start3A_62 = arith.constant 7 : i32
    %dma_start3A_63 = arith.constant 0 : i32
    %dma_start3A_64 = tpu.memref_slice %arg5[%dma_start3A_62, %dma_start3A_63] : memref<160x125xi32, #tpu.memory_space<vmem>> -> memref<1x125xi32, #tpu.memory_space<vmem>>
    %dma_start3A_65 = tpu.memref_squeeze %dma_start3A_64 : memref<1x125xi32, #tpu.memory_space<vmem>> -> memref<125xi32, #tpu.memory_space<vmem>>
    %dma_start3A_66 = arith.constant 0 : i32
    %dma_start3A_67 = arith.constant 0 : i32
    %dma_start3A_68 = tpu.memref_slice %arg8[%dma_start3A_66, %dma_start3A_67] : memref<10240x16xf32, #tpu.memory_space<vmem_shared>> -> memref<10240x16xf32, #tpu.memory_space<vmem_shared>>
    tpu.enqueue_indirect_dma source(%arg6 : memref<125x16xf32, #tpu.memory_space<vmem>>) target(%dma_start3A_68 : memref<10240x16xf32, #tpu.memory_space<vmem_shared>>) offsets(%dma_start3A_65 : memref<125xi32, #tpu.memory_space<vmem>>) semaphore(%arg9 : memref<!tpu.dma_semaphore, #tpu.memory_space<semaphore_mem>>) {add = true}
    %scan3A_69 = arith.constant 0 : i32
    %scan3A_70 = arith.constant 152 : i32
    %scan3A_71 = arith.addi %scan3A_69, %scan3A_70 : i32
    %scan3A_72 = arith.constant 1 : i32
    scf.for %scan3A_137 = %scan3A_69 to %scan3A_71 step %scan3A_72  : i32 {
      %mul3A_138 = arith.constant 1 : i32
      %mul3A_139 = arith.muli %scan3A_137, %mul3A_138 : i32
      %add3A_140 = arith.constant 0 : i32
      %add3A_141 = arith.addi %add3A_140, %mul3A_139 : i32
      %dma_wait3A_142 = arith.constant 0 : i32
      %dma_wait3A_143 = tpu.memref_slice %arg5[%add3A_141, %dma_wait3A_142] : memref<160x125xi32, #tpu.memory_space<vmem>> -> memref<1x125xi32, #tpu.memory_space<vmem>>
      %dma_wait3A_144 = tpu.memref_squeeze %dma_wait3A_143 : memref<1x125xi32, #tpu.memory_space<vmem>> -> memref<125xi32, #tpu.memory_space<vmem>>
      %dma_wait3A_145 = arith.constant 0 : i32
      %dma_wait3A_146 = arith.constant 0 : i32
      %dma_wait3A_147 = tpu.memref_slice %arg8[%dma_wait3A_145, %dma_wait3A_146] : memref<10240x16xf32, #tpu.memory_space<vmem_shared>> -> memref<10240x16xf32, #tpu.memory_space<vmem_shared>>
      tpu.wait_indirect_dma semaphore(%arg9 : memref<!tpu.dma_semaphore, #tpu.memory_space<semaphore_mem>>) src(%arg6 : memref<125x16xf32, #tpu.memory_space<vmem>>) dst(%dma_wait3A_147 : memref<10240x16xf32, #tpu.memory_space<vmem_shared>>)
      %add3A_148 = arith.constant 8 : i32
      %add3A_149 = arith.addi %add3A_141, %add3A_148 : i32
      %dma_start3A_150 = arith.constant 0 : i32
      %dma_start3A_151 = tpu.memref_slice %arg5[%add3A_149, %dma_start3A_150] : memref<160x125xi32, #tpu.memory_space<vmem>> -> memref<1x125xi32, #tpu.memory_space<vmem>>
      %dma_start3A_152 = tpu.memref_squeeze %dma_start3A_151 : memref<1x125xi32, #tpu.memory_space<vmem>> -> memref<125xi32, #tpu.memory_space<vmem>>
      %dma_start3A_153 = arith.constant 0 : i32
      %dma_start3A_154 = arith.constant 0 : i32
      %dma_start3A_155 = tpu.memref_slice %arg8[%dma_start3A_153, %dma_start3A_154] : memref<10240x16xf32, #tpu.memory_space<vmem_shared>> -> memref<10240x16xf32, #tpu.memory_space<vmem_shared>>
      tpu.enqueue_indirect_dma source(%arg6 : memref<125x16xf32, #tpu.memory_space<vmem>>) target(%dma_start3A_155 : memref<10240x16xf32, #tpu.memory_space<vmem_shared>>) offsets(%dma_start3A_152 : memref<125xi32, #tpu.memory_space<vmem>>) semaphore(%arg9 : memref<!tpu.dma_semaphore, #tpu.memory_space<semaphore_mem>>) {add = true}
    }
    %scan3A_73 = arith.constant 152 : i32
    %dma_wait3A = arith.constant 152 : i32
    %dma_wait3A_74 = arith.constant 0 : i32
    %dma_wait3A_75 = tpu.memref_slice %arg5[%dma_wait3A, %dma_wait3A_74] : memref<160x125xi32, #tpu.memory_space<vmem>> -> memref<1x125xi32, #tpu.memory_space<vmem>>
    %dma_wait3A_76 = tpu.memref_squeeze %dma_wait3A_75 : memref<1x125xi32, #tpu.memory_space<vmem>> -> memref<125xi32, #tpu.memory_space<vmem>>
    %dma_wait3A_77 = arith.constant 0 : i32
    %dma_wait3A_78 = arith.constant 0 : i32
    %dma_wait3A_79 = tpu.memref_slice %arg8[%dma_wait3A_77, %dma_wait3A_78] : memref<10240x16xf32, #tpu.memory_space<vmem_shared>> -> memref<10240x16xf32, #tpu.memory_space<vmem_shared>>
    tpu.wait_indirect_dma semaphore(%arg9 : memref<!tpu.dma_semaphore, #tpu.memory_space<semaphore_mem>>) src(%arg6 : memref<125x16xf32, #tpu.memory_space<vmem>>) dst(%dma_wait3A_79 : memref<10240x16xf32, #tpu.memory_space<vmem_shared>>)
    %dma_wait3A_80 = arith.constant 153 : i32
    %dma_wait3A_81 = arith.constant 0 : i32
    %dma_wait3A_82 = tpu.memref_slice %arg5[%dma_wait3A_80, %dma_wait3A_81] : memref<160x125xi32, #tpu.memory_space<vmem>> -> memref<1x125xi32, #tpu.memory_space<vmem>>
    %dma_wait3A_83 = tpu.memref_squeeze %dma_wait3A_82 : memref<1x125xi32, #tpu.memory_space<vmem>> -> memref<125xi32, #tpu.memory_space<vmem>>
    %dma_wait3A_84 = arith.constant 0 : i32
    %dma_wait3A_85 = arith.constant 0 : i32
    %dma_wait3A_86 = tpu.memref_slice %arg8[%dma_wait3A_84, %dma_wait3A_85] : memref<10240x16xf32, #tpu.memory_space<vmem_shared>> -> memref<10240x16xf32, #tpu.memory_space<vmem_shared>>
    tpu.wait_indirect_dma semaphore(%arg9 : memref<!tpu.dma_semaphore, #tpu.memory_space<semaphore_mem>>) src(%arg6 : memref<125x16xf32, #tpu.memory_space<vmem>>) dst(%dma_wait3A_86 : memref<10240x16xf32, #tpu.memory_space<vmem_shared>>)
    %dma_wait3A_87 = arith.constant 154 : i32
    %dma_wait3A_88 = arith.constant 0 : i32
    %dma_wait3A_89 = tpu.memref_slice %arg5[%dma_wait3A_87, %dma_wait3A_88] : memref<160x125xi32, #tpu.memory_space<vmem>> -> memref<1x125xi32, #tpu.memory_space<vmem>>
    %dma_wait3A_90 = tpu.memref_squeeze %dma_wait3A_89 : memref<1x125xi32, #tpu.memory_space<vmem>> -> memref<125xi32, #tpu.memory_space<vmem>>
    %dma_wait3A_91 = arith.constant 0 : i32
    %dma_wait3A_92 = arith.constant 0 : i32
    %dma_wait3A_93 = tpu.memref_slice %arg8[%dma_wait3A_91, %dma_wait3A_92] : memref<10240x16xf32, #tpu.memory_space<vmem_shared>> -> memref<10240x16xf32, #tpu.memory_space<vmem_shared>>
    tpu.wait_indirect_dma semaphore(%arg9 : memref<!tpu.dma_semaphore, #tpu.memory_space<semaphore_mem>>) src(%arg6 : memref<125x16xf32, #tpu.memory_space<vmem>>) dst(%dma_wait3A_93 : memref<10240x16xf32, #tpu.memory_space<vmem_shared>>)
    %dma_wait3A_94 = arith.constant 155 : i32
    %dma_wait3A_95 = arith.constant 0 : i32
    %dma_wait3A_96 = tpu.memref_slice %arg5[%dma_wait3A_94, %dma_wait3A_95] : memref<160x125xi32, #tpu.memory_space<vmem>> -> memref<1x125xi32, #tpu.memory_space<vmem>>
    %dma_wait3A_97 = tpu.memref_squeeze %dma_wait3A_96 : memref<1x125xi32, #tpu.memory_space<vmem>> -> memref<125xi32, #tpu.memory_space<vmem>>
    %dma_wait3A_98 = arith.constant 0 : i32
    %dma_wait3A_99 = arith.constant 0 : i32
    %dma_wait3A_100 = tpu.memref_slice %arg8[%dma_wait3A_98, %dma_wait3A_99] : memref<10240x16xf32, #tpu.memory_space<vmem_shared>> -> memref<10240x16xf32, #tpu.memory_space<vmem_shared>>
    tpu.wait_indirect_dma semaphore(%arg9 : memref<!tpu.dma_semaphore, #tpu.memory_space<semaphore_mem>>) src(%arg6 : memref<125x16xf32, #tpu.memory_space<vmem>>) dst(%dma_wait3A_100 : memref<10240x16xf32, #tpu.memory_space<vmem_shared>>)
    %dma_wait3A_101 = arith.constant 156 : i32
    %dma_wait3A_102 = arith.constant 0 : i32
    %dma_wait3A_103 = tpu.memref_slice %arg5[%dma_wait3A_101, %dma_wait3A_102] : memref<160x125xi32, #tpu.memory_space<vmem>> -> memref<1x125xi32, #tpu.memory_space<vmem>>
    %dma_wait3A_104 = tpu.memref_squeeze %dma_wait3A_103 : memref<1x125xi32, #tpu.memory_space<vmem>> -> memref<125xi32, #tpu.memory_space<vmem>>
    %dma_wait3A_105 = arith.constant 0 : i32
    %dma_wait3A_106 = arith.constant 0 : i32
    %dma_wait3A_107 = tpu.memref_slice %arg8[%dma_wait3A_105, %dma_wait3A_106] : memref<10240x16xf32, #tpu.memory_space<vmem_shared>> -> memref<10240x16xf32, #tpu.memory_space<vmem_shared>>
    tpu.wait_indirect_dma semaphore(%arg9 : memref<!tpu.dma_semaphore, #tpu.memory_space<semaphore_mem>>) src(%arg6 : memref<125x16xf32, #tpu.memory_space<vmem>>) dst(%dma_wait3A_107 : memref<10240x16xf32, #tpu.memory_space<vmem_shared>>)
    %dma_wait3A_108 = arith.constant 157 : i32
    %dma_wait3A_109 = arith.constant 0 : i32
    %dma_wait3A_110 = tpu.memref_slice %arg5[%dma_wait3A_108, %dma_wait3A_109] : memref<160x125xi32, #tpu.memory_space<vmem>> -> memref<1x125xi32, #tpu.memory_space<vmem>>
    %dma_wait3A_111 = tpu.memref_squeeze %dma_wait3A_110 : memref<1x125xi32, #tpu.memory_space<vmem>> -> memref<125xi32, #tpu.memory_space<vmem>>
    %dma_wait3A_112 = arith.constant 0 : i32
    %dma_wait3A_113 = arith.constant 0 : i32
    %dma_wait3A_114 = tpu.memref_slice %arg8[%dma_wait3A_112, %dma_wait3A_113] : memref<10240x16xf32, #tpu.memory_space<vmem_shared>> -> memref<10240x16xf32, #tpu.memory_space<vmem_shared>>
    tpu.wait_indirect_dma semaphore(%arg9 : memref<!tpu.dma_semaphore, #tpu.memory_space<semaphore_mem>>) src(%arg6 : memref<125x16xf32, #tpu.memory_space<vmem>>) dst(%dma_wait3A_114 : memref<10240x16xf32, #tpu.memory_space<vmem_shared>>)
    %dma_wait3A_115 = arith.constant 158 : i32
    %dma_wait3A_116 = arith.constant 0 : i32
    %dma_wait3A_117 = tpu.memref_slice %arg5[%dma_wait3A_115, %dma_wait3A_116] : memref<160x125xi32, #tpu.memory_space<vmem>> -> memref<1x125xi32, #tpu.memory_space<vmem>>
    %dma_wait3A_118 = tpu.memref_squeeze %dma_wait3A_117 : memref<1x125xi32, #tpu.memory_space<vmem>> -> memref<125xi32, #tpu.memory_space<vmem>>
    %dma_wait3A_119 = arith.constant 0 : i32
    %dma_wait3A_120 = arith.constant 0 : i32
    %dma_wait3A_121 = tpu.memref_slice %arg8[%dma_wait3A_119, %dma_wait3A_120] : memref<10240x16xf32, #tpu.memory_space<vmem_shared>> -> memref<10240x16xf32, #tpu.memory_space<vmem_shared>>
    tpu.wait_indirect_dma semaphore(%arg9 : memref<!tpu.dma_semaphore, #tpu.memory_space<semaphore_mem>>) src(%arg6 : memref<125x16xf32, #tpu.memory_space<vmem>>) dst(%dma_wait3A_121 : memref<10240x16xf32, #tpu.memory_space<vmem_shared>>)
    %dma_wait3A_122 = arith.constant 159 : i32
    %dma_wait3A_123 = arith.constant 0 : i32
    %dma_wait3A_124 = tpu.memref_slice %arg5[%dma_wait3A_122, %dma_wait3A_123] : memref<160x125xi32, #tpu.memory_space<vmem>> -> memref<1x125xi32, #tpu.memory_space<vmem>>
    %dma_wait3A_125 = tpu.memref_squeeze %dma_wait3A_124 : memref<1x125xi32, #tpu.memory_space<vmem>> -> memref<125xi32, #tpu.memory_space<vmem>>
    %dma_wait3A_126 = arith.constant 0 : i32
    %dma_wait3A_127 = arith.constant 0 : i32
    %dma_wait3A_128 = tpu.memref_slice %arg8[%dma_wait3A_126, %dma_wait3A_127] : memref<10240x16xf32, #tpu.memory_space<vmem_shared>> -> memref<10240x16xf32, #tpu.memory_space<vmem_shared>>
    tpu.wait_indirect_dma semaphore(%arg9 : memref<!tpu.dma_semaphore, #tpu.memory_space<semaphore_mem>>) src(%arg6 : memref<125x16xf32, #tpu.memory_space<vmem>>) dst(%dma_wait3A_128 : memref<10240x16xf32, #tpu.memory_space<vmem_shared>>)
    %barrier3A_129 = arith.constant 0 : index
    tpu.barrier barrier_id(%barrier3A_129)
    %eq3A = arith.constant 0 : i32
    %eq3A_130 = arith.cmpi eq, %arg0, %eq3A : i32
    %convert_element_type3A = arith.extui %eq3A_130 : i1 to i32
    %cond3A = arith.constant 0 : i32
    %cond3A_131 = arith.cmpi ne, %convert_element_type3A, %cond3A : i32
    scf.if %cond3A_131 {
      %mul3A_137 = arith.constant 640 : i32
      %mul3A_138 = arith.muli %arg1, %mul3A_137 : i32
      %mul3A_139 = arith.constant 640 : i32
      %mul3A_140 = arith.muli %arg1, %mul3A_139 : i32
      "tpu.region"() ({
        %run_scoped3A = tpu.sem_alloc : memref<!tpu.dma_semaphore, #tpu.memory_space<semaphore_mem>>
        %dma_start3A_141 = arith.constant 0 : i32
        %dma_start3A_142 = tpu.memref_slice %arg3[%mul3A_140, %dma_start3A_141] : memref<10240x16xf32, #tpu.memory_space<hbm>> -> memref<640x16xf32, #tpu.memory_space<hbm>>
        %dma_start3A_143 = arith.constant 0 : i32
        %dma_start3A_144 = tpu.memref_slice %arg8[%mul3A_138, %dma_start3A_143] : memref<10240x16xf32, #tpu.memory_space<vmem_shared>> -> memref<640x16xf32, #tpu.memory_space<vmem_shared>>
        tpu.enqueue_dma source(%dma_start3A_144 : memref<640x16xf32, #tpu.memory_space<vmem_shared>>) target(%dma_start3A_142 : memref<640x16xf32, #tpu.memory_space<hbm>>) target_semaphore(%run_scoped3A : memref<!tpu.dma_semaphore, #tpu.memory_space<semaphore_mem>>)
        %dma_wait3A_145 = arith.constant 0 : i32
        %dma_wait3A_146 = tpu.memref_slice %arg3[%mul3A_140, %dma_wait3A_145] : memref<10240x16xf32, #tpu.memory_space<hbm>> -> memref<640x16xf32, #tpu.memory_space<hbm>>
        %dma_wait3A_147 = arith.constant 0 : i32
        %dma_wait3A_148 = tpu.memref_slice %arg8[%mul3A_138, %dma_wait3A_147] : memref<10240x16xf32, #tpu.memory_space<vmem_shared>> -> memref<640x16xf32, #tpu.memory_space<vmem_shared>>
        tpu.wait_dma2 semaphore(%run_scoped3A : memref<!tpu.dma_semaphore, #tpu.memory_space<semaphore_mem>>) src(%dma_wait3A_148 : memref<640x16xf32, #tpu.memory_space<vmem_shared>>) dst(%dma_wait3A_146 : memref<640x16xf32, #tpu.memory_space<hbm>>)
        tpu.yield
      }) : () -> ()
    } else {
    }
    %eq3A_132 = arith.constant 1 : i32
    %eq3A_133 = arith.cmpi eq, %arg0, %eq3A_132 : i32
    %convert_element_type3A_134 = arith.extui %eq3A_133 : i1 to i32
    %cond3A_135 = arith.constant 0 : i32
    %cond3A_136 = arith.cmpi ne, %convert_element_type3A_134, %cond3A_135 : i32
    scf.if %cond3A_136 {
      %mul3A_137 = arith.constant 640 : i32
      %mul3A_138 = arith.muli %arg1, %mul3A_137 : i32
      %mul3A_139 = arith.constant 640 : i32
      %mul3A_140 = arith.muli %arg1, %mul3A_139 : i32
      "tpu.region"() ({
        %run_scoped3A = tpu.sem_alloc : memref<!tpu.dma_semaphore, #tpu.memory_space<semaphore_mem>>
        %dma_start3A_141 = arith.constant 0 : i32
        %dma_start3A_142 = tpu.memref_slice %arg4[%mul3A_140, %dma_start3A_141] : memref<10240x16xf32, #tpu.memory_space<hbm>> -> memref<640x16xf32, #tpu.memory_space<hbm>>
        %dma_start3A_143 = arith.constant 0 : i32
        %dma_start3A_144 = tpu.memref_slice %arg8[%mul3A_138, %dma_start3A_143] : memref<10240x16xf32, #tpu.memory_space<vmem_shared>> -> memref<640x16xf32, #tpu.memory_space<vmem_shared>>
        tpu.enqueue_dma source(%dma_start3A_144 : memref<640x16xf32, #tpu.memory_space<vmem_shared>>) target(%dma_start3A_142 : memref<640x16xf32, #tpu.memory_space<hbm>>) target_semaphore(%run_scoped3A : memref<!tpu.dma_semaphore, #tpu.memory_space<semaphore_mem>>)
        %dma_wait3A_145 = arith.constant 0 : i32
        %dma_wait3A_146 = tpu.memref_slice %arg4[%mul3A_140, %dma_wait3A_145] : memref<10240x16xf32, #tpu.memory_space<hbm>> -> memref<640x16xf32, #tpu.memory_space<hbm>>
        %dma_wait3A_147 = arith.constant 0 : i32
        %dma_wait3A_148 = tpu.memref_slice %arg8[%mul3A_138, %dma_wait3A_147] : memref<10240x16xf32, #tpu.memory_space<vmem_shared>> -> memref<640x16xf32, #tpu.memory_space<vmem_shared>>
        tpu.wait_dma2 semaphore(%run_scoped3A : memref<!tpu.dma_semaphore, #tpu.memory_space<semaphore_mem>>) src(%dma_wait3A_148 : memref<640x16xf32, #tpu.memory_space<vmem_shared>>) dst(%dma_wait3A_146 : memref<640x16xf32, #tpu.memory_space<hbm>>)
        tpu.yield
      }) : () -> ()
    } else {
    }
    return
  }
}

module attributes {stable_mosaic.version = 14 : i64} {
  func.func @_mm_body(%arg0: i32, %arg1: memref<1000x128xf32, #tpu.memory_space<vmem>>, %arg2: memref<1000x128xf32, #tpu.memory_space<vmem>>, %arg3: memref<128x128xf32, #tpu.memory_space<vmem>>, %arg4: memref<128x128xf32, #tpu.memory_space<vmem>>, %arg5: memref<2x1000x64xf32, #tpu.memory_space<vmem>>) attributes {dimension_semantics = [#tpu.dimension_semantics<arbitrary>], iteration_bounds = array<i64: 10>, scalar_prefetch = 0 : i64, scratch_operands = 0 : i64, tpu.core_type = #tpu.core_type<tc>, window_params = [{transform_indices = @transform_0, window_bounds = array<i64: 1000, 128>}, {transform_indices = @transform_1, window_bounds = array<i64: 1000, 128>}, {pipeline_mode = #tpu.pipeline_mode<synchronous>, transform_indices = @transform_2, window_bounds = array<i64: 128, 128>}, {pipeline_mode = #tpu.pipeline_mode<synchronous>, transform_indices = @transform_3, window_bounds = array<i64: 128, 128>}, {transform_indices = @transform_4, window_bounds = array<i64: 2, 1000, 64>}]} {
    %lt3A = arith.constant 6 : i32
    %lt3A_0 = arith.cmpi slt, %arg0, %lt3A : i32
    %get3A = arith.constant 0 : index
    %get3A_1 = arith.constant 0 : index
    %get3A_2 = vector.load %arg1[%get3A, %get3A_1] : memref<1000x128xf32, #tpu.memory_space<vmem>>, vector<1000x128xf32>
    %get3A_3 = arith.constant 0 : index
    %get3A_4 = arith.constant 0 : index
    %get3A_5 = vector.load %arg2[%get3A_3, %get3A_4] : memref<1000x128xf32, #tpu.memory_space<vmem>>, vector<1000x128xf32>
    %select_n3A = arith.select %lt3A_0, %get3A_2, %get3A_5 : vector<1000x128xf32>
    %get3A_6 = arith.constant 0 : index
    %get3A_7 = arith.constant 0 : index
    %get3A_8 = vector.load %arg3[%get3A_6, %get3A_7] : memref<128x128xf32, #tpu.memory_space<vmem>>, vector<128x128xf32>
    %get3A_9 = arith.constant 0 : index
    %get3A_10 = arith.constant 0 : index
    %get3A_11 = vector.load %arg4[%get3A_9, %get3A_10] : memref<128x128xf32, #tpu.memory_space<vmem>>, vector<128x128xf32>
    %select_n3A_12 = arith.select %lt3A_0, %get3A_8, %get3A_11 : vector<128x128xf32>
    %dot_general3A = arith.constant dense<0.000000e+00> : vector<1000x128xf32>
    %dot_general3A_13 = tpu.matmul %select_n3A, %select_n3A_12, %dot_general3A {dimension_numbers = #tpu.dot_dimension_numbers<[1], [0], [0], [1], [0, 0, 1, 1], [], []>, transpose_lhs_hint = false} : vector<1000x128xf32>, vector<128x128xf32>, vector<1000x128xf32> -> vector<1000x128xf32>
    %slice3A = vector.extract_strided_slice %dot_general3A_13 {offsets = [0, 0], sizes = [1000, 64], strides = [1, 1]} : vector<1000x128xf32> to vector<1000x64xf32>
    %swap3A = arith.constant 0 : index
    %swap3A_14 = arith.constant 0 : index
    %swap3A_15 = arith.constant 0 : index
    %swap3A_16 = vector.load %arg5[%swap3A, %swap3A_14, %swap3A_15] : memref<2x1000x64xf32, #tpu.memory_space<vmem>>, vector<1x1000x64xf32>
    %swap3A_17 = vector.shape_cast %swap3A_16 : vector<1x1000x64xf32> to vector<1000x64xf32>
    %swap3A_18 = vector.shape_cast %slice3A : vector<1000x64xf32> to vector<1x1000x64xf32>
    tpu.vector_store %arg5[%swap3A, %swap3A_14, %swap3A_15], %swap3A_18 {strides = array<i32>} : memref<2x1000x64xf32, #tpu.memory_space<vmem>>, vector<1x1000x64xf32>,
    %slice3A_19 = vector.extract_strided_slice %dot_general3A_13 {offsets = [0, 64], sizes = [1000, 64], strides = [1, 1]} : vector<1000x128xf32> to vector<1000x64xf32>
    %swap3A_20 = arith.constant 1 : index
    %swap3A_21 = arith.constant 0 : index
    %swap3A_22 = arith.constant 0 : index
    %swap3A_23 = vector.load %arg5[%swap3A_20, %swap3A_21, %swap3A_22] : memref<2x1000x64xf32, #tpu.memory_space<vmem>>, vector<1x1000x64xf32>
    %swap3A_24 = vector.shape_cast %swap3A_23 : vector<1x1000x64xf32> to vector<1000x64xf32>
    %swap3A_25 = vector.shape_cast %slice3A_19 : vector<1000x64xf32> to vector<1x1000x64xf32>
    tpu.vector_store %arg5[%swap3A_20, %swap3A_21, %swap3A_22], %swap3A_25 {strides = array<i32>} : memref<2x1000x64xf32, #tpu.memory_space<vmem>>, vector<1x1000x64xf32>,
    return
  }
  func.func @transform_0(%arg0: i32) -> (i32, i32) {
    %min3A = arith.constant 5 : i32
    %min3A_0 = arith.minsi %arg0, %min3A : i32
    %c0_i32 = arith.constant 0 : i32
    %c0_i32_1 = arith.constant 0 : i32
    return %min3A_0, %c0_i32 : i32, i32
  }
  func.func @transform_1(%arg0: i32) -> (i32, i32) {
    %sub3A = arith.constant 6 : i32
    %sub3A_0 = arith.subi %arg0, %sub3A : i32
    %max3A = arith.constant 0 : i32
    %max3A_1 = arith.maxsi %sub3A_0, %max3A : i32
    %c0_i32 = arith.constant 0 : i32
    %c0_i32_2 = arith.constant 0 : i32
    return %max3A_1, %c0_i32 : i32, i32
  }
  func.func @transform_2(%arg0: i32) -> (i32, i32) {
    %c0_i32 = arith.constant 0 : i32
    %c0_i32_0 = arith.constant 0 : i32
    %c0_i32_1 = arith.constant 0 : i32
    return %c0_i32, %c0_i32_0 : i32, i32
  }
  func.func @transform_3(%arg0: i32) -> (i32, i32) {
    %c0_i32 = arith.constant 0 : i32
    %c0_i32_0 = arith.constant 0 : i32
    %c0_i32_1 = arith.constant 0 : i32
    return %c0_i32, %c0_i32_0 : i32, i32
  }
  func.func @transform_4(%arg0: i32) -> (i32, i32, i32) {
    %c0_i32 = arith.constant 0 : i32
    %c0_i32_0 = arith.constant 0 : i32
    %c0_i32_1 = arith.constant 0 : i32
    return %c0_i32, %arg0, %c0_i32_0 : i32, i32, i32
  }
}

module attributes {stable_mosaic.version = 14 : i64} {
  func.func @_scale_body(%arg0: i32, %arg1: memref<2x1000x64xf32, #tpu.memory_space<vmem>>, %arg2: memref<1000x16xf32, #tpu.memory_space<vmem>>, %arg3: memref<2x1000x64xf32, #tpu.memory_space<vmem>>) attributes {dimension_semantics = [#tpu.dimension_semantics<arbitrary>], iteration_bounds = array<i64: 10>, scalar_prefetch = 0 : i64, scratch_operands = 0 : i64, tpu.core_type = #tpu.core_type<tc>, window_params = [{transform_indices = @transform_0, window_bounds = array<i64: 2, 1000, 64>}, {transform_indices = @transform_1, window_bounds = array<i64: 1000, 16>}, {transform_indices = @transform_2, window_bounds = array<i64: 2, 1000, 64>}]} {
    %get3A = arith.constant 0 : index
    %get3A_0 = arith.constant 0 : index
    %get3A_1 = vector.load %arg2[%get3A, %get3A_0] : memref<1000x16xf32, #tpu.memory_space<vmem>>, vector<1000x1xf32>
    %max3A = arith.constant 1.000000e+00 : f32
    %max3A_2 = vector.broadcast %max3A : f32 to vector<1000x1xf32>
    %max3A_3 = arith.maximumf %get3A_1, %max3A_2 : vector<1000x1xf32>
    %rsqrt3A = math.rsqrt %max3A_3 : vector<1000x1xf32>
    %get3A_4 = arith.constant 0 : index
    %get3A_5 = arith.constant 0 : index
    %get3A_6 = arith.constant 0 : index
    %get3A_7 = vector.load %arg1[%get3A_4, %get3A_5, %get3A_6] : memref<2x1000x64xf32, #tpu.memory_space<vmem>>, vector<1x1000x64xf32>
    %get3A_8 = vector.shape_cast %get3A_7 : vector<1x1000x64xf32> to vector<1000x64xf32>
    %mul3A = vector.broadcast %rsqrt3A : vector<1000x1xf32> to vector<1000x64xf32>
    %mul3A_9 = arith.mulf %get3A_8, %mul3A : vector<1000x64xf32>
    %swap3A = arith.constant 0 : index
    %swap3A_10 = arith.constant 0 : index
    %swap3A_11 = arith.constant 0 : index
    %swap3A_12 = vector.load %arg3[%swap3A, %swap3A_10, %swap3A_11] : memref<2x1000x64xf32, #tpu.memory_space<vmem>>, vector<1x1000x64xf32>
    %swap3A_13 = vector.shape_cast %swap3A_12 : vector<1x1000x64xf32> to vector<1000x64xf32>
    %swap3A_14 = vector.shape_cast %mul3A_9 : vector<1000x64xf32> to vector<1x1000x64xf32>
    tpu.vector_store %arg3[%swap3A, %swap3A_10, %swap3A_11], %swap3A_14 {strides = array<i32>} : memref<2x1000x64xf32, #tpu.memory_space<vmem>>, vector<1x1000x64xf32>,
    %get3A_15 = arith.constant 1 : index
    %get3A_16 = arith.constant 0 : index
    %get3A_17 = arith.constant 0 : index
    %get3A_18 = vector.load %arg1[%get3A_15, %get3A_16, %get3A_17] : memref<2x1000x64xf32, #tpu.memory_space<vmem>>, vector<1x1000x64xf32>
    %get3A_19 = vector.shape_cast %get3A_18 : vector<1x1000x64xf32> to vector<1000x64xf32>
    %mul3A_20 = vector.broadcast %rsqrt3A : vector<1000x1xf32> to vector<1000x64xf32>
    %mul3A_21 = arith.mulf %get3A_19, %mul3A_20 : vector<1000x64xf32>
    %swap3A_22 = arith.constant 1 : index
    %swap3A_23 = arith.constant 0 : index
    %swap3A_24 = arith.constant 0 : index
    %swap3A_25 = vector.load %arg3[%swap3A_22, %swap3A_23, %swap3A_24] : memref<2x1000x64xf32, #tpu.memory_space<vmem>>, vector<1x1000x64xf32>
    %swap3A_26 = vector.shape_cast %swap3A_25 : vector<1x1000x64xf32> to vector<1000x64xf32>
    %swap3A_27 = vector.shape_cast %mul3A_21 : vector<1000x64xf32> to vector<1x1000x64xf32>
    tpu.vector_store %arg3[%swap3A_22, %swap3A_23, %swap3A_24], %swap3A_27 {strides = array<i32>} : memref<2x1000x64xf32, #tpu.memory_space<vmem>>, vector<1x1000x64xf32>,
    return
  }
  func.func @transform_0(%arg0: i32) -> (i32, i32, i32) {
    %c0_i32 = arith.constant 0 : i32
    %c0_i32_0 = arith.constant 0 : i32
    %c0_i32_1 = arith.constant 0 : i32
    return %c0_i32, %arg0, %c0_i32_0 : i32, i32, i32
  }
  func.func @transform_1(%arg0: i32) -> (i32, i32) {
    %c0_i32 = arith.constant 0 : i32
    %c0_i32_0 = arith.constant 0 : i32
    return %arg0, %c0_i32 : i32, i32
  }
  func.func @transform_2(%arg0: i32) -> (i32, i32, i32) {
    %c0_i32 = arith.constant 0 : i32
    %c0_i32_0 = arith.constant 0 : i32
    %c0_i32_1 = arith.constant 0 : i32
    return %c0_i32, %arg0, %c0_i32_0 : i32, i32, i32
  }
}

module attributes {stable_mosaic.version = 14 : i64} {
  func.func @_final_body(%arg0: i32, %arg1: memref<1000x64xf32, #tpu.memory_space<vmem>>, %arg2: memref<1000x64xf32, #tpu.memory_space<vmem>>, %arg3: memref<1000x16xf32, #tpu.memory_space<vmem>>, %arg4: memref<1000x128xf32, #tpu.memory_space<vmem>>) attributes {dimension_semantics = [#tpu.dimension_semantics<arbitrary>], iteration_bounds = array<i64: 10>, scalar_prefetch = 0 : i64, scratch_operands = 0 : i64, tpu.core_type = #tpu.core_type<tc>, window_params = [{transform_indices = @transform_0, window_bounds = array<i64: 1000, 64>}, {transform_indices = @transform_1, window_bounds = array<i64: 1000, 64>}, {transform_indices = @transform_2, window_bounds = array<i64: 1000, 16>}, {transform_indices = @transform_3, window_bounds = array<i64: 1000, 128>}]} {
    %get3A = arith.constant 0 : index
    %get3A_0 = arith.constant 0 : index
    %get3A_1 = vector.load %arg3[%get3A, %get3A_0] : memref<1000x16xf32, #tpu.memory_space<vmem>>, vector<1000x1xf32>
    %max3A = arith.constant 1.000000e+00 : f32
    %max3A_2 = vector.broadcast %max3A : f32 to vector<1000x1xf32>
    %max3A_3 = arith.maximumf %get3A_1, %max3A_2 : vector<1000x1xf32>
    %rsqrt3A = math.rsqrt %max3A_3 : vector<1000x1xf32>
    %get3A_4 = arith.constant 0 : index
    %get3A_5 = arith.constant 0 : index
    %get3A_6 = vector.load %arg1[%get3A_4, %get3A_5] : memref<1000x64xf32, #tpu.memory_space<vmem>>, vector<1000x64xf32>
    %mul3A = vector.broadcast %rsqrt3A : vector<1000x1xf32> to vector<1000x64xf32>
    %mul3A_7 = arith.mulf %get3A_6, %mul3A : vector<1000x64xf32>
    %get3A_8 = arith.constant 0 : index
    %get3A_9 = arith.constant 0 : index
    %get3A_10 = vector.load %arg2[%get3A_8, %get3A_9] : memref<1000x64xf32, #tpu.memory_space<vmem>>, vector<1000x64xf32>
    %mul3A_11 = vector.broadcast %rsqrt3A : vector<1000x1xf32> to vector<1000x64xf32>
    %mul3A_12 = arith.mulf %get3A_10, %mul3A_11 : vector<1000x64xf32>
    %concatenate3A = tpu.concatenate %mul3A_7, %mul3A_12 in 1 : vector<1000x64xf32>, vector<1000x64xf32> -> vector<1000x128xf32>
    %swap3A = arith.constant 0 : index
    %swap3A_13 = arith.constant 0 : index
    %swap3A_14 = vector.load %arg4[%swap3A, %swap3A_13] : memref<1000x128xf32, #tpu.memory_space<vmem>>, vector<1000x128xf32>
    tpu.vector_store %arg4[%swap3A, %swap3A_13], %concatenate3A {strides = array<i32>} : memref<1000x128xf32, #tpu.memory_space<vmem>>, vector<1000x128xf32>,
    return
  }
  func.func @transform_0(%arg0: i32) -> (i32, i32) {
    %c0_i32 = arith.constant 0 : i32
    %c0_i32_0 = arith.constant 0 : i32
    return %arg0, %c0_i32 : i32, i32
  }
  func.func @transform_1(%arg0: i32) -> (i32, i32) {
    %c0_i32 = arith.constant 0 : i32
    %c0_i32_0 = arith.constant 0 : i32
    return %arg0, %c0_i32 : i32, i32
  }
  func.func @transform_2(%arg0: i32) -> (i32, i32) {
    %c0_i32 = arith.constant 0 : i32
    %c0_i32_0 = arith.constant 0 : i32
    return %arg0, %c0_i32 : i32, i32
  }
  func.func @transform_3(%arg0: i32) -> (i32, i32) {
    %c0_i32 = arith.constant 0 : i32
    %c0_i32_0 = arith.constant 0 : i32
    return %arg0, %c0_i32 : i32, i32
  }
}

</mosaic_0001>

<sc_bundles>
// kernel: kernel.10.cloned.1.call-start
scs
__scs_entry_jumppad:
0x0: {  	(pc) =	sbr.rel $0x88, $3  }
0x1: {  	(tag) =	ssettag $0x0;
	lr =	simm.s32 $0x1  }
0x2: {  	[smem:$0x3F9C] =	sst lr;
	_ =	strace $0xD0000000  }
0x3: {  	_ = 	snop  }
0x4: {  	_ = 	snop  }
0x5: {  	_ = 	snop  }
0x6: {  	_ = 	snop  }
0x7: {  	_ = 	snop  }
__scs_overlays_trampoline_lowered:
0x8: {  	[smem:$0x3FAB] =	sst s0  }
0x9: {  	[smem:$0x3FAC] =	sst s1  }
0xa: {  	[smem:$0x3FAD] =	sst s2  }
0xb: {  	[smem:$0x3FAE] =	sst s3  }
0xc: {  	[smem:$0x3FAF] =	sst s4  }
0xd: {  	[smem:$0x3FB0] =	sst s5  }
0xe: {  	[smem:$0x3FB1] =	sst s6  }
0xf: {  	[smem:$0x3FB2] =	sst s7  }
0x10: {  	[smem:$0x3FB3] =	sst s8  }
0x11: {  	[smem:$0x3FB4] =	sst s9;
	s0 =	simm.s32 @!p0 $0x0  }
0x12: {  	s1 =	sld [smem:$0x3F9A];
	s0 =	simm.s32 @p0 $0x1  }
0x13: {  	[smem:$0x3FB5] =	sst s0;
	s0 =	simm.s32 @!p1 $0x0  }
0x14: {  	s2 =	sld [smem:$0x3F99];
	s0 =	simm.s32 @p1 $0x1  }
0x15: {  	[smem:$0x3FB6] =	sst s0;
	s0 =	simm.s32 @!p2 $0x0  }
0x16: {  	s3 =	sld [smem:$0x3FDB];
	s0 =	simm.s32 @p2 $0x1  }
0x17: {  	s4 =	simm.s32 $0x1BF5;
	[smem:$0x3FB8] =	sst s0  }
0x18: {  	s0 =	sld [smem:$0x3F9B];
	_ =	swait.ge [sflag:s4], $0x0  }
0x19: {  	s7 =	sld [smem:$0x3F9C]  }
0x1a: {  	s8 =	sadd.s32 $0xFFFFE003, lr  }
0x1b: {  	s9 =	sadd.s32 $0xFFFFFEF7, lr;
	s5 =	simm.s32 $0xFFFFFFFF;
	p2 =	slt.u32 s8, $0xFFFFF086  }
0x1c: {  	p1 =	slt.u32 s9, $0xF7A;
	s5 =	simm.s32 @!p2 $0x0  }
0x1d: {  	s5 =	simm.s32 @p1 $0x1;
	p0 =	seq.s32 s7, s2  }
0x1e: {  	s7 =	smul.u32 @!p0 $0xF7A, s2;
	p2 =	seq.s32 @!p0 s5, $0x0  }
0x1f: {  	s9 =	smul.u32 $0xF7A, s1;
	s8 =	simm.s32 @!p0 $0x1BF5;
	p2 =	por !p2, p0  }
0x20: {  	[sflag:s8] =	ssyncset.s32 @!p0 $0xFFFFF086;
	s6 =	sadd.s32 @!p0 s3, s7;
	s7 =	simm.s32 @!p0 $0x108  }
0x21: {  	s3 =	sadd.s32 s3, s9;
	s6 =	sadd.s32 @!p0 $0x88, s6;
	s7 =	simm.s32 @p2 $0x1082  }
0x22: {  	[simem:s7], [sflag:s8] =	dma.local @!p0 [hbm:s6], $0xF7A  }
0x23: {  	s9 =	sor.u32 $0xD0000000, s2;
	s6 =	simm.s32 $0x108;
	_ =	swait.ge @!p0 [sflag:s8], $0x0  }
0x24: {  	s3 =	sadd.s32 $0x88, s3;
	s6 =	simm.s32 @!p1 $0x1082;
	[sflag:s4] =	ssyncset.s32 $0xFFFFF086  }
0x25: {  	[simem:s6], [sflag:s4] =	dma.local [hbm:s3], $0xF7A  }
0x26: {  	[smem:$0x3F9C] =	sst s1;
	(tag) =	ssettag s2;
	_ =	strace s9  }
0x27: {  	s1 =	sld [smem:$0x3FAC]  }
0x28: {  	s2 =	sld [smem:$0x3FAD]  }
0x29: {  	s4 =	sld [smem:$0x3FAF]  }
0x2a: {  	p0 =	seq.s32 s5, $0x0;
	s5 =	sld [smem:$0x3FB0]  }
0x2b: {  	s6 =	sld [smem:$0x3FB1]  }
0x2c: {  	s7 =	sld [smem:$0x3FB2]  }
0x2d: {  	s3 =	simm.s32 $0x108;
	s8 =	sld [smem:$0x3FB3]  }
0x2e: {  	s3 =	simm.s32 @!p0 $0x1082;
	s9 =	sld [smem:$0x3FB4]  }
0x2f: {  	lr =	sadd.s32 s0, s3;
	s0 =	sld [smem:$0x3FAB]  }
0x30: {  	s3 =	sld [smem:$0x3FAE]  }
0x31: {  	[smem:$0x3FB7] =	sst s10  }
0x32: {  	s10 =	sld [smem:$0x3FB5];
	_ =	sdelay $0x3  }
0x33: {  	p0 =	seq.s32 s10, $0x1;
	s10 =	sld [smem:$0x3FB7];
	_ =	sdelay $0x3  }
0x34: {  	[smem:$0x3FB7] =	sst s10  }
0x35: {  	s10 =	sld [smem:$0x3FB6];
	_ =	sdelay $0x3  }
0x36: {  	p1 =	seq.s32 s10, $0x1;
	s10 =	sld [smem:$0x3FB7];
	_ =	sdelay $0x3  }
0x37: {  	[smem:$0x3FB7] =	sst s10  }
0x38: {  	s10 =	sld [smem:$0x3FB8]  }
0x39: {  	_ = 	snop;
	(pc) =	sbr.ind lr, $3  }
0x3a: {  	_ = 	snop  }
0x3b: {  	_ = 	snop  }
0x3c: {  	p2 =	seq.s32 s10, $0x1;
	s10 =	sld [smem:$0x3FB7]  }
0x3d: {  	_ =	shalt  }
0x3e: {  	_ =	shalt  }
0x3f: {  	_ =	shalt  }
0x40: {  	_ =	shalt  }
0x41: {  	_ =	shalt  }
0x42: {  	_ =	shalt  }
0x43: {  	_ =	shalt  }
0x44: {  	_ =	shalt  }
0x45: {  	_ =	shalt  }
0x46: {  	_ =	shalt  }
0x47: {  	_ =	shalt  }
0x48: {  	_ =	shalt  }
0x49: {  	_ =	shalt  }
0x4a: {  	_ =	shalt  }
0x4b: {  	_ =	shalt  }
0x4c: {  	_ =	shalt  }
0x4d: {  	_ =	shalt  }
0x4e: {  	_ =	shalt  }
0x4f: {  	_ =	shalt  }
0x50: {  	_ =	shalt  }
0x51: {  	_ =	shalt  }
0x52: {  	_ =	shalt  }
0x53: {  	_ =	shalt  }
0x54: {  	_ =	shalt  }
0x55: {  	_ =	shalt  }
0x56: {  	_ =	shalt  }
0x57: {  	_ =	shalt  }
0x58: {  	_ =	shalt  }
0x59: {  	_ =	shalt  }
0x5a: {  	_ =	shalt  }
0x5b: {  	_ =	shalt  }
0x5c: {  	_ =	shalt  }
0x5d: {  	_ =	shalt  }
0x5e: {  	_ =	shalt  }
0x5f: {  	_ =	shalt  }
0x60: {  	_ =	shalt  }
0x61: {  	_ =	shalt  }
0x62: {  	_ =	shalt  }
0x63: {  	_ =	shalt  }
0x64: {  	_ =	shalt  }
0x65: {  	_ =	shalt  }
0x66: {  	_ =	shalt  }
0x67: {  	_ =	shalt  }
0x68: {  	_ =	shalt  }
0x69: {  	_ =	shalt  }
0x6a: {  	_ =	shalt  }
0x6b: {  	_ =	shalt  }
0x6c: {  	_ =	shalt  }
0x6d: {  	_ =	shalt  }
0x6e: {  	_ =	shalt  }
0x6f: {  	_ =	shalt  }
0x70: {  	_ =	shalt  }
0x71: {  	_ =	shalt  }
0x72: {  	_ =	shalt  }
0x73: {  	_ =	shalt  }
0x74: {  	_ =	shalt  }
0x75: {  	_ =	shalt  }
0x76: {  	_ =	shalt  }
0x77: {  	_ =	shalt  }
0x78: {  	_ =	shalt  }
0x79: {  	_ =	shalt  }
0x7a: {  	_ =	shalt  }
0x7b: {  	_ =	shalt  }
0x7c: {  	_ =	shalt  }
0x7d: {  	_ =	shalt  }
0x7e: {  	_ =	shalt  }
0x7f: {  	_ =	shalt  }
0x80: {  	_ =	shalt  }
0x81: {  	_ =	shalt  }
0x82: {  	_ =	shalt  }
0x83: {  	_ =	shalt  }
0x84: {  	_ =	shalt  }
0x85: {  	_ =	shalt  }
0x86: {  	_ =	shalt  }
0x87: {  	_ =	shalt  }
.Lfunc_end0:
.L_simem_size_0:
called_computation.1_lowered:
.L_overlay_start_0:
0x88: {  	s2 =	sld [smem:$0x3FD9]  }
0x89: {  	s3 =	sld [smem:$0x3FFE];
	_ =	sdelay $0x1  }
0x8a: {  	s1 =	srdreg.scid  }
0x8b: {  	s0 =	sand.u32 $0x1, s1  }
0x8c: {  	s17 =	sshll.u32 s0, $0xA;
	s2 =	sadd.s32 s3, s2  }
0x8d: {  	s2 =	sadd.s32 s2, s17  }
0x8e: {  	[smem:$0x3FC3] =	sst s2  }
0x8f: {  	_ = 	snop  }
0x90: {  	s2 =	sld [smem:$0x3FD0];
	(tm) =	ssettm $0x1  }
0x91: {  	s18 =	sld [smem:$0x3FFB];
	_ =	sdelay $0x3  }
0x92: {  	_ =	strace s18  }
0x93: {  	s3 =	sld [smem:$0x3FFC];
	_ =	sdelay $0x3  }
0x94: {  	_ =	strace s3  }
0x95: {  	s3 =	sld [smem:$0x3FFD];
	_ =	sdelay $0x3  }
0x96: {  	_ =	strace s3  }
0x97: {  	_ =	strace $0x8FFFFFFF  }
0x98: {  	s19 =	sld [smem:$0x3FDB];
	_ =	sdelay $0x1  }
0x99: {  	s4 =	simm.s32 $_scs_section_size  }
0x9a: {  	s5 =	simm.s32 $_size__tile_overlayer_lowered;
	s6 =	simm.s32 $_tile_overlayer_lowered  }
0x9b: {  	s22 =	simm.s32 $0x1BFF;
	s21 =	sshll.u32 s6, $0x1;
	s3 =	sadd.s32 s4, s19  }
0x9c: {  	s7 =	simm.s32 $0x0;
	s20 =	sshll.u32 s5, $0x1;
	s5 =	sadd.s32 s21, s3  }
0x9d: {  	[timem:s7], [sflag:s22] =	dma.local [hbm:s5], s20  }
0x9e: {  	_ =	swait.ge [sflag:s22], s20  }
0x9f: {  	s4 =	ssub.s32 $0x0, s20;
	[sflag:s22] =	ssyncset.done $0x0  }
0xa0: {  	[sflag:s22] =	ssyncadd.s32 s4;
	_ =	sdelay $0x1  }
0xa1: {  	s23 =	simm.s32 $0x1B8B  }
0xa2: {  	_ =	swait.ge [sflag:s23], $0x1  }
0xa3: {  	[sflag:s23] =	ssyncset.done $0x0  }
0xa4: {  	s25 =	simm.s32 $0x1B8E;
	s24 =	sld [smem:$0x3FFE];
	[sflag:s23] =	ssyncadd.s32 $0xFFFFFFFF  }
0xa5: {  	s26 =	simm.s32 $execute0_lowered;
	[smem:$0x3FD2] =	sst s25  }
0xa6: {  	s5 =	sshll.u32 s26, $0x1;
	_ =	strace $0x80000049;
	[dreg:$0x1] =	wrdreg $0xFFFFFFFF  }
0xa7: {  	s28 =	simm.s32 $_size_execute0_lowered;
	s3 =	sadd.s32 s3, s5;
	[dreg:$0x0] =	wrdreg $0x0  }
0xa8: {  	s5 =	sshll.u32 s28, $0x1;
	[dreg:$0x2] =	wrdreg s3  }
0xa9: {  	[dreg:$0x3] =	wrdreg s5  }
0xaa: {  	[dreg:$0x4] =	wrdreg $0xC0  }
0xab: {  	_ =	task [dreg:s7], $0x5FFFF  }
0xac: {  	[dreg:$0x1] =	wrdreg $0xFFFFFFFF  }
0xad: {  	[dreg:$0x0] =	wrdreg $0x60  }
0xae: {  	[dreg:$0x2] =	wrdreg s2  }
0xaf: {  	[dreg:$0x3] =	wrdreg s24  }
0xb0: {  	[dreg:$0x4] =	wrdreg $0x142000  }
0xb1: {  	[dreg:$0x5] =	wrdreg $0x9  }
0xb2: {  	_ =	task.clear_ibuf [dreg:s7], $0x6FFFF;
	_ =	strace $0x90000049  }
0xb3: {  	s29 =	simm.s32 $0x9;
	_ =	strace $0x8000004B  }
0xb4: {  	_ =	swait.ge [sflag:s29], $0x1  }
0xb5: {  	[sflag:s29] =	ssyncadd.s32 $0xFFFFFFFF  }
0xb6: {  	_ =	strace $0x9000004B  }
0xb7: {  	_ =	sfence  }
0xb8: {  	s30 =	sld [smem:$0x0];
	_ =	sdelay $0x2  }
0xb9: {  	s31 =	sshll.u32 s1, $0xD;
	s1 =	sshrl.u32 s1, $0x2  }
0xba: {  	s3 =	sand.u32 $0x4000, s31;
	s1 =	sadd.s32 s1, s30  }
0xbb: {  	s0 =	sor.u32 s3, s0;
	s1 =	sshll.u32 s1, $0x11  }
0xbc: {  	s0 =	sor.u32 s1, s0  }
0xbd: {  	s0 =	sadd.s32 $0x8F2B, s0  }
0xbe: {  	[sflag:s0] =	ssyncadd.remote.s32 $0x1  }
0xbf: {  	_ =	sfence.sel $0xFFFF  }
0xc0: {  	[dreg:$0x0] =	wrdreg $0xFFFFFFFF;
	(pc) =	sbr.abs _section_cstart, $3  }
0xc1: {  	[dreg:$0x1] =	wrdreg $0xFFFFFFFF  }
0xc2: {  	_ =	task.clear_ibuf [dreg:s7], $0x2FFFF;
	_ =	strace $0x9FFFFFFF  }
0xc3: {  	(tm) =	ssettm $0x7FFFFFFF  }
tec
execute0_lowered:
.L_overlay_start_1:
0x0: {  	(tag) =	ssettag $0x1  }
0x1: {  	s0 =	rddreg [dreg:$0x0]  }
0x2: {  	s1 =	rddreg [dreg:$0x1]  }
0x3: {  	s2 =	rddreg [dreg:$0x2];
	s10 =	stileid.u32  }
0x4: {  	s4 =	srdreg.scid;
	s3 =	simm.s32 $0x0;
	s6 =	smul.u32 $0x28000, s10  }
0x5: {  	s29 =	simm.s32 $0x6680;
	s31 =	simm.s32 $0x85C0;
	s8 =	smul.u32 $0xA000, s10  }
0x6: {  	s4 =	sand.u32 $0x1, s4;
	[smem:$0x7FF] =	sst s3;
	s15 =	smul.u32 $0x5000, s10  }
0x7: {  	s9 =	sadd.s32 $0x1E00, s1;
	s10 =	smul.u32 $0xA00, s10;
	s5 =	ssub.s32 $0x2, s4  }
0x8: {  	_ =	strace $0x8000004A;
	s18 =	smul.u32 $0x13880, s4;
	p0 =	seq.s32 s4, $0x1  }
0x9: {  	s4 =	simm.s32 $0x2680;
	s7 =	sshrl.u32 s5, $0x1;
	s6 =	sshrl.u32 s6, $0x2  }
0xa: {  	s13 =	sadd.s32 s8, s2;
	s19 =	sadd.s32 s9, s10;
	s26 =	sshrl.u32 s8, $0x3  }
0xb: {  	s8 =	simm.s32 $0x3;
	s5 =	ssub.s32 s5, s7;
	s6 =	sadd.s32 s6, s2  }
0xc: {  	s7 =	sshrl.u32 s15, $0x3;
	[dreg:$0x8] =	wrdreg s19;
	s11 =	sadd.s32 $0x2000, s6  }
0xd: {  	s15 =	simm.s32 $0x2400;
	s16 =	sadd.s32 $0x4000, s6;
	[dreg:$0x4] =	wrdreg s11  }
0xe: {  	s19 =	simm.s32 $0x2600;
	s17 =	sadd.s32 $0x6000, s6;
	[dreg:$0x5] =	wrdreg s16  }
0xf: {  	s6 =	sadd.s32 $0x8000, s6;
	s20 =	sadd.s32 s9, s7;
	[dreg:$0x6] =	wrdreg s17  }
0x10: {  	s30 =	smax.u32 s5, $0x1;
	s5 =	simm.s32 $0xE380;
	[dreg:$0x7] =	wrdreg s6  }
0x11: {  	s9 =	simm.s32 $0x2;
	s7 =	sadd.s32 $0xA000, s20;
	[dreg:$0x10] =	wrdreg s30  }
0x12: {  	s11 =	sadd.s32 s0, s18;
	s21 =	sadd.s32 $0x280, s20;
	[dreg:$0x9] =	wrdreg s7  }
0x13: {  	s22 =	sadd.s32 $0xA280, s20;
	s0 =	simm.s32 $0x1AE00;
	[dreg:$0xa] =	wrdreg s21  }
0x14: {  	s23 =	sadd.s32 $0x500, s20;
	s24 =	sadd.s32 $0xA500, s20;
	[dreg:$0xb] =	wrdreg s22  }
0x15: {  	s25 =	sadd.s32 $0x780, s20;
	s28 =	sadd.s32 $0xA780, s20;
	[dreg:$0xc] =	wrdreg s23  }
0x16: {  	s20 =	simm.s32 $0x12200;
	s6 =	simm.s32 $0x102C0;
	[dreg:$0xd] =	wrdreg s24  }
0x17: {  	s16 =	simm.s32 $0x2480;
	s17 =	simm.s32 $0x2500;
	[dreg:$0xe] =	wrdreg s25  }
0x18: {  	s18 =	simm.s32 $0x2580;
	s0 =	simm.s32 @!p0 $0x2EE00;
	[dreg:$0xf] =	wrdreg s28  }
0x19: {  	s21 =	simm.s32 $0x4;
	s23 =	simm.s32 $0x7D;
	s24 =	simm.s32 $0x2800  }
0x1a: {  	s7 =	simm.s32 $0x1;
	s22 =	simm.s32 $0x2700;
	s0 =	sadd.s32 s0, s1  }
0x1b: {  	s25 =	simm.s32 $0x2780;
	s1 =	simm.s32 $0xC440;
	s0 =	sadd.s32 s0, s26  }
0x1c: {  	v0 =	vimm.f32 $0.0e+00;
	s26 =	simm.s32 $0x4740;
	[dreg:$0x11] =	wrdreg s0;
	s0 =	simm.s32 $0xA500  }
.LBB2_1:
0x1d: {  	s28 =	simm.s32 $0x100;
	s10 =	simm.s32 $0x0  }
.LBB2_2:
0x1e: {  	p0 =	sne.s32 s28, $0x7F00;
	[tilespmem:s10+$0x12230] =	vst v0;
	s12 =	smov.u32 s28;
	s28 =	sadd.s32 $0x100, s28  }
.Ltmp0:
0x1f: {  	[tilespmem:s10+$0x12220] =	vst v0;
	(pc) =	sbr.rel @p0 .LBB2_2-.Ltmp0, $3  }
0x20: {  	[tilespmem:s10+$0x12200] =	vst v0  }
0x21: {  	[tilespmem:s10+$0x12210] =	vst v0;
	_ =	sdelay $0x1  }
0x22: {  	s10 =	sshra.s32 s12, $0x2  }
0x23: {  	[tilespmem:s10+$0x12230] =	vst v0  }
0x24: {  	[tilespmem:s10+$0x12220] =	vst v0  }
0x25: {  	[tilespmem:s10+$0x12200] =	vst v0  }
0x26: {  	[tilespmem:s10+$0x12210] =	vst v0  }
0x27: {  	[spmem:s13] =	stream.linear.scatter [tilespmem:s20], [sflag:$0x4], $0x2000, $0x38;
	[tilespmem:$0x1E200] =	vst v63  }
0x28: {  	_ =	swait.ge [sflag:s21], $0x2000  }
0x29: {  	[sflag:s21] =	ssyncset.done $0x0  }
0x2a: {  	s14 =	smov.u32 s13;
	s13 =	rddreg [dreg:$0x4];
	[sflag:s21] =	ssyncadd.s32 $0xFFFFE000  }
0x2b: {  	[spmem:s13] =	stream.linear.scatter [tilespmem:s20], [sflag:$0x4], $0x2000, $0x38;
	[tilespmem:$0x1E200] =	vst v63  }
0x2c: {  	_ =	swait.ge [sflag:s21], $0x2000  }
0x2d: {  	[sflag:s21] =	ssyncset.done $0x0  }
0x2e: {  	s12 =	rddreg [dreg:$0x5];
	[sflag:s21] =	ssyncadd.s32 $0xFFFFE000  }
0x2f: {  	[spmem:s12] =	stream.linear.scatter [tilespmem:s20], [sflag:$0x4], $0x2000, $0x38;
	[tilespmem:$0x1E200] =	vst v63  }
0x30: {  	_ =	swait.ge [sflag:s21], $0x2000  }
0x31: {  	[sflag:s21] =	ssyncset.done $0x0  }
0x32: {  	s13 =	rddreg [dreg:$0x6];
	[sflag:s21] =	ssyncadd.s32 $0xFFFFE000  }
0x33: {  	[spmem:s13] =	stream.linear.scatter [tilespmem:s20], [sflag:$0x4], $0x2000, $0x38;
	[tilespmem:$0x1E200] =	vst v63  }
0x34: {  	_ =	swait.ge [sflag:s21], $0x2000  }
0x35: {  	[sflag:s21] =	ssyncset.done $0x0  }
0x36: {  	s12 =	rddreg [dreg:$0x7];
	[sflag:s21] =	ssyncadd.s32 $0xFFFFE000  }
0x37: {  	[spmem:s12] =	stream.linear.scatter [tilespmem:s20], [sflag:$0x4], $0x2000, $0x38;
	[tilespmem:$0x1E200] =	vst v63  }
0x38: {  	_ =	swait.ge [sflag:s21], $0x2000  }
0x39: {  	[sflag:s21] =	ssyncset.done $0x0  }
0x3a: {  	[sflag:s21] =	ssyncadd.s32 $0xFFFFE000  }
0x3b: {  	[bflag:$0x0] =	sbarrier.arrive $0xFFFF  }
0x3c: {  	s10 =	simm.s32 $0x0;
	s12 =	rddreg [dreg:$0x8]  }
0x3d: {  	[tilespmem:s10], [sflag:$0x4] =	stream.linear.gather [hbm4b:s12+s10], $0x1400, $0x38;
	[tilespmem:$0x1E200] =	vst v63  }
0x3e: {  	_ =	swait.ge [sflag:s21], $0x1400  }
0x3f: {  	[sflag:s21] =	ssyncset.done $0x0  }
0x40: {  	s13 =	simm.s32 $0x1400;
	s12 =	rddreg [dreg:$0x9];
	[sflag:s21] =	ssyncadd.s32 $0xFFFFEC00  }
0x41: {  	[tilespmem:s13], [sflag:$0x4] =	stream.linear.gather [hbm4b:s12+s10], $0x1400, $0x38;
	[tilespmem:$0x1E200] =	vst v63  }
0x42: {  	_ =	swait.ge [sflag:s21], $0x1400  }
0x43: {  	[sflag:s21] =	ssyncset.done $0x0  }
0x44: {  	[sflag:s21] =	ssyncadd.s32 $0xFFFFEC00  }
0x45: {  	[tilespmem:s24], [sflag:$0x1] =	stream.indirect.gather [hbm4b:s11+s23], $0x40, s10, s23, $0xb8;
	[tilespmem:$0x1E200] =	vst v63  }
0x46: {  	s13 =	simm.s32 $0x80  }
0x47: {  	[tilespmem:s26], [sflag:$0x1] =	stream.indirect.gather [hbm4b:s11+s23], $0x40, s13, s23, $0xb8;
	[tilespmem:$0x1E200] =	vst v63  }
0x48: {  	s12 =	simm.s32 $0x100  }
0x49: {  	[tilespmem:s29], [sflag:$0x1] =	stream.indirect.gather [hbm4b:s11+s23], $0x40, s12, s23, $0xb8;
	[tilespmem:$0x1E200] =	vst v63  }
0x4a: {  	s13 =	simm.s32 $0x180  }
0x4b: {  	[tilespmem:s31], [sflag:$0x1] =	stream.indirect.gather [hbm4b:s11+s23], $0x40, s13, s23, $0xb8;
	[tilespmem:$0x1E200] =	vst v63  }
0x4c: {  	s12 =	simm.s32 $0x200  }
0x4d: {  	[tilespmem:s0], [sflag:$0x2] =	stream.indirect.gather [hbm4b:s11+s23], $0x40, s12, s23, $0xb8;
	[tilespmem:$0x1E200] =	vst v63  }
0x4e: {  	s13 =	simm.s32 $0x280  }
0x4f: {  	[tilespmem:s1], [sflag:$0x2] =	stream.indirect.gather [hbm4b:s11+s23], $0x40, s13, s23, $0xb8;
	[tilespmem:$0x1E200] =	vst v63  }
0x50: {  	s12 =	simm.s32 $0x300  }
0x51: {  	[tilespmem:s5], [sflag:$0x2] =	stream.indirect.gather [hbm4b:s11+s23], $0x40, s12, s23, $0xb8;
	[tilespmem:$0x1E200] =	vst v63  }
0x52: {  	s13 =	simm.s32 $0x380  }
0x53: {  	[tilespmem:s6], [sflag:$0x2] =	stream.indirect.gather [hbm4b:s11+s23], $0x40, s13, s23, $0xb8;
	[tilespmem:$0x1E200] =	vst v63  }
0x54: {  	_ =	swait.ge [sflag:s7], $0x1F40  }
0x55: {  	[sflag:s7] =	ssyncset.done $0x0  }
0x56: {  	[sflag:s7] =	ssyncadd.s32 $0xFFFFE0C0  }
0x57: {  	_ =	swait.ge [sflag:s7], $0x1F40  }
0x58: {  	[sflag:s7] =	ssyncset.done $0x0  }
0x59: {  	[sflag:s7] =	ssyncadd.s32 $0xFFFFE0C0  }
0x5a: {  	_ =	swait.ge [sflag:s7], $0x1F40  }
0x5b: {  	[sflag:s7] =	ssyncset.done $0x0  }
0x5c: {  	[sflag:s7] =	ssyncadd.s32 $0xFFFFE0C0  }
0x5d: {  	_ =	swait.ge [sflag:s7], $0x1F40  }
0x5e: {  	[sflag:s7] =	ssyncset.done $0x0  }
0x5f: {  	s12 =	simm.s32 $0x1400;
	[sflag:s7] =	ssyncadd.s32 $0xFFFFE0C0  }
0x60: {  	[spmem:s2] =	stream.indirect.scatter.add.f32 [tilespmem:s24], [sflag:$0x3], $0x40, s12, s23, $0xb8;
	[tilespmem:$0x1E200] =	vst v63  }
0x61: {  	s13 =	simm.s32 $0x1480  }
0x62: {  	[spmem:s2] =	stream.indirect.scatter.add.f32 [tilespmem:s26], [sflag:$0x3], $0x40, s13, s23, $0xb8;
	[tilespmem:$0x1E200] =	vst v63  }
0x63: {  	s12 =	simm.s32 $0x1500  }
0x64: {  	[spmem:s2] =	stream.indirect.scatter.add.f32 [tilespmem:s29], [sflag:$0x3], $0x40, s12, s23, $0xb8;
	[tilespmem:$0x1E200] =	vst v63  }
0x65: {  	s13 =	simm.s32 $0x1580  }
0x66: {  	[spmem:s2] =	stream.indirect.scatter.add.f32 [tilespmem:s31], [sflag:$0x3], $0x40, s13, s23, $0xb8;
	[tilespmem:$0x1E200] =	vst v63  }
0x67: {  	_ =	swait.ge [sflag:s8], $0x1F40  }
0x68: {  	[sflag:s8] =	ssyncset.done $0x0  }
0x69: {  	[sflag:s8] =	ssyncadd.s32 $0xFFFFE0C0  }
0x6a: {  	_ =	swait.ge [sflag:s8], $0x1F40  }
0x6b: {  	[sflag:s8] =	ssyncset.done $0x0  }
0x6c: {  	[sflag:s8] =	ssyncadd.s32 $0xFFFFE0C0  }
0x6d: {  	_ =	swait.ge [sflag:s8], $0x1F40  }
0x6e: {  	[sflag:s8] =	ssyncset.done $0x0  }
0x6f: {  	[sflag:s8] =	ssyncadd.s32 $0xFFFFE0C0  }
0x70: {  	_ =	swait.ge [sflag:s8], $0x1F40  }
0x71: {  	[sflag:s8] =	ssyncset.done $0x0  }
0x72: {  	s12 =	simm.s32 $0x400;
	[sflag:s8] =	ssyncadd.s32 $0xFFFFE0C0  }
0x73: {  	[tilespmem:s24], [sflag:$0x1] =	stream.indirect.gather [hbm4b:s11+s23], $0x40, s12, s23, $0xb8;
	[tilespmem:$0x1E200] =	vst v63  }
0x74: {  	s13 =	simm.s32 $0x480  }
0x75: {  	[tilespmem:s26], [sflag:$0x1] =	stream.indirect.gather [hbm4b:s11+s23], $0x40, s13, s23, $0xb8;
	[tilespmem:$0x1E200] =	vst v63  }
0x76: {  	s12 =	simm.s32 $0x500  }
0x77: {  	[tilespmem:s29], [sflag:$0x1] =	stream.indirect.gather [hbm4b:s11+s23], $0x40, s12, s23, $0xb8;
	[tilespmem:$0x1E200] =	vst v63  }
0x78: {  	s13 =	simm.s32 $0x580  }
0x79: {  	[tilespmem:s31], [sflag:$0x1] =	stream.indirect.gather [hbm4b:s11+s23], $0x40, s13, s23, $0xb8;
	[tilespmem:$0x1E200] =	vst v63  }
0x7a: {  	_ =	swait.ge [sflag:s9], $0x1F40  }
0x7b: {  	[sflag:s9] =	ssyncset.done $0x0  }
0x7c: {  	[sflag:s9] =	ssyncadd.s32 $0xFFFFE0C0  }
0x7d: {  	_ =	swait.ge [sflag:s9], $0x1F40  }
0x7e: {  	[sflag:s9] =	ssyncset.done $0x0  }
0x7f: {  	[sflag:s9] =	ssyncadd.s32 $0xFFFFE0C0  }
0x80: {  	_ =	swait.ge [sflag:s9], $0x1F40  }
0x81: {  	[sflag:s9] =	ssyncset.done $0x0  }
0x82: {  	[sflag:s9] =	ssyncadd.s32 $0xFFFFE0C0  }
0x83: {  	_ =	swait.ge [sflag:s9], $0x1F40  }
0x84: {  	[sflag:s9] =	ssyncset.done $0x0  }
0x85: {  	s12 =	simm.s32 $0x1600;
	[sflag:s9] =	ssyncadd.s32 $0xFFFFE0C0  }
0x86: {  	[spmem:s2] =	stream.indirect.scatter.add.f32 [tilespmem:s0], [sflag:$0x3], $0x40, s12, s23, $0xb8;
	[tilespmem:$0x1E200] =	vst v63  }
0x87: {  	s13 =	simm.s32 $0x1680  }
0x88: {  	[spmem:s2] =	stream.indirect.scatter.add.f32 [tilespmem:s1], [sflag:$0x3], $0x40, s13, s23, $0xb8;
	[tilespmem:$0x1E200] =	vst v63  }
0x89: {  	s12 =	simm.s32 $0x1700  }
0x8a: {  	[spmem:s2] =	stream.indirect.scatter.add.f32 [tilespmem:s5], [sflag:$0x3], $0x40, s12, s23, $0xb8;
	[tilespmem:$0x1E200] =	vst v63  }
0x8b: {  	s13 =	simm.s32 $0x1780  }
0x8c: {  	[spmem:s2] =	stream.indirect.scatter.add.f32 [tilespmem:s6], [sflag:$0x3], $0x40, s13, s23, $0xb8;
	[tilespmem:$0x1E200] =	vst v63  }
0x8d: {  	_ =	swait.ge [sflag:s8], $0x1F40  }
0x8e: {  	[sflag:s8] =	ssyncset.done $0x0  }
0x8f: {  	[sflag:s8] =	ssyncadd.s32 $0xFFFFE0C0  }
0x90: {  	_ =	swait.ge [sflag:s8], $0x1F40  }
0x91: {  	[sflag:s8] =	ssyncset.done $0x0  }
0x92: {  	[sflag:s8] =	ssyncadd.s32 $0xFFFFE0C0  }
0x93: {  	_ =	swait.ge [sflag:s8], $0x1F40  }
0x94: {  	[sflag:s8] =	ssyncset.done $0x0  }
0x95: {  	[sflag:s8] =	ssyncadd.s32 $0xFFFFE0C0  }
0x96: {  	_ =	swait.ge [sflag:s8], $0x1F40  }
0x97: {  	s30 =	simm.s32 $0x2000;
	s28 =	simm.s32 $0x400;
	[sflag:s8] =	ssyncset.done $0x0  }
.LBB2_4:
0x98: {  	s13 =	sadd.s32 $0x200, s28  }
0x99: {  	[sflag:s8] =	ssyncadd.s32 $0xFFFFE0C0;
	s10 =	smov.u32 s30;
	s12 =	sadd.s32 $0x1000, s30  }
0x9a: {  	[tilespmem:s0], [sflag:$0x2] =	stream.indirect.gather [hbm4b:s11+s23], $0x40, s13, s23, $0xb8;
	[tilespmem:$0x1E200] =	vst v63  }
0x9b: {  	p0 =	sne.s32 s30, $0x3000;
	s13 =	sadd.s32 $0x280, s28  }
0x9c: {  	[tilespmem:s1], [sflag:$0x2] =	stream.indirect.gather [hbm4b:s11+s23], $0x40, s13, s23, $0xb8;
	[tilespmem:$0x1E200] =	vst v63  }
0x9d: {  	s13 =	sadd.s32 $0x300, s28  }
0x9e: {  	[tilespmem:s5], [sflag:$0x2] =	stream.indirect.gather [hbm4b:s11+s23], $0x40, s13, s23, $0xb8;
	[tilespmem:$0x1E200] =	vst v63  }
0x9f: {  	s13 =	sadd.s32 $0x380, s28  }
0xa0: {  	[tilespmem:s6], [sflag:$0x2] =	stream.indirect.gather [hbm4b:s11+s23], $0x40, s13, s23, $0xb8;
	[tilespmem:$0x1E200] =	vst v63  }
0xa1: {  	_ =	swait.ge [sflag:s7], $0x1F40  }
0xa2: {  	[sflag:s7] =	ssyncset.done $0x0  }
0xa3: {  	[sflag:s7] =	ssyncadd.s32 $0xFFFFE0C0  }
0xa4: {  	_ =	swait.ge [sflag:s7], $0x1F40  }
0xa5: {  	[sflag:s7] =	ssyncset.done $0x0  }
0xa6: {  	[sflag:s7] =	ssyncadd.s32 $0xFFFFE0C0  }
0xa7: {  	_ =	swait.ge [sflag:s7], $0x1F40  }
0xa8: {  	[sflag:s7] =	ssyncset.done $0x0  }
0xa9: {  	[sflag:s7] =	ssyncadd.s32 $0xFFFFE0C0  }
0xaa: {  	_ =	swait.ge [sflag:s7], $0x1F40  }
0xab: {  	[sflag:s7] =	ssyncset.done $0x0  }
0xac: {  	s13 =	sadd.s32 $0x1400, s28;
	[sflag:s7] =	ssyncadd.s32 $0xFFFFE0C0  }
0xad: {  	[spmem:s2] =	stream.indirect.scatter.add.f32 [tilespmem:s24], [sflag:$0x3], $0x40, s13, s23, $0xb8;
	[tilespmem:$0x1E200] =	vst v63  }
0xae: {  	s13 =	sadd.s32 $0x1480, s28  }
0xaf: {  	[spmem:s2] =	stream.indirect.scatter.add.f32 [tilespmem:s26], [sflag:$0x3], $0x40, s13, s23, $0xb8;
	[tilespmem:$0x1E200] =	vst v63  }
0xb0: {  	s13 =	sadd.s32 $0x1500, s28  }
0xb1: {  	[spmem:s2] =	stream.indirect.scatter.add.f32 [tilespmem:s29], [sflag:$0x3], $0x40, s13, s23, $0xb8;
	[tilespmem:$0x1E200] =	vst v63  }
0xb2: {  	s13 =	sadd.s32 $0x1580, s28  }
0xb3: {  	[spmem:s2] =	stream.indirect.scatter.add.f32 [tilespmem:s31], [sflag:$0x3], $0x40, s13, s23, $0xb8;
	[tilespmem:$0x1E200] =	vst v63  }
0xb4: {  	_ =	swait.ge [sflag:s8], $0x1F40  }
0xb5: {  	[sflag:s8] =	ssyncset.done $0x0  }
0xb6: {  	[sflag:s8] =	ssyncadd.s32 $0xFFFFE0C0  }
0xb7: {  	_ =	swait.ge [sflag:s8], $0x1F40  }
0xb8: {  	[sflag:s8] =	ssyncset.done $0x0  }
0xb9: {  	[sflag:s8] =	ssyncadd.s32 $0xFFFFE0C0  }
0xba: {  	_ =	swait.ge [sflag:s8], $0x1F40  }
0xbb: {  	[sflag:s8] =	ssyncset.done $0x0  }
0xbc: {  	[sflag:s8] =	ssyncadd.s32 $0xFFFFE0C0  }
0xbd: {  	_ =	swait.ge [sflag:s8], $0x1F40  }
0xbe: {  	[sflag:s8] =	ssyncset.done $0x0  }
0xbf: {  	s13 =	sadd.s32 $0x400, s28;
	[sflag:s8] =	ssyncadd.s32 $0xFFFFE0C0  }
0xc0: {  	[tilespmem:s24], [sflag:$0x1] =	stream.indirect.gather [hbm4b:s11+s23], $0x40, s13, s23, $0xb8;
	[tilespmem:$0x1E200] =	vst v63  }
0xc1: {  	s13 =	sadd.s32 $0x480, s28  }
0xc2: {  	[tilespmem:s26], [sflag:$0x1] =	stream.indirect.gather [hbm4b:s11+s23], $0x40, s13, s23, $0xb8;
	[tilespmem:$0x1E200] =	vst v63  }
0xc3: {  	s13 =	sadd.s32 $0x500, s28  }
0xc4: {  	[tilespmem:s29], [sflag:$0x1] =	stream.indirect.gather [hbm4b:s11+s23], $0x40, s13, s23, $0xb8;
	[tilespmem:$0x1E200] =	vst v63  }
0xc5: {  	s13 =	sadd.s32 $0x580, s28  }
0xc6: {  	[tilespmem:s31], [sflag:$0x1] =	stream.indirect.gather [hbm4b:s11+s23], $0x40, s13, s23, $0xb8;
	[tilespmem:$0x1E200] =	vst v63  }
0xc7: {  	_ =	swait.ge [sflag:s9], $0x1F40  }
0xc8: {  	[sflag:s9] =	ssyncset.done $0x0  }
0xc9: {  	[sflag:s9] =	ssyncadd.s32 $0xFFFFE0C0  }
0xca: {  	_ =	swait.ge [sflag:s9], $0x1F40  }
0xcb: {  	[sflag:s9] =	ssyncset.done $0x0  }
0xcc: {  	[sflag:s9] =	ssyncadd.s32 $0xFFFFE0C0  }
0xcd: {  	_ =	swait.ge [sflag:s9], $0x1F40  }
0xce: {  	[sflag:s9] =	ssyncset.done $0x0  }
0xcf: {  	[sflag:s9] =	ssyncadd.s32 $0xFFFFE0C0  }
0xd0: {  	_ =	swait.ge [sflag:s9], $0x1F40  }
0xd1: {  	[sflag:s9] =	ssyncset.done $0x0  }
0xd2: {  	s13 =	sadd.s32 $0x1600, s28;
	[sflag:s9] =	ssyncadd.s32 $0xFFFFE0C0  }
0xd3: {  	[spmem:s2] =	stream.indirect.scatter.add.f32 [tilespmem:s0], [sflag:$0x3], $0x40, s13, s23, $0xb8;
	[tilespmem:$0x1E200] =	vst v63  }
0xd4: {  	s13 =	sadd.s32 $0x1680, s28  }
0xd5: {  	[spmem:s2] =	stream.indirect.scatter.add.f32 [tilespmem:s1], [sflag:$0x3], $0x40, s13, s23, $0xb8;
	[tilespmem:$0x1E200] =	vst v63  }
0xd6: {  	s13 =	sadd.s32 $0x1700, s28  }
0xd7: {  	[spmem:s2] =	stream.indirect.scatter.add.f32 [tilespmem:s5], [sflag:$0x3], $0x40, s13, s23, $0xb8;
	[tilespmem:$0x1E200] =	vst v63  }
0xd8: {  	s13 =	sadd.s32 $0x1780, s28  }
0xd9: {  	[spmem:s2] =	stream.indirect.scatter.add.f32 [tilespmem:s6], [sflag:$0x3], $0x40, s13, s23, $0xb8;
	[tilespmem:$0x1E200] =	vst v63  }
0xda: {  	_ =	swait.ge [sflag:s8], $0x1F40  }
0xdb: {  	[sflag:s8] =	ssyncset.done $0x0  }
0xdc: {  	[sflag:s8] =	ssyncadd.s32 $0xFFFFE0C0  }
0xdd: {  	_ =	swait.ge [sflag:s8], $0x1F40  }
0xde: {  	[sflag:s8] =	ssyncset.done $0x0  }
0xdf: {  	[sflag:s8] =	ssyncadd.s32 $0xFFFFE0C0  }
.Ltmp1:
0xe0: {  	_ =	swait.ge [sflag:s8], $0x1F40;
	(pc) =	sbr.rel @p0 .LBB2_4-.Ltmp1, $4  }
0xe1: {  	[sflag:s8] =	ssyncset.done $0x0  }
0xe2: {  	[sflag:s8] =	ssyncadd.s32 $0xFFFFE0C0  }
0xe3: {  	_ =	swait.ge [sflag:s8], $0x1F40  }
0xe4: {  	s30 =	smov.u32 s12;
	s28 =	sshra.s32 s10, $0x2;
	[sflag:s8] =	ssyncset.done $0x0  }
0xe5: {  	s10 =	sadd.s32 $0x200, s28;
	[sflag:s8] =	ssyncadd.s32 $0xFFFFE0C0  }
0xe6: {  	[tilespmem:s0], [sflag:$0x2] =	stream.indirect.gather [hbm4b:s11+s23], $0x40, s10, s23, $0xb8;
	[tilespmem:$0x1E200] =	vst v63  }
0xe7: {  	s13 =	sadd.s32 $0x280, s28  }
0xe8: {  	[tilespmem:s1], [sflag:$0x2] =	stream.indirect.gather [hbm4b:s11+s23], $0x40, s13, s23, $0xb8;
	[tilespmem:$0x1E200] =	vst v63  }
0xe9: {  	s30 =	sadd.s32 $0x300, s28  }
0xea: {  	[tilespmem:s5], [sflag:$0x2] =	stream.indirect.gather [hbm4b:s11+s23], $0x40, s30, s23, $0xb8;
	[tilespmem:$0x1E200] =	vst v63  }
0xeb: {  	s12 =	sadd.s32 $0x380, s28  }
0xec: {  	[tilespmem:s6], [sflag:$0x2] =	stream.indirect.gather [hbm4b:s11+s23], $0x40, s12, s23, $0xb8;
	[tilespmem:$0x1E200] =	vst v63  }
0xed: {  	_ =	swait.ge [sflag:s7], $0x1F40  }
0xee: {  	[sflag:s7] =	ssyncset.done $0x0  }
0xef: {  	[sflag:s7] =	ssyncadd.s32 $0xFFFFE0C0  }
0xf0: {  	_ =	swait.ge [sflag:s7], $0x1F40  }
0xf1: {  	[sflag:s7] =	ssyncset.done $0x0  }
0xf2: {  	[sflag:s7] =	ssyncadd.s32 $0xFFFFE0C0  }
0xf3: {  	_ =	swait.ge [sflag:s7], $0x1F40  }
0xf4: {  	[sflag:s7] =	ssyncset.done $0x0  }
0xf5: {  	[sflag:s7] =	ssyncadd.s32 $0xFFFFE0C0  }
0xf6: {  	_ =	swait.ge [sflag:s7], $0x1F40  }
0xf7: {  	[sflag:s7] =	ssyncset.done $0x0  }
0xf8: {  	s13 =	sadd.s32 $0x1400, s28;
	[sflag:s7] =	ssyncadd.s32 $0xFFFFE0C0  }
0xf9: {  	[spmem:s2] =	stream.indirect.scatter.add.f32 [tilespmem:s24], [sflag:$0x3], $0x40, s13, s23, $0xb8;
	[tilespmem:$0x1E200] =	vst v63  }
0xfa: {  	s30 =	sadd.s32 $0x1480, s28  }
0xfb: {  	[spmem:s2] =	stream.indirect.scatter.add.f32 [tilespmem:s26], [sflag:$0x3], $0x40, s30, s23, $0xb8;
	[tilespmem:$0x1E200] =	vst v63  }
0xfc: {  	s12 =	sadd.s32 $0x1500, s28  }
0xfd: {  	[spmem:s2] =	stream.indirect.scatter.add.f32 [tilespmem:s29], [sflag:$0x3], $0x40, s12, s23, $0xb8;
	[tilespmem:$0x1E200] =	vst v63  }
0xfe: {  	s13 =	sadd.s32 $0x1580, s28  }
0xff: {  	[spmem:s2] =	stream.indirect.scatter.add.f32 [tilespmem:s31], [sflag:$0x3], $0x40, s13, s23, $0xb8;
	[tilespmem:$0x1E200] =	vst v63  }
0x100: {  	_ =	swait.ge [sflag:s8], $0x1F40  }
0x101: {  	[sflag:s8] =	ssyncset.done $0x0  }
0x102: {  	[sflag:s8] =	ssyncadd.s32 $0xFFFFE0C0  }
0x103: {  	_ =	swait.ge [sflag:s8], $0x1F40  }
0x104: {  	[sflag:s8] =	ssyncset.done $0x0  }
0x105: {  	[sflag:s8] =	ssyncadd.s32 $0xFFFFE0C0  }
0x106: {  	_ =	swait.ge [sflag:s8], $0x1F40  }
0x107: {  	[sflag:s8] =	ssyncset.done $0x0  }
0x108: {  	[sflag:s8] =	ssyncadd.s32 $0xFFFFE0C0  }
0x109: {  	_ =	swait.ge [sflag:s8], $0x1F40  }
0x10a: {  	[sflag:s8] =	ssyncset.done $0x0  }
0x10b: {  	s30 =	sadd.s32 $0x400, s28;
	[sflag:s8] =	ssyncadd.s32 $0xFFFFE0C0  }
0x10c: {  	[tilespmem:s24], [sflag:$0x1] =	stream.indirect.gather [hbm4b:s11+s23], $0x40, s30, s23, $0xb8;
	[tilespmem:$0x1E200] =	vst v63  }
0x10d: {  	s12 =	sadd.s32 $0x480, s28  }
0x10e: {  	[tilespmem:s26], [sflag:$0x1] =	stream.indirect.gather [hbm4b:s11+s23], $0x40, s12, s23, $0xb8;
	[tilespmem:$0x1E200] =	vst v63  }
0x10f: {  	s13 =	sadd.s32 $0x500, s28  }
0x110: {  	[tilespmem:s29], [sflag:$0x1] =	stream.indirect.gather [hbm4b:s11+s23], $0x40, s13, s23, $0xb8;
	[tilespmem:$0x1E200] =	vst v63  }
0x111: {  	s30 =	sadd.s32 $0x580, s28  }
0x112: {  	[tilespmem:s31], [sflag:$0x1] =	stream.indirect.gather [hbm4b:s11+s23], $0x40, s30, s23, $0xb8;
	[tilespmem:$0x1E200] =	vst v63  }
0x113: {  	_ =	swait.ge [sflag:s9], $0x1F40  }
0x114: {  	[sflag:s9] =	ssyncset.done $0x0  }
0x115: {  	[sflag:s9] =	ssyncadd.s32 $0xFFFFE0C0  }
0x116: {  	_ =	swait.ge [sflag:s9], $0x1F40  }
0x117: {  	[sflag:s9] =	ssyncset.done $0x0  }
0x118: {  	[sflag:s9] =	ssyncadd.s32 $0xFFFFE0C0  }
0x119: {  	_ =	swait.ge [sflag:s9], $0x1F40  }
0x11a: {  	[sflag:s9] =	ssyncset.done $0x0  }
0x11b: {  	[sflag:s9] =	ssyncadd.s32 $0xFFFFE0C0  }
0x11c: {  	_ =	swait.ge [sflag:s9], $0x1F40  }
0x11d: {  	[sflag:s9] =	ssyncset.done $0x0  }
0x11e: {  	s12 =	sadd.s32 $0x1600, s28;
	[sflag:s9] =	ssyncadd.s32 $0xFFFFE0C0  }
0x11f: {  	[spmem:s2] =	stream.indirect.scatter.add.f32 [tilespmem:s0], [sflag:$0x3], $0x40, s12, s23, $0xb8;
	[tilespmem:$0x1E200] =	vst v63  }
0x120: {  	s13 =	sadd.s32 $0x1680, s28  }
0x121: {  	[spmem:s2] =	stream.indirect.scatter.add.f32 [tilespmem:s1], [sflag:$0x3], $0x40, s13, s23, $0xb8;
	[tilespmem:$0x1E200] =	vst v63  }
0x122: {  	s30 =	sadd.s32 $0x1700, s28  }
0x123: {  	[spmem:s2] =	stream.indirect.scatter.add.f32 [tilespmem:s5], [sflag:$0x3], $0x40, s30, s23, $0xb8;
	[tilespmem:$0x1E200] =	vst v63  }
0x124: {  	s12 =	sadd.s32 $0x1780, s28  }
0x125: {  	[spmem:s2] =	stream.indirect.scatter.add.f32 [tilespmem:s6], [sflag:$0x3], $0x40, s12, s23, $0xb8;
	[tilespmem:$0x1E200] =	vst v63  }
0x126: {  	_ =	swait.ge [sflag:s8], $0x1F40  }
0x127: {  	[sflag:s8] =	ssyncset.done $0x0  }
0x128: {  	[sflag:s8] =	ssyncadd.s32 $0xFFFFE0C0  }
0x129: {  	_ =	swait.ge [sflag:s8], $0x1F40  }
0x12a: {  	[sflag:s8] =	ssyncset.done $0x0  }
0x12b: {  	[sflag:s8] =	ssyncadd.s32 $0xFFFFE0C0  }
0x12c: {  	_ =	swait.ge [sflag:s8], $0x1F40  }
0x12d: {  	[sflag:s8] =	ssyncset.done $0x0  }
0x12e: {  	[sflag:s8] =	ssyncadd.s32 $0xFFFFE0C0  }
0x12f: {  	_ =	swait.ge [sflag:s8], $0x1F40  }
0x130: {  	[sflag:s8] =	ssyncset.done $0x0  }
0x131: {  	s13 =	simm.s32 $0x1200;
	[sflag:s8] =	ssyncadd.s32 $0xFFFFE0C0  }
0x132: {  	[tilespmem:s0], [sflag:$0x2] =	stream.indirect.gather [hbm4b:s11+s23], $0x40, s13, s23, $0xb8;
	[tilespmem:$0x1E200] =	vst v63  }
0x133: {  	s30 =	simm.s32 $0x1280  }
0x134: {  	[tilespmem:s1], [sflag:$0x2] =	stream.indirect.gather [hbm4b:s11+s23], $0x40, s30, s23, $0xb8;
	[tilespmem:$0x1E200] =	vst v63  }
0x135: {  	s12 =	simm.s32 $0x1300  }
0x136: {  	[tilespmem:s5], [sflag:$0x2] =	stream.indirect.gather [hbm4b:s11+s23], $0x40, s12, s23, $0xb8;
	[tilespmem:$0x1E200] =	vst v63  }
0x137: {  	s13 =	simm.s32 $0x1380  }
0x138: {  	[tilespmem:s6], [sflag:$0x2] =	stream.indirect.gather [hbm4b:s11+s23], $0x40, s13, s23, $0xb8;
	[tilespmem:$0x1E200] =	vst v63  }
0x139: {  	_ =	swait.ge [sflag:s7], $0x1F40  }
0x13a: {  	[sflag:s7] =	ssyncset.done $0x0  }
0x13b: {  	[sflag:s7] =	ssyncadd.s32 $0xFFFFE0C0  }
0x13c: {  	_ =	swait.ge [sflag:s7], $0x1F40  }
0x13d: {  	[sflag:s7] =	ssyncset.done $0x0  }
0x13e: {  	[sflag:s7] =	ssyncadd.s32 $0xFFFFE0C0  }
0x13f: {  	_ =	swait.ge [sflag:s7], $0x1F40  }
0x140: {  	[sflag:s7] =	ssyncset.done $0x0  }
0x141: {  	[sflag:s7] =	ssyncadd.s32 $0xFFFFE0C0  }
0x142: {  	_ =	swait.ge [sflag:s7], $0x1F40  }
0x143: {  	[sflag:s7] =	ssyncset.done $0x0  }
0x144: {  	[sflag:s7] =	ssyncadd.s32 $0xFFFFE0C0  }
0x145: {  	[spmem:s2] =	stream.indirect.scatter.add.f32 [tilespmem:s24], [sflag:$0x3], $0x40, s15, s23, $0xb8;
	[tilespmem:$0x1E200] =	vst v63  }
0x146: {  	_ = 	snop  }
0x147: {  	[spmem:s2] =	stream.indirect.scatter.add.f32 [tilespmem:s26], [sflag:$0x3], $0x40, s16, s23, $0xb8;
	[tilespmem:$0x1E200] =	vst v63  }
0x148: {  	_ = 	snop  }
0x149: {  	[spmem:s2] =	stream.indirect.scatter.add.f32 [tilespmem:s29], [sflag:$0x3], $0x40, s17, s23, $0xb8;
	[tilespmem:$0x1E200] =	vst v63  }
0x14a: {  	_ = 	snop  }
0x14b: {  	[spmem:s2] =	stream.indirect.scatter.add.f32 [tilespmem:s31], [sflag:$0x3], $0x40, s18, s23, $0xb8;
	[tilespmem:$0x1E200] =	vst v63  }
0x14c: {  	_ =	swait.ge [sflag:s8], $0x1F40  }
0x14d: {  	[sflag:s8] =	ssyncset.done $0x0  }
0x14e: {  	[sflag:s8] =	ssyncadd.s32 $0xFFFFE0C0  }
0x14f: {  	_ =	swait.ge [sflag:s8], $0x1F40  }
0x150: {  	[sflag:s8] =	ssyncset.done $0x0  }
0x151: {  	[sflag:s8] =	ssyncadd.s32 $0xFFFFE0C0  }
0x152: {  	_ =	swait.ge [sflag:s8], $0x1F40  }
0x153: {  	[sflag:s8] =	ssyncset.done $0x0  }
0x154: {  	[sflag:s8] =	ssyncadd.s32 $0xFFFFE0C0  }
0x155: {  	_ =	swait.ge [sflag:s8], $0x1F40  }
0x156: {  	[sflag:s8] =	ssyncset.done $0x0  }
0x157: {  	[sflag:s8] =	ssyncadd.s32 $0xFFFFE0C0  }
0x158: {  	_ =	swait.ge [sflag:s9], $0x1F40  }
0x159: {  	[sflag:s9] =	ssyncset.done $0x0  }
0x15a: {  	[sflag:s9] =	ssyncadd.s32 $0xFFFFE0C0  }
0x15b: {  	_ =	swait.ge [sflag:s9], $0x1F40  }
0x15c: {  	[sflag:s9] =	ssyncset.done $0x0  }
0x15d: {  	[sflag:s9] =	ssyncadd.s32 $0xFFFFE0C0  }
0x15e: {  	_ =	swait.ge [sflag:s9], $0x1F40  }
0x15f: {  	[sflag:s9] =	ssyncset.done $0x0  }
0x160: {  	[sflag:s9] =	ssyncadd.s32 $0xFFFFE0C0  }
0x161: {  	_ =	swait.ge [sflag:s9], $0x1F40  }
0x162: {  	[sflag:s9] =	ssyncset.done $0x0  }
0x163: {  	[sflag:s9] =	ssyncadd.s32 $0xFFFFE0C0  }
0x164: {  	[spmem:s2] =	stream.indirect.scatter.add.f32 [tilespmem:s0], [sflag:$0x3], $0x40, s19, s23, $0xb8;
	[tilespmem:$0x1E200] =	vst v63  }
0x165: {  	_ = 	snop  }
0x166: {  	[spmem:s2] =	stream.indirect.scatter.add.f32 [tilespmem:s1], [sflag:$0x3], $0x40, s4, s23, $0xb8;
	[tilespmem:$0x1E200] =	vst v63  }
0x167: {  	_ = 	snop  }
0x168: {  	[spmem:s2] =	stream.indirect.scatter.add.f32 [tilespmem:s5], [sflag:$0x3], $0x40, s22, s23, $0xb8;
	[tilespmem:$0x1E200] =	vst v63  }
0x169: {  	_ = 	snop  }
0x16a: {  	[spmem:s2] =	stream.indirect.scatter.add.f32 [tilespmem:s6], [sflag:$0x3], $0x40, s25, s23, $0xb8;
	[tilespmem:$0x1E200] =	vst v63  }
0x16b: {  	_ =	swait.ge [sflag:s8], $0x1F40  }
0x16c: {  	[sflag:s8] =	ssyncset.done $0x0  }
0x16d: {  	[sflag:s8] =	ssyncadd.s32 $0xFFFFE0C0  }
0x16e: {  	_ =	swait.ge [sflag:s8], $0x1F40  }
0x16f: {  	[sflag:s8] =	ssyncset.done $0x0  }
0x170: {  	[sflag:s8] =	ssyncadd.s32 $0xFFFFE0C0  }
0x171: {  	_ =	swait.ge [sflag:s8], $0x1F40  }
0x172: {  	[sflag:s8] =	ssyncset.done $0x0  }
0x173: {  	[sflag:s8] =	ssyncadd.s32 $0xFFFFE0C0  }
0x174: {  	_ =	swait.ge [sflag:s8], $0x1F40  }
0x175: {  	[sflag:s8] =	ssyncset.done $0x0  }
0x176: {  	s10 =	simm.s32 $0x0;
	s12 =	rddreg [dreg:$0xa];
	[sflag:s8] =	ssyncadd.s32 $0xFFFFE0C0  }
0x177: {  	[tilespmem:s10], [sflag:$0x4] =	stream.linear.gather [hbm4b:s12+s10], $0x1400, $0x38;
	[tilespmem:$0x1E200] =	vst v63  }
0x178: {  	_ =	swait.ge [sflag:s21], $0x1400  }
0x179: {  	[sflag:s21] =	ssyncset.done $0x0  }
0x17a: {  	s13 =	simm.s32 $0x1400;
	s30 =	rddreg [dreg:$0xb];
	[sflag:s21] =	ssyncadd.s32 $0xFFFFEC00  }
0x17b: {  	[tilespmem:s13], [sflag:$0x4] =	stream.linear.gather [hbm4b:s30+s10], $0x1400, $0x38;
	[tilespmem:$0x1E200] =	vst v63  }
0x17c: {  	_ =	swait.ge [sflag:s21], $0x1400  }
0x17d: {  	[sflag:s21] =	ssyncset.done $0x0  }
0x17e: {  	[sflag:s21] =	ssyncadd.s32 $0xFFFFEC00  }
0x17f: {  	[tilespmem:s24], [sflag:$0x1] =	stream.indirect.gather [hbm4b:s11+s23], $0x40, s10, s23, $0xb8;
	[tilespmem:$0x1E200] =	vst v63  }
0x180: {  	s30 =	simm.s32 $0x80  }
0x181: {  	[tilespmem:s26], [sflag:$0x1] =	stream.indirect.gather [hbm4b:s11+s23], $0x40, s30, s23, $0xb8;
	[tilespmem:$0x1E200] =	vst v63  }
0x182: {  	s12 =	simm.s32 $0x100  }
0x183: {  	[tilespmem:s29], [sflag:$0x1] =	stream.indirect.gather [hbm4b:s11+s23], $0x40, s12, s23, $0xb8;
	[tilespmem:$0x1E200] =	vst v63  }
0x184: {  	s13 =	simm.s32 $0x180  }
0x185: {  	[tilespmem:s31], [sflag:$0x1] =	stream.indirect.gather [hbm4b:s11+s23], $0x40, s13, s23, $0xb8;
	[tilespmem:$0x1E200] =	vst v63  }
0x186: {  	s30 =	simm.s32 $0x200  }
0x187: {  	[tilespmem:s0], [sflag:$0x2] =	stream.indirect.gather [hbm4b:s11+s23], $0x40, s30, s23, $0xb8;
	[tilespmem:$0x1E200] =	vst v63  }
0x188: {  	s12 =	simm.s32 $0x280  }
0x189: {  	[tilespmem:s1], [sflag:$0x2] =	stream.indirect.gather [hbm4b:s11+s23], $0x40, s12, s23, $0xb8;
	[tilespmem:$0x1E200] =	vst v63  }
0x18a: {  	s13 =	simm.s32 $0x300  }
0x18b: {  	[tilespmem:s5], [sflag:$0x2] =	stream.indirect.gather [hbm4b:s11+s23], $0x40, s13, s23, $0xb8;
	[tilespmem:$0x1E200] =	vst v63  }
0x18c: {  	s30 =	simm.s32 $0x380  }
0x18d: {  	[tilespmem:s6], [sflag:$0x2] =	stream.indirect.gather [hbm4b:s11+s23], $0x40, s30, s23, $0xb8;
	[tilespmem:$0x1E200] =	vst v63  }
0x18e: {  	_ =	swait.ge [sflag:s7], $0x1F40  }
0x18f: {  	[sflag:s7] =	ssyncset.done $0x0  }
0x190: {  	[sflag:s7] =	ssyncadd.s32 $0xFFFFE0C0  }
0x191: {  	_ =	swait.ge [sflag:s7], $0x1F40  }
0x192: {  	[sflag:s7] =	ssyncset.done $0x0  }
0x193: {  	[sflag:s7] =	ssyncadd.s32 $0xFFFFE0C0  }
0x194: {  	_ =	swait.ge [sflag:s7], $0x1F40  }
0x195: {  	[sflag:s7] =	ssyncset.done $0x0  }
0x196: {  	[sflag:s7] =	ssyncadd.s32 $0xFFFFE0C0  }
0x197: {  	_ =	swait.ge [sflag:s7], $0x1F40  }
0x198: {  	[sflag:s7] =	ssyncset.done $0x0  }
0x199: {  	s12 =	simm.s32 $0x1400;
	[sflag:s7] =	ssyncadd.s32 $0xFFFFE0C0  }
0x19a: {  	[spmem:s2] =	stream.indirect.scatter.add.f32 [tilespmem:s24], [sflag:$0x3], $0x40, s12, s23, $0xb8;
	[tilespmem:$0x1E200] =	vst v63  }
0x19b: {  	s13 =	simm.s32 $0x1480  }
0x19c: {  	[spmem:s2] =	stream.indirect.scatter.add.f32 [tilespmem:s26], [sflag:$0x3], $0x40, s13, s23, $0xb8;
	[tilespmem:$0x1E200] =	vst v63  }
0x19d: {  	s30 =	simm.s32 $0x1500  }
0x19e: {  	[spmem:s2] =	stream.indirect.scatter.add.f32 [tilespmem:s29], [sflag:$0x3], $0x40, s30, s23, $0xb8;
	[tilespmem:$0x1E200] =	vst v63  }
0x19f: {  	s12 =	simm.s32 $0x1580  }
0x1a0: {  	[spmem:s2] =	stream.indirect.scatter.add.f32 [tilespmem:s31], [sflag:$0x3], $0x40, s12, s23, $0xb8;
	[tilespmem:$0x1E200] =	vst v63  }
0x1a1: {  	_ =	swait.ge [sflag:s8], $0x1F40  }
0x1a2: {  	[sflag:s8] =	ssyncset.done $0x0  }
0x1a3: {  	[sflag:s8] =	ssyncadd.s32 $0xFFFFE0C0  }
0x1a4: {  	_ =	swait.ge [sflag:s8], $0x1F40  }
0x1a5: {  	[sflag:s8] =	ssyncset.done $0x0  }
0x1a6: {  	[sflag:s8] =	ssyncadd.s32 $0xFFFFE0C0  }
0x1a7: {  	_ =	swait.ge [sflag:s8], $0x1F40  }
0x1a8: {  	[sflag:s8] =	ssyncset.done $0x0  }
0x1a9: {  	[sflag:s8] =	ssyncadd.s32 $0xFFFFE0C0  }
0x1aa: {  	_ =	swait.ge [sflag:s8], $0x1F40  }
0x1ab: {  	[sflag:s8] =	ssyncset.done $0x0  }
0x1ac: {  	s13 =	simm.s32 $0x400;
	[sflag:s8] =	ssyncadd.s32 $0xFFFFE0C0  }
0x1ad: {  	[tilespmem:s24], [sflag:$0x1] =	stream.indirect.gather [hbm4b:s11+s23], $0x40, s13, s23, $0xb8;
	[tilespmem:$0x1E200] =	vst v63  }
0x1ae: {  	s30 =	simm.s32 $0x480  }
0x1af: {  	[tilespmem:s26], [sflag:$0x1] =	stream.indirect.gather [hbm4b:s11+s23], $0x40, s30, s23, $0xb8;
	[tilespmem:$0x1E200] =	vst v63  }
0x1b0: {  	s12 =	simm.s32 $0x500  }
0x1b1: {  	[tilespmem:s29], [sflag:$0x1] =	stream.indirect.gather [hbm4b:s11+s23], $0x40, s12, s23, $0xb8;
	[tilespmem:$0x1E200] =	vst v63  }
0x1b2: {  	s13 =	simm.s32 $0x580  }
0x1b3: {  	[tilespmem:s31], [sflag:$0x1] =	stream.indirect.gather [hbm4b:s11+s23], $0x40, s13, s23, $0xb8;
	[tilespmem:$0x1E200] =	vst v63  }
0x1b4: {  	_ =	swait.ge [sflag:s9], $0x1F40  }
0x1b5: {  	[sflag:s9] =	ssyncset.done $0x0  }
0x1b6: {  	[sflag:s9] =	ssyncadd.s32 $0xFFFFE0C0  }
0x1b7: {  	_ =	swait.ge [sflag:s9], $0x1F40  }
0x1b8: {  	[sflag:s9] =	ssyncset.done $0x0  }
0x1b9: {  	[sflag:s9] =	ssyncadd.s32 $0xFFFFE0C0  }
0x1ba: {  	_ =	swait.ge [sflag:s9], $0x1F40  }
0x1bb: {  	[sflag:s9] =	ssyncset.done $0x0  }
0x1bc: {  	[sflag:s9] =	ssyncadd.s32 $0xFFFFE0C0  }
0x1bd: {  	_ =	swait.ge [sflag:s9], $0x1F40  }
0x1be: {  	[sflag:s9] =	ssyncset.done $0x0  }
0x1bf: {  	s30 =	simm.s32 $0x1600;
	[sflag:s9] =	ssyncadd.s32 $0xFFFFE0C0  }
0x1c0: {  	[spmem:s2] =	stream.indirect.scatter.add.f32 [tilespmem:s0], [sflag:$0x3], $0x40, s30, s23, $0xb8;
	[tilespmem:$0x1E200] =	vst v63  }
0x1c1: {  	s12 =	simm.s32 $0x1680  }
0x1c2: {  	[spmem:s2] =	stream.indirect.scatter.add.f32 [tilespmem:s1], [sflag:$0x3], $0x40, s12, s23, $0xb8;
	[tilespmem:$0x1E200] =	vst v63  }
0x1c3: {  	s13 =	simm.s32 $0x1700  }
0x1c4: {  	[spmem:s2] =	stream.indirect.scatter.add.f32 [tilespmem:s5], [sflag:$0x3], $0x40, s13, s23, $0xb8;
	[tilespmem:$0x1E200] =	vst v63  }
0x1c5: {  	s30 =	simm.s32 $0x1780  }
0x1c6: {  	[spmem:s2] =	stream.indirect.scatter.add.f32 [tilespmem:s6], [sflag:$0x3], $0x40, s30, s23, $0xb8;
	[tilespmem:$0x1E200] =	vst v63  }
0x1c7: {  	_ =	swait.ge [sflag:s8], $0x1F40  }
0x1c8: {  	[sflag:s8] =	ssyncset.done $0x0  }
0x1c9: {  	[sflag:s8] =	ssyncadd.s32 $0xFFFFE0C0  }
0x1ca: {  	_ =	swait.ge [sflag:s8], $0x1F40  }
0x1cb: {  	[sflag:s8] =	ssyncset.done $0x0  }
0x1cc: {  	[sflag:s8] =	ssyncadd.s32 $0xFFFFE0C0  }
0x1cd: {  	_ =	swait.ge [sflag:s8], $0x1F40  }
0x1ce: {  	[sflag:s8] =	ssyncset.done $0x0  }
0x1cf: {  	[sflag:s8] =	ssyncadd.s32 $0xFFFFE0C0  }
0x1d0: {  	_ =	swait.ge [sflag:s8], $0x1F40  }
0x1d1: {  	s28 =	simm.s32 $0x400;
	s12 =	simm.s32 $0x2000;
	[sflag:s8] =	ssyncset.done $0x0  }
.LBB2_6:
0x1d2: {  	s13 =	sadd.s32 $0x200, s28  }
0x1d3: {  	[sflag:s8] =	ssyncadd.s32 $0xFFFFE0C0;
	s10 =	smov.u32 s12;
	s30 =	sadd.s32 $0x1000, s12  }
0x1d4: {  	[tilespmem:s0], [sflag:$0x2] =	stream.indirect.gather [hbm4b:s11+s23], $0x40, s13, s23, $0xb8;
	[tilespmem:$0x1E200] =	vst v63  }
0x1d5: {  	p0 =	sne.s32 s12, $0x3000;
	s12 =	sadd.s32 $0x280, s28  }
0x1d6: {  	[tilespmem:s1], [sflag:$0x2] =	stream.indirect.gather [hbm4b:s11+s23], $0x40, s12, s23, $0xb8;
	[tilespmem:$0x1E200] =	vst v63  }
0x1d7: {  	s12 =	sadd.s32 $0x300, s28  }
0x1d8: {  	[tilespmem:s5], [sflag:$0x2] =	stream.indirect.gather [hbm4b:s11+s23], $0x40, s12, s23, $0xb8;
	[tilespmem:$0x1E200] =	vst v63  }
0x1d9: {  	s12 =	sadd.s32 $0x380, s28  }
0x1da: {  	[tilespmem:s6], [sflag:$0x2] =	stream.indirect.gather [hbm4b:s11+s23], $0x40, s12, s23, $0xb8;
	[tilespmem:$0x1E200] =	vst v63  }
0x1db: {  	_ =	swait.ge [sflag:s7], $0x1F40  }
0x1dc: {  	[sflag:s7] =	ssyncset.done $0x0  }
0x1dd: {  	[sflag:s7] =	ssyncadd.s32 $0xFFFFE0C0  }
0x1de: {  	_ =	swait.ge [sflag:s7], $0x1F40  }
0x1df: {  	[sflag:s7] =	ssyncset.done $0x0  }
0x1e0: {  	[sflag:s7] =	ssyncadd.s32 $0xFFFFE0C0  }
0x1e1: {  	_ =	swait.ge [sflag:s7], $0x1F40  }
0x1e2: {  	[sflag:s7] =	ssyncset.done $0x0  }
0x1e3: {  	[sflag:s7] =	ssyncadd.s32 $0xFFFFE0C0  }
0x1e4: {  	_ =	swait.ge [sflag:s7], $0x1F40  }
0x1e5: {  	[sflag:s7] =	ssyncset.done $0x0  }
0x1e6: {  	s12 =	sadd.s32 $0x1400, s28;
	[sflag:s7] =	ssyncadd.s32 $0xFFFFE0C0  }
0x1e7: {  	[spmem:s2] =	stream.indirect.scatter.add.f32 [tilespmem:s24], [sflag:$0x3], $0x40, s12, s23, $0xb8;
	[tilespmem:$0x1E200] =	vst v63  }
0x1e8: {  	s12 =	sadd.s32 $0x1480, s28  }
0x1e9: {  	[spmem:s2] =	stream.indirect.scatter.add.f32 [tilespmem:s26], [sflag:$0x3], $0x40, s12, s23, $0xb8;
	[tilespmem:$0x1E200] =	vst v63  }
0x1ea: {  	s12 =	sadd.s32 $0x1500, s28  }
0x1eb: {  	[spmem:s2] =	stream.indirect.scatter.add.f32 [tilespmem:s29], [sflag:$0x3], $0x40, s12, s23, $0xb8;
	[tilespmem:$0x1E200] =	vst v63  }
0x1ec: {  	s12 =	sadd.s32 $0x1580, s28  }
0x1ed: {  	[spmem:s2] =	stream.indirect.scatter.add.f32 [tilespmem:s31], [sflag:$0x3], $0x40, s12, s23, $0xb8;
	[tilespmem:$0x1E200] =	vst v63  }
0x1ee: {  	_ =	swait.ge [sflag:s8], $0x1F40  }
0x1ef: {  	[sflag:s8] =	ssyncset.done $0x0  }
0x1f0: {  	[sflag:s8] =	ssyncadd.s32 $0xFFFFE0C0  }
0x1f1: {  	_ =	swait.ge [sflag:s8], $0x1F40  }
0x1f2: {  	[sflag:s8] =	ssyncset.done $0x0  }
0x1f3: {  	[sflag:s8] =	ssyncadd.s32 $0xFFFFE0C0  }
0x1f4: {  	_ =	swait.ge [sflag:s8], $0x1F40  }
0x1f5: {  	[sflag:s8] =	ssyncset.done $0x0  }
0x1f6: {  	[sflag:s8] =	ssyncadd.s32 $0xFFFFE0C0  }
0x1f7: {  	_ =	swait.ge [sflag:s8], $0x1F40  }
0x1f8: {  	[sflag:s8] =	ssyncset.done $0x0  }
0x1f9: {  	s12 =	sadd.s32 $0x400, s28;
	[sflag:s8] =	ssyncadd.s32 $0xFFFFE0C0  }
0x1fa: {  	[tilespmem:s24], [sflag:$0x1] =	stream.indirect.gather [hbm4b:s11+s23], $0x40, s12, s23, $0xb8;
	[tilespmem:$0x1E200] =	vst v63  }
0x1fb: {  	s12 =	sadd.s32 $0x480, s28  }
0x1fc: {  	[tilespmem:s26], [sflag:$0x1] =	stream.indirect.gather [hbm4b:s11+s23], $0x40, s12, s23, $0xb8;
	[tilespmem:$0x1E200] =	vst v63  }
0x1fd: {  	s12 =	sadd.s32 $0x500, s28  }
0x1fe: {  	[tilespmem:s29], [sflag:$0x1] =	stream.indirect.gather [hbm4b:s11+s23], $0x40, s12, s23, $0xb8;
	[tilespmem:$0x1E200] =	vst v63  }
0x1ff: {  	s12 =	sadd.s32 $0x580, s28  }
0x200: {  	[tilespmem:s31], [sflag:$0x1] =	stream.indirect.gather [hbm4b:s11+s23], $0x40, s12, s23, $0xb8;
	[tilespmem:$0x1E200] =	vst v63  }
0x201: {  	_ =	swait.ge [sflag:s9], $0x1F40  }
0x202: {  	[sflag:s9] =	ssyncset.done $0x0  }
0x203: {  	[sflag:s9] =	ssyncadd.s32 $0xFFFFE0C0  }
0x204: {  	_ =	swait.ge [sflag:s9], $0x1F40  }
0x205: {  	[sflag:s9] =	ssyncset.done $0x0  }
0x206: {  	[sflag:s9] =	ssyncadd.s32 $0xFFFFE0C0  }
0x207: {  	_ =	swait.ge [sflag:s9], $0x1F40  }
0x208: {  	[sflag:s9] =	ssyncset.done $0x0  }
0x209: {  	[sflag:s9] =	ssyncadd.s32 $0xFFFFE0C0  }
0x20a: {  	_ =	swait.ge [sflag:s9], $0x1F40  }
0x20b: {  	[sflag:s9] =	ssyncset.done $0x0  }
0x20c: {  	s12 =	sadd.s32 $0x1600, s28;
	[sflag:s9] =	ssyncadd.s32 $0xFFFFE0C0  }
0x20d: {  	[spmem:s2] =	stream.indirect.scatter.add.f32 [tilespmem:s0], [sflag:$0x3], $0x40, s12, s23, $0xb8;
	[tilespmem:$0x1E200] =	vst v63  }
0x20e: {  	s12 =	sadd.s32 $0x1680, s28  }
0x20f: {  	[spmem:s2] =	stream.indirect.scatter.add.f32 [tilespmem:s1], [sflag:$0x3], $0x40, s12, s23, $0xb8;
	[tilespmem:$0x1E200] =	vst v63  }
0x210: {  	s12 =	sadd.s32 $0x1700, s28  }
0x211: {  	[spmem:s2] =	stream.indirect.scatter.add.f32 [tilespmem:s5], [sflag:$0x3], $0x40, s12, s23, $0xb8;
	[tilespmem:$0x1E200] =	vst v63  }
0x212: {  	s12 =	sadd.s32 $0x1780, s28  }
0x213: {  	[spmem:s2] =	stream.indirect.scatter.add.f32 [tilespmem:s6], [sflag:$0x3], $0x40, s12, s23, $0xb8;
	[tilespmem:$0x1E200] =	vst v63  }
0x214: {  	_ =	swait.ge [sflag:s8], $0x1F40  }
0x215: {  	[sflag:s8] =	ssyncset.done $0x0  }
0x216: {  	[sflag:s8] =	ssyncadd.s32 $0xFFFFE0C0  }
0x217: {  	_ =	swait.ge [sflag:s8], $0x1F40  }
0x218: {  	[sflag:s8] =	ssyncset.done $0x0  }
0x219: {  	[sflag:s8] =	ssyncadd.s32 $0xFFFFE0C0  }
.Ltmp2:
0x21a: {  	_ =	swait.ge [sflag:s8], $0x1F40;
	(pc) =	sbr.rel @p0 .LBB2_6-.Ltmp2, $4  }
0x21b: {  	[sflag:s8] =	ssyncset.done $0x0  }
0x21c: {  	[sflag:s8] =	ssyncadd.s32 $0xFFFFE0C0  }
0x21d: {  	_ =	swait.ge [sflag:s8], $0x1F40  }
0x21e: {  	s28 =	sshra.s32 s10, $0x2;
	s12 =	smov.u32 s30;
	[sflag:s8] =	ssyncset.done $0x0  }
0x21f: {  	s10 =	sadd.s32 $0x200, s28;
	[sflag:s8] =	ssyncadd.s32 $0xFFFFE0C0  }
0x220: {  	[tilespmem:s0], [sflag:$0x2] =	stream.indirect.gather [hbm4b:s11+s23], $0x40, s10, s23, $0xb8;
	[tilespmem:$0x1E200] =	vst v63  }
0x221: {  	s13 =	sadd.s32 $0x280, s28  }
0x222: {  	[tilespmem:s1], [sflag:$0x2] =	stream.indirect.gather [hbm4b:s11+s23], $0x40, s13, s23, $0xb8;
	[tilespmem:$0x1E200] =	vst v63  }
0x223: {  	s30 =	sadd.s32 $0x300, s28  }
0x224: {  	[tilespmem:s5], [sflag:$0x2] =	stream.indirect.gather [hbm4b:s11+s23], $0x40, s30, s23, $0xb8;
	[tilespmem:$0x1E200] =	vst v63  }
0x225: {  	s12 =	sadd.s32 $0x380, s28  }
0x226: {  	[tilespmem:s6], [sflag:$0x2] =	stream.indirect.gather [hbm4b:s11+s23], $0x40, s12, s23, $0xb8;
	[tilespmem:$0x1E200] =	vst v63  }
0x227: {  	_ =	swait.ge [sflag:s7], $0x1F40  }
0x228: {  	[sflag:s7] =	ssyncset.done $0x0  }
0x229: {  	[sflag:s7] =	ssyncadd.s32 $0xFFFFE0C0  }
0x22a: {  	_ =	swait.ge [sflag:s7], $0x1F40  }
0x22b: {  	[sflag:s7] =	ssyncset.done $0x0  }
0x22c: {  	[sflag:s7] =	ssyncadd.s32 $0xFFFFE0C0  }
0x22d: {  	_ =	swait.ge [sflag:s7], $0x1F40  }
0x22e: {  	[sflag:s7] =	ssyncset.done $0x0  }
0x22f: {  	[sflag:s7] =	ssyncadd.s32 $0xFFFFE0C0  }
0x230: {  	_ =	swait.ge [sflag:s7], $0x1F40  }
0x231: {  	[sflag:s7] =	ssyncset.done $0x0  }
0x232: {  	s13 =	sadd.s32 $0x1400, s28;
	[sflag:s7] =	ssyncadd.s32 $0xFFFFE0C0  }
0x233: {  	[spmem:s2] =	stream.indirect.scatter.add.f32 [tilespmem:s24], [sflag:$0x3], $0x40, s13, s23, $0xb8;
	[tilespmem:$0x1E200] =	vst v63  }
0x234: {  	s30 =	sadd.s32 $0x1480, s28  }
0x235: {  	[spmem:s2] =	stream.indirect.scatter.add.f32 [tilespmem:s26], [sflag:$0x3], $0x40, s30, s23, $0xb8;
	[tilespmem:$0x1E200] =	vst v63  }
0x236: {  	s12 =	sadd.s32 $0x1500, s28  }
0x237: {  	[spmem:s2] =	stream.indirect.scatter.add.f32 [tilespmem:s29], [sflag:$0x3], $0x40, s12, s23, $0xb8;
	[tilespmem:$0x1E200] =	vst v63  }
0x238: {  	s13 =	sadd.s32 $0x1580, s28  }
0x239: {  	[spmem:s2] =	stream.indirect.scatter.add.f32 [tilespmem:s31], [sflag:$0x3], $0x40, s13, s23, $0xb8;
	[tilespmem:$0x1E200] =	vst v63  }
0x23a: {  	_ =	swait.ge [sflag:s8], $0x1F40  }
0x23b: {  	[sflag:s8] =	ssyncset.done $0x0  }
0x23c: {  	[sflag:s8] =	ssyncadd.s32 $0xFFFFE0C0  }
0x23d: {  	_ =	swait.ge [sflag:s8], $0x1F40  }
0x23e: {  	[sflag:s8] =	ssyncset.done $0x0  }
0x23f: {  	[sflag:s8] =	ssyncadd.s32 $0xFFFFE0C0  }
0x240: {  	_ =	swait.ge [sflag:s8], $0x1F40  }
0x241: {  	[sflag:s8] =	ssyncset.done $0x0  }
0x242: {  	[sflag:s8] =	ssyncadd.s32 $0xFFFFE0C0  }
0x243: {  	_ =	swait.ge [sflag:s8], $0x1F40  }
0x244: {  	[sflag:s8] =	ssyncset.done $0x0  }
0x245: {  	s30 =	sadd.s32 $0x400, s28;
	[sflag:s8] =	ssyncadd.s32 $0xFFFFE0C0  }
0x246: {  	[tilespmem:s24], [sflag:$0x1] =	stream.indirect.gather [hbm4b:s11+s23], $0x40, s30, s23, $0xb8;
	[tilespmem:$0x1E200] =	vst v63  }
0x247: {  	s12 =	sadd.s32 $0x480, s28  }
0x248: {  	[tilespmem:s26], [sflag:$0x1] =	stream.indirect.gather [hbm4b:s11+s23], $0x40, s12, s23, $0xb8;
	[tilespmem:$0x1E200] =	vst v63  }
0x249: {  	s13 =	sadd.s32 $0x500, s28  }
0x24a: {  	[tilespmem:s29], [sflag:$0x1] =	stream.indirect.gather [hbm4b:s11+s23], $0x40, s13, s23, $0xb8;
	[tilespmem:$0x1E200] =	vst v63  }
0x24b: {  	s30 =	sadd.s32 $0x580, s28  }
0x24c: {  	[tilespmem:s31], [sflag:$0x1] =	stream.indirect.gather [hbm4b:s11+s23], $0x40, s30, s23, $0xb8;
	[tilespmem:$0x1E200] =	vst v63  }
0x24d: {  	_ =	swait.ge [sflag:s9], $0x1F40  }
0x24e: {  	[sflag:s9] =	ssyncset.done $0x0  }
0x24f: {  	[sflag:s9] =	ssyncadd.s32 $0xFFFFE0C0  }
0x250: {  	_ =	swait.ge [sflag:s9], $0x1F40  }
0x251: {  	[sflag:s9] =	ssyncset.done $0x0  }
0x252: {  	[sflag:s9] =	ssyncadd.s32 $0xFFFFE0C0  }
0x253: {  	_ =	swait.ge [sflag:s9], $0x1F40  }
0x254: {  	[sflag:s9] =	ssyncset.done $0x0  }
0x255: {  	[sflag:s9] =	ssyncadd.s32 $0xFFFFE0C0  }
0x256: {  	_ =	swait.ge [sflag:s9], $0x1F40  }
0x257: {  	[sflag:s9] =	ssyncset.done $0x0  }
0x258: {  	s12 =	sadd.s32 $0x1600, s28;
	[sflag:s9] =	ssyncadd.s32 $0xFFFFE0C0  }
0x259: {  	[spmem:s2] =	stream.indirect.scatter.add.f32 [tilespmem:s0], [sflag:$0x3], $0x40, s12, s23, $0xb8;
	[tilespmem:$0x1E200] =	vst v63  }
0x25a: {  	s13 =	sadd.s32 $0x1680, s28  }
0x25b: {  	[spmem:s2] =	stream.indirect.scatter.add.f32 [tilespmem:s1], [sflag:$0x3], $0x40, s13, s23, $0xb8;
	[tilespmem:$0x1E200] =	vst v63  }
0x25c: {  	s30 =	sadd.s32 $0x1700, s28  }
0x25d: {  	[spmem:s2] =	stream.indirect.scatter.add.f32 [tilespmem:s5], [sflag:$0x3], $0x40, s30, s23, $0xb8;
	[tilespmem:$0x1E200] =	vst v63  }
0x25e: {  	s12 =	sadd.s32 $0x1780, s28  }
0x25f: {  	[spmem:s2] =	stream.indirect.scatter.add.f32 [tilespmem:s6], [sflag:$0x3], $0x40, s12, s23, $0xb8;
	[tilespmem:$0x1E200] =	vst v63  }
0x260: {  	_ =	swait.ge [sflag:s8], $0x1F40  }
0x261: {  	[sflag:s8] =	ssyncset.done $0x0  }
0x262: {  	[sflag:s8] =	ssyncadd.s32 $0xFFFFE0C0  }
0x263: {  	_ =	swait.ge [sflag:s8], $0x1F40  }
0x264: {  	[sflag:s8] =	ssyncset.done $0x0  }
0x265: {  	[sflag:s8] =	ssyncadd.s32 $0xFFFFE0C0  }
0x266: {  	_ =	swait.ge [sflag:s8], $0x1F40  }
0x267: {  	[sflag:s8] =	ssyncset.done $0x0  }
0x268: {  	[sflag:s8] =	ssyncadd.s32 $0xFFFFE0C0  }
0x269: {  	_ =	swait.ge [sflag:s8], $0x1F40  }
0x26a: {  	[sflag:s8] =	ssyncset.done $0x0  }
0x26b: {  	s13 =	simm.s32 $0x1200;
	[sflag:s8] =	ssyncadd.s32 $0xFFFFE0C0  }
0x26c: {  	[tilespmem:s0], [sflag:$0x2] =	stream.indirect.gather [hbm4b:s11+s23], $0x40, s13, s23, $0xb8;
	[tilespmem:$0x1E200] =	vst v63  }
0x26d: {  	s30 =	simm.s32 $0x1280  }
0x26e: {  	[tilespmem:s1], [sflag:$0x2] =	stream.indirect.gather [hbm4b:s11+s23], $0x40, s30, s23, $0xb8;
	[tilespmem:$0x1E200] =	vst v63  }
0x26f: {  	s12 =	simm.s32 $0x1300  }
0x270: {  	[tilespmem:s5], [sflag:$0x2] =	stream.indirect.gather [hbm4b:s11+s23], $0x40, s12, s23, $0xb8;
	[tilespmem:$0x1E200] =	vst v63  }
0x271: {  	s13 =	simm.s32 $0x1380  }
0x272: {  	[tilespmem:s6], [sflag:$0x2] =	stream.indirect.gather [hbm4b:s11+s23], $0x40, s13, s23, $0xb8;
	[tilespmem:$0x1E200] =	vst v63  }
0x273: {  	_ =	swait.ge [sflag:s7], $0x1F40  }
0x274: {  	[sflag:s7] =	ssyncset.done $0x0  }
0x275: {  	[sflag:s7] =	ssyncadd.s32 $0xFFFFE0C0  }
0x276: {  	_ =	swait.ge [sflag:s7], $0x1F40  }
0x277: {  	[sflag:s7] =	ssyncset.done $0x0  }
0x278: {  	[sflag:s7] =	ssyncadd.s32 $0xFFFFE0C0  }
0x279: {  	_ =	swait.ge [sflag:s7], $0x1F40  }
0x27a: {  	[sflag:s7] =	ssyncset.done $0x0  }
0x27b: {  	[sflag:s7] =	ssyncadd.s32 $0xFFFFE0C0  }
0x27c: {  	_ =	swait.ge [sflag:s7], $0x1F40  }
0x27d: {  	[sflag:s7] =	ssyncset.done $0x0  }
0x27e: {  	[sflag:s7] =	ssyncadd.s32 $0xFFFFE0C0  }
0x27f: {  	[spmem:s2] =	stream.indirect.scatter.add.f32 [tilespmem:s24], [sflag:$0x3], $0x40, s15, s23, $0xb8;
	[tilespmem:$0x1E200] =	vst v63  }
0x280: {  	_ = 	snop  }
0x281: {  	[spmem:s2] =	stream.indirect.scatter.add.f32 [tilespmem:s26], [sflag:$0x3], $0x40, s16, s23, $0xb8;
	[tilespmem:$0x1E200] =	vst v63  }
0x282: {  	_ = 	snop  }
0x283: {  	[spmem:s2] =	stream.indirect.scatter.add.f32 [tilespmem:s29], [sflag:$0x3], $0x40, s17, s23, $0xb8;
	[tilespmem:$0x1E200] =	vst v63  }
0x284: {  	_ = 	snop  }
0x285: {  	[spmem:s2] =	stream.indirect.scatter.add.f32 [tilespmem:s31], [sflag:$0x3], $0x40, s18, s23, $0xb8;
	[tilespmem:$0x1E200] =	vst v63  }
0x286: {  	_ =	swait.ge [sflag:s8], $0x1F40  }
0x287: {  	[sflag:s8] =	ssyncset.done $0x0  }
0x288: {  	[sflag:s8] =	ssyncadd.s32 $0xFFFFE0C0  }
0x289: {  	_ =	swait.ge [sflag:s8], $0x1F40  }
0x28a: {  	[sflag:s8] =	ssyncset.done $0x0  }
0x28b: {  	[sflag:s8] =	ssyncadd.s32 $0xFFFFE0C0  }
0x28c: {  	_ =	swait.ge [sflag:s8], $0x1F40  }
0x28d: {  	[sflag:s8] =	ssyncset.done $0x0  }
0x28e: {  	[sflag:s8] =	ssyncadd.s32 $0xFFFFE0C0  }
0x28f: {  	_ =	swait.ge [sflag:s8], $0x1F40  }
0x290: {  	[sflag:s8] =	ssyncset.done $0x0  }
0x291: {  	[sflag:s8] =	ssyncadd.s32 $0xFFFFE0C0  }
0x292: {  	_ =	swait.ge [sflag:s9], $0x1F40  }
0x293: {  	[sflag:s9] =	ssyncset.done $0x0  }
0x294: {  	[sflag:s9] =	ssyncadd.s32 $0xFFFFE0C0  }
0x295: {  	_ =	swait.ge [sflag:s9], $0x1F40  }
0x296: {  	[sflag:s9] =	ssyncset.done $0x0  }
0x297: {  	[sflag:s9] =	ssyncadd.s32 $0xFFFFE0C0  }
0x298: {  	_ =	swait.ge [sflag:s9], $0x1F40  }
0x299: {  	[sflag:s9] =	ssyncset.done $0x0  }
0x29a: {  	[sflag:s9] =	ssyncadd.s32 $0xFFFFE0C0  }
0x29b: {  	_ =	swait.ge [sflag:s9], $0x1F40  }
0x29c: {  	[sflag:s9] =	ssyncset.done $0x0  }
0x29d: {  	[sflag:s9] =	ssyncadd.s32 $0xFFFFE0C0  }
0x29e: {  	[spmem:s2] =	stream.indirect.scatter.add.f32 [tilespmem:s0], [sflag:$0x3], $0x40, s19, s23, $0xb8;
	[tilespmem:$0x1E200] =	vst v63  }
0x29f: {  	_ = 	snop  }
0x2a0: {  	[spmem:s2] =	stream.indirect.scatter.add.f32 [tilespmem:s1], [sflag:$0x3], $0x40, s4, s23, $0xb8;
	[tilespmem:$0x1E200] =	vst v63  }
0x2a1: {  	_ = 	snop  }
0x2a2: {  	[spmem:s2] =	stream.indirect.scatter.add.f32 [tilespmem:s5], [sflag:$0x3], $0x40, s22, s23, $0xb8;
	[tilespmem:$0x1E200] =	vst v63  }
0x2a3: {  	_ = 	snop  }
0x2a4: {  	[spmem:s2] =	stream.indirect.scatter.add.f32 [tilespmem:s6], [sflag:$0x3], $0x40, s25, s23, $0xb8;
	[tilespmem:$0x1E200] =	vst v63  }
0x2a5: {  	_ =	swait.ge [sflag:s8], $0x1F40  }
0x2a6: {  	[sflag:s8] =	ssyncset.done $0x0  }
0x2a7: {  	[sflag:s8] =	ssyncadd.s32 $0xFFFFE0C0  }
0x2a8: {  	_ =	swait.ge [sflag:s8], $0x1F40  }
0x2a9: {  	[sflag:s8] =	ssyncset.done $0x0  }
0x2aa: {  	[sflag:s8] =	ssyncadd.s32 $0xFFFFE0C0  }
0x2ab: {  	_ =	swait.ge [sflag:s8], $0x1F40  }
0x2ac: {  	[sflag:s8] =	ssyncset.done $0x0  }
0x2ad: {  	[sflag:s8] =	ssyncadd.s32 $0xFFFFE0C0  }
0x2ae: {  	_ =	swait.ge [sflag:s8], $0x1F40  }
0x2af: {  	[sflag:s8] =	ssyncset.done $0x0  }
0x2b0: {  	s10 =	simm.s32 $0x0;
	s12 =	rddreg [dreg:$0xc];
	[sflag:s8] =	ssyncadd.s32 $0xFFFFE0C0  }
0x2b1: {  	[tilespmem:s10], [sflag:$0x4] =	stream.linear.gather [hbm4b:s12+s10], $0x1400, $0x38;
	[tilespmem:$0x1E200] =	vst v63  }
0x2b2: {  	_ =	swait.ge [sflag:s21], $0x1400  }
0x2b3: {  	[sflag:s21] =	ssyncset.done $0x0  }
0x2b4: {  	s13 =	simm.s32 $0x1400;
	s30 =	rddreg [dreg:$0xd];
	[sflag:s21] =	ssyncadd.s32 $0xFFFFEC00  }
0x2b5: {  	[tilespmem:s13], [sflag:$0x4] =	stream.linear.gather [hbm4b:s30+s10], $0x1400, $0x38;
	[tilespmem:$0x1E200] =	vst v63  }
0x2b6: {  	_ =	swait.ge [sflag:s21], $0x1400  }
0x2b7: {  	[sflag:s21] =	ssyncset.done $0x0  }
0x2b8: {  	[sflag:s21] =	ssyncadd.s32 $0xFFFFEC00  }
0x2b9: {  	[tilespmem:s24], [sflag:$0x1] =	stream.indirect.gather [hbm4b:s11+s23], $0x40, s10, s23, $0xb8;
	[tilespmem:$0x1E200] =	vst v63  }
0x2ba: {  	s30 =	simm.s32 $0x80  }
0x2bb: {  	[tilespmem:s26], [sflag:$0x1] =	stream.indirect.gather [hbm4b:s11+s23], $0x40, s30, s23, $0xb8;
	[tilespmem:$0x1E200] =	vst v63  }
0x2bc: {  	s12 =	simm.s32 $0x100  }
0x2bd: {  	[tilespmem:s29], [sflag:$0x1] =	stream.indirect.gather [hbm4b:s11+s23], $0x40, s12, s23, $0xb8;
	[tilespmem:$0x1E200] =	vst v63  }
0x2be: {  	s13 =	simm.s32 $0x180  }
0x2bf: {  	[tilespmem:s31], [sflag:$0x1] =	stream.indirect.gather [hbm4b:s11+s23], $0x40, s13, s23, $0xb8;
	[tilespmem:$0x1E200] =	vst v63  }
0x2c0: {  	s30 =	simm.s32 $0x200  }
0x2c1: {  	[tilespmem:s0], [sflag:$0x2] =	stream.indirect.gather [hbm4b:s11+s23], $0x40, s30, s23, $0xb8;
	[tilespmem:$0x1E200] =	vst v63  }
0x2c2: {  	s12 =	simm.s32 $0x280  }
0x2c3: {  	[tilespmem:s1], [sflag:$0x2] =	stream.indirect.gather [hbm4b:s11+s23], $0x40, s12, s23, $0xb8;
	[tilespmem:$0x1E200] =	vst v63  }
0x2c4: {  	s13 =	simm.s32 $0x300  }
0x2c5: {  	[tilespmem:s5], [sflag:$0x2] =	stream.indirect.gather [hbm4b:s11+s23], $0x40, s13, s23, $0xb8;
	[tilespmem:$0x1E200] =	vst v63  }
0x2c6: {  	s30 =	simm.s32 $0x380  }
0x2c7: {  	[tilespmem:s6], [sflag:$0x2] =	stream.indirect.gather [hbm4b:s11+s23], $0x40, s30, s23, $0xb8;
	[tilespmem:$0x1E200] =	vst v63  }
0x2c8: {  	_ =	swait.ge [sflag:s7], $0x1F40  }
0x2c9: {  	[sflag:s7] =	ssyncset.done $0x0  }
0x2ca: {  	[sflag:s7] =	ssyncadd.s32 $0xFFFFE0C0  }
0x2cb: {  	_ =	swait.ge [sflag:s7], $0x1F40  }
0x2cc: {  	[sflag:s7] =	ssyncset.done $0x0  }
0x2cd: {  	[sflag:s7] =	ssyncadd.s32 $0xFFFFE0C0  }
0x2ce: {  	_ =	swait.ge [sflag:s7], $0x1F40  }
0x2cf: {  	[sflag:s7] =	ssyncset.done $0x0  }
0x2d0: {  	[sflag:s7] =	ssyncadd.s32 $0xFFFFE0C0  }
0x2d1: {  	_ =	swait.ge [sflag:s7], $0x1F40  }
0x2d2: {  	[sflag:s7] =	ssyncset.done $0x0  }
0x2d3: {  	s12 =	simm.s32 $0x1400;
	[sflag:s7] =	ssyncadd.s32 $0xFFFFE0C0  }
0x2d4: {  	[spmem:s2] =	stream.indirect.scatter.add.f32 [tilespmem:s24], [sflag:$0x3], $0x40, s12, s23, $0xb8;
	[tilespmem:$0x1E200] =	vst v63  }
0x2d5: {  	s13 =	simm.s32 $0x1480  }
0x2d6: {  	[spmem:s2] =	stream.indirect.scatter.add.f32 [tilespmem:s26], [sflag:$0x3], $0x40, s13, s23, $0xb8;
	[tilespmem:$0x1E200] =	vst v63  }
0x2d7: {  	s30 =	simm.s32 $0x1500  }
0x2d8: {  	[spmem:s2] =	stream.indirect.scatter.add.f32 [tilespmem:s29], [sflag:$0x3], $0x40, s30, s23, $0xb8;
	[tilespmem:$0x1E200] =	vst v63  }
0x2d9: {  	s12 =	simm.s32 $0x1580  }
0x2da: {  	[spmem:s2] =	stream.indirect.scatter.add.f32 [tilespmem:s31], [sflag:$0x3], $0x40, s12, s23, $0xb8;
	[tilespmem:$0x1E200] =	vst v63  }
0x2db: {  	_ =	swait.ge [sflag:s8], $0x1F40  }
0x2dc: {  	[sflag:s8] =	ssyncset.done $0x0  }
0x2dd: {  	[sflag:s8] =	ssyncadd.s32 $0xFFFFE0C0  }
0x2de: {  	_ =	swait.ge [sflag:s8], $0x1F40  }
0x2df: {  	[sflag:s8] =	ssyncset.done $0x0  }
0x2e0: {  	[sflag:s8] =	ssyncadd.s32 $0xFFFFE0C0  }
0x2e1: {  	_ =	swait.ge [sflag:s8], $0x1F40  }
0x2e2: {  	[sflag:s8] =	ssyncset.done $0x0  }
0x2e3: {  	[sflag:s8] =	ssyncadd.s32 $0xFFFFE0C0  }
0x2e4: {  	_ =	swait.ge [sflag:s8], $0x1F40  }
0x2e5: {  	[sflag:s8] =	ssyncset.done $0x0  }
0x2e6: {  	s13 =	simm.s32 $0x400;
	[sflag:s8] =	ssyncadd.s32 $0xFFFFE0C0  }
0x2e7: {  	[tilespmem:s24], [sflag:$0x1] =	stream.indirect.gather [hbm4b:s11+s23], $0x40, s13, s23, $0xb8;
	[tilespmem:$0x1E200] =	vst v63  }
0x2e8: {  	s30 =	simm.s32 $0x480  }
0x2e9: {  	[tilespmem:s26], [sflag:$0x1] =	stream.indirect.gather [hbm4b:s11+s23], $0x40, s30, s23, $0xb8;
	[tilespmem:$0x1E200] =	vst v63  }
0x2ea: {  	s12 =	simm.s32 $0x500  }
0x2eb: {  	[tilespmem:s29], [sflag:$0x1] =	stream.indirect.gather [hbm4b:s11+s23], $0x40, s12, s23, $0xb8;
	[tilespmem:$0x1E200] =	vst v63  }
0x2ec: {  	s13 =	simm.s32 $0x580  }
0x2ed: {  	[tilespmem:s31], [sflag:$0x1] =	stream.indirect.gather [hbm4b:s11+s23], $0x40, s13, s23, $0xb8;
	[tilespmem:$0x1E200] =	vst v63  }
0x2ee: {  	_ =	swait.ge [sflag:s9], $0x1F40  }
0x2ef: {  	[sflag:s9] =	ssyncset.done $0x0  }
0x2f0: {  	[sflag:s9] =	ssyncadd.s32 $0xFFFFE0C0  }
0x2f1: {  	_ =	swait.ge [sflag:s9], $0x1F40  }
0x2f2: {  	[sflag:s9] =	ssyncset.done $0x0  }
0x2f3: {  	[sflag:s9] =	ssyncadd.s32 $0xFFFFE0C0  }
0x2f4: {  	_ =	swait.ge [sflag:s9], $0x1F40  }
0x2f5: {  	[sflag:s9] =	ssyncset.done $0x0  }
0x2f6: {  	[sflag:s9] =	ssyncadd.s32 $0xFFFFE0C0  }
0x2f7: {  	_ =	swait.ge [sflag:s9], $0x1F40  }
0x2f8: {  	[sflag:s9] =	ssyncset.done $0x0  }
0x2f9: {  	s30 =	simm.s32 $0x1600;
	[sflag:s9] =	ssyncadd.s32 $0xFFFFE0C0  }
0x2fa: {  	[spmem:s2] =	stream.indirect.scatter.add.f32 [tilespmem:s0], [sflag:$0x3], $0x40, s30, s23, $0xb8;
	[tilespmem:$0x1E200] =	vst v63  }
0x2fb: {  	s12 =	simm.s32 $0x1680  }
0x2fc: {  	[spmem:s2] =	stream.indirect.scatter.add.f32 [tilespmem:s1], [sflag:$0x3], $0x40, s12, s23, $0xb8;
	[tilespmem:$0x1E200] =	vst v63  }
0x2fd: {  	s13 =	simm.s32 $0x1700  }
0x2fe: {  	[spmem:s2] =	stream.indirect.scatter.add.f32 [tilespmem:s5], [sflag:$0x3], $0x40, s13, s23, $0xb8;
	[tilespmem:$0x1E200] =	vst v63  }
0x2ff: {  	s30 =	simm.s32 $0x1780  }
0x300: {  	[spmem:s2] =	stream.indirect.scatter.add.f32 [tilespmem:s6], [sflag:$0x3], $0x40, s30, s23, $0xb8;
	[tilespmem:$0x1E200] =	vst v63  }
0x301: {  	_ =	swait.ge [sflag:s8], $0x1F40  }
0x302: {  	[sflag:s8] =	ssyncset.done $0x0  }
0x303: {  	[sflag:s8] =	ssyncadd.s32 $0xFFFFE0C0  }
0x304: {  	_ =	swait.ge [sflag:s8], $0x1F40  }
0x305: {  	[sflag:s8] =	ssyncset.done $0x0  }
0x306: {  	[sflag:s8] =	ssyncadd.s32 $0xFFFFE0C0  }
0x307: {  	_ =	swait.ge [sflag:s8], $0x1F40  }
0x308: {  	[sflag:s8] =	ssyncset.done $0x0  }
0x309: {  	[sflag:s8] =	ssyncadd.s32 $0xFFFFE0C0  }
0x30a: {  	_ =	swait.ge [sflag:s8], $0x1F40  }
0x30b: {  	s28 =	simm.s32 $0x400;
	s12 =	simm.s32 $0x2000;
	[sflag:s8] =	ssyncset.done $0x0  }
.LBB2_8:
0x30c: {  	s13 =	sadd.s32 $0x200, s28  }
0x30d: {  	[sflag:s8] =	ssyncadd.s32 $0xFFFFE0C0;
	s10 =	smov.u32 s12;
	s30 =	sadd.s32 $0x1000, s12  }
0x30e: {  	[tilespmem:s0], [sflag:$0x2] =	stream.indirect.gather [hbm4b:s11+s23], $0x40, s13, s23, $0xb8;
	[tilespmem:$0x1E200] =	vst v63  }
0x30f: {  	p0 =	sne.s32 s12, $0x3000;
	s12 =	sadd.s32 $0x280, s28  }
0x310: {  	[tilespmem:s1], [sflag:$0x2] =	stream.indirect.gather [hbm4b:s11+s23], $0x40, s12, s23, $0xb8;
	[tilespmem:$0x1E200] =	vst v63  }
0x311: {  	s12 =	sadd.s32 $0x300, s28  }
0x312: {  	[tilespmem:s5], [sflag:$0x2] =	stream.indirect.gather [hbm4b:s11+s23], $0x40, s12, s23, $0xb8;
	[tilespmem:$0x1E200] =	vst v63  }
0x313: {  	s12 =	sadd.s32 $0x380, s28  }
0x314: {  	[tilespmem:s6], [sflag:$0x2] =	stream.indirect.gather [hbm4b:s11+s23], $0x40, s12, s23, $0xb8;
	[tilespmem:$0x1E200] =	vst v63  }
0x315: {  	_ =	swait.ge [sflag:s7], $0x1F40  }
0x316: {  	[sflag:s7] =	ssyncset.done $0x0  }
0x317: {  	[sflag:s7] =	ssyncadd.s32 $0xFFFFE0C0  }
0x318: {  	_ =	swait.ge [sflag:s7], $0x1F40  }
0x319: {  	[sflag:s7] =	ssyncset.done $0x0  }
0x31a: {  	[sflag:s7] =	ssyncadd.s32 $0xFFFFE0C0  }
0x31b: {  	_ =	swait.ge [sflag:s7], $0x1F40  }
0x31c: {  	[sflag:s7] =	ssyncset.done $0x0  }
0x31d: {  	[sflag:s7] =	ssyncadd.s32 $0xFFFFE0C0  }
0x31e: {  	_ =	swait.ge [sflag:s7], $0x1F40  }
0x31f: {  	[sflag:s7] =	ssyncset.done $0x0  }
0x320: {  	s12 =	sadd.s32 $0x1400, s28;
	[sflag:s7] =	ssyncadd.s32 $0xFFFFE0C0  }
0x321: {  	[spmem:s2] =	stream.indirect.scatter.add.f32 [tilespmem:s24], [sflag:$0x3], $0x40, s12, s23, $0xb8;
	[tilespmem:$0x1E200] =	vst v63  }
0x322: {  	s12 =	sadd.s32 $0x1480, s28  }
0x323: {  	[spmem:s2] =	stream.indirect.scatter.add.f32 [tilespmem:s26], [sflag:$0x3], $0x40, s12, s23, $0xb8;
	[tilespmem:$0x1E200] =	vst v63  }
0x324: {  	s12 =	sadd.s32 $0x1500, s28  }
0x325: {  	[spmem:s2] =	stream.indirect.scatter.add.f32 [tilespmem:s29], [sflag:$0x3], $0x40, s12, s23, $0xb8;
	[tilespmem:$0x1E200] =	vst v63  }
0x326: {  	s12 =	sadd.s32 $0x1580, s28  }
0x327: {  	[spmem:s2] =	stream.indirect.scatter.add.f32 [tilespmem:s31], [sflag:$0x3], $0x40, s12, s23, $0xb8;
	[tilespmem:$0x1E200] =	vst v63  }
0x328: {  	_ =	swait.ge [sflag:s8], $0x1F40  }
0x329: {  	[sflag:s8] =	ssyncset.done $0x0  }
0x32a: {  	[sflag:s8] =	ssyncadd.s32 $0xFFFFE0C0  }
0x32b: {  	_ =	swait.ge [sflag:s8], $0x1F40  }
0x32c: {  	[sflag:s8] =	ssyncset.done $0x0  }
0x32d: {  	[sflag:s8] =	ssyncadd.s32 $0xFFFFE0C0  }
0x32e: {  	_ =	swait.ge [sflag:s8], $0x1F40  }
0x32f: {  	[sflag:s8] =	ssyncset.done $0x0  }
0x330: {  	[sflag:s8] =	ssyncadd.s32 $0xFFFFE0C0  }
0x331: {  	_ =	swait.ge [sflag:s8], $0x1F40  }
0x332: {  	[sflag:s8] =	ssyncset.done $0x0  }
0x333: {  	s12 =	sadd.s32 $0x400, s28;
	[sflag:s8] =	ssyncadd.s32 $0xFFFFE0C0  }
0x334: {  	[tilespmem:s24], [sflag:$0x1] =	stream.indirect.gather [hbm4b:s11+s23], $0x40, s12, s23, $0xb8;
	[tilespmem:$0x1E200] =	vst v63  }
0x335: {  	s12 =	sadd.s32 $0x480, s28  }
0x336: {  	[tilespmem:s26], [sflag:$0x1] =	stream.indirect.gather [hbm4b:s11+s23], $0x40, s12, s23, $0xb8;
	[tilespmem:$0x1E200] =	vst v63  }
0x337: {  	s12 =	sadd.s32 $0x500, s28  }
0x338: {  	[tilespmem:s29], [sflag:$0x1] =	stream.indirect.gather [hbm4b:s11+s23], $0x40, s12, s23, $0xb8;
	[tilespmem:$0x1E200] =	vst v63  }
0x339: {  	s12 =	sadd.s32 $0x580, s28  }
0x33a: {  	[tilespmem:s31], [sflag:$0x1] =	stream.indirect.gather [hbm4b:s11+s23], $0x40, s12, s23, $0xb8;
	[tilespmem:$0x1E200] =	vst v63  }
0x33b: {  	_ =	swait.ge [sflag:s9], $0x1F40  }
0x33c: {  	[sflag:s9] =	ssyncset.done $0x0  }
0x33d: {  	[sflag:s9] =	ssyncadd.s32 $0xFFFFE0C0  }
0x33e: {  	_ =	swait.ge [sflag:s9], $0x1F40  }
0x33f: {  	[sflag:s9] =	ssyncset.done $0x0  }
0x340: {  	[sflag:s9] =	ssyncadd.s32 $0xFFFFE0C0  }
0x341: {  	_ =	swait.ge [sflag:s9], $0x1F40  }
0x342: {  	[sflag:s9] =	ssyncset.done $0x0  }
0x343: {  	[sflag:s9] =	ssyncadd.s32 $0xFFFFE0C0  }
0x344: {  	_ =	swait.ge [sflag:s9], $0x1F40  }
0x345: {  	[sflag:s9] =	ssyncset.done $0x0  }
0x346: {  	s12 =	sadd.s32 $0x1600, s28;
	[sflag:s9] =	ssyncadd.s32 $0xFFFFE0C0  }
0x347: {  	[spmem:s2] =	stream.indirect.scatter.add.f32 [tilespmem:s0], [sflag:$0x3], $0x40, s12, s23, $0xb8;
	[tilespmem:$0x1E200] =	vst v63  }
0x348: {  	s12 =	sadd.s32 $0x1680, s28  }
0x349: {  	[spmem:s2] =	stream.indirect.scatter.add.f32 [tilespmem:s1], [sflag:$0x3], $0x40, s12, s23, $0xb8;
	[tilespmem:$0x1E200] =	vst v63  }
0x34a: {  	s12 =	sadd.s32 $0x1700, s28  }
0x34b: {  	[spmem:s2] =	stream.indirect.scatter.add.f32 [tilespmem:s5], [sflag:$0x3], $0x40, s12, s23, $0xb8;
	[tilespmem:$0x1E200] =	vst v63  }
0x34c: {  	s12 =	sadd.s32 $0x1780, s28  }
0x34d: {  	[spmem:s2] =	stream.indirect.scatter.add.f32 [tilespmem:s6], [sflag:$0x3], $0x40, s12, s23, $0xb8;
	[tilespmem:$0x1E200] =	vst v63  }
0x34e: {  	_ =	swait.ge [sflag:s8], $0x1F40  }
0x34f: {  	[sflag:s8] =	ssyncset.done $0x0  }
0x350: {  	[sflag:s8] =	ssyncadd.s32 $0xFFFFE0C0  }
0x351: {  	_ =	swait.ge [sflag:s8], $0x1F40  }
0x352: {  	[sflag:s8] =	ssyncset.done $0x0  }
0x353: {  	[sflag:s8] =	ssyncadd.s32 $0xFFFFE0C0  }
.Ltmp3:
0x354: {  	_ =	swait.ge [sflag:s8], $0x1F40;
	(pc) =	sbr.rel @p0 .LBB2_8-.Ltmp3, $4  }
0x355: {  	[sflag:s8] =	ssyncset.done $0x0  }
0x356: {  	[sflag:s8] =	ssyncadd.s32 $0xFFFFE0C0  }
0x357: {  	_ =	swait.ge [sflag:s8], $0x1F40  }
0x358: {  	s28 =	sshra.s32 s10, $0x2;
	s12 =	smov.u32 s30;
	[sflag:s8] =	ssyncset.done $0x0  }
0x359: {  	s10 =	sadd.s32 $0x200, s28;
	[sflag:s8] =	ssyncadd.s32 $0xFFFFE0C0  }
0x35a: {  	[tilespmem:s0], [sflag:$0x2] =	stream.indirect.gather [hbm4b:s11+s23], $0x40, s10, s23, $0xb8;
	[tilespmem:$0x1E200] =	vst v63  }
0x35b: {  	s13 =	sadd.s32 $0x280, s28  }
0x35c: {  	[tilespmem:s1], [sflag:$0x2] =	stream.indirect.gather [hbm4b:s11+s23], $0x40, s13, s23, $0xb8;
	[tilespmem:$0x1E200] =	vst v63  }
0x35d: {  	s30 =	sadd.s32 $0x300, s28  }
0x35e: {  	[tilespmem:s5], [sflag:$0x2] =	stream.indirect.gather [hbm4b:s11+s23], $0x40, s30, s23, $0xb8;
	[tilespmem:$0x1E200] =	vst v63  }
0x35f: {  	s12 =	sadd.s32 $0x380, s28  }
0x360: {  	[tilespmem:s6], [sflag:$0x2] =	stream.indirect.gather [hbm4b:s11+s23], $0x40, s12, s23, $0xb8;
	[tilespmem:$0x1E200] =	vst v63  }
0x361: {  	_ =	swait.ge [sflag:s7], $0x1F40  }
0x362: {  	[sflag:s7] =	ssyncset.done $0x0  }
0x363: {  	[sflag:s7] =	ssyncadd.s32 $0xFFFFE0C0  }
0x364: {  	_ =	swait.ge [sflag:s7], $0x1F40  }
0x365: {  	[sflag:s7] =	ssyncset.done $0x0  }
0x366: {  	[sflag:s7] =	ssyncadd.s32 $0xFFFFE0C0  }
0x367: {  	_ =	swait.ge [sflag:s7], $0x1F40  }
0x368: {  	[sflag:s7] =	ssyncset.done $0x0  }
0x369: {  	[sflag:s7] =	ssyncadd.s32 $0xFFFFE0C0  }
0x36a: {  	_ =	swait.ge [sflag:s7], $0x1F40  }
0x36b: {  	[sflag:s7] =	ssyncset.done $0x0  }
0x36c: {  	s13 =	sadd.s32 $0x1400, s28;
	[sflag:s7] =	ssyncadd.s32 $0xFFFFE0C0  }
0x36d: {  	[spmem:s2] =	stream.indirect.scatter.add.f32 [tilespmem:s24], [sflag:$0x3], $0x40, s13, s23, $0xb8;
	[tilespmem:$0x1E200] =	vst v63  }
0x36e: {  	s30 =	sadd.s32 $0x1480, s28  }
0x36f: {  	[spmem:s2] =	stream.indirect.scatter.add.f32 [tilespmem:s26], [sflag:$0x3], $0x40, s30, s23, $0xb8;
	[tilespmem:$0x1E200] =	vst v63  }
0x370: {  	s12 =	sadd.s32 $0x1500, s28  }
0x371: {  	[spmem:s2] =	stream.indirect.scatter.add.f32 [tilespmem:s29], [sflag:$0x3], $0x40, s12, s23, $0xb8;
	[tilespmem:$0x1E200] =	vst v63  }
0x372: {  	s13 =	sadd.s32 $0x1580, s28  }
0x373: {  	[spmem:s2] =	stream.indirect.scatter.add.f32 [tilespmem:s31], [sflag:$0x3], $0x40, s13, s23, $0xb8;
	[tilespmem:$0x1E200] =	vst v63  }
0x374: {  	_ =	swait.ge [sflag:s8], $0x1F40  }
0x375: {  	[sflag:s8] =	ssyncset.done $0x0  }
0x376: {  	[sflag:s8] =	ssyncadd.s32 $0xFFFFE0C0  }
0x377: {  	_ =	swait.ge [sflag:s8], $0x1F40  }
0x378: {  	[sflag:s8] =	ssyncset.done $0x0  }
0x379: {  	[sflag:s8] =	ssyncadd.s32 $0xFFFFE0C0  }
0x37a: {  	_ =	swait.ge [sflag:s8], $0x1F40  }
0x37b: {  	[sflag:s8] =	ssyncset.done $0x0  }
0x37c: {  	[sflag:s8] =	ssyncadd.s32 $0xFFFFE0C0  }
0x37d: {  	_ =	swait.ge [sflag:s8], $0x1F40  }
0x37e: {  	[sflag:s8] =	ssyncset.done $0x0  }
0x37f: {  	s30 =	sadd.s32 $0x400, s28;
	[sflag:s8] =	ssyncadd.s32 $0xFFFFE0C0  }
0x380: {  	[tilespmem:s24], [sflag:$0x1] =	stream.indirect.gather [hbm4b:s11+s23], $0x40, s30, s23, $0xb8;
	[tilespmem:$0x1E200] =	vst v63  }
0x381: {  	s12 =	sadd.s32 $0x480, s28  }
0x382: {  	[tilespmem:s26], [sflag:$0x1] =	stream.indirect.gather [hbm4b:s11+s23], $0x40, s12, s23, $0xb8;
	[tilespmem:$0x1E200] =	vst v63  }
0x383: {  	s13 =	sadd.s32 $0x500, s28  }
0x384: {  	[tilespmem:s29], [sflag:$0x1] =	stream.indirect.gather [hbm4b:s11+s23], $0x40, s13, s23, $0xb8;
	[tilespmem:$0x1E200] =	vst v63  }
0x385: {  	s30 =	sadd.s32 $0x580, s28  }
0x386: {  	[tilespmem:s31], [sflag:$0x1] =	stream.indirect.gather [hbm4b:s11+s23], $0x40, s30, s23, $0xb8;
	[tilespmem:$0x1E200] =	vst v63  }
0x387: {  	_ =	swait.ge [sflag:s9], $0x1F40  }
0x388: {  	[sflag:s9] =	ssyncset.done $0x0  }
0x389: {  	[sflag:s9] =	ssyncadd.s32 $0xFFFFE0C0  }
0x38a: {  	_ =	swait.ge [sflag:s9], $0x1F40  }
0x38b: {  	[sflag:s9] =	ssyncset.done $0x0  }
0x38c: {  	[sflag:s9] =	ssyncadd.s32 $0xFFFFE0C0  }
0x38d: {  	_ =	swait.ge [sflag:s9], $0x1F40  }
0x38e: {  	[sflag:s9] =	ssyncset.done $0x0  }
0x38f: {  	[sflag:s9] =	ssyncadd.s32 $0xFFFFE0C0  }
0x390: {  	_ =	swait.ge [sflag:s9], $0x1F40  }
0x391: {  	[sflag:s9] =	ssyncset.done $0x0  }
0x392: {  	s12 =	sadd.s32 $0x1600, s28;
	[sflag:s9] =	ssyncadd.s32 $0xFFFFE0C0  }
0x393: {  	[spmem:s2] =	stream.indirect.scatter.add.f32 [tilespmem:s0], [sflag:$0x3], $0x40, s12, s23, $0xb8;
	[tilespmem:$0x1E200] =	vst v63  }
0x394: {  	s13 =	sadd.s32 $0x1680, s28  }
0x395: {  	[spmem:s2] =	stream.indirect.scatter.add.f32 [tilespmem:s1], [sflag:$0x3], $0x40, s13, s23, $0xb8;
	[tilespmem:$0x1E200] =	vst v63  }
0x396: {  	s30 =	sadd.s32 $0x1700, s28  }
0x397: {  	[spmem:s2] =	stream.indirect.scatter.add.f32 [tilespmem:s5], [sflag:$0x3], $0x40, s30, s23, $0xb8;
	[tilespmem:$0x1E200] =	vst v63  }
0x398: {  	s12 =	sadd.s32 $0x1780, s28  }
0x399: {  	[spmem:s2] =	stream.indirect.scatter.add.f32 [tilespmem:s6], [sflag:$0x3], $0x40, s12, s23, $0xb8;
	[tilespmem:$0x1E200] =	vst v63  }
0x39a: {  	_ =	swait.ge [sflag:s8], $0x1F40  }
0x39b: {  	[sflag:s8] =	ssyncset.done $0x0  }
0x39c: {  	[sflag:s8] =	ssyncadd.s32 $0xFFFFE0C0  }
0x39d: {  	_ =	swait.ge [sflag:s8], $0x1F40  }
0x39e: {  	[sflag:s8] =	ssyncset.done $0x0  }
0x39f: {  	[sflag:s8] =	ssyncadd.s32 $0xFFFFE0C0  }
0x3a0: {  	_ =	swait.ge [sflag:s8], $0x1F40  }
0x3a1: {  	[sflag:s8] =	ssyncset.done $0x0  }
0x3a2: {  	[sflag:s8] =	ssyncadd.s32 $0xFFFFE0C0  }
0x3a3: {  	_ =	swait.ge [sflag:s8], $0x1F40  }
0x3a4: {  	[sflag:s8] =	ssyncset.done $0x0  }
0x3a5: {  	s13 =	simm.s32 $0x1200;
	[sflag:s8] =	ssyncadd.s32 $0xFFFFE0C0  }
0x3a6: {  	[tilespmem:s0], [sflag:$0x2] =	stream.indirect.gather [hbm4b:s11+s23], $0x40, s13, s23, $0xb8;
	[tilespmem:$0x1E200] =	vst v63  }
0x3a7: {  	s30 =	simm.s32 $0x1280  }
0x3a8: {  	[tilespmem:s1], [sflag:$0x2] =	stream.indirect.gather [hbm4b:s11+s23], $0x40, s30, s23, $0xb8;
	[tilespmem:$0x1E200] =	vst v63  }
0x3a9: {  	s12 =	simm.s32 $0x1300  }
0x3aa: {  	[tilespmem:s5], [sflag:$0x2] =	stream.indirect.gather [hbm4b:s11+s23], $0x40, s12, s23, $0xb8;
	[tilespmem:$0x1E200] =	vst v63  }
0x3ab: {  	s13 =	simm.s32 $0x1380  }
0x3ac: {  	[tilespmem:s6], [sflag:$0x2] =	stream.indirect.gather [hbm4b:s11+s23], $0x40, s13, s23, $0xb8;
	[tilespmem:$0x1E200] =	vst v63  }
0x3ad: {  	_ =	swait.ge [sflag:s7], $0x1F40  }
0x3ae: {  	[sflag:s7] =	ssyncset.done $0x0  }
0x3af: {  	[sflag:s7] =	ssyncadd.s32 $0xFFFFE0C0  }
0x3b0: {  	_ =	swait.ge [sflag:s7], $0x1F40  }
0x3b1: {  	[sflag:s7] =	ssyncset.done $0x0  }
0x3b2: {  	[sflag:s7] =	ssyncadd.s32 $0xFFFFE0C0  }
0x3b3: {  	_ =	swait.ge [sflag:s7], $0x1F40  }
0x3b4: {  	[sflag:s7] =	ssyncset.done $0x0  }
0x3b5: {  	[sflag:s7] =	ssyncadd.s32 $0xFFFFE0C0  }
0x3b6: {  	_ =	swait.ge [sflag:s7], $0x1F40  }
0x3b7: {  	[sflag:s7] =	ssyncset.done $0x0  }
0x3b8: {  	[sflag:s7] =	ssyncadd.s32 $0xFFFFE0C0  }
0x3b9: {  	[spmem:s2] =	stream.indirect.scatter.add.f32 [tilespmem:s24], [sflag:$0x3], $0x40, s15, s23, $0xb8;
	[tilespmem:$0x1E200] =	vst v63  }
0x3ba: {  	_ = 	snop  }
0x3bb: {  	[spmem:s2] =	stream.indirect.scatter.add.f32 [tilespmem:s26], [sflag:$0x3], $0x40, s16, s23, $0xb8;
	[tilespmem:$0x1E200] =	vst v63  }
0x3bc: {  	_ = 	snop  }
0x3bd: {  	[spmem:s2] =	stream.indirect.scatter.add.f32 [tilespmem:s29], [sflag:$0x3], $0x40, s17, s23, $0xb8;
	[tilespmem:$0x1E200] =	vst v63  }
0x3be: {  	_ = 	snop  }
0x3bf: {  	[spmem:s2] =	stream.indirect.scatter.add.f32 [tilespmem:s31], [sflag:$0x3], $0x40, s18, s23, $0xb8;
	[tilespmem:$0x1E200] =	vst v63  }
0x3c0: {  	_ =	swait.ge [sflag:s8], $0x1F40  }
0x3c1: {  	[sflag:s8] =	ssyncset.done $0x0  }
0x3c2: {  	[sflag:s8] =	ssyncadd.s32 $0xFFFFE0C0  }
0x3c3: {  	_ =	swait.ge [sflag:s8], $0x1F40  }
0x3c4: {  	[sflag:s8] =	ssyncset.done $0x0  }
0x3c5: {  	[sflag:s8] =	ssyncadd.s32 $0xFFFFE0C0  }
0x3c6: {  	_ =	swait.ge [sflag:s8], $0x1F40  }
0x3c7: {  	[sflag:s8] =	ssyncset.done $0x0  }
0x3c8: {  	[sflag:s8] =	ssyncadd.s32 $0xFFFFE0C0  }
0x3c9: {  	_ =	swait.ge [sflag:s8], $0x1F40  }
0x3ca: {  	[sflag:s8] =	ssyncset.done $0x0  }
0x3cb: {  	[sflag:s8] =	ssyncadd.s32 $0xFFFFE0C0  }
0x3cc: {  	_ =	swait.ge [sflag:s9], $0x1F40  }
0x3cd: {  	[sflag:s9] =	ssyncset.done $0x0  }
0x3ce: {  	[sflag:s9] =	ssyncadd.s32 $0xFFFFE0C0  }
0x3cf: {  	_ =	swait.ge [sflag:s9], $0x1F40  }
0x3d0: {  	[sflag:s9] =	ssyncset.done $0x0  }
0x3d1: {  	[sflag:s9] =	ssyncadd.s32 $0xFFFFE0C0  }
0x3d2: {  	_ =	swait.ge [sflag:s9], $0x1F40  }
0x3d3: {  	[sflag:s9] =	ssyncset.done $0x0  }
0x3d4: {  	[sflag:s9] =	ssyncadd.s32 $0xFFFFE0C0  }
0x3d5: {  	_ =	swait.ge [sflag:s9], $0x1F40  }
0x3d6: {  	[sflag:s9] =	ssyncset.done $0x0  }
0x3d7: {  	[sflag:s9] =	ssyncadd.s32 $0xFFFFE0C0  }
0x3d8: {  	[spmem:s2] =	stream.indirect.scatter.add.f32 [tilespmem:s0], [sflag:$0x3], $0x40, s19, s23, $0xb8;
	[tilespmem:$0x1E200] =	vst v63  }
0x3d9: {  	_ = 	snop  }
0x3da: {  	[spmem:s2] =	stream.indirect.scatter.add.f32 [tilespmem:s1], [sflag:$0x3], $0x40, s4, s23, $0xb8;
	[tilespmem:$0x1E200] =	vst v63  }
0x3db: {  	_ = 	snop  }
0x3dc: {  	[spmem:s2] =	stream.indirect.scatter.add.f32 [tilespmem:s5], [sflag:$0x3], $0x40, s22, s23, $0xb8;
	[tilespmem:$0x1E200] =	vst v63  }
0x3dd: {  	_ = 	snop  }
0x3de: {  	[spmem:s2] =	stream.indirect.scatter.add.f32 [tilespmem:s6], [sflag:$0x3], $0x40, s25, s23, $0xb8;
	[tilespmem:$0x1E200] =	vst v63  }
0x3df: {  	_ =	swait.ge [sflag:s8], $0x1F40  }
0x3e0: {  	[sflag:s8] =	ssyncset.done $0x0  }
0x3e1: {  	[sflag:s8] =	ssyncadd.s32 $0xFFFFE0C0  }
0x3e2: {  	_ =	swait.ge [sflag:s8], $0x1F40  }
0x3e3: {  	[sflag:s8] =	ssyncset.done $0x0  }
0x3e4: {  	[sflag:s8] =	ssyncadd.s32 $0xFFFFE0C0  }
0x3e5: {  	_ =	swait.ge [sflag:s8], $0x1F40  }
0x3e6: {  	[sflag:s8] =	ssyncset.done $0x0  }
0x3e7: {  	[sflag:s8] =	ssyncadd.s32 $0xFFFFE0C0  }
0x3e8: {  	_ =	swait.ge [sflag:s8], $0x1F40  }
0x3e9: {  	[sflag:s8] =	ssyncset.done $0x0  }
0x3ea: {  	s10 =	simm.s32 $0x0;
	s12 =	rddreg [dreg:$0xe];
	[sflag:s8] =	ssyncadd.s32 $0xFFFFE0C0  }
0x3eb: {  	[tilespmem:s10], [sflag:$0x4] =	stream.linear.gather [hbm4b:s12+s10], $0x1400, $0x38;
	[tilespmem:$0x1E200] =	vst v63  }
0x3ec: {  	_ =	swait.ge [sflag:s21], $0x1400  }
0x3ed: {  	[sflag:s21] =	ssyncset.done $0x0  }
0x3ee: {  	s13 =	simm.s32 $0x1400;
	s30 =	rddreg [dreg:$0xf];
	[sflag:s21] =	ssyncadd.s32 $0xFFFFEC00  }
0x3ef: {  	[tilespmem:s13], [sflag:$0x4] =	stream.linear.gather [hbm4b:s30+s10], $0x1400, $0x38;
	[tilespmem:$0x1E200] =	vst v63  }
0x3f0: {  	_ =	swait.ge [sflag:s21], $0x1400  }
0x3f1: {  	[sflag:s21] =	ssyncset.done $0x0  }
0x3f2: {  	[sflag:s21] =	ssyncadd.s32 $0xFFFFEC00  }
0x3f3: {  	[tilespmem:s24], [sflag:$0x1] =	stream.indirect.gather [hbm4b:s11+s23], $0x40, s10, s23, $0xb8;
	[tilespmem:$0x1E200] =	vst v63  }
0x3f4: {  	s30 =	simm.s32 $0x80  }
0x3f5: {  	[tilespmem:s26], [sflag:$0x1] =	stream.indirect.gather [hbm4b:s11+s23], $0x40, s30, s23, $0xb8;
	[tilespmem:$0x1E200] =	vst v63  }
0x3f6: {  	s12 =	simm.s32 $0x100  }
0x3f7: {  	[tilespmem:s29], [sflag:$0x1] =	stream.indirect.gather [hbm4b:s11+s23], $0x40, s12, s23, $0xb8;
	[tilespmem:$0x1E200] =	vst v63  }
0x3f8: {  	s13 =	simm.s32 $0x180  }
0x3f9: {  	[tilespmem:s31], [sflag:$0x1] =	stream.indirect.gather [hbm4b:s11+s23], $0x40, s13, s23, $0xb8;
	[tilespmem:$0x1E200] =	vst v63  }
0x3fa: {  	s30 =	simm.s32 $0x200  }
0x3fb: {  	[tilespmem:s0], [sflag:$0x2] =	stream.indirect.gather [hbm4b:s11+s23], $0x40, s30, s23, $0xb8;
	[tilespmem:$0x1E200] =	vst v63  }
0x3fc: {  	s12 =	simm.s32 $0x280  }
0x3fd: {  	[tilespmem:s1], [sflag:$0x2] =	stream.indirect.gather [hbm4b:s11+s23], $0x40, s12, s23, $0xb8;
	[tilespmem:$0x1E200] =	vst v63  }
0x3fe: {  	s13 =	simm.s32 $0x300  }
0x3ff: {  	[tilespmem:s5], [sflag:$0x2] =	stream.indirect.gather [hbm4b:s11+s23], $0x40, s13, s23, $0xb8;
	[tilespmem:$0x1E200] =	vst v63  }
0x400: {  	s30 =	simm.s32 $0x380  }
0x401: {  	[tilespmem:s6], [sflag:$0x2] =	stream.indirect.gather [hbm4b:s11+s23], $0x40, s30, s23, $0xb8;
	[tilespmem:$0x1E200] =	vst v63  }
0x402: {  	_ =	swait.ge [sflag:s7], $0x1F40  }
0x403: {  	[sflag:s7] =	ssyncset.done $0x0  }
0x404: {  	[sflag:s7] =	ssyncadd.s32 $0xFFFFE0C0  }
0x405: {  	_ =	swait.ge [sflag:s7], $0x1F40  }
0x406: {  	[sflag:s7] =	ssyncset.done $0x0  }
0x407: {  	[sflag:s7] =	ssyncadd.s32 $0xFFFFE0C0  }
0x408: {  	_ =	swait.ge [sflag:s7], $0x1F40  }
0x409: {  	[sflag:s7] =	ssyncset.done $0x0  }
0x40a: {  	[sflag:s7] =	ssyncadd.s32 $0xFFFFE0C0  }
0x40b: {  	_ =	swait.ge [sflag:s7], $0x1F40  }
0x40c: {  	[sflag:s7] =	ssyncset.done $0x0  }
0x40d: {  	s12 =	simm.s32 $0x1400;
	[sflag:s7] =	ssyncadd.s32 $0xFFFFE0C0  }
0x40e: {  	[spmem:s2] =	stream.indirect.scatter.add.f32 [tilespmem:s24], [sflag:$0x3], $0x40, s12, s23, $0xb8;
	[tilespmem:$0x1E200] =	vst v63  }
0x40f: {  	s13 =	simm.s32 $0x1480  }
0x410: {  	[spmem:s2] =	stream.indirect.scatter.add.f32 [tilespmem:s26], [sflag:$0x3], $0x40, s13, s23, $0xb8;
	[tilespmem:$0x1E200] =	vst v63  }
0x411: {  	s30 =	simm.s32 $0x1500  }
0x412: {  	[spmem:s2] =	stream.indirect.scatter.add.f32 [tilespmem:s29], [sflag:$0x3], $0x40, s30, s23, $0xb8;
	[tilespmem:$0x1E200] =	vst v63  }
0x413: {  	s12 =	simm.s32 $0x1580  }
0x414: {  	[spmem:s2] =	stream.indirect.scatter.add.f32 [tilespmem:s31], [sflag:$0x3], $0x40, s12, s23, $0xb8;
	[tilespmem:$0x1E200] =	vst v63  }
0x415: {  	_ =	swait.ge [sflag:s8], $0x1F40  }
0x416: {  	[sflag:s8] =	ssyncset.done $0x0  }
0x417: {  	[sflag:s8] =	ssyncadd.s32 $0xFFFFE0C0  }
0x418: {  	_ =	swait.ge [sflag:s8], $0x1F40  }
0x419: {  	[sflag:s8] =	ssyncset.done $0x0  }
0x41a: {  	[sflag:s8] =	ssyncadd.s32 $0xFFFFE0C0  }
0x41b: {  	_ =	swait.ge [sflag:s8], $0x1F40  }
0x41c: {  	[sflag:s8] =	ssyncset.done $0x0  }
0x41d: {  	[sflag:s8] =	ssyncadd.s32 $0xFFFFE0C0  }
0x41e: {  	_ =	swait.ge [sflag:s8], $0x1F40  }
0x41f: {  	[sflag:s8] =	ssyncset.done $0x0  }
0x420: {  	s13 =	simm.s32 $0x400;
	[sflag:s8] =	ssyncadd.s32 $0xFFFFE0C0  }
0x421: {  	[tilespmem:s24], [sflag:$0x1] =	stream.indirect.gather [hbm4b:s11+s23], $0x40, s13, s23, $0xb8;
	[tilespmem:$0x1E200] =	vst v63  }
0x422: {  	s30 =	simm.s32 $0x480  }
0x423: {  	[tilespmem:s26], [sflag:$0x1] =	stream.indirect.gather [hbm4b:s11+s23], $0x40, s30, s23, $0xb8;
	[tilespmem:$0x1E200] =	vst v63  }
0x424: {  	s12 =	simm.s32 $0x500  }
0x425: {  	[tilespmem:s29], [sflag:$0x1] =	stream.indirect.gather [hbm4b:s11+s23], $0x40, s12, s23, $0xb8;
	[tilespmem:$0x1E200] =	vst v63  }
0x426: {  	s13 =	simm.s32 $0x580  }
0x427: {  	[tilespmem:s31], [sflag:$0x1] =	stream.indirect.gather [hbm4b:s11+s23], $0x40, s13, s23, $0xb8;
	[tilespmem:$0x1E200] =	vst v63  }
0x428: {  	_ =	swait.ge [sflag:s9], $0x1F40  }
0x429: {  	[sflag:s9] =	ssyncset.done $0x0  }
0x42a: {  	[sflag:s9] =	ssyncadd.s32 $0xFFFFE0C0  }
0x42b: {  	_ =	swait.ge [sflag:s9], $0x1F40  }
0x42c: {  	[sflag:s9] =	ssyncset.done $0x0  }
0x42d: {  	[sflag:s9] =	ssyncadd.s32 $0xFFFFE0C0  }
0x42e: {  	_ =	swait.ge [sflag:s9], $0x1F40  }
0x42f: {  	[sflag:s9] =	ssyncset.done $0x0  }
0x430: {  	[sflag:s9] =	ssyncadd.s32 $0xFFFFE0C0  }
0x431: {  	_ =	swait.ge [sflag:s9], $0x1F40  }
0x432: {  	[sflag:s9] =	ssyncset.done $0x0  }
0x433: {  	s30 =	simm.s32 $0x1600;
	[sflag:s9] =	ssyncadd.s32 $0xFFFFE0C0  }
0x434: {  	[spmem:s2] =	stream.indirect.scatter.add.f32 [tilespmem:s0], [sflag:$0x3], $0x40, s30, s23, $0xb8;
	[tilespmem:$0x1E200] =	vst v63  }
0x435: {  	s12 =	simm.s32 $0x1680  }
0x436: {  	[spmem:s2] =	stream.indirect.scatter.add.f32 [tilespmem:s1], [sflag:$0x3], $0x40, s12, s23, $0xb8;
	[tilespmem:$0x1E200] =	vst v63  }
0x437: {  	s13 =	simm.s32 $0x1700  }
0x438: {  	[spmem:s2] =	stream.indirect.scatter.add.f32 [tilespmem:s5], [sflag:$0x3], $0x40, s13, s23, $0xb8;
	[tilespmem:$0x1E200] =	vst v63  }
0x439: {  	s30 =	simm.s32 $0x1780  }
0x43a: {  	[spmem:s2] =	stream.indirect.scatter.add.f32 [tilespmem:s6], [sflag:$0x3], $0x40, s30, s23, $0xb8;
	[tilespmem:$0x1E200] =	vst v63  }
0x43b: {  	_ =	swait.ge [sflag:s8], $0x1F40  }
0x43c: {  	[sflag:s8] =	ssyncset.done $0x0  }
0x43d: {  	[sflag:s8] =	ssyncadd.s32 $0xFFFFE0C0  }
0x43e: {  	_ =	swait.ge [sflag:s8], $0x1F40  }
0x43f: {  	[sflag:s8] =	ssyncset.done $0x0  }
0x440: {  	[sflag:s8] =	ssyncadd.s32 $0xFFFFE0C0  }
0x441: {  	_ =	swait.ge [sflag:s8], $0x1F40  }
0x442: {  	[sflag:s8] =	ssyncset.done $0x0  }
0x443: {  	[sflag:s8] =	ssyncadd.s32 $0xFFFFE0C0  }
0x444: {  	_ =	swait.ge [sflag:s8], $0x1F40  }
0x445: {  	s28 =	simm.s32 $0x400;
	s12 =	simm.s32 $0x2000;
	[sflag:s8] =	ssyncset.done $0x0  }
.LBB2_10:
0x446: {  	s13 =	sadd.s32 $0x200, s28  }
0x447: {  	[sflag:s8] =	ssyncadd.s32 $0xFFFFE0C0;
	s10 =	smov.u32 s12;
	s30 =	sadd.s32 $0x1000, s12  }
0x448: {  	[tilespmem:s0], [sflag:$0x2] =	stream.indirect.gather [hbm4b:s11+s23], $0x40, s13, s23, $0xb8;
	[tilespmem:$0x1E200] =	vst v63  }
0x449: {  	p0 =	sne.s32 s12, $0x3000;
	s12 =	sadd.s32 $0x280, s28  }
0x44a: {  	[tilespmem:s1], [sflag:$0x2] =	stream.indirect.gather [hbm4b:s11+s23], $0x40, s12, s23, $0xb8;
	[tilespmem:$0x1E200] =	vst v63  }
0x44b: {  	s12 =	sadd.s32 $0x300, s28  }
0x44c: {  	[tilespmem:s5], [sflag:$0x2] =	stream.indirect.gather [hbm4b:s11+s23], $0x40, s12, s23, $0xb8;
	[tilespmem:$0x1E200] =	vst v63  }
0x44d: {  	s12 =	sadd.s32 $0x380, s28  }
0x44e: {  	[tilespmem:s6], [sflag:$0x2] =	stream.indirect.gather [hbm4b:s11+s23], $0x40, s12, s23, $0xb8;
	[tilespmem:$0x1E200] =	vst v63  }
0x44f: {  	_ =	swait.ge [sflag:s7], $0x1F40  }
0x450: {  	[sflag:s7] =	ssyncset.done $0x0  }
0x451: {  	[sflag:s7] =	ssyncadd.s32 $0xFFFFE0C0  }
0x452: {  	_ =	swait.ge [sflag:s7], $0x1F40  }
0x453: {  	[sflag:s7] =	ssyncset.done $0x0  }
0x454: {  	[sflag:s7] =	ssyncadd.s32 $0xFFFFE0C0  }
0x455: {  	_ =	swait.ge [sflag:s7], $0x1F40  }
0x456: {  	[sflag:s7] =	ssyncset.done $0x0  }
0x457: {  	[sflag:s7] =	ssyncadd.s32 $0xFFFFE0C0  }
0x458: {  	_ =	swait.ge [sflag:s7], $0x1F40  }
0x459: {  	[sflag:s7] =	ssyncset.done $0x0  }
0x45a: {  	s12 =	sadd.s32 $0x1400, s28;
	[sflag:s7] =	ssyncadd.s32 $0xFFFFE0C0  }
0x45b: {  	[spmem:s2] =	stream.indirect.scatter.add.f32 [tilespmem:s24], [sflag:$0x3], $0x40, s12, s23, $0xb8;
	[tilespmem:$0x1E200] =	vst v63  }
0x45c: {  	s12 =	sadd.s32 $0x1480, s28  }
0x45d: {  	[spmem:s2] =	stream.indirect.scatter.add.f32 [tilespmem:s26], [sflag:$0x3], $0x40, s12, s23, $0xb8;
	[tilespmem:$0x1E200] =	vst v63  }
0x45e: {  	s12 =	sadd.s32 $0x1500, s28  }
0x45f: {  	[spmem:s2] =	stream.indirect.scatter.add.f32 [tilespmem:s29], [sflag:$0x3], $0x40, s12, s23, $0xb8;
	[tilespmem:$0x1E200] =	vst v63  }
0x460: {  	s12 =	sadd.s32 $0x1580, s28  }
0x461: {  	[spmem:s2] =	stream.indirect.scatter.add.f32 [tilespmem:s31], [sflag:$0x3], $0x40, s12, s23, $0xb8;
	[tilespmem:$0x1E200] =	vst v63  }
0x462: {  	_ =	swait.ge [sflag:s8], $0x1F40  }
0x463: {  	[sflag:s8] =	ssyncset.done $0x0  }
0x464: {  	[sflag:s8] =	ssyncadd.s32 $0xFFFFE0C0  }
0x465: {  	_ =	swait.ge [sflag:s8], $0x1F40  }
0x466: {  	[sflag:s8] =	ssyncset.done $0x0  }
0x467: {  	[sflag:s8] =	ssyncadd.s32 $0xFFFFE0C0  }
0x468: {  	_ =	swait.ge [sflag:s8], $0x1F40  }
0x469: {  	[sflag:s8] =	ssyncset.done $0x0  }
0x46a: {  	[sflag:s8] =	ssyncadd.s32 $0xFFFFE0C0  }
0x46b: {  	_ =	swait.ge [sflag:s8], $0x1F40  }
0x46c: {  	[sflag:s8] =	ssyncset.done $0x0  }
0x46d: {  	s12 =	sadd.s32 $0x400, s28;
	[sflag:s8] =	ssyncadd.s32 $0xFFFFE0C0  }
0x46e: {  	[tilespmem:s24], [sflag:$0x1] =	stream.indirect.gather [hbm4b:s11+s23], $0x40, s12, s23, $0xb8;
	[tilespmem:$0x1E200] =	vst v63  }
0x46f: {  	s12 =	sadd.s32 $0x480, s28  }
0x470: {  	[tilespmem:s26], [sflag:$0x1] =	stream.indirect.gather [hbm4b:s11+s23], $0x40, s12, s23, $0xb8;
	[tilespmem:$0x1E200] =	vst v63  }
0x471: {  	s12 =	sadd.s32 $0x500, s28  }
0x472: {  	[tilespmem:s29], [sflag:$0x1] =	stream.indirect.gather [hbm4b:s11+s23], $0x40, s12, s23, $0xb8;
	[tilespmem:$0x1E200] =	vst v63  }
0x473: {  	s12 =	sadd.s32 $0x580, s28  }
0x474: {  	[tilespmem:s31], [sflag:$0x1] =	stream.indirect.gather [hbm4b:s11+s23], $0x40, s12, s23, $0xb8;
	[tilespmem:$0x1E200] =	vst v63  }
0x475: {  	_ =	swait.ge [sflag:s9], $0x1F40  }
0x476: {  	[sflag:s9] =	ssyncset.done $0x0  }
0x477: {  	[sflag:s9] =	ssyncadd.s32 $0xFFFFE0C0  }
0x478: {  	_ =	swait.ge [sflag:s9], $0x1F40  }
0x479: {  	[sflag:s9] =	ssyncset.done $0x0  }
0x47a: {  	[sflag:s9] =	ssyncadd.s32 $0xFFFFE0C0  }
0x47b: {  	_ =	swait.ge [sflag:s9], $0x1F40  }
0x47c: {  	[sflag:s9] =	ssyncset.done $0x0  }
0x47d: {  	[sflag:s9] =	ssyncadd.s32 $0xFFFFE0C0  }
0x47e: {  	_ =	swait.ge [sflag:s9], $0x1F40  }
0x47f: {  	[sflag:s9] =	ssyncset.done $0x0  }
0x480: {  	s12 =	sadd.s32 $0x1600, s28;
	[sflag:s9] =	ssyncadd.s32 $0xFFFFE0C0  }
0x481: {  	[spmem:s2] =	stream.indirect.scatter.add.f32 [tilespmem:s0], [sflag:$0x3], $0x40, s12, s23, $0xb8;
	[tilespmem:$0x1E200] =	vst v63  }
0x482: {  	s12 =	sadd.s32 $0x1680, s28  }
0x483: {  	[spmem:s2] =	stream.indirect.scatter.add.f32 [tilespmem:s1], [sflag:$0x3], $0x40, s12, s23, $0xb8;
	[tilespmem:$0x1E200] =	vst v63  }
0x484: {  	s12 =	sadd.s32 $0x1700, s28  }
0x485: {  	[spmem:s2] =	stream.indirect.scatter.add.f32 [tilespmem:s5], [sflag:$0x3], $0x40, s12, s23, $0xb8;
	[tilespmem:$0x1E200] =	vst v63  }
0x486: {  	s12 =	sadd.s32 $0x1780, s28  }
0x487: {  	[spmem:s2] =	stream.indirect.scatter.add.f32 [tilespmem:s6], [sflag:$0x3], $0x40, s12, s23, $0xb8;
	[tilespmem:$0x1E200] =	vst v63  }
0x488: {  	_ =	swait.ge [sflag:s8], $0x1F40  }
0x489: {  	[sflag:s8] =	ssyncset.done $0x0  }
0x48a: {  	[sflag:s8] =	ssyncadd.s32 $0xFFFFE0C0  }
0x48b: {  	_ =	swait.ge [sflag:s8], $0x1F40  }
0x48c: {  	[sflag:s8] =	ssyncset.done $0x0  }
0x48d: {  	[sflag:s8] =	ssyncadd.s32 $0xFFFFE0C0  }
.Ltmp4:
0x48e: {  	_ =	swait.ge [sflag:s8], $0x1F40;
	(pc) =	sbr.rel @p0 .LBB2_10-.Ltmp4, $4  }
0x48f: {  	[sflag:s8] =	ssyncset.done $0x0  }
0x490: {  	[sflag:s8] =	ssyncadd.s32 $0xFFFFE0C0  }
0x491: {  	_ =	swait.ge [sflag:s8], $0x1F40  }
0x492: {  	s28 =	sshra.s32 s10, $0x2;
	s12 =	smov.u32 s30;
	[sflag:s8] =	ssyncset.done $0x0  }
0x493: {  	s10 =	sadd.s32 $0x200, s28;
	[sflag:s8] =	ssyncadd.s32 $0xFFFFE0C0  }
0x494: {  	[tilespmem:s0], [sflag:$0x2] =	stream.indirect.gather [hbm4b:s11+s23], $0x40, s10, s23, $0xb8;
	[tilespmem:$0x1E200] =	vst v63  }
0x495: {  	s13 =	sadd.s32 $0x280, s28  }
0x496: {  	[tilespmem:s1], [sflag:$0x2] =	stream.indirect.gather [hbm4b:s11+s23], $0x40, s13, s23, $0xb8;
	[tilespmem:$0x1E200] =	vst v63  }
0x497: {  	s30 =	sadd.s32 $0x300, s28  }
0x498: {  	[tilespmem:s5], [sflag:$0x2] =	stream.indirect.gather [hbm4b:s11+s23], $0x40, s30, s23, $0xb8;
	[tilespmem:$0x1E200] =	vst v63  }
0x499: {  	s12 =	sadd.s32 $0x380, s28  }
0x49a: {  	[tilespmem:s6], [sflag:$0x2] =	stream.indirect.gather [hbm4b:s11+s23], $0x40, s12, s23, $0xb8;
	[tilespmem:$0x1E200] =	vst v63  }
0x49b: {  	_ =	swait.ge [sflag:s7], $0x1F40  }
0x49c: {  	[sflag:s7] =	ssyncset.done $0x0  }
0x49d: {  	[sflag:s7] =	ssyncadd.s32 $0xFFFFE0C0  }
0x49e: {  	_ =	swait.ge [sflag:s7], $0x1F40  }
0x49f: {  	[sflag:s7] =	ssyncset.done $0x0  }
0x4a0: {  	[sflag:s7] =	ssyncadd.s32 $0xFFFFE0C0  }
0x4a1: {  	_ =	swait.ge [sflag:s7], $0x1F40  }
0x4a2: {  	[sflag:s7] =	ssyncset.done $0x0  }
0x4a3: {  	[sflag:s7] =	ssyncadd.s32 $0xFFFFE0C0  }
0x4a4: {  	_ =	swait.ge [sflag:s7], $0x1F40  }
0x4a5: {  	[sflag:s7] =	ssyncset.done $0x0  }
0x4a6: {  	s13 =	sadd.s32 $0x1400, s28;
	[sflag:s7] =	ssyncadd.s32 $0xFFFFE0C0  }
0x4a7: {  	[spmem:s2] =	stream.indirect.scatter.add.f32 [tilespmem:s24], [sflag:$0x3], $0x40, s13, s23, $0xb8;
	[tilespmem:$0x1E200] =	vst v63  }
0x4a8: {  	s30 =	sadd.s32 $0x1480, s28  }
0x4a9: {  	[spmem:s2] =	stream.indirect.scatter.add.f32 [tilespmem:s26], [sflag:$0x3], $0x40, s30, s23, $0xb8;
	[tilespmem:$0x1E200] =	vst v63  }
0x4aa: {  	s12 =	sadd.s32 $0x1500, s28  }
0x4ab: {  	[spmem:s2] =	stream.indirect.scatter.add.f32 [tilespmem:s29], [sflag:$0x3], $0x40, s12, s23, $0xb8;
	[tilespmem:$0x1E200] =	vst v63  }
0x4ac: {  	s13 =	sadd.s32 $0x1580, s28  }
0x4ad: {  	[spmem:s2] =	stream.indirect.scatter.add.f32 [tilespmem:s31], [sflag:$0x3], $0x40, s13, s23, $0xb8;
	[tilespmem:$0x1E200] =	vst v63  }
0x4ae: {  	_ =	swait.ge [sflag:s8], $0x1F40  }
0x4af: {  	[sflag:s8] =	ssyncset.done $0x0  }
0x4b0: {  	[sflag:s8] =	ssyncadd.s32 $0xFFFFE0C0  }
0x4b1: {  	_ =	swait.ge [sflag:s8], $0x1F40  }
0x4b2: {  	[sflag:s8] =	ssyncset.done $0x0  }
0x4b3: {  	[sflag:s8] =	ssyncadd.s32 $0xFFFFE0C0  }
0x4b4: {  	_ =	swait.ge [sflag:s8], $0x1F40  }
0x4b5: {  	[sflag:s8] =	ssyncset.done $0x0  }
0x4b6: {  	[sflag:s8] =	ssyncadd.s32 $0xFFFFE0C0  }
0x4b7: {  	_ =	swait.ge [sflag:s8], $0x1F40  }
0x4b8: {  	[sflag:s8] =	ssyncset.done $0x0  }
0x4b9: {  	s30 =	sadd.s32 $0x400, s28;
	[sflag:s8] =	ssyncadd.s32 $0xFFFFE0C0  }
0x4ba: {  	[tilespmem:s24], [sflag:$0x1] =	stream.indirect.gather [hbm4b:s11+s23], $0x40, s30, s23, $0xb8;
	[tilespmem:$0x1E200] =	vst v63  }
0x4bb: {  	s12 =	sadd.s32 $0x480, s28  }
0x4bc: {  	[tilespmem:s26], [sflag:$0x1] =	stream.indirect.gather [hbm4b:s11+s23], $0x40, s12, s23, $0xb8;
	[tilespmem:$0x1E200] =	vst v63  }
0x4bd: {  	s13 =	sadd.s32 $0x500, s28  }
0x4be: {  	[tilespmem:s29], [sflag:$0x1] =	stream.indirect.gather [hbm4b:s11+s23], $0x40, s13, s23, $0xb8;
	[tilespmem:$0x1E200] =	vst v63  }
0x4bf: {  	s30 =	sadd.s32 $0x580, s28  }
0x4c0: {  	[tilespmem:s31], [sflag:$0x1] =	stream.indirect.gather [hbm4b:s11+s23], $0x40, s30, s23, $0xb8;
	[tilespmem:$0x1E200] =	vst v63  }
0x4c1: {  	_ =	swait.ge [sflag:s9], $0x1F40  }
0x4c2: {  	[sflag:s9] =	ssyncset.done $0x0  }
0x4c3: {  	[sflag:s9] =	ssyncadd.s32 $0xFFFFE0C0  }
0x4c4: {  	_ =	swait.ge [sflag:s9], $0x1F40  }
0x4c5: {  	[sflag:s9] =	ssyncset.done $0x0  }
0x4c6: {  	[sflag:s9] =	ssyncadd.s32 $0xFFFFE0C0  }
0x4c7: {  	_ =	swait.ge [sflag:s9], $0x1F40  }
0x4c8: {  	[sflag:s9] =	ssyncset.done $0x0  }
0x4c9: {  	[sflag:s9] =	ssyncadd.s32 $0xFFFFE0C0  }
0x4ca: {  	_ =	swait.ge [sflag:s9], $0x1F40  }
0x4cb: {  	[sflag:s9] =	ssyncset.done $0x0  }
0x4cc: {  	s12 =	sadd.s32 $0x1600, s28;
	[sflag:s9] =	ssyncadd.s32 $0xFFFFE0C0  }
0x4cd: {  	[spmem:s2] =	stream.indirect.scatter.add.f32 [tilespmem:s0], [sflag:$0x3], $0x40, s12, s23, $0xb8;
	[tilespmem:$0x1E200] =	vst v63  }
0x4ce: {  	s13 =	sadd.s32 $0x1680, s28  }
0x4cf: {  	[spmem:s2] =	stream.indirect.scatter.add.f32 [tilespmem:s1], [sflag:$0x3], $0x40, s13, s23, $0xb8;
	[tilespmem:$0x1E200] =	vst v63  }
0x4d0: {  	s30 =	sadd.s32 $0x1700, s28  }
0x4d1: {  	[spmem:s2] =	stream.indirect.scatter.add.f32 [tilespmem:s5], [sflag:$0x3], $0x40, s30, s23, $0xb8;
	[tilespmem:$0x1E200] =	vst v63  }
0x4d2: {  	s12 =	sadd.s32 $0x1780, s28  }
0x4d3: {  	[spmem:s2] =	stream.indirect.scatter.add.f32 [tilespmem:s6], [sflag:$0x3], $0x40, s12, s23, $0xb8;
	[tilespmem:$0x1E200] =	vst v63  }
0x4d4: {  	_ =	swait.ge [sflag:s8], $0x1F40  }
0x4d5: {  	[sflag:s8] =	ssyncset.done $0x0  }
0x4d6: {  	[sflag:s8] =	ssyncadd.s32 $0xFFFFE0C0  }
0x4d7: {  	_ =	swait.ge [sflag:s8], $0x1F40  }
0x4d8: {  	[sflag:s8] =	ssyncset.done $0x0  }
0x4d9: {  	[sflag:s8] =	ssyncadd.s32 $0xFFFFE0C0  }
0x4da: {  	_ =	swait.ge [sflag:s8], $0x1F40  }
0x4db: {  	[sflag:s8] =	ssyncset.done $0x0  }
0x4dc: {  	[sflag:s8] =	ssyncadd.s32 $0xFFFFE0C0  }
0x4dd: {  	_ =	swait.ge [sflag:s8], $0x1F40  }
0x4de: {  	[sflag:s8] =	ssyncset.done $0x0  }
0x4df: {  	s13 =	simm.s32 $0x1200;
	[sflag:s8] =	ssyncadd.s32 $0xFFFFE0C0  }
0x4e0: {  	[tilespmem:s0], [sflag:$0x2] =	stream.indirect.gather [hbm4b:s11+s23], $0x40, s13, s23, $0xb8;
	[tilespmem:$0x1E200] =	vst v63  }
0x4e1: {  	s28 =	simm.s32 $0x1280  }
0x4e2: {  	[tilespmem:s1], [sflag:$0x2] =	stream.indirect.gather [hbm4b:s11+s23], $0x40, s28, s23, $0xb8;
	[tilespmem:$0x1E200] =	vst v63  }
0x4e3: {  	s30 =	simm.s32 $0x1300  }
0x4e4: {  	[tilespmem:s5], [sflag:$0x2] =	stream.indirect.gather [hbm4b:s11+s23], $0x40, s30, s23, $0xb8;
	[tilespmem:$0x1E200] =	vst v63  }
0x4e5: {  	s12 =	simm.s32 $0x1380  }
0x4e6: {  	[tilespmem:s6], [sflag:$0x2] =	stream.indirect.gather [hbm4b:s11+s23], $0x40, s12, s23, $0xb8;
	[tilespmem:$0x1E200] =	vst v63  }
0x4e7: {  	_ =	swait.ge [sflag:s7], $0x1F40  }
0x4e8: {  	[sflag:s7] =	ssyncset.done $0x0  }
0x4e9: {  	[sflag:s7] =	ssyncadd.s32 $0xFFFFE0C0  }
0x4ea: {  	_ =	swait.ge [sflag:s7], $0x1F40  }
0x4eb: {  	[sflag:s7] =	ssyncset.done $0x0  }
0x4ec: {  	[sflag:s7] =	ssyncadd.s32 $0xFFFFE0C0  }
0x4ed: {  	_ =	swait.ge [sflag:s7], $0x1F40  }
0x4ee: {  	[sflag:s7] =	ssyncset.done $0x0  }
0x4ef: {  	[sflag:s7] =	ssyncadd.s32 $0xFFFFE0C0  }
0x4f0: {  	_ =	swait.ge [sflag:s7], $0x1F40  }
0x4f1: {  	[sflag:s7] =	ssyncset.done $0x0  }
0x4f2: {  	[sflag:s7] =	ssyncadd.s32 $0xFFFFE0C0  }
0x4f3: {  	[spmem:s2] =	stream.indirect.scatter.add.f32 [tilespmem:s24], [sflag:$0x3], $0x40, s15, s23, $0xb8;
	[tilespmem:$0x1E200] =	vst v63  }
0x4f4: {  	_ = 	snop  }
0x4f5: {  	[spmem:s2] =	stream.indirect.scatter.add.f32 [tilespmem:s26], [sflag:$0x3], $0x40, s16, s23, $0xb8;
	[tilespmem:$0x1E200] =	vst v63  }
0x4f6: {  	_ = 	snop  }
0x4f7: {  	[spmem:s2] =	stream.indirect.scatter.add.f32 [tilespmem:s29], [sflag:$0x3], $0x40, s17, s23, $0xb8;
	[tilespmem:$0x1E200] =	vst v63  }
0x4f8: {  	_ = 	snop  }
0x4f9: {  	[spmem:s2] =	stream.indirect.scatter.add.f32 [tilespmem:s31], [sflag:$0x3], $0x40, s18, s23, $0xb8;
	[tilespmem:$0x1E200] =	vst v63  }
0x4fa: {  	_ =	swait.ge [sflag:s8], $0x1F40  }
0x4fb: {  	[sflag:s8] =	ssyncset.done $0x0  }
0x4fc: {  	[sflag:s8] =	ssyncadd.s32 $0xFFFFE0C0  }
0x4fd: {  	_ =	swait.ge [sflag:s8], $0x1F40  }
0x4fe: {  	[sflag:s8] =	ssyncset.done $0x0  }
0x4ff: {  	[sflag:s8] =	ssyncadd.s32 $0xFFFFE0C0  }
0x500: {  	_ =	swait.ge [sflag:s8], $0x1F40  }
0x501: {  	[sflag:s8] =	ssyncset.done $0x0  }
0x502: {  	[sflag:s8] =	ssyncadd.s32 $0xFFFFE0C0  }
0x503: {  	_ =	swait.ge [sflag:s8], $0x1F40  }
0x504: {  	[sflag:s8] =	ssyncset.done $0x0  }
0x505: {  	[sflag:s8] =	ssyncadd.s32 $0xFFFFE0C0  }
0x506: {  	_ =	swait.ge [sflag:s9], $0x1F40  }
0x507: {  	[sflag:s9] =	ssyncset.done $0x0  }
0x508: {  	[sflag:s9] =	ssyncadd.s32 $0xFFFFE0C0  }
0x509: {  	_ =	swait.ge [sflag:s9], $0x1F40  }
0x50a: {  	[sflag:s9] =	ssyncset.done $0x0  }
0x50b: {  	[sflag:s9] =	ssyncadd.s32 $0xFFFFE0C0  }
0x50c: {  	_ =	swait.ge [sflag:s9], $0x1F40  }
0x50d: {  	[sflag:s9] =	ssyncset.done $0x0  }
0x50e: {  	[sflag:s9] =	ssyncadd.s32 $0xFFFFE0C0  }
0x50f: {  	_ =	swait.ge [sflag:s9], $0x1F40  }
0x510: {  	[sflag:s9] =	ssyncset.done $0x0  }
0x511: {  	[sflag:s9] =	ssyncadd.s32 $0xFFFFE0C0  }
0x512: {  	[spmem:s2] =	stream.indirect.scatter.add.f32 [tilespmem:s0], [sflag:$0x3], $0x40, s19, s23, $0xb8;
	[tilespmem:$0x1E200] =	vst v63  }
0x513: {  	_ = 	snop  }
0x514: {  	[spmem:s2] =	stream.indirect.scatter.add.f32 [tilespmem:s1], [sflag:$0x3], $0x40, s4, s23, $0xb8;
	[tilespmem:$0x1E200] =	vst v63  }
0x515: {  	_ = 	snop  }
0x516: {  	[spmem:s2] =	stream.indirect.scatter.add.f32 [tilespmem:s5], [sflag:$0x3], $0x40, s22, s23, $0xb8;
	[tilespmem:$0x1E200] =	vst v63  }
0x517: {  	_ = 	snop  }
0x518: {  	[spmem:s2] =	stream.indirect.scatter.add.f32 [tilespmem:s6], [sflag:$0x3], $0x40, s25, s23, $0xb8;
	[tilespmem:$0x1E200] =	vst v63  }
0x519: {  	_ =	swait.ge [sflag:s8], $0x1F40  }
0x51a: {  	[sflag:s8] =	ssyncset.done $0x0  }
0x51b: {  	[sflag:s8] =	ssyncadd.s32 $0xFFFFE0C0  }
0x51c: {  	_ =	swait.ge [sflag:s8], $0x1F40  }
0x51d: {  	[sflag:s8] =	ssyncset.done $0x0  }
0x51e: {  	[sflag:s8] =	ssyncadd.s32 $0xFFFFE0C0  }
0x51f: {  	_ =	swait.ge [sflag:s8], $0x1F40  }
0x520: {  	[sflag:s8] =	ssyncset.done $0x0  }
0x521: {  	[sflag:s8] =	ssyncadd.s32 $0xFFFFE0C0  }
0x522: {  	_ =	swait.ge [sflag:s8], $0x1F40  }
0x523: {  	[sflag:s8] =	ssyncset.done $0x0  }
0x524: {  	s13 =	stileid.u32;
	[sflag:s8] =	ssyncadd.s32 $0xFFFFE0C0  }
0x525: {  	s10 =	sshll.u32 s13, $0x6;
	[bflag:$0x0] =	sbarrier.arrive $0xFFFF  }
0x526: {  	s10 =	sor.u32 $0x1C04, s10;
	s12 =	sshrl.u32 s14, $0x3;
	s28 =	rddreg [dreg:$0x11]  }
0x527: {  	[hbm:s28], [sflag:s10] =	dma.local [spmem:s12], $0x1400  }
0x528: {  	_ =	swait.ge [sflag:s21], $0x1400  }
0x529: {  	s3 =	sadd.s32 $0x1, s3;
	s30 =	rddreg [dreg:$0x10]  }
0x52a: {  	p0 =	sne.s32 s3, s30  }
.Ltmp5:
0x52b: {  	_ = 	snop;
	(pc) =	sbr.rel @p0 .LBB2_1-.Ltmp5, $3  }
0x52c: {  	_ =	sdelay $0x1  }
0x52d: {  	[sflag:s21] =	ssyncset.done $0x0  }
0x52e: {  	s13 =	smov.u32 s14;
	[sflag:s21] =	ssyncadd.s32 $0xFFFFEC00  }
0x52f: {  	_ =	sfence.sel $0x180000  }
0x530: {  	[bflag:$0x0] =	sbarrier.arrive $0xFFFF  }
0x531: {  	_ =	strace $0x9000004A  }
0x532: {  	s0 =	stileid.u32;
	[bflag:$0x2] =	sbarrier.arrive $0xFFFF  }
0x533: {  	p0 =	sne.s32 s0, $0x0;
	s0 =	rddreg [dreg:$0x3]  }
0x534: {  	s0 =	sadd.s32 @!p0 $0x100000, s0  }
0x535: {  	[sflag:s0] =	ssyncadd.tile.s32 @!p0 $0x1;
	_ =	shalt  }
.Lfunc_end2:
_tile_overlayer_lowered:
.L_overlay_start_2:
0x536: {  	(tag) =	ssettag $0x2  }
0x537: {  	s0 =	rddreg [dreg:$0x0];
	s2 =	stileid.u32  }
0x538: {  	s1 =	rddreg [dreg:$0x1];
	p0 =	sne.s32 s2, $0x0  }
0x539: {  	s3 =	rddreg [dreg:$0x2];
	[bflag:$0x3] =	sbarrier.arrive $0xFFFF;
	s2 =	simm.s32 @!p0 $0x1C04  }
0x53a: {  	[timem:s3], [sflag:s2] =	dma.local @!p0 [hbm:s0], s1  }
0x53b: {  	s0 =	simm.s32 @!p0 $0x4  }
0x53c: {  	_ =	swait.ge @!p0 [sflag:s0], s1  }
0x53d: {  	s1 =	ssub.s32 @!p0 $0x0, s1;
	[sflag:s0] =	ssyncset.done @!p0 $0x0  }
0x53e: {  	[sflag:s0] =	ssyncadd.s32 @!p0 s1  }
0x53f: {  	[bflag:$0x3] =	sbarrier.arrive $0xFFFF  }
0x540: {  	_ =	shalt  }

// kernel: kernel.7.cloned.1.call-start
scs
__scs_entry_jumppad:
0x0: {  	(pc) =	sbr.rel $0x88, $3  }
0x1: {  	(tag) =	ssettag $0x0;
	lr =	simm.s32 $0x1  }
0x2: {  	[smem:$0x3F9C] =	sst lr;
	_ =	strace $0xD0000000  }
0x3: {  	_ = 	snop  }
0x4: {  	_ = 	snop  }
0x5: {  	_ = 	snop  }
0x6: {  	_ = 	snop  }
0x7: {  	_ = 	snop  }
__scs_overlays_trampoline_lowered:
0x8: {  	[smem:$0x3FAB] =	sst s0  }
0x9: {  	[smem:$0x3FAC] =	sst s1  }
0xa: {  	[smem:$0x3FAD] =	sst s2  }
0xb: {  	[smem:$0x3FAE] =	sst s3  }
0xc: {  	[smem:$0x3FAF] =	sst s4  }
0xd: {  	[smem:$0x3FB0] =	sst s5  }
0xe: {  	[smem:$0x3FB1] =	sst s6  }
0xf: {  	[smem:$0x3FB2] =	sst s7  }
0x10: {  	[smem:$0x3FB3] =	sst s8  }
0x11: {  	[smem:$0x3FB4] =	sst s9;
	s0 =	simm.s32 @!p0 $0x0  }
0x12: {  	s1 =	sld [smem:$0x3F9A];
	s0 =	simm.s32 @p0 $0x1  }
0x13: {  	[smem:$0x3FB5] =	sst s0;
	s0 =	simm.s32 @!p1 $0x0  }
0x14: {  	s2 =	sld [smem:$0x3F99];
	s0 =	simm.s32 @p1 $0x1  }
0x15: {  	[smem:$0x3FB6] =	sst s0;
	s0 =	simm.s32 @!p2 $0x0  }
0x16: {  	s3 =	sld [smem:$0x3FDB];
	s0 =	simm.s32 @p2 $0x1  }
0x17: {  	s4 =	simm.s32 $0x1BF5;
	[smem:$0x3FB8] =	sst s0  }
0x18: {  	s0 =	sld [smem:$0x3F9B];
	_ =	swait.ge [sflag:s4], $0x0  }
0x19: {  	s7 =	sld [smem:$0x3F9C]  }
0x1a: {  	s8 =	sadd.s32 $0xFFFFE003, lr  }
0x1b: {  	s9 =	sadd.s32 $0xFFFFFEF7, lr;
	s5 =	simm.s32 $0xFFFFFFFF;
	p2 =	slt.u32 s8, $0xFFFFF086  }
0x1c: {  	p1 =	slt.u32 s9, $0xF7A;
	s5 =	simm.s32 @!p2 $0x0  }
0x1d: {  	s5 =	simm.s32 @p1 $0x1;
	p0 =	seq.s32 s7, s2  }
0x1e: {  	s7 =	smul.u32 @!p0 $0xF7A, s2;
	p2 =	seq.s32 @!p0 s5, $0x0  }
0x1f: {  	s9 =	smul.u32 $0xF7A, s1;
	s8 =	simm.s32 @!p0 $0x1BF5;
	p2 =	por !p2, p0  }
0x20: {  	[sflag:s8] =	ssyncset.s32 @!p0 $0xFFFFF086;
	s6 =	sadd.s32 @!p0 s3, s7;
	s7 =	simm.s32 @!p0 $0x108  }
0x21: {  	s3 =	sadd.s32 s3, s9;
	s6 =	sadd.s32 @!p0 $0x88, s6;
	s7 =	simm.s32 @p2 $0x1082  }
0x22: {  	[simem:s7], [sflag:s8] =	dma.local @!p0 [hbm:s6], $0xF7A  }
0x23: {  	s9 =	sor.u32 $0xD0000000, s2;
	s6 =	simm.s32 $0x108;
	_ =	swait.ge @!p0 [sflag:s8], $0x0  }
0x24: {  	s3 =	sadd.s32 $0x88, s3;
	s6 =	simm.s32 @!p1 $0x1082;
	[sflag:s4] =	ssyncset.s32 $0xFFFFF086  }
0x25: {  	[simem:s6], [sflag:s4] =	dma.local [hbm:s3], $0xF7A  }
0x26: {  	[smem:$0x3F9C] =	sst s1;
	(tag) =	ssettag s2;
	_ =	strace s9  }
0x27: {  	s1 =	sld [smem:$0x3FAC]  }
0x28: {  	s2 =	sld [smem:$0x3FAD]  }
0x29: {  	s4 =	sld [smem:$0x3FAF]  }
0x2a: {  	p0 =	seq.s32 s5, $0x0;
	s5 =	sld [smem:$0x3FB0]  }
0x2b: {  	s6 =	sld [smem:$0x3FB1]  }
0x2c: {  	s7 =	sld [smem:$0x3FB2]  }
0x2d: {  	s3 =	simm.s32 $0x108;
	s8 =	sld [smem:$0x3FB3]  }
0x2e: {  	s3 =	simm.s32 @!p0 $0x1082;
	s9 =	sld [smem:$0x3FB4]  }
0x2f: {  	lr =	sadd.s32 s0, s3;
	s0 =	sld [smem:$0x3FAB]  }
0x30: {  	s3 =	sld [smem:$0x3FAE]  }
0x31: {  	[smem:$0x3FB7] =	sst s10  }
0x32: {  	s10 =	sld [smem:$0x3FB5];
	_ =	sdelay $0x3  }
0x33: {  	p0 =	seq.s32 s10, $0x1;
	s10 =	sld [smem:$0x3FB7];
	_ =	sdelay $0x3  }
0x34: {  	[smem:$0x3FB7] =	sst s10  }
0x35: {  	s10 =	sld [smem:$0x3FB6];
	_ =	sdelay $0x3  }
0x36: {  	p1 =	seq.s32 s10, $0x1;
	s10 =	sld [smem:$0x3FB7];
	_ =	sdelay $0x3  }
0x37: {  	[smem:$0x3FB7] =	sst s10  }
0x38: {  	s10 =	sld [smem:$0x3FB8]  }
0x39: {  	_ = 	snop;
	(pc) =	sbr.ind lr, $3  }
0x3a: {  	_ = 	snop  }
0x3b: {  	_ = 	snop  }
0x3c: {  	p2 =	seq.s32 s10, $0x1;
	s10 =	sld [smem:$0x3FB7]  }
0x3d: {  	_ =	shalt  }
0x3e: {  	_ =	shalt  }
0x3f: {  	_ =	shalt  }
0x40: {  	_ =	shalt  }
0x41: {  	_ =	shalt  }
0x42: {  	_ =	shalt  }
0x43: {  	_ =	shalt  }
0x44: {  	_ =	shalt  }
0x45: {  	_ =	shalt  }
0x46: {  	_ =	shalt  }
0x47: {  	_ =	shalt  }
0x48: {  	_ =	shalt  }
0x49: {  	_ =	shalt  }
0x4a: {  	_ =	shalt  }
0x4b: {  	_ =	shalt  }
0x4c: {  	_ =	shalt  }
0x4d: {  	_ =	shalt  }
0x4e: {  	_ =	shalt  }
0x4f: {  	_ =	shalt  }
0x50: {  	_ =	shalt  }
0x51: {  	_ =	shalt  }
0x52: {  	_ =	shalt  }
0x53: {  	_ =	shalt  }
0x54: {  	_ =	shalt  }
0x55: {  	_ =	shalt  }
0x56: {  	_ =	shalt  }
0x57: {  	_ =	shalt  }
0x58: {  	_ =	shalt  }
0x59: {  	_ =	shalt  }
0x5a: {  	_ =	shalt  }
0x5b: {  	_ =	shalt  }
0x5c: {  	_ =	shalt  }
0x5d: {  	_ =	shalt  }
0x5e: {  	_ =	shalt  }
0x5f: {  	_ =	shalt  }
0x60: {  	_ =	shalt  }
0x61: {  	_ =	shalt  }
0x62: {  	_ =	shalt  }
0x63: {  	_ =	shalt  }
0x64: {  	_ =	shalt  }
0x65: {  	_ =	shalt  }
0x66: {  	_ =	shalt  }
0x67: {  	_ =	shalt  }
0x68: {  	_ =	shalt  }
0x69: {  	_ =	shalt  }
0x6a: {  	_ =	shalt  }
0x6b: {  	_ =	shalt  }
0x6c: {  	_ =	shalt  }
0x6d: {  	_ =	shalt  }
0x6e: {  	_ =	shalt  }
0x6f: {  	_ =	shalt  }
0x70: {  	_ =	shalt  }
0x71: {  	_ =	shalt  }
0x72: {  	_ =	shalt  }
0x73: {  	_ =	shalt  }
0x74: {  	_ =	shalt  }
0x75: {  	_ =	shalt  }
0x76: {  	_ =	shalt  }
0x77: {  	_ =	shalt  }
0x78: {  	_ =	shalt  }
0x79: {  	_ =	shalt  }
0x7a: {  	_ =	shalt  }
0x7b: {  	_ =	shalt  }
0x7c: {  	_ =	shalt  }
0x7d: {  	_ =	shalt  }
0x7e: {  	_ =	shalt  }
0x7f: {  	_ =	shalt  }
0x80: {  	_ =	shalt  }
0x81: {  	_ =	shalt  }
0x82: {  	_ =	shalt  }
0x83: {  	_ =	shalt  }
0x84: {  	_ =	shalt  }
0x85: {  	_ =	shalt  }
0x86: {  	_ =	shalt  }
0x87: {  	_ =	shalt  }
.Lfunc_end0:
.L_simem_size_0:
called_computation_lowered:
.L_overlay_start_0:
0x88: {  	s2 =	sld [smem:$0x3FD9]  }
0x89: {  	s3 =	sld [smem:$0x3FFE];
	_ =	sdelay $0x1  }
0x8a: {  	s1 =	srdreg.scid  }
0x8b: {  	s0 =	sand.u32 $0x1, s1  }
0x8c: {  	s17 =	sshll.u32 s0, $0xA;
	s2 =	sadd.s32 s3, s2  }
0x8d: {  	s2 =	sadd.s32 s2, s17  }
0x8e: {  	[smem:$0x3FC3] =	sst s2  }
0x8f: {  	_ = 	snop  }
0x90: {  	s2 =	sld [smem:$0x3FD0];
	(tm) =	ssettm $0x1  }
0x91: {  	s18 =	sld [smem:$0x3FFB];
	_ =	sdelay $0x3  }
0x92: {  	_ =	strace s18  }
0x93: {  	s3 =	sld [smem:$0x3FFC];
	_ =	sdelay $0x3  }
0x94: {  	_ =	strace s3  }
0x95: {  	s3 =	sld [smem:$0x3FFD];
	_ =	sdelay $0x3  }
0x96: {  	_ =	strace s3  }
0x97: {  	_ =	strace $0x8FFFFFFF  }
0x98: {  	s19 =	sld [smem:$0x3FDB];
	_ =	sdelay $0x1  }
0x99: {  	s4 =	simm.s32 $_scs_section_size  }
0x9a: {  	s5 =	simm.s32 $_size__tile_overlayer_lowered;
	s6 =	simm.s32 $_tile_overlayer_lowered  }
0x9b: {  	s22 =	simm.s32 $0x1BFF;
	s21 =	sshll.u32 s6, $0x1;
	s3 =	sadd.s32 s4, s19  }
0x9c: {  	s7 =	simm.s32 $0x0;
	s20 =	sshll.u32 s5, $0x1;
	s5 =	sadd.s32 s21, s3  }
0x9d: {  	[timem:s7], [sflag:s22] =	dma.local [hbm:s5], s20  }
0x9e: {  	_ =	swait.ge [sflag:s22], s20  }
0x9f: {  	s4 =	ssub.s32 $0x0, s20;
	[sflag:s22] =	ssyncset.done $0x0  }
0xa0: {  	[sflag:s22] =	ssyncadd.s32 s4;
	_ =	sdelay $0x1  }
0xa1: {  	s23 =	simm.s32 $0x1B8B  }
0xa2: {  	_ =	swait.ge [sflag:s23], $0x1  }
0xa3: {  	[sflag:s23] =	ssyncset.done $0x0  }
0xa4: {  	s25 =	simm.s32 $0x1B8E;
	s24 =	sld [smem:$0x3FFE];
	[sflag:s23] =	ssyncadd.s32 $0xFFFFFFFF  }
0xa5: {  	s26 =	simm.s32 $execute0_lowered;
	[smem:$0x3FD2] =	sst s25  }
0xa6: {  	s5 =	sshll.u32 s26, $0x1;
	_ =	strace $0x80000046;
	[dreg:$0x1] =	wrdreg $0xFFFFFFFF  }
0xa7: {  	s28 =	simm.s32 $_size_execute0_lowered;
	s3 =	sadd.s32 s3, s5;
	[dreg:$0x0] =	wrdreg $0x0  }
0xa8: {  	s5 =	sshll.u32 s28, $0x1;
	[dreg:$0x2] =	wrdreg s3  }
0xa9: {  	[dreg:$0x3] =	wrdreg s5  }
0xaa: {  	[dreg:$0x4] =	wrdreg $0xC0  }
0xab: {  	_ =	task [dreg:s7], $0x5FFFF  }
0xac: {  	[dreg:$0x1] =	wrdreg $0xFFFFFFFF  }
0xad: {  	[dreg:$0x0] =	wrdreg $0x60  }
0xae: {  	[dreg:$0x2] =	wrdreg s24  }
0xaf: {  	[dreg:$0x3] =	wrdreg s2  }
0xb0: {  	[dreg:$0x4] =	wrdreg $0x7FD00  }
0xb1: {  	[dreg:$0x5] =	wrdreg $0x9  }
0xb2: {  	_ =	task.clear_ibuf [dreg:s7], $0x6FFFF;
	_ =	strace $0x90000046  }
0xb3: {  	s29 =	simm.s32 $0x9;
	_ =	strace $0x80000048  }
0xb4: {  	_ =	swait.ge [sflag:s29], $0x1  }
0xb5: {  	[sflag:s29] =	ssyncadd.s32 $0xFFFFFFFF  }
0xb6: {  	_ =	strace $0x90000048  }
0xb7: {  	_ =	sfence  }
0xb8: {  	s30 =	sld [smem:$0x0];
	_ =	sdelay $0x2  }
0xb9: {  	s31 =	sshll.u32 s1, $0xD;
	s1 =	sshrl.u32 s1, $0x2  }
0xba: {  	s3 =	sand.u32 $0x4000, s31;
	s1 =	sadd.s32 s1, s30  }
0xbb: {  	s0 =	sor.u32 s3, s0;
	s1 =	sshll.u32 s1, $0x11  }
0xbc: {  	s0 =	sor.u32 s1, s0  }
0xbd: {  	s0 =	sadd.s32 $0x8F2B, s0  }
0xbe: {  	[sflag:s0] =	ssyncadd.remote.s32 $0x1  }
0xbf: {  	_ =	sfence.sel $0xFFFF  }
0xc0: {  	[dreg:$0x0] =	wrdreg $0xFFFFFFFF;
	(pc) =	sbr.abs _section_cstart, $3  }
0xc1: {  	[dreg:$0x1] =	wrdreg $0xFFFFFFFF  }
0xc2: {  	_ =	task.clear_ibuf [dreg:s7], $0x2FFFF;
	_ =	strace $0x9FFFFFFF  }
0xc3: {  	(tm) =	ssettm $0x7FFFFFFF  }
tec
execute0_lowered:
.L_overlay_start_1:
0x0: {  	(tag) =	ssettag $0x1  }
0x1: {  	s4 =	rddreg [dreg:$0x0]  }
0x2: {  	s7 =	rddreg [dreg:$0x1]  }
0x3: {  	s1 =	rddreg [dreg:$0x2]  }
0x4: {  	s2 =	srdreg.scid;
	s0 =	rddreg [dreg:$0x3];
	s3 =	simm.s32 $0x0  }
0x5: {  	s11 =	simm.s32 $0x5000;
	s12 =	simm.s32 $0x80;
	s13 =	simm.s32 $0x100  }
0x6: {  	s14 =	simm.s32 $0x180;
	s15 =	simm.s32 $0x200;
	s16 =	simm.s32 $0x280  }
0x7: {  	s17 =	simm.s32 $0x300;
	s18 =	simm.s32 $0x380;
	s19 =	simm.s32 $0x1  }
0x8: {  	s20 =	simm.s32 $0x0;
	s5 =	sand.u32 $0x1, s2;
	s2 =	stileid.u32  }
0x9: {  	[smem:$0x7FF] =	sst s3;
	s10 =	sadd.s32 $0x15E00, s4;
	s6 =	smul.u32 $0xA000, s5  }
0xa: {  	s8 =	smul.u32 $0xA00, s2;
	_ =	strace $0x80000047;
	s30 =	ssub.s32 $0x2, s5  }
0xb: {  	s9 =	smul.u32 $0x2800, s2;
	p0 =	seq.s32 s5, $0x1;
	s31 =	sshrl.u32 s30, $0x1  }
0xc: {  	s7 =	smov.u32 @p0 s10;
	s10 =	simm.s32 $0x7D;
	s6 =	sadd.s32 s8, s6  }
0xd: {  	s8 =	ssub.s32 s30, s31;
	s6 =	sadd.s32 s6, s4;
	s4 =	sadd.s32 s9, s1  }
0xe: {  	s9 =	sshrl.u32 s9, $0x3;
	s5 =	sadd.s32 $0x1E00, s6;
	s6 =	smax.u32 s8, $0x1  }
0xf: {  	v0 =	vimm.f32 $1.000000000e+00;
	v1 =	vimm.f32 $0.0e+00;
	s7 =	sadd.s32 s7, s9;
	s8 =	simm.s32 $0x57D0;
	s9 =	simm.s32 $0x2  }
.LBB2_1:
0x10: {  	s21 =	simm.s32 $0x0  }
.LBB2_2:
0x11: {  	p0 =	sne.s32 s21, $0x1F00  }
.Ltmp0:
0x12: {  	_ = 	snop;
	(pc) =	sbr.rel @p0 .LBB2_2-.Ltmp0, $3  }
0x13: {  	_ =	sdelay $0x1  }
0x14: {  	s22 =	sshra.s32 s21, $0x2  }
0x15: {  	s21 =	sadd.s32 $0x40, s21;
	[tilespmem:s22+$0x5000] =	vst v0  }
0x16: {  	s21 =	simm.s32 $0x40;
	s22 =	simm.s32 $0x0  }
.LBB2_4:
0x17: {  	p0 =	sne.s32 s21, $0x9FC0;
	[tilespmem:s22+$0x57D0] =	vst v1;
	s22 =	smov.u32 s21;
	s21 =	sadd.s32 $0x40, s21  }
.Ltmp1:
0x18: {  	(pc) =	sbr.rel @p0 .LBB2_4-.Ltmp1, $2  }
0x19: {  	_ =	sdelay $0x2  }
0x1a: {  	s22 =	sshra.s32 s22, $0x2  }
0x1b: {  	[tilespmem:s22+$0x57D0] =	vst v1  }
0x1c: {  	[spmem:s4] =	stream.linear.scatter [tilespmem:s8], [sflag:$0x2], $0x2800, $0x38;
	[tilespmem:$0xA7D0] =	vst v63  }
0x1d: {  	_ =	swait.ge [sflag:s9], $0x2800  }
0x1e: {  	[sflag:s9] =	ssyncset.done $0x0  }
0x1f: {  	[sflag:s9] =	ssyncadd.s32 $0xFFFFD800  }
0x20: {  	[bflag:$0x0] =	sbarrier.arrive $0xFFFF  }
0x21: {  	[tilespmem:s3], [sflag:$0x2] =	stream.linear.gather [hbm4b:s5+s3], $0x5000, $0x38;
	[tilespmem:$0xA7D0] =	vst v63  }
0x22: {  	_ =	swait.ge [sflag:s9], $0x5000  }
0x23: {  	[sflag:s9] =	ssyncset.done $0x0  }
0x24: {  	[sflag:s9] =	ssyncadd.s32 $0xFFFFB000  }
0x25: {  	[spmem:s1] =	stream.indirect.scatter.add.f32 [tilespmem:s11], [sflag:$0x1], $0x10, s3, s10, $0xb8;
	[tilespmem:$0xA7D0] =	vst v63  }
0x26: {  	_ = 	snop  }
0x27: {  	[spmem:s1] =	stream.indirect.scatter.add.f32 [tilespmem:s11], [sflag:$0x1], $0x10, s12, s10, $0xb8;
	[tilespmem:$0xA7D0] =	vst v63  }
0x28: {  	_ = 	snop  }
0x29: {  	[spmem:s1] =	stream.indirect.scatter.add.f32 [tilespmem:s11], [sflag:$0x1], $0x10, s13, s10, $0xb8;
	[tilespmem:$0xA7D0] =	vst v63  }
0x2a: {  	_ = 	snop  }
0x2b: {  	[spmem:s1] =	stream.indirect.scatter.add.f32 [tilespmem:s11], [sflag:$0x1], $0x10, s14, s10, $0xb8;
	[tilespmem:$0xA7D0] =	vst v63  }
0x2c: {  	_ = 	snop  }
0x2d: {  	[spmem:s1] =	stream.indirect.scatter.add.f32 [tilespmem:s11], [sflag:$0x1], $0x10, s15, s10, $0xb8;
	[tilespmem:$0xA7D0] =	vst v63  }
0x2e: {  	_ = 	snop  }
0x2f: {  	[spmem:s1] =	stream.indirect.scatter.add.f32 [tilespmem:s11], [sflag:$0x1], $0x10, s16, s10, $0xb8;
	[tilespmem:$0xA7D0] =	vst v63  }
0x30: {  	_ = 	snop  }
0x31: {  	[spmem:s1] =	stream.indirect.scatter.add.f32 [tilespmem:s11], [sflag:$0x1], $0x10, s17, s10, $0xb8;
	[tilespmem:$0xA7D0] =	vst v63  }
0x32: {  	_ = 	snop  }
0x33: {  	[spmem:s1] =	stream.indirect.scatter.add.f32 [tilespmem:s11], [sflag:$0x1], $0x10, s18, s10, $0xb8;
	[tilespmem:$0xA7D0] =	vst v63  }
0x34: {  	_ =	swait.ge [sflag:s19], $0x7D0  }
0x35: {  	[sflag:s19] =	ssyncset.done $0x0  }
0x36: {  	s21 =	simm.s32 $0x1200;
	s22 =	simm.s32 $0x400;
	[sflag:s19] =	ssyncadd.s32 $0xFFFFF830  }
.LBB2_6:
0x37: {  	[spmem:s1] =	stream.indirect.scatter.add.f32 [tilespmem:s11], [sflag:$0x1], $0x10, s22, s10, $0xb8;
	[tilespmem:$0xA7D0] =	vst v63  }
0x38: {  	s22 =	smov.u32 s21;
	p0 =	sne.s32 s21, $0x13E00  }
.Ltmp2:
0x39: {  	s21 =	sadd.s32 $0x200, s21;
	(pc) =	sbr.rel @p0 .LBB2_6-.Ltmp2, $4  }
0x3a: {  	_ = 	snop  }
0x3b: {  	_ =	swait.ge [sflag:s19], $0x7D0  }
0x3c: {  	[sflag:s19] =	ssyncset.done $0x0  }
0x3d: {  	s22 =	sshra.s32 s22, $0x2;
	[sflag:s19] =	ssyncadd.s32 $0xFFFFF830  }
0x3e: {  	[spmem:s1] =	stream.indirect.scatter.add.f32 [tilespmem:s11], [sflag:$0x1], $0x10, s22, s10, $0xb8;
	[tilespmem:$0xA7D0] =	vst v63  }
0x3f: {  	_ =	swait.ge [sflag:s19], $0x7D0  }
0x40: {  	[sflag:s19] =	ssyncset.done $0x0  }
0x41: {  	[sflag:s19] =	ssyncadd.s32 $0xFFFFF830  }
0x42: {  	_ =	swait.ge [sflag:s19], $0x7D0  }
0x43: {  	[sflag:s19] =	ssyncset.done $0x0  }
0x44: {  	[sflag:s19] =	ssyncadd.s32 $0xFFFFF830  }
0x45: {  	_ =	swait.ge [sflag:s19], $0x7D0  }
0x46: {  	[sflag:s19] =	ssyncset.done $0x0  }
0x47: {  	[sflag:s19] =	ssyncadd.s32 $0xFFFFF830  }
0x48: {  	_ =	swait.ge [sflag:s19], $0x7D0  }
0x49: {  	[sflag:s19] =	ssyncset.done $0x0  }
0x4a: {  	[sflag:s19] =	ssyncadd.s32 $0xFFFFF830  }
0x4b: {  	_ =	swait.ge [sflag:s19], $0x7D0  }
0x4c: {  	[sflag:s19] =	ssyncset.done $0x0  }
0x4d: {  	[sflag:s19] =	ssyncadd.s32 $0xFFFFF830  }
0x4e: {  	_ =	swait.ge [sflag:s19], $0x7D0  }
0x4f: {  	[sflag:s19] =	ssyncset.done $0x0  }
0x50: {  	[sflag:s19] =	ssyncadd.s32 $0xFFFFF830  }
0x51: {  	_ =	swait.ge [sflag:s19], $0x7D0  }
0x52: {  	[sflag:s19] =	ssyncset.done $0x0  }
0x53: {  	[sflag:s19] =	ssyncadd.s32 $0xFFFFF830  }
0x54: {  	_ =	swait.ge [sflag:s19], $0x7D0  }
0x55: {  	s21 =	sshll.u32 s2, $0x6;
	s20 =	sadd.s32 $0x1, s20;
	[sflag:s19] =	ssyncset.done $0x0  }
0x56: {  	s31 =	sshrl.u32 s4, $0x3;
	p0 =	sne.s32 s20, s6;
	[sflag:s19] =	ssyncadd.s32 $0xFFFFF830  }
.Ltmp3:
0x57: {  	s21 =	sor.u32 $0x1C02, s21;
	[bflag:$0x0] =	sbarrier.arrive $0xFFFF;
	(pc) =	sbr.rel @p0 .LBB2_1-.Ltmp3, $4  }
0x58: {  	[hbm:s7], [sflag:s21] =	dma.local [spmem:s31], $0x500  }
0x59: {  	_ =	swait.ge [sflag:s9], $0x500  }
0x5a: {  	[sflag:s9] =	ssyncset.done $0x0  }
0x5b: {  	[sflag:s9] =	ssyncadd.s32 $0xFFFFFB00  }
0x5c: {  	_ =	sfence.sel $0x180000  }
0x5d: {  	[bflag:$0x0] =	sbarrier.arrive $0xFFFF  }
0x5e: {  	p0 =	sne.s32 s2, $0x0;
	_ =	strace $0x90000047  }
0x5f: {  	s0 =	sadd.s32 @!p0 $0x100000, s0;
	[bflag:$0x2] =	sbarrier.arrive $0xFFFF  }
0x60: {  	[sflag:s0] =	ssyncadd.tile.s32 @!p0 $0x1;
	_ =	shalt  }
.Lfunc_end2:
_tile_overlayer_lowered:
.L_overlay_start_2:
0x61: {  	(tag) =	ssettag $0x2  }
0x62: {  	s0 =	rddreg [dreg:$0x0];
	s2 =	stileid.u32  }
0x63: {  	s1 =	rddreg [dreg:$0x1];
	p0 =	sne.s32 s2, $0x0  }
0x64: {  	s3 =	rddreg [dreg:$0x2];
	[bflag:$0x3] =	sbarrier.arrive $0xFFFF;
	s2 =	simm.s32 @!p0 $0x1C02  }
0x65: {  	[timem:s3], [sflag:s2] =	dma.local @!p0 [hbm:s0], s1  }
0x66: {  	s0 =	simm.s32 @!p0 $0x2  }
0x67: {  	_ =	swait.ge @!p0 [sflag:s0], s1  }
0x68: {  	s1 =	ssub.s32 @!p0 $0x0, s1;
	[sflag:s0] =	ssyncset.done @!p0 $0x0  }
0x69: {  	[sflag:s0] =	ssyncadd.s32 @!p0 s1  }
0x6a: {  	[bflag:$0x3] =	sbarrier.arrive $0xFFFF  }
0x6b: {  	_ =	shalt  }

</sc_bundles>
